<compile_context>
chip_gen: v7x
topology: tpu7x:2x2x1
jax: 0.10.2.dev20260603
libtpu: 0.0.44.dev20260713+nightly
codegen_flags: <defaults>
</compile_context>

<pallas_src>
import functools

import jax
import jax.numpy as jnp
from jax import lax
from jax.experimental import pallas as pl
from jax.experimental.pallas import tpu as pltpu
from jax.experimental.pallas import tpu_sc as plsc

_B, _N, _T, _K, _D, _V, _TOK = 8, 256, 8, 7, 256, 7, 64
_KD = _K * _D
_VP = 8
_NB = 64

_NPAIR = _B * _N
_NROW = _NPAIR * _T
_NW = 32
_PPW = _NPAIR // _NW
_HALF = _PPW // 2
_RPH = _HALF * _T
_L = 16
_SL = _KD // _L
_CH = 16
_DUMP = _HALF


def _sc_reduce_kernel(emb_hbm, mask_hbm, out_hbm,
                      maskv, idxv, dstv, acc, row0, row1, sem0, sem1):
    wid = lax.axis_index("s") * 2 + lax.axis_index("c")
    pair_base = wid * _PPW
    iota = lax.iota(jnp.int32, _L)
    zero16 = jnp.zeros((_L,), jnp.float32)

    pltpu.sync_copy(mask_hbm.at[pl.ds(pair_base * _T, _PPW * _T)], maskv)

    def _half_body(half, hcarry):
        row_base = (pair_base + half * _HALF) * _T

        def _zero_body(j, carry):
            for s in range(8):
                acc[pl.ds(j * 8 * _L + s * _L, _L)] = zero16
            return carry
        lax.fori_loop(0, (_HALF + 1) * _SL // 8, _zero_body, 0)

        for i in range(_RPH // _L):
            idxv[pl.ds(i * _L, _L)] = jnp.zeros((_L,), jnp.int32)
            dstv[pl.ds(i * _L, _L)] = jnp.full((_L,), _DUMP, jnp.int32)

        cntv = jnp.zeros((_L,), jnp.int32)
        for i in range(_RPH // _L):
            mv = maskv[pl.ds(half * _RPH + i * _L, _L)] != 0
            mi = mv.astype(jnp.int32)
            pos = plsc.cumsum(mi) - 1 + cntv
            rid = iota + (row_base + i * _L)
            dpair = lax.shift_right_logical(iota + i * _L, 3)
            plsc.store_scatter(idxv, [pos], rid, mask=mv)
            plsc.store_scatter(dstv, [pos], dpair, mask=mv)
            cntv = cntv + plsc.all_reduce_population_count(mv)

        cnt = lax.reduce_max(cntv, axes=(0,))
        n_ch = (cnt + _CH - 1) // _CH

        def _fire(c, buf, sem):
            pltpu.async_copy(emb_hbm.at[idxv.at[pl.ds(c * _CH, _CH)]], buf, sem)

        @pl.when(n_ch > 0)
        def _prime0():
            _fire(0, row0, sem0)

        @pl.when(n_ch > 1)
        def _prime1():
            _fire(1, row1, sem1)

        def _accumulate(c, buf):
            for r4 in range(_CH // 4):
                rows = [r4 * 4 + k for k in range(4)]
                bases = []
                for r in rows:
                    drow = plsc.load_gather(
                        dstv, [jnp.full((_L,), 0, jnp.int32) + (c * _CH + r)])
                    bases.append(drow * _KD + iota)

                def _slice_body(j, carry):
                    off = j * (4 * _L)
                    vals = []
                    for s4 in range(4):
                        for k, r in enumerate(rows):
                            vals.append((k, off + s4 * _L,
                                         buf[r, pl.ds(off + s4 * _L, _L)]))
                    for k, o, v in vals:
                        plsc.addupdate_scatter(acc, [bases[k] + o], v)
                    return carry
                lax.fori_loop(0, _SL // 4, _slice_body, 0)

        def _chunk_body(c2, carry):
            for par, (buf, sem) in enumerate(((row0, sem0), (row1, sem1))):
                c = c2 * 2 + par

                @pl.when(c < n_ch)
                def _do():
                    pltpu.make_async_copy(
                        emb_hbm.at[idxv.at[pl.ds(c * _CH, _CH)]], buf, sem).wait()
                    _accumulate(c, buf)

                    @pl.when(c + 2 < n_ch)
                    def _next():
                        _fire(c + 2, buf, sem)
            return carry

        lax.fori_loop(0, (n_ch + 1) // 2, _chunk_body, 0)

        pltpu.sync_copy(acc.at[pl.ds(0, _HALF * _KD)],
                        out_hbm.at[pl.ds(row_base // _T * _KD, _HALF * _KD)])
        return hcarry

    lax.fori_loop(0, 2, _half_body, 0)


def _sc_reduce(emb_rows, mask_i32):
    mesh = plsc.VectorSubcoreMesh(core_axis_name="c", subcore_axis_name="s",
                                  num_cores=2, num_subcores=16)
    f = pl.kernel(
        _sc_reduce_kernel,
        out_type=jax.ShapeDtypeStruct((_NPAIR * _KD,), jnp.float32),
        mesh=mesh,
        scratch_types=[
            pltpu.VMEM((_PPW * _T,), jnp.int32),
            pltpu.VMEM((_RPH,), jnp.int32),
            pltpu.VMEM((_RPH,), jnp.int32),
            pltpu.VMEM(((_HALF + 1) * _KD,), jnp.float32),
            pltpu.VMEM((_CH, _KD), jnp.float32),
            pltpu.VMEM((_CH, _KD), jnp.float32),
            pltpu.SemaphoreType.DMA,
            pltpu.SemaphoreType.DMA,
        ],
        compiler_params=pltpu.CompilerParams(needs_layout_passes=False),
    )
    return f(emb_rows, mask_i32)


def _proj_kernel(acc_ref, vis_ref, m_ref, wemb_ref, wvis_ref, bias_ref, out_ref):
    m = m_ref[...]
    s = jnp.sum(m, axis=1, keepdims=True)
    scale = jnp.where(s > 0.0, 1.0 / jnp.maximum(s, 1.0), 0.0)
    w = m * scale

    ew = acc_ref[...] * scale
    vis = vis_ref[...]
    vw = jnp.sum(vis * w[:, :, None], axis=1)

    out = jax.lax.dot_general(ew, wemb_ref[...], (((1,), (0,)), ((), ())),
                              preferred_element_type=jnp.float32)
    out = out + jax.lax.dot_general(vw, wvis_ref[...], (((1,), (0,)), ((), ())),
                                    preferred_element_type=jnp.float32)
    any_m = (s > 0.0).astype(jnp.float32)
    out_ref[...] = out + any_m * bias_ref[...]


def _tc_proj(acc2, vis3, m2, wemb, wvis, bias):
    grid = (_NPAIR // _NB,)
    return pl.pallas_call(
        _proj_kernel,
        grid=grid,
        in_specs=[
            pl.BlockSpec((_NB, _KD), lambda j: (j, 0)),
            pl.BlockSpec((_NB, _T, _VP), lambda j: (j, 0, 0)),
            pl.BlockSpec((_NB, _T), lambda j: (j, 0)),
            pl.BlockSpec((_KD, _TOK), lambda j: (0, 0)),
            pl.BlockSpec((_VP, _TOK), lambda j: (0, 0)),
            pl.BlockSpec((1, _TOK), lambda j: (0, 0)),
        ],
        out_specs=pl.BlockSpec((_NB, _TOK), lambda j: (j, 0)),
        out_shape=jax.ShapeDtypeStruct((_NPAIR, _TOK), jnp.float32),
    )(acc2, vis3, m2, wemb, wvis, bias)


@jax.jit
def kernel(embeddings, visibility_scores, masks, W, b):
    emb_rows = embeddings.reshape(_NROW, _KD)
    mask_i32 = masks.astype(jnp.int32).reshape(_NROW)

    vis3 = jnp.pad(visibility_scores, ((0, 0), (0, 0), (0, 0), (0, _VP - _V)))
    vis3 = vis3.reshape(_NPAIR, _T, _VP)
    m2 = masks.astype(jnp.float32).reshape(_NPAIR, _T)
    wemb = W[:, :_KD].T
    wvis = jnp.pad(W[:, _KD:], ((0, 0), (0, _VP - _V))).T
    bias = b.reshape(1, _TOK)

    acc = _sc_reduce(emb_rows, mask_i32).reshape(_NPAIR, _KD)
    return _tc_proj(acc, vis3, m2, wemb, wvis, bias).reshape(_B, _N, _TOK)

# --- scband reference (transcript-rebuilt; emitter-appended) ---
"""Pipeline reference for scband-linear-appearance-83476984365255 (READ-ONLY COPY).

The authoritative reference and input builder live on the scoring server;
editing this copy changes nothing except your own understanding.
"""

import jax, jax.numpy as jnp
import numpy as np

B, N, T, K, D, V, TOK = 8, 256, 8, 7, 256, 7, 64
FEAT = K * D + V  # 7*256 + 7 = 1799


def setup_inputs(seed: int = 0) -> dict:
    key = jax.random.key(seed)
    k1, k2, k3, k4, k5 = jax.random.split(key, 5)
    embeddings = jax.random.normal(k1, (B, N, T, K, D), dtype=jnp.float32)
    visibility_scores = jax.random.uniform(k2, (B, N, T, V), dtype=jnp.float32)
    masks = jax.random.randint(k3, (B, N, T), 0, 2).astype(bool)
    W = jax.random.normal(k4, (TOK, FEAT), dtype=jnp.float32) * 0.02
    b = jax.random.normal(k5, (TOK,), dtype=jnp.float32) * 0.02
    return {"embeddings": embeddings, "visibility_scores": visibility_scores, "masks": masks, "W": W, "b": b}


def reference(embeddings, visibility_scores, masks, W, b):
    # feats = cat([embeddings.flatten(-2,-1), visibility_scores], dim=3)
    flat = embeddings.reshape(embeddings.shape[0], embeddings.shape[1], embeddings.shape[2], -1)
    feats = jnp.concatenate([flat, visibility_scores], axis=3)
    # tokens = zeros; tokens[masks] = linear(feats[masks])
    # equivalent: compute linear everywhere, zero out unmasked positions (scatter-overwrite into zero buffer)
    lin = feats @ W.T + b
    tokens = jnp.where(masks[..., None], lin, 0.0)
    # mean aggregation over temporal dim (masks.shape[2] = T > 1)
    weights = masks.astype(jnp.float32)
    weights = jnp.nan_to_num(weights / weights.sum(axis=2, keepdims=True), nan=0.0)
    mean = jnp.sum(tokens * weights[..., None], axis=2, keepdims=True)
    tokens = jnp.squeeze(mean, axis=2)
    return tokens

if __name__ == "__main__":
    import jax
    _d = setup_inputs()
    print(jax.jit(kernel)(*tuple(_d.values())))

</pallas_src>

<mosaic_0001>
#map = affine_map<(d0, d1) -> (0, 0)>
#map1 = affine_map<(d0, d1) -> (0)>
module attributes {stable_mosaic.version = 14 : i64} {
  func.func @_sc_reduce_kernel(%arg0: i32, %arg1: i32, %arg2: memref<16384x1792xf32, #tpu.memory_space<hbm>>, %arg3: memref<16384xi32, #tpu.memory_space<hbm>>, %arg4: memref<3670016xf32, #tpu.memory_space<hbm>>, %arg5: memref<512xi32, #tpu.memory_space<vmem>>, %arg6: memref<256xi32, #tpu.memory_space<vmem>>, %arg7: memref<256xi32, #tpu.memory_space<vmem>>, %arg8: memref<59136xf32, #tpu.memory_space<vmem>>, %arg9: memref<16x1792xf32, #tpu.memory_space<vmem>>, %arg10: memref<16x1792xf32, #tpu.memory_space<vmem>>, %arg11: memref<!tpu.dma_semaphore, #tpu.memory_space<semaphore_mem>>, %arg12: memref<!tpu.dma_semaphore, #tpu.memory_space<semaphore_mem>>) attributes {dimension_semantics = [#tpu.dimension_semantics<core_parallel>, #tpu.dimension_semantics<subcore_parallel>], iteration_bounds = array<i64: 2, 16>, scalar_prefetch = 0 : i64, scratch_operands = 8 : i64, tpu.core_type = #tpu.core_type<sc_vector_subcore>, window_params = [{transform_indices = #map}, {transform_indices = #map1}, {transform_indices = #map1}]} {
    %mul3A = arith.constant 2 : i32
    %mul3A_0 = arith.muli %arg1, %mul3A : i32
    %add3A = arith.addi %mul3A_0, %arg0 : i32
    %mul3A_1 = arith.constant 64 : i32
    %mul3A_2 = arith.muli %add3A, %mul3A_1 : i32
    %iota3A = tpu.iota {dimensions = array<i32: 0>} : vector<16xi32>
    %broadcast_in_dim3A = arith.constant 0.000000e+00 : f32
    %broadcast_in_dim3A_3 = vector.broadcast %broadcast_in_dim3A : f32 to vector<16xf32>
    %mul3A_4 = arith.constant 8 : i32
    %mul3A_5 = arith.muli %mul3A_2, %mul3A_4 : i32
    "tpu.region"() ({
      %run_scoped3A = tpu.sem_alloc : memref<!tpu.dma_semaphore, #tpu.memory_space<semaphore_mem>>
      %dma_start3A = tpu.memref_slice %arg3[%mul3A_5] : memref<16384xi32, #tpu.memory_space<hbm>> -> memref<512xi32, #tpu.memory_space<hbm>>
      %dma_start3A_11 = tpu.memref_slice %arg3[%mul3A_5] : memref<16384xi32, #tpu.memory_space<hbm>> -> memref<512xi32, #tpu.memory_space<hbm>>
      tpu.enqueue_dma source(%dma_start3A_11 : memref<512xi32, #tpu.memory_space<hbm>>) target(%arg5 : memref<512xi32, #tpu.memory_space<vmem>>) target_semaphore(%run_scoped3A : memref<!tpu.dma_semaphore, #tpu.memory_space<semaphore_mem>>)
      %dma_wait3A = tpu.memref_slice %arg3[%mul3A_5] : memref<16384xi32, #tpu.memory_space<hbm>> -> memref<512xi32, #tpu.memory_space<hbm>>
      %dma_wait3A_12 = tpu.memref_slice %arg3[%mul3A_5] : memref<16384xi32, #tpu.memory_space<hbm>> -> memref<512xi32, #tpu.memory_space<hbm>>
      tpu.wait_dma2 semaphore(%run_scoped3A : memref<!tpu.dma_semaphore, #tpu.memory_space<semaphore_mem>>) src(%dma_wait3A_12 : memref<512xi32, #tpu.memory_space<hbm>>) dst(%arg5 : memref<512xi32, #tpu.memory_space<vmem>>)
      tpu.yield
    }) : () -> ()
    %scan3A = arith.constant 0 : i32
    %scan3A_6 = arith.constant 0 : i32
    %scan3A_7 = arith.constant 2 : i32
    %scan3A_8 = arith.addi %scan3A_6, %scan3A_7 : i32
    %scan3A_9 = arith.constant 1 : i32
    scf.for %scan3A_11 = %scan3A_6 to %scan3A_8 step %scan3A_9  : i32 {
      %mul3A_12 = arith.constant 32 : i32
      %mul3A_13 = arith.muli %scan3A_11, %mul3A_12 : i32
      %add3A_14 = arith.addi %mul3A_2, %mul3A_13 : i32
      %mul3A_15 = arith.constant 8 : i32
      %mul3A_16 = arith.muli %add3A_14, %mul3A_15 : i32
      %scan3A_17 = arith.constant 0 : i32
      %scan3A_18 = arith.constant 0 : i32
      %scan3A_19 = arith.constant 462 : i32
      %scan3A_20 = arith.addi %scan3A_18, %scan3A_19 : i32
      %scan3A_21 = arith.constant 1 : i32
      scf.for %scan3A_707 = %scan3A_18 to %scan3A_20 step %scan3A_21  : i32 {
        %mul3A_708 = arith.constant 8 : i32
        %mul3A_709 = arith.muli %scan3A_707, %mul3A_708 : i32
        %mul3A_710 = arith.constant 16 : i32
        %mul3A_711 = arith.muli %mul3A_709, %mul3A_710 : i32
        %add3A_712 = arith.constant 0 : i32
        %add3A_713 = arith.addi %mul3A_711, %add3A_712 : i32
        %swap3A_714 = arith.index_cast %add3A_713 : i32 to index
        %swap3A_715 = tpu.vector_load %arg8[%swap3A_714] {strides = array<i32>} : memref<59136xf32, #tpu.memory_space<vmem>>, vector<16xf32>,
        tpu.vector_store %arg8[%swap3A_714], %broadcast_in_dim3A_3 {strides = array<i32>} : memref<59136xf32, #tpu.memory_space<vmem>>, vector<16xf32>,
        %mul3A_716 = arith.constant 8 : i32
        %mul3A_717 = arith.muli %scan3A_707, %mul3A_716 : i32
        %mul3A_718 = arith.constant 16 : i32
        %mul3A_719 = arith.muli %mul3A_717, %mul3A_718 : i32
        %add3A_720 = arith.constant 16 : i32
        %add3A_721 = arith.addi %mul3A_719, %add3A_720 : i32
        %swap3A_722 = arith.index_cast %add3A_721 : i32 to index
        %swap3A_723 = tpu.vector_load %arg8[%swap3A_722] {strides = array<i32>} : memref<59136xf32, #tpu.memory_space<vmem>>, vector<16xf32>,
        tpu.vector_store %arg8[%swap3A_722], %broadcast_in_dim3A_3 {strides = array<i32>} : memref<59136xf32, #tpu.memory_space<vmem>>, vector<16xf32>,
        %mul3A_724 = arith.constant 8 : i32
        %mul3A_725 = arith.muli %scan3A_707, %mul3A_724 : i32
        %mul3A_726 = arith.constant 16 : i32
        %mul3A_727 = arith.muli %mul3A_725, %mul3A_726 : i32
        %add3A_728 = arith.constant 32 : i32
        %add3A_729 = arith.addi %mul3A_727, %add3A_728 : i32
        %swap3A_730 = arith.index_cast %add3A_729 : i32 to index
        %swap3A_731 = tpu.vector_load %arg8[%swap3A_730] {strides = array<i32>} : memref<59136xf32, #tpu.memory_space<vmem>>, vector<16xf32>,
        tpu.vector_store %arg8[%swap3A_730], %broadcast_in_dim3A_3 {strides = array<i32>} : memref<59136xf32, #tpu.memory_space<vmem>>, vector<16xf32>,
        %mul3A_732 = arith.constant 8 : i32
        %mul3A_733 = arith.muli %scan3A_707, %mul3A_732 : i32
        %mul3A_734 = arith.constant 16 : i32
        %mul3A_735 = arith.muli %mul3A_733, %mul3A_734 : i32
        %add3A_736 = arith.constant 48 : i32
        %add3A_737 = arith.addi %mul3A_735, %add3A_736 : i32
        %swap3A_738 = arith.index_cast %add3A_737 : i32 to index
        %swap3A_739 = tpu.vector_load %arg8[%swap3A_738] {strides = array<i32>} : memref<59136xf32, #tpu.memory_space<vmem>>, vector<16xf32>,
        tpu.vector_store %arg8[%swap3A_738], %broadcast_in_dim3A_3 {strides = array<i32>} : memref<59136xf32, #tpu.memory_space<vmem>>, vector<16xf32>,
        %mul3A_740 = arith.constant 8 : i32
        %mul3A_741 = arith.muli %scan3A_707, %mul3A_740 : i32
        %mul3A_742 = arith.constant 16 : i32
        %mul3A_743 = arith.muli %mul3A_741, %mul3A_742 : i32
        %add3A_744 = arith.constant 64 : i32
        %add3A_745 = arith.addi %mul3A_743, %add3A_744 : i32
        %swap3A_746 = arith.index_cast %add3A_745 : i32 to index
        %swap3A_747 = tpu.vector_load %arg8[%swap3A_746] {strides = array<i32>} : memref<59136xf32, #tpu.memory_space<vmem>>, vector<16xf32>,
        tpu.vector_store %arg8[%swap3A_746], %broadcast_in_dim3A_3 {strides = array<i32>} : memref<59136xf32, #tpu.memory_space<vmem>>, vector<16xf32>,
        %mul3A_748 = arith.constant 8 : i32
        %mul3A_749 = arith.muli %scan3A_707, %mul3A_748 : i32
        %mul3A_750 = arith.constant 16 : i32
        %mul3A_751 = arith.muli %mul3A_749, %mul3A_750 : i32
        %add3A_752 = arith.constant 80 : i32
        %add3A_753 = arith.addi %mul3A_751, %add3A_752 : i32
        %swap3A_754 = arith.index_cast %add3A_753 : i32 to index
        %swap3A_755 = tpu.vector_load %arg8[%swap3A_754] {strides = array<i32>} : memref<59136xf32, #tpu.memory_space<vmem>>, vector<16xf32>,
        tpu.vector_store %arg8[%swap3A_754], %broadcast_in_dim3A_3 {strides = array<i32>} : memref<59136xf32, #tpu.memory_space<vmem>>, vector<16xf32>,
        %mul3A_756 = arith.constant 8 : i32
        %mul3A_757 = arith.muli %scan3A_707, %mul3A_756 : i32
        %mul3A_758 = arith.constant 16 : i32
        %mul3A_759 = arith.muli %mul3A_757, %mul3A_758 : i32
        %add3A_760 = arith.constant 96 : i32
        %add3A_761 = arith.addi %mul3A_759, %add3A_760 : i32
        %swap3A_762 = arith.index_cast %add3A_761 : i32 to index
        %swap3A_763 = tpu.vector_load %arg8[%swap3A_762] {strides = array<i32>} : memref<59136xf32, #tpu.memory_space<vmem>>, vector<16xf32>,
        tpu.vector_store %arg8[%swap3A_762], %broadcast_in_dim3A_3 {strides = array<i32>} : memref<59136xf32, #tpu.memory_space<vmem>>, vector<16xf32>,
        %mul3A_764 = arith.constant 8 : i32
        %mul3A_765 = arith.muli %scan3A_707, %mul3A_764 : i32
        %mul3A_766 = arith.constant 16 : i32
        %mul3A_767 = arith.muli %mul3A_765, %mul3A_766 : i32
        %add3A_768 = arith.constant 112 : i32
        %add3A_769 = arith.addi %mul3A_767, %add3A_768 : i32
        %swap3A_770 = arith.index_cast %add3A_769 : i32 to index
        %swap3A_771 = tpu.vector_load %arg8[%swap3A_770] {strides = array<i32>} : memref<59136xf32, #tpu.memory_space<vmem>>, vector<16xf32>,
        tpu.vector_store %arg8[%swap3A_770], %broadcast_in_dim3A_3 {strides = array<i32>} : memref<59136xf32, #tpu.memory_space<vmem>>, vector<16xf32>,
      }
      %scan3A_22 = arith.constant 462 : i32
      %broadcast_in_dim3A_23 = arith.constant 0 : i32
      %broadcast_in_dim3A_24 = vector.broadcast %broadcast_in_dim3A_23 : i32 to vector<16xi32>
      %swap3A = arith.constant 0 : index
      %swap3A_25 = tpu.vector_load %arg6[%swap3A] {strides = array<i32>} : memref<256xi32, #tpu.memory_space<vmem>>, vector<16xi32>,
      tpu.vector_store %arg6[%swap3A], %broadcast_in_dim3A_24 {strides = array<i32>} : memref<256xi32, #tpu.memory_space<vmem>>, vector<16xi32>,
      %broadcast_in_dim3A_26 = arith.constant 32 : i32
      %broadcast_in_dim3A_27 = vector.broadcast %broadcast_in_dim3A_26 : i32 to vector<16xi32>
      %swap3A_28 = arith.constant 0 : index
      %swap3A_29 = tpu.vector_load %arg7[%swap3A_28] {strides = array<i32>} : memref<256xi32, #tpu.memory_space<vmem>>, vector<16xi32>,
      tpu.vector_store %arg7[%swap3A_28], %broadcast_in_dim3A_27 {strides = array<i32>} : memref<256xi32, #tpu.memory_space<vmem>>, vector<16xi32>,
      %broadcast_in_dim3A_30 = arith.constant 0 : i32
      %broadcast_in_dim3A_31 = vector.broadcast %broadcast_in_dim3A_30 : i32 to vector<16xi32>
      %swap3A_32 = arith.constant 16 : index
      %swap3A_33 = tpu.vector_load %arg6[%swap3A_32] {strides = array<i32>} : memref<256xi32, #tpu.memory_space<vmem>>, vector<16xi32>,
      tpu.vector_store %arg6[%swap3A_32], %broadcast_in_dim3A_31 {strides = array<i32>} : memref<256xi32, #tpu.memory_space<vmem>>, vector<16xi32>,
      %broadcast_in_dim3A_34 = arith.constant 32 : i32
      %broadcast_in_dim3A_35 = vector.broadcast %broadcast_in_dim3A_34 : i32 to vector<16xi32>
      %swap3A_36 = arith.constant 16 : index
      %swap3A_37 = tpu.vector_load %arg7[%swap3A_36] {strides = array<i32>} : memref<256xi32, #tpu.memory_space<vmem>>, vector<16xi32>,
      tpu.vector_store %arg7[%swap3A_36], %broadcast_in_dim3A_35 {strides = array<i32>} : memref<256xi32, #tpu.memory_space<vmem>>, vector<16xi32>,
      %broadcast_in_dim3A_38 = arith.constant 0 : i32
      %broadcast_in_dim3A_39 = vector.broadcast %broadcast_in_dim3A_38 : i32 to vector<16xi32>
      %swap3A_40 = arith.constant 32 : index
      %swap3A_41 = tpu.vector_load %arg6[%swap3A_40] {strides = array<i32>} : memref<256xi32, #tpu.memory_space<vmem>>, vector<16xi32>,
      tpu.vector_store %arg6[%swap3A_40], %broadcast_in_dim3A_39 {strides = array<i32>} : memref<256xi32, #tpu.memory_space<vmem>>, vector<16xi32>,
      %broadcast_in_dim3A_42 = arith.constant 32 : i32
      %broadcast_in_dim3A_43 = vector.broadcast %broadcast_in_dim3A_42 : i32 to vector<16xi32>
      %swap3A_44 = arith.constant 32 : index
      %swap3A_45 = tpu.vector_load %arg7[%swap3A_44] {strides = array<i32>} : memref<256xi32, #tpu.memory_space<vmem>>, vector<16xi32>,
      tpu.vector_store %arg7[%swap3A_44], %broadcast_in_dim3A_43 {strides = array<i32>} : memref<256xi32, #tpu.memory_space<vmem>>, vector<16xi32>,
      %broadcast_in_dim3A_46 = arith.constant 0 : i32
      %broadcast_in_dim3A_47 = vector.broadcast %broadcast_in_dim3A_46 : i32 to vector<16xi32>
      %swap3A_48 = arith.constant 48 : index
      %swap3A_49 = tpu.vector_load %arg6[%swap3A_48] {strides = array<i32>} : memref<256xi32, #tpu.memory_space<vmem>>, vector<16xi32>,
      tpu.vector_store %arg6[%swap3A_48], %broadcast_in_dim3A_47 {strides = array<i32>} : memref<256xi32, #tpu.memory_space<vmem>>, vector<16xi32>,
      %broadcast_in_dim3A_50 = arith.constant 32 : i32
      %broadcast_in_dim3A_51 = vector.broadcast %broadcast_in_dim3A_50 : i32 to vector<16xi32>
      %swap3A_52 = arith.constant 48 : index
      %swap3A_53 = tpu.vector_load %arg7[%swap3A_52] {strides = array<i32>} : memref<256xi32, #tpu.memory_space<vmem>>, vector<16xi32>,
      tpu.vector_store %arg7[%swap3A_52], %broadcast_in_dim3A_51 {strides = array<i32>} : memref<256xi32, #tpu.memory_space<vmem>>, vector<16xi32>,
      %broadcast_in_dim3A_54 = arith.constant 0 : i32
      %broadcast_in_dim3A_55 = vector.broadcast %broadcast_in_dim3A_54 : i32 to vector<16xi32>
      %swap3A_56 = arith.constant 64 : index
      %swap3A_57 = tpu.vector_load %arg6[%swap3A_56] {strides = array<i32>} : memref<256xi32, #tpu.memory_space<vmem>>, vector<16xi32>,
      tpu.vector_store %arg6[%swap3A_56], %broadcast_in_dim3A_55 {strides = array<i32>} : memref<256xi32, #tpu.memory_space<vmem>>, vector<16xi32>,
      %broadcast_in_dim3A_58 = arith.constant 32 : i32
      %broadcast_in_dim3A_59 = vector.broadcast %broadcast_in_dim3A_58 : i32 to vector<16xi32>
      %swap3A_60 = arith.constant 64 : index
      %swap3A_61 = tpu.vector_load %arg7[%swap3A_60] {strides = array<i32>} : memref<256xi32, #tpu.memory_space<vmem>>, vector<16xi32>,
      tpu.vector_store %arg7[%swap3A_60], %broadcast_in_dim3A_59 {strides = array<i32>} : memref<256xi32, #tpu.memory_space<vmem>>, vector<16xi32>,
      %broadcast_in_dim3A_62 = arith.constant 0 : i32
      %broadcast_in_dim3A_63 = vector.broadcast %broadcast_in_dim3A_62 : i32 to vector<16xi32>
      %swap3A_64 = arith.constant 80 : index
      %swap3A_65 = tpu.vector_load %arg6[%swap3A_64] {strides = array<i32>} : memref<256xi32, #tpu.memory_space<vmem>>, vector<16xi32>,
      tpu.vector_store %arg6[%swap3A_64], %broadcast_in_dim3A_63 {strides = array<i32>} : memref<256xi32, #tpu.memory_space<vmem>>, vector<16xi32>,
      %broadcast_in_dim3A_66 = arith.constant 32 : i32
      %broadcast_in_dim3A_67 = vector.broadcast %broadcast_in_dim3A_66 : i32 to vector<16xi32>
      %swap3A_68 = arith.constant 80 : index
      %swap3A_69 = tpu.vector_load %arg7[%swap3A_68] {strides = array<i32>} : memref<256xi32, #tpu.memory_space<vmem>>, vector<16xi32>,
      tpu.vector_store %arg7[%swap3A_68], %broadcast_in_dim3A_67 {strides = array<i32>} : memref<256xi32, #tpu.memory_space<vmem>>, vector<16xi32>,
      %broadcast_in_dim3A_70 = arith.constant 0 : i32
      %broadcast_in_dim3A_71 = vector.broadcast %broadcast_in_dim3A_70 : i32 to vector<16xi32>
      %swap3A_72 = arith.constant 96 : index
      %swap3A_73 = tpu.vector_load %arg6[%swap3A_72] {strides = array<i32>} : memref<256xi32, #tpu.memory_space<vmem>>, vector<16xi32>,
      tpu.vector_store %arg6[%swap3A_72], %broadcast_in_dim3A_71 {strides = array<i32>} : memref<256xi32, #tpu.memory_space<vmem>>, vector<16xi32>,
      %broadcast_in_dim3A_74 = arith.constant 32 : i32
      %broadcast_in_dim3A_75 = vector.broadcast %broadcast_in_dim3A_74 : i32 to vector<16xi32>
      %swap3A_76 = arith.constant 96 : index
      %swap3A_77 = tpu.vector_load %arg7[%swap3A_76] {strides = array<i32>} : memref<256xi32, #tpu.memory_space<vmem>>, vector<16xi32>,
      tpu.vector_store %arg7[%swap3A_76], %broadcast_in_dim3A_75 {strides = array<i32>} : memref<256xi32, #tpu.memory_space<vmem>>, vector<16xi32>,
      %broadcast_in_dim3A_78 = arith.constant 0 : i32
      %broadcast_in_dim3A_79 = vector.broadcast %broadcast_in_dim3A_78 : i32 to vector<16xi32>
      %swap3A_80 = arith.constant 112 : index
      %swap3A_81 = tpu.vector_load %arg6[%swap3A_80] {strides = array<i32>} : memref<256xi32, #tpu.memory_space<vmem>>, vector<16xi32>,
      tpu.vector_store %arg6[%swap3A_80], %broadcast_in_dim3A_79 {strides = array<i32>} : memref<256xi32, #tpu.memory_space<vmem>>, vector<16xi32>,
      %broadcast_in_dim3A_82 = arith.constant 32 : i32
      %broadcast_in_dim3A_83 = vector.broadcast %broadcast_in_dim3A_82 : i32 to vector<16xi32>
      %swap3A_84 = arith.constant 112 : index
      %swap3A_85 = tpu.vector_load %arg7[%swap3A_84] {strides = array<i32>} : memref<256xi32, #tpu.memory_space<vmem>>, vector<16xi32>,
      tpu.vector_store %arg7[%swap3A_84], %broadcast_in_dim3A_83 {strides = array<i32>} : memref<256xi32, #tpu.memory_space<vmem>>, vector<16xi32>,
      %broadcast_in_dim3A_86 = arith.constant 0 : i32
      %broadcast_in_dim3A_87 = vector.broadcast %broadcast_in_dim3A_86 : i32 to vector<16xi32>
      %swap3A_88 = arith.constant 128 : index
      %swap3A_89 = tpu.vector_load %arg6[%swap3A_88] {strides = array<i32>} : memref<256xi32, #tpu.memory_space<vmem>>, vector<16xi32>,
      tpu.vector_store %arg6[%swap3A_88], %broadcast_in_dim3A_87 {strides = array<i32>} : memref<256xi32, #tpu.memory_space<vmem>>, vector<16xi32>,
      %broadcast_in_dim3A_90 = arith.constant 32 : i32
      %broadcast_in_dim3A_91 = vector.broadcast %broadcast_in_dim3A_90 : i32 to vector<16xi32>
      %swap3A_92 = arith.constant 128 : index
      %swap3A_93 = tpu.vector_load %arg7[%swap3A_92] {strides = array<i32>} : memref<256xi32, #tpu.memory_space<vmem>>, vector<16xi32>,
      tpu.vector_store %arg7[%swap3A_92], %broadcast_in_dim3A_91 {strides = array<i32>} : memref<256xi32, #tpu.memory_space<vmem>>, vector<16xi32>,
      %broadcast_in_dim3A_94 = arith.constant 0 : i32
      %broadcast_in_dim3A_95 = vector.broadcast %broadcast_in_dim3A_94 : i32 to vector<16xi32>
      %swap3A_96 = arith.constant 144 : index
      %swap3A_97 = tpu.vector_load %arg6[%swap3A_96] {strides = array<i32>} : memref<256xi32, #tpu.memory_space<vmem>>, vector<16xi32>,
      tpu.vector_store %arg6[%swap3A_96], %broadcast_in_dim3A_95 {strides = array<i32>} : memref<256xi32, #tpu.memory_space<vmem>>, vector<16xi32>,
      %broadcast_in_dim3A_98 = arith.constant 32 : i32
      %broadcast_in_dim3A_99 = vector.broadcast %broadcast_in_dim3A_98 : i32 to vector<16xi32>
      %swap3A_100 = arith.constant 144 : index
      %swap3A_101 = tpu.vector_load %arg7[%swap3A_100] {strides = array<i32>} : memref<256xi32, #tpu.memory_space<vmem>>, vector<16xi32>,
      tpu.vector_store %arg7[%swap3A_100], %broadcast_in_dim3A_99 {strides = array<i32>} : memref<256xi32, #tpu.memory_space<vmem>>, vector<16xi32>,
      %broadcast_in_dim3A_102 = arith.constant 0 : i32
      %broadcast_in_dim3A_103 = vector.broadcast %broadcast_in_dim3A_102 : i32 to vector<16xi32>
      %swap3A_104 = arith.constant 160 : index
      %swap3A_105 = tpu.vector_load %arg6[%swap3A_104] {strides = array<i32>} : memref<256xi32, #tpu.memory_space<vmem>>, vector<16xi32>,
      tpu.vector_store %arg6[%swap3A_104], %broadcast_in_dim3A_103 {strides = array<i32>} : memref<256xi32, #tpu.memory_space<vmem>>, vector<16xi32>,
      %broadcast_in_dim3A_106 = arith.constant 32 : i32
      %broadcast_in_dim3A_107 = vector.broadcast %broadcast_in_dim3A_106 : i32 to vector<16xi32>
      %swap3A_108 = arith.constant 160 : index
      %swap3A_109 = tpu.vector_load %arg7[%swap3A_108] {strides = array<i32>} : memref<256xi32, #tpu.memory_space<vmem>>, vector<16xi32>,
      tpu.vector_store %arg7[%swap3A_108], %broadcast_in_dim3A_107 {strides = array<i32>} : memref<256xi32, #tpu.memory_space<vmem>>, vector<16xi32>,
      %broadcast_in_dim3A_110 = arith.constant 0 : i32
      %broadcast_in_dim3A_111 = vector.broadcast %broadcast_in_dim3A_110 : i32 to vector<16xi32>
      %swap3A_112 = arith.constant 176 : index
      %swap3A_113 = tpu.vector_load %arg6[%swap3A_112] {strides = array<i32>} : memref<256xi32, #tpu.memory_space<vmem>>, vector<16xi32>,
      tpu.vector_store %arg6[%swap3A_112], %broadcast_in_dim3A_111 {strides = array<i32>} : memref<256xi32, #tpu.memory_space<vmem>>, vector<16xi32>,
      %broadcast_in_dim3A_114 = arith.constant 32 : i32
      %broadcast_in_dim3A_115 = vector.broadcast %broadcast_in_dim3A_114 : i32 to vector<16xi32>
      %swap3A_116 = arith.constant 176 : index
      %swap3A_117 = tpu.vector_load %arg7[%swap3A_116] {strides = array<i32>} : memref<256xi32, #tpu.memory_space<vmem>>, vector<16xi32>,
      tpu.vector_store %arg7[%swap3A_116], %broadcast_in_dim3A_115 {strides = array<i32>} : memref<256xi32, #tpu.memory_space<vmem>>, vector<16xi32>,
      %broadcast_in_dim3A_118 = arith.constant 0 : i32
      %broadcast_in_dim3A_119 = vector.broadcast %broadcast_in_dim3A_118 : i32 to vector<16xi32>
      %swap3A_120 = arith.constant 192 : index
      %swap3A_121 = tpu.vector_load %arg6[%swap3A_120] {strides = array<i32>} : memref<256xi32, #tpu.memory_space<vmem>>, vector<16xi32>,
      tpu.vector_store %arg6[%swap3A_120], %broadcast_in_dim3A_119 {strides = array<i32>} : memref<256xi32, #tpu.memory_space<vmem>>, vector<16xi32>,
      %broadcast_in_dim3A_122 = arith.constant 32 : i32
      %broadcast_in_dim3A_123 = vector.broadcast %broadcast_in_dim3A_122 : i32 to vector<16xi32>
      %swap3A_124 = arith.constant 192 : index
      %swap3A_125 = tpu.vector_load %arg7[%swap3A_124] {strides = array<i32>} : memref<256xi32, #tpu.memory_space<vmem>>, vector<16xi32>,
      tpu.vector_store %arg7[%swap3A_124], %broadcast_in_dim3A_123 {strides = array<i32>} : memref<256xi32, #tpu.memory_space<vmem>>, vector<16xi32>,
      %broadcast_in_dim3A_126 = arith.constant 0 : i32
      %broadcast_in_dim3A_127 = vector.broadcast %broadcast_in_dim3A_126 : i32 to vector<16xi32>
      %swap3A_128 = arith.constant 208 : index
      %swap3A_129 = tpu.vector_load %arg6[%swap3A_128] {strides = array<i32>} : memref<256xi32, #tpu.memory_space<vmem>>, vector<16xi32>,
      tpu.vector_store %arg6[%swap3A_128], %broadcast_in_dim3A_127 {strides = array<i32>} : memref<256xi32, #tpu.memory_space<vmem>>, vector<16xi32>,
      %broadcast_in_dim3A_130 = arith.constant 32 : i32
      %broadcast_in_dim3A_131 = vector.broadcast %broadcast_in_dim3A_130 : i32 to vector<16xi32>
      %swap3A_132 = arith.constant 208 : index
      %swap3A_133 = tpu.vector_load %arg7[%swap3A_132] {strides = array<i32>} : memref<256xi32, #tpu.memory_space<vmem>>, vector<16xi32>,
      tpu.vector_store %arg7[%swap3A_132], %broadcast_in_dim3A_131 {strides = array<i32>} : memref<256xi32, #tpu.memory_space<vmem>>, vector<16xi32>,
      %broadcast_in_dim3A_134 = arith.constant 0 : i32
      %broadcast_in_dim3A_135 = vector.broadcast %broadcast_in_dim3A_134 : i32 to vector<16xi32>
      %swap3A_136 = arith.constant 224 : index
      %swap3A_137 = tpu.vector_load %arg6[%swap3A_136] {strides = array<i32>} : memref<256xi32, #tpu.memory_space<vmem>>, vector<16xi32>,
      tpu.vector_store %arg6[%swap3A_136], %broadcast_in_dim3A_135 {strides = array<i32>} : memref<256xi32, #tpu.memory_space<vmem>>, vector<16xi32>,
      %broadcast_in_dim3A_138 = arith.constant 32 : i32
      %broadcast_in_dim3A_139 = vector.broadcast %broadcast_in_dim3A_138 : i32 to vector<16xi32>
      %swap3A_140 = arith.constant 224 : index
      %swap3A_141 = tpu.vector_load %arg7[%swap3A_140] {strides = array<i32>} : memref<256xi32, #tpu.memory_space<vmem>>, vector<16xi32>,
      tpu.vector_store %arg7[%swap3A_140], %broadcast_in_dim3A_139 {strides = array<i32>} : memref<256xi32, #tpu.memory_space<vmem>>, vector<16xi32>,
      %broadcast_in_dim3A_142 = arith.constant 0 : i32
      %broadcast_in_dim3A_143 = vector.broadcast %broadcast_in_dim3A_142 : i32 to vector<16xi32>
      %swap3A_144 = arith.constant 240 : index
      %swap3A_145 = tpu.vector_load %arg6[%swap3A_144] {strides = array<i32>} : memref<256xi32, #tpu.memory_space<vmem>>, vector<16xi32>,
      tpu.vector_store %arg6[%swap3A_144], %broadcast_in_dim3A_143 {strides = array<i32>} : memref<256xi32, #tpu.memory_space<vmem>>, vector<16xi32>,
      %broadcast_in_dim3A_146 = arith.constant 32 : i32
      %broadcast_in_dim3A_147 = vector.broadcast %broadcast_in_dim3A_146 : i32 to vector<16xi32>
      %swap3A_148 = arith.constant 240 : index
      %swap3A_149 = tpu.vector_load %arg7[%swap3A_148] {strides = array<i32>} : memref<256xi32, #tpu.memory_space<vmem>>, vector<16xi32>,
      tpu.vector_store %arg7[%swap3A_148], %broadcast_in_dim3A_147 {strides = array<i32>} : memref<256xi32, #tpu.memory_space<vmem>>, vector<16xi32>,
      %broadcast_in_dim3A_150 = arith.constant 0 : i32
      %broadcast_in_dim3A_151 = vector.broadcast %broadcast_in_dim3A_150 : i32 to vector<16xi32>
      %mul3A_152 = arith.constant 256 : i32
      %mul3A_153 = arith.muli %scan3A_11, %mul3A_152 : i32
      %add3A_154 = arith.constant 0 : i32
      %add3A_155 = arith.addi %mul3A_153, %add3A_154 : i32
      %get3A = arith.index_cast %add3A_155 : i32 to index
      %get3A_156 = tpu.vector_load %arg5[%get3A] {strides = array<i32>} : memref<512xi32, #tpu.memory_space<vmem>>, vector<16xi32>,
      %ne3A = arith.constant 0 : i32
      %ne3A_157 = vector.broadcast %ne3A : i32 to vector<16xi32>
      %ne3A_158 = arith.cmpi ne, %get3A_156, %ne3A_157 : vector<16xi32>
      %convert_element_type3A = arith.extui %ne3A_158 : vector<16xi1> to vector<16xi32>
      %broadcast_in_dim3A_159 = arith.constant true
      %broadcast_in_dim3A_160 = vector.broadcast %broadcast_in_dim3A_159 : i1 to vector<16xi1>
      %masked_cumsum3A = tpu.scan <sum>, %convert_element_type3A masked %broadcast_in_dim3A_160 : vector<16xi32>, vector<16xi1> -> vector<16xi32>
      %sub3A = arith.constant 1 : i32
      %sub3A_161 = vector.broadcast %sub3A : i32 to vector<16xi32>
      %sub3A_162 = arith.subi %masked_cumsum3A, %sub3A_161 : vector<16xi32>
      %add3A_163 = arith.addi %sub3A_162, %broadcast_in_dim3A_151 : vector<16xi32>
      %add3A_164 = arith.constant 0 : i32
      %add3A_165 = arith.addi %mul3A_16, %add3A_164 : i32
      %add3A_166 = vector.broadcast %add3A_165 : i32 to vector<16xi32>
      %add3A_167 = arith.addi %iota3A, %add3A_166 : vector<16xi32>
      %add3A_168 = arith.constant 0 : i32
      %add3A_169 = vector.broadcast %add3A_168 : i32 to vector<16xi32>
      %add3A_170 = arith.addi %iota3A, %add3A_169 : vector<16xi32>
      %shift_right_logical3A = arith.constant 3 : i32
      %shift_right_logical3A_171 = vector.broadcast %shift_right_logical3A : i32 to vector<16xi32>
      %shift_right_logical3A_172 = arith.shrui %add3A_170, %shift_right_logical3A_171 : vector<16xi32>
      tpu.vector_store_idx %arg6[%add3A_163], %add3A_167 masked %ne3A_158 : memref<256xi32, #tpu.memory_space<vmem>>[vector<16xi32>], vector<16xi32>, vector<16xi1>
      tpu.vector_store_idx %arg7[%add3A_163], %shift_right_logical3A_172 masked %ne3A_158 : memref<256xi32, #tpu.memory_space<vmem>>[vector<16xi32>], vector<16xi32>, vector<16xi1>
      %all_reduce_population_count3A = tpu.all_reduce %ne3A_158 {dim = 0 : i64, kind = #tpu.reduction_kind<sum>} : vector<16xi1> -> vector<16xi32>
      %add3A_173 = arith.addi %broadcast_in_dim3A_151, %all_reduce_population_count3A : vector<16xi32>
      %mul3A_174 = arith.constant 256 : i32
      %mul3A_175 = arith.muli %scan3A_11, %mul3A_174 : i32
      %add3A_176 = arith.constant 16 : i32
      %add3A_177 = arith.addi %mul3A_175, %add3A_176 : i32
      %get3A_178 = arith.index_cast %add3A_177 : i32 to index
      %get3A_179 = tpu.vector_load %arg5[%get3A_178] {strides = array<i32>} : memref<512xi32, #tpu.memory_space<vmem>>, vector<16xi32>,
      %ne3A_180 = arith.constant 0 : i32
      %ne3A_181 = vector.broadcast %ne3A_180 : i32 to vector<16xi32>
      %ne3A_182 = arith.cmpi ne, %get3A_179, %ne3A_181 : vector<16xi32>
      %convert_element_type3A_183 = arith.extui %ne3A_182 : vector<16xi1> to vector<16xi32>
      %broadcast_in_dim3A_184 = arith.constant true
      %broadcast_in_dim3A_185 = vector.broadcast %broadcast_in_dim3A_184 : i1 to vector<16xi1>
      %masked_cumsum3A_186 = tpu.scan <sum>, %convert_element_type3A_183 masked %broadcast_in_dim3A_185 : vector<16xi32>, vector<16xi1> -> vector<16xi32>
      %sub3A_187 = arith.constant 1 : i32
      %sub3A_188 = vector.broadcast %sub3A_187 : i32 to vector<16xi32>
      %sub3A_189 = arith.subi %masked_cumsum3A_186, %sub3A_188 : vector<16xi32>
      %add3A_190 = arith.addi %sub3A_189, %add3A_173 : vector<16xi32>
      %add3A_191 = arith.constant 16 : i32
      %add3A_192 = arith.addi %mul3A_16, %add3A_191 : i32
      %add3A_193 = vector.broadcast %add3A_192 : i32 to vector<16xi32>
      %add3A_194 = arith.addi %iota3A, %add3A_193 : vector<16xi32>
      %add3A_195 = arith.constant 16 : i32
      %add3A_196 = vector.broadcast %add3A_195 : i32 to vector<16xi32>
      %add3A_197 = arith.addi %iota3A, %add3A_196 : vector<16xi32>
      %shift_right_logical3A_198 = arith.constant 3 : i32
      %shift_right_logical3A_199 = vector.broadcast %shift_right_logical3A_198 : i32 to vector<16xi32>
      %shift_right_logical3A_200 = arith.shrui %add3A_197, %shift_right_logical3A_199 : vector<16xi32>
      tpu.vector_store_idx %arg6[%add3A_190], %add3A_194 masked %ne3A_182 : memref<256xi32, #tpu.memory_space<vmem>>[vector<16xi32>], vector<16xi32>, vector<16xi1>
      tpu.vector_store_idx %arg7[%add3A_190], %shift_right_logical3A_200 masked %ne3A_182 : memref<256xi32, #tpu.memory_space<vmem>>[vector<16xi32>], vector<16xi32>, vector<16xi1>
      %all_reduce_population_count3A_201 = tpu.all_reduce %ne3A_182 {dim = 0 : i64, kind = #tpu.reduction_kind<sum>} : vector<16xi1> -> vector<16xi32>
      %add3A_202 = arith.addi %add3A_173, %all_reduce_population_count3A_201 : vector<16xi32>
      %mul3A_203 = arith.constant 256 : i32
      %mul3A_204 = arith.muli %scan3A_11, %mul3A_203 : i32
      %add3A_205 = arith.constant 32 : i32
      %add3A_206 = arith.addi %mul3A_204, %add3A_205 : i32
      %get3A_207 = arith.index_cast %add3A_206 : i32 to index
      %get3A_208 = tpu.vector_load %arg5[%get3A_207] {strides = array<i32>} : memref<512xi32, #tpu.memory_space<vmem>>, vector<16xi32>,
      %ne3A_209 = arith.constant 0 : i32
      %ne3A_210 = vector.broadcast %ne3A_209 : i32 to vector<16xi32>
      %ne3A_211 = arith.cmpi ne, %get3A_208, %ne3A_210 : vector<16xi32>
      %convert_element_type3A_212 = arith.extui %ne3A_211 : vector<16xi1> to vector<16xi32>
      %broadcast_in_dim3A_213 = arith.constant true
      %broadcast_in_dim3A_214 = vector.broadcast %broadcast_in_dim3A_213 : i1 to vector<16xi1>
      %masked_cumsum3A_215 = tpu.scan <sum>, %convert_element_type3A_212 masked %broadcast_in_dim3A_214 : vector<16xi32>, vector<16xi1> -> vector<16xi32>
      %sub3A_216 = arith.constant 1 : i32
      %sub3A_217 = vector.broadcast %sub3A_216 : i32 to vector<16xi32>
      %sub3A_218 = arith.subi %masked_cumsum3A_215, %sub3A_217 : vector<16xi32>
      %add3A_219 = arith.addi %sub3A_218, %add3A_202 : vector<16xi32>
      %add3A_220 = arith.constant 32 : i32
      %add3A_221 = arith.addi %mul3A_16, %add3A_220 : i32
      %add3A_222 = vector.broadcast %add3A_221 : i32 to vector<16xi32>
      %add3A_223 = arith.addi %iota3A, %add3A_222 : vector<16xi32>
      %add3A_224 = arith.constant 32 : i32
      %add3A_225 = vector.broadcast %add3A_224 : i32 to vector<16xi32>
      %add3A_226 = arith.addi %iota3A, %add3A_225 : vector<16xi32>
      %shift_right_logical3A_227 = arith.constant 3 : i32
      %shift_right_logical3A_228 = vector.broadcast %shift_right_logical3A_227 : i32 to vector<16xi32>
      %shift_right_logical3A_229 = arith.shrui %add3A_226, %shift_right_logical3A_228 : vector<16xi32>
      tpu.vector_store_idx %arg6[%add3A_219], %add3A_223 masked %ne3A_211 : memref<256xi32, #tpu.memory_space<vmem>>[vector<16xi32>], vector<16xi32>, vector<16xi1>
      tpu.vector_store_idx %arg7[%add3A_219], %shift_right_logical3A_229 masked %ne3A_211 : memref<256xi32, #tpu.memory_space<vmem>>[vector<16xi32>], vector<16xi32>, vector<16xi1>
      %all_reduce_population_count3A_230 = tpu.all_reduce %ne3A_211 {dim = 0 : i64, kind = #tpu.reduction_kind<sum>} : vector<16xi1> -> vector<16xi32>
      %add3A_231 = arith.addi %add3A_202, %all_reduce_population_count3A_230 : vector<16xi32>
      %mul3A_232 = arith.constant 256 : i32
      %mul3A_233 = arith.muli %scan3A_11, %mul3A_232 : i32
      %add3A_234 = arith.constant 48 : i32
      %add3A_235 = arith.addi %mul3A_233, %add3A_234 : i32
      %get3A_236 = arith.index_cast %add3A_235 : i32 to index
      %get3A_237 = tpu.vector_load %arg5[%get3A_236] {strides = array<i32>} : memref<512xi32, #tpu.memory_space<vmem>>, vector<16xi32>,
      %ne3A_238 = arith.constant 0 : i32
      %ne3A_239 = vector.broadcast %ne3A_238 : i32 to vector<16xi32>
      %ne3A_240 = arith.cmpi ne, %get3A_237, %ne3A_239 : vector<16xi32>
      %convert_element_type3A_241 = arith.extui %ne3A_240 : vector<16xi1> to vector<16xi32>
      %broadcast_in_dim3A_242 = arith.constant true
      %broadcast_in_dim3A_243 = vector.broadcast %broadcast_in_dim3A_242 : i1 to vector<16xi1>
      %masked_cumsum3A_244 = tpu.scan <sum>, %convert_element_type3A_241 masked %broadcast_in_dim3A_243 : vector<16xi32>, vector<16xi1> -> vector<16xi32>
      %sub3A_245 = arith.constant 1 : i32
      %sub3A_246 = vector.broadcast %sub3A_245 : i32 to vector<16xi32>
      %sub3A_247 = arith.subi %masked_cumsum3A_244, %sub3A_246 : vector<16xi32>
      %add3A_248 = arith.addi %sub3A_247, %add3A_231 : vector<16xi32>
      %add3A_249 = arith.constant 48 : i32
      %add3A_250 = arith.addi %mul3A_16, %add3A_249 : i32
      %add3A_251 = vector.broadcast %add3A_250 : i32 to vector<16xi32>
      %add3A_252 = arith.addi %iota3A, %add3A_251 : vector<16xi32>
      %add3A_253 = arith.constant 48 : i32
      %add3A_254 = vector.broadcast %add3A_253 : i32 to vector<16xi32>
      %add3A_255 = arith.addi %iota3A, %add3A_254 : vector<16xi32>
      %shift_right_logical3A_256 = arith.constant 3 : i32
      %shift_right_logical3A_257 = vector.broadcast %shift_right_logical3A_256 : i32 to vector<16xi32>
      %shift_right_logical3A_258 = arith.shrui %add3A_255, %shift_right_logical3A_257 : vector<16xi32>
      tpu.vector_store_idx %arg6[%add3A_248], %add3A_252 masked %ne3A_240 : memref<256xi32, #tpu.memory_space<vmem>>[vector<16xi32>], vector<16xi32>, vector<16xi1>
      tpu.vector_store_idx %arg7[%add3A_248], %shift_right_logical3A_258 masked %ne3A_240 : memref<256xi32, #tpu.memory_space<vmem>>[vector<16xi32>], vector<16xi32>, vector<16xi1>
      %all_reduce_population_count3A_259 = tpu.all_reduce %ne3A_240 {dim = 0 : i64, kind = #tpu.reduction_kind<sum>} : vector<16xi1> -> vector<16xi32>
      %add3A_260 = arith.addi %add3A_231, %all_reduce_population_count3A_259 : vector<16xi32>
      %mul3A_261 = arith.constant 256 : i32
      %mul3A_262 = arith.muli %scan3A_11, %mul3A_261 : i32
      %add3A_263 = arith.constant 64 : i32
      %add3A_264 = arith.addi %mul3A_262, %add3A_263 : i32
      %get3A_265 = arith.index_cast %add3A_264 : i32 to index
      %get3A_266 = tpu.vector_load %arg5[%get3A_265] {strides = array<i32>} : memref<512xi32, #tpu.memory_space<vmem>>, vector<16xi32>,
      %ne3A_267 = arith.constant 0 : i32
      %ne3A_268 = vector.broadcast %ne3A_267 : i32 to vector<16xi32>
      %ne3A_269 = arith.cmpi ne, %get3A_266, %ne3A_268 : vector<16xi32>
      %convert_element_type3A_270 = arith.extui %ne3A_269 : vector<16xi1> to vector<16xi32>
      %broadcast_in_dim3A_271 = arith.constant true
      %broadcast_in_dim3A_272 = vector.broadcast %broadcast_in_dim3A_271 : i1 to vector<16xi1>
      %masked_cumsum3A_273 = tpu.scan <sum>, %convert_element_type3A_270 masked %broadcast_in_dim3A_272 : vector<16xi32>, vector<16xi1> -> vector<16xi32>
      %sub3A_274 = arith.constant 1 : i32
      %sub3A_275 = vector.broadcast %sub3A_274 : i32 to vector<16xi32>
      %sub3A_276 = arith.subi %masked_cumsum3A_273, %sub3A_275 : vector<16xi32>
      %add3A_277 = arith.addi %sub3A_276, %add3A_260 : vector<16xi32>
      %add3A_278 = arith.constant 64 : i32
      %add3A_279 = arith.addi %mul3A_16, %add3A_278 : i32
      %add3A_280 = vector.broadcast %add3A_279 : i32 to vector<16xi32>
      %add3A_281 = arith.addi %iota3A, %add3A_280 : vector<16xi32>
      %add3A_282 = arith.constant 64 : i32
      %add3A_283 = vector.broadcast %add3A_282 : i32 to vector<16xi32>
      %add3A_284 = arith.addi %iota3A, %add3A_283 : vector<16xi32>
      %shift_right_logical3A_285 = arith.constant 3 : i32
      %shift_right_logical3A_286 = vector.broadcast %shift_right_logical3A_285 : i32 to vector<16xi32>
      %shift_right_logical3A_287 = arith.shrui %add3A_284, %shift_right_logical3A_286 : vector<16xi32>
      tpu.vector_store_idx %arg6[%add3A_277], %add3A_281 masked %ne3A_269 : memref<256xi32, #tpu.memory_space<vmem>>[vector<16xi32>], vector<16xi32>, vector<16xi1>
      tpu.vector_store_idx %arg7[%add3A_277], %shift_right_logical3A_287 masked %ne3A_269 : memref<256xi32, #tpu.memory_space<vmem>>[vector<16xi32>], vector<16xi32>, vector<16xi1>
      %all_reduce_population_count3A_288 = tpu.all_reduce %ne3A_269 {dim = 0 : i64, kind = #tpu.reduction_kind<sum>} : vector<16xi1> -> vector<16xi32>
      %add3A_289 = arith.addi %add3A_260, %all_reduce_population_count3A_288 : vector<16xi32>
      %mul3A_290 = arith.constant 256 : i32
      %mul3A_291 = arith.muli %scan3A_11, %mul3A_290 : i32
      %add3A_292 = arith.constant 80 : i32
      %add3A_293 = arith.addi %mul3A_291, %add3A_292 : i32
      %get3A_294 = arith.index_cast %add3A_293 : i32 to index
      %get3A_295 = tpu.vector_load %arg5[%get3A_294] {strides = array<i32>} : memref<512xi32, #tpu.memory_space<vmem>>, vector<16xi32>,
      %ne3A_296 = arith.constant 0 : i32
      %ne3A_297 = vector.broadcast %ne3A_296 : i32 to vector<16xi32>
      %ne3A_298 = arith.cmpi ne, %get3A_295, %ne3A_297 : vector<16xi32>
      %convert_element_type3A_299 = arith.extui %ne3A_298 : vector<16xi1> to vector<16xi32>
      %broadcast_in_dim3A_300 = arith.constant true
      %broadcast_in_dim3A_301 = vector.broadcast %broadcast_in_dim3A_300 : i1 to vector<16xi1>
      %masked_cumsum3A_302 = tpu.scan <sum>, %convert_element_type3A_299 masked %broadcast_in_dim3A_301 : vector<16xi32>, vector<16xi1> -> vector<16xi32>
      %sub3A_303 = arith.constant 1 : i32
      %sub3A_304 = vector.broadcast %sub3A_303 : i32 to vector<16xi32>
      %sub3A_305 = arith.subi %masked_cumsum3A_302, %sub3A_304 : vector<16xi32>
      %add3A_306 = arith.addi %sub3A_305, %add3A_289 : vector<16xi32>
      %add3A_307 = arith.constant 80 : i32
      %add3A_308 = arith.addi %mul3A_16, %add3A_307 : i32
      %add3A_309 = vector.broadcast %add3A_308 : i32 to vector<16xi32>
      %add3A_310 = arith.addi %iota3A, %add3A_309 : vector<16xi32>
      %add3A_311 = arith.constant 80 : i32
      %add3A_312 = vector.broadcast %add3A_311 : i32 to vector<16xi32>
      %add3A_313 = arith.addi %iota3A, %add3A_312 : vector<16xi32>
      %shift_right_logical3A_314 = arith.constant 3 : i32
      %shift_right_logical3A_315 = vector.broadcast %shift_right_logical3A_314 : i32 to vector<16xi32>
      %shift_right_logical3A_316 = arith.shrui %add3A_313, %shift_right_logical3A_315 : vector<16xi32>
      tpu.vector_store_idx %arg6[%add3A_306], %add3A_310 masked %ne3A_298 : memref<256xi32, #tpu.memory_space<vmem>>[vector<16xi32>], vector<16xi32>, vector<16xi1>
      tpu.vector_store_idx %arg7[%add3A_306], %shift_right_logical3A_316 masked %ne3A_298 : memref<256xi32, #tpu.memory_space<vmem>>[vector<16xi32>], vector<16xi32>, vector<16xi1>
      %all_reduce_population_count3A_317 = tpu.all_reduce %ne3A_298 {dim = 0 : i64, kind = #tpu.reduction_kind<sum>} : vector<16xi1> -> vector<16xi32>
      %add3A_318 = arith.addi %add3A_289, %all_reduce_population_count3A_317 : vector<16xi32>
      %mul3A_319 = arith.constant 256 : i32
      %mul3A_320 = arith.muli %scan3A_11, %mul3A_319 : i32
      %add3A_321 = arith.constant 96 : i32
      %add3A_322 = arith.addi %mul3A_320, %add3A_321 : i32
      %get3A_323 = arith.index_cast %add3A_322 : i32 to index
      %get3A_324 = tpu.vector_load %arg5[%get3A_323] {strides = array<i32>} : memref<512xi32, #tpu.memory_space<vmem>>, vector<16xi32>,
      %ne3A_325 = arith.constant 0 : i32
      %ne3A_326 = vector.broadcast %ne3A_325 : i32 to vector<16xi32>
      %ne3A_327 = arith.cmpi ne, %get3A_324, %ne3A_326 : vector<16xi32>
      %convert_element_type3A_328 = arith.extui %ne3A_327 : vector<16xi1> to vector<16xi32>
      %broadcast_in_dim3A_329 = arith.constant true
      %broadcast_in_dim3A_330 = vector.broadcast %broadcast_in_dim3A_329 : i1 to vector<16xi1>
      %masked_cumsum3A_331 = tpu.scan <sum>, %convert_element_type3A_328 masked %broadcast_in_dim3A_330 : vector<16xi32>, vector<16xi1> -> vector<16xi32>
      %sub3A_332 = arith.constant 1 : i32
      %sub3A_333 = vector.broadcast %sub3A_332 : i32 to vector<16xi32>
      %sub3A_334 = arith.subi %masked_cumsum3A_331, %sub3A_333 : vector<16xi32>
      %add3A_335 = arith.addi %sub3A_334, %add3A_318 : vector<16xi32>
      %add3A_336 = arith.constant 96 : i32
      %add3A_337 = arith.addi %mul3A_16, %add3A_336 : i32
      %add3A_338 = vector.broadcast %add3A_337 : i32 to vector<16xi32>
      %add3A_339 = arith.addi %iota3A, %add3A_338 : vector<16xi32>
      %add3A_340 = arith.constant 96 : i32
      %add3A_341 = vector.broadcast %add3A_340 : i32 to vector<16xi32>
      %add3A_342 = arith.addi %iota3A, %add3A_341 : vector<16xi32>
      %shift_right_logical3A_343 = arith.constant 3 : i32
      %shift_right_logical3A_344 = vector.broadcast %shift_right_logical3A_343 : i32 to vector<16xi32>
      %shift_right_logical3A_345 = arith.shrui %add3A_342, %shift_right_logical3A_344 : vector<16xi32>
      tpu.vector_store_idx %arg6[%add3A_335], %add3A_339 masked %ne3A_327 : memref<256xi32, #tpu.memory_space<vmem>>[vector<16xi32>], vector<16xi32>, vector<16xi1>
      tpu.vector_store_idx %arg7[%add3A_335], %shift_right_logical3A_345 masked %ne3A_327 : memref<256xi32, #tpu.memory_space<vmem>>[vector<16xi32>], vector<16xi32>, vector<16xi1>
      %all_reduce_population_count3A_346 = tpu.all_reduce %ne3A_327 {dim = 0 : i64, kind = #tpu.reduction_kind<sum>} : vector<16xi1> -> vector<16xi32>
      %add3A_347 = arith.addi %add3A_318, %all_reduce_population_count3A_346 : vector<16xi32>
      %mul3A_348 = arith.constant 256 : i32
      %mul3A_349 = arith.muli %scan3A_11, %mul3A_348 : i32
      %add3A_350 = arith.constant 112 : i32
      %add3A_351 = arith.addi %mul3A_349, %add3A_350 : i32
      %get3A_352 = arith.index_cast %add3A_351 : i32 to index
      %get3A_353 = tpu.vector_load %arg5[%get3A_352] {strides = array<i32>} : memref<512xi32, #tpu.memory_space<vmem>>, vector<16xi32>,
      %ne3A_354 = arith.constant 0 : i32
      %ne3A_355 = vector.broadcast %ne3A_354 : i32 to vector<16xi32>
      %ne3A_356 = arith.cmpi ne, %get3A_353, %ne3A_355 : vector<16xi32>
      %convert_element_type3A_357 = arith.extui %ne3A_356 : vector<16xi1> to vector<16xi32>
      %broadcast_in_dim3A_358 = arith.constant true
      %broadcast_in_dim3A_359 = vector.broadcast %broadcast_in_dim3A_358 : i1 to vector<16xi1>
      %masked_cumsum3A_360 = tpu.scan <sum>, %convert_element_type3A_357 masked %broadcast_in_dim3A_359 : vector<16xi32>, vector<16xi1> -> vector<16xi32>
      %sub3A_361 = arith.constant 1 : i32
      %sub3A_362 = vector.broadcast %sub3A_361 : i32 to vector<16xi32>
      %sub3A_363 = arith.subi %masked_cumsum3A_360, %sub3A_362 : vector<16xi32>
      %add3A_364 = arith.addi %sub3A_363, %add3A_347 : vector<16xi32>
      %add3A_365 = arith.constant 112 : i32
      %add3A_366 = arith.addi %mul3A_16, %add3A_365 : i32
      %add3A_367 = vector.broadcast %add3A_366 : i32 to vector<16xi32>
      %add3A_368 = arith.addi %iota3A, %add3A_367 : vector<16xi32>
      %add3A_369 = arith.constant 112 : i32
      %add3A_370 = vector.broadcast %add3A_369 : i32 to vector<16xi32>
      %add3A_371 = arith.addi %iota3A, %add3A_370 : vector<16xi32>
      %shift_right_logical3A_372 = arith.constant 3 : i32
      %shift_right_logical3A_373 = vector.broadcast %shift_right_logical3A_372 : i32 to vector<16xi32>
      %shift_right_logical3A_374 = arith.shrui %add3A_371, %shift_right_logical3A_373 : vector<16xi32>
      tpu.vector_store_idx %arg6[%add3A_364], %add3A_368 masked %ne3A_356 : memref<256xi32, #tpu.memory_space<vmem>>[vector<16xi32>], vector<16xi32>, vector<16xi1>
      tpu.vector_store_idx %arg7[%add3A_364], %shift_right_logical3A_374 masked %ne3A_356 : memref<256xi32, #tpu.memory_space<vmem>>[vector<16xi32>], vector<16xi32>, vector<16xi1>
      %all_reduce_population_count3A_375 = tpu.all_reduce %ne3A_356 {dim = 0 : i64, kind = #tpu.reduction_kind<sum>} : vector<16xi1> -> vector<16xi32>
      %add3A_376 = arith.addi %add3A_347, %all_reduce_population_count3A_375 : vector<16xi32>
      %mul3A_377 = arith.constant 256 : i32
      %mul3A_378 = arith.muli %scan3A_11, %mul3A_377 : i32
      %add3A_379 = arith.constant 128 : i32
      %add3A_380 = arith.addi %mul3A_378, %add3A_379 : i32
      %get3A_381 = arith.index_cast %add3A_380 : i32 to index
      %get3A_382 = tpu.vector_load %arg5[%get3A_381] {strides = array<i32>} : memref<512xi32, #tpu.memory_space<vmem>>, vector<16xi32>,
      %ne3A_383 = arith.constant 0 : i32
      %ne3A_384 = vector.broadcast %ne3A_383 : i32 to vector<16xi32>
      %ne3A_385 = arith.cmpi ne, %get3A_382, %ne3A_384 : vector<16xi32>
      %convert_element_type3A_386 = arith.extui %ne3A_385 : vector<16xi1> to vector<16xi32>
      %broadcast_in_dim3A_387 = arith.constant true
      %broadcast_in_dim3A_388 = vector.broadcast %broadcast_in_dim3A_387 : i1 to vector<16xi1>
      %masked_cumsum3A_389 = tpu.scan <sum>, %convert_element_type3A_386 masked %broadcast_in_dim3A_388 : vector<16xi32>, vector<16xi1> -> vector<16xi32>
      %sub3A_390 = arith.constant 1 : i32
      %sub3A_391 = vector.broadcast %sub3A_390 : i32 to vector<16xi32>
      %sub3A_392 = arith.subi %masked_cumsum3A_389, %sub3A_391 : vector<16xi32>
      %add3A_393 = arith.addi %sub3A_392, %add3A_376 : vector<16xi32>
      %add3A_394 = arith.constant 128 : i32
      %add3A_395 = arith.addi %mul3A_16, %add3A_394 : i32
      %add3A_396 = vector.broadcast %add3A_395 : i32 to vector<16xi32>
      %add3A_397 = arith.addi %iota3A, %add3A_396 : vector<16xi32>
      %add3A_398 = arith.constant 128 : i32
      %add3A_399 = vector.broadcast %add3A_398 : i32 to vector<16xi32>
      %add3A_400 = arith.addi %iota3A, %add3A_399 : vector<16xi32>
      %shift_right_logical3A_401 = arith.constant 3 : i32
      %shift_right_logical3A_402 = vector.broadcast %shift_right_logical3A_401 : i32 to vector<16xi32>
      %shift_right_logical3A_403 = arith.shrui %add3A_400, %shift_right_logical3A_402 : vector<16xi32>
      tpu.vector_store_idx %arg6[%add3A_393], %add3A_397 masked %ne3A_385 : memref<256xi32, #tpu.memory_space<vmem>>[vector<16xi32>], vector<16xi32>, vector<16xi1>
      tpu.vector_store_idx %arg7[%add3A_393], %shift_right_logical3A_403 masked %ne3A_385 : memref<256xi32, #tpu.memory_space<vmem>>[vector<16xi32>], vector<16xi32>, vector<16xi1>
      %all_reduce_population_count3A_404 = tpu.all_reduce %ne3A_385 {dim = 0 : i64, kind = #tpu.reduction_kind<sum>} : vector<16xi1> -> vector<16xi32>
      %add3A_405 = arith.addi %add3A_376, %all_reduce_population_count3A_404 : vector<16xi32>
      %mul3A_406 = arith.constant 256 : i32
      %mul3A_407 = arith.muli %scan3A_11, %mul3A_406 : i32
      %add3A_408 = arith.constant 144 : i32
      %add3A_409 = arith.addi %mul3A_407, %add3A_408 : i32
      %get3A_410 = arith.index_cast %add3A_409 : i32 to index
      %get3A_411 = tpu.vector_load %arg5[%get3A_410] {strides = array<i32>} : memref<512xi32, #tpu.memory_space<vmem>>, vector<16xi32>,
      %ne3A_412 = arith.constant 0 : i32
      %ne3A_413 = vector.broadcast %ne3A_412 : i32 to vector<16xi32>
      %ne3A_414 = arith.cmpi ne, %get3A_411, %ne3A_413 : vector<16xi32>
      %convert_element_type3A_415 = arith.extui %ne3A_414 : vector<16xi1> to vector<16xi32>
      %broadcast_in_dim3A_416 = arith.constant true
      %broadcast_in_dim3A_417 = vector.broadcast %broadcast_in_dim3A_416 : i1 to vector<16xi1>
      %masked_cumsum3A_418 = tpu.scan <sum>, %convert_element_type3A_415 masked %broadcast_in_dim3A_417 : vector<16xi32>, vector<16xi1> -> vector<16xi32>
      %sub3A_419 = arith.constant 1 : i32
      %sub3A_420 = vector.broadcast %sub3A_419 : i32 to vector<16xi32>
      %sub3A_421 = arith.subi %masked_cumsum3A_418, %sub3A_420 : vector<16xi32>
      %add3A_422 = arith.addi %sub3A_421, %add3A_405 : vector<16xi32>
      %add3A_423 = arith.constant 144 : i32
      %add3A_424 = arith.addi %mul3A_16, %add3A_423 : i32
      %add3A_425 = vector.broadcast %add3A_424 : i32 to vector<16xi32>
      %add3A_426 = arith.addi %iota3A, %add3A_425 : vector<16xi32>
      %add3A_427 = arith.constant 144 : i32
      %add3A_428 = vector.broadcast %add3A_427 : i32 to vector<16xi32>
      %add3A_429 = arith.addi %iota3A, %add3A_428 : vector<16xi32>
      %shift_right_logical3A_430 = arith.constant 3 : i32
      %shift_right_logical3A_431 = vector.broadcast %shift_right_logical3A_430 : i32 to vector<16xi32>
      %shift_right_logical3A_432 = arith.shrui %add3A_429, %shift_right_logical3A_431 : vector<16xi32>
      tpu.vector_store_idx %arg6[%add3A_422], %add3A_426 masked %ne3A_414 : memref<256xi32, #tpu.memory_space<vmem>>[vector<16xi32>], vector<16xi32>, vector<16xi1>
      tpu.vector_store_idx %arg7[%add3A_422], %shift_right_logical3A_432 masked %ne3A_414 : memref<256xi32, #tpu.memory_space<vmem>>[vector<16xi32>], vector<16xi32>, vector<16xi1>
      %all_reduce_population_count3A_433 = tpu.all_reduce %ne3A_414 {dim = 0 : i64, kind = #tpu.reduction_kind<sum>} : vector<16xi1> -> vector<16xi32>
      %add3A_434 = arith.addi %add3A_405, %all_reduce_population_count3A_433 : vector<16xi32>
      %mul3A_435 = arith.constant 256 : i32
      %mul3A_436 = arith.muli %scan3A_11, %mul3A_435 : i32
      %add3A_437 = arith.constant 160 : i32
      %add3A_438 = arith.addi %mul3A_436, %add3A_437 : i32
      %get3A_439 = arith.index_cast %add3A_438 : i32 to index
      %get3A_440 = tpu.vector_load %arg5[%get3A_439] {strides = array<i32>} : memref<512xi32, #tpu.memory_space<vmem>>, vector<16xi32>,
      %ne3A_441 = arith.constant 0 : i32
      %ne3A_442 = vector.broadcast %ne3A_441 : i32 to vector<16xi32>
      %ne3A_443 = arith.cmpi ne, %get3A_440, %ne3A_442 : vector<16xi32>
      %convert_element_type3A_444 = arith.extui %ne3A_443 : vector<16xi1> to vector<16xi32>
      %broadcast_in_dim3A_445 = arith.constant true
      %broadcast_in_dim3A_446 = vector.broadcast %broadcast_in_dim3A_445 : i1 to vector<16xi1>
      %masked_cumsum3A_447 = tpu.scan <sum>, %convert_element_type3A_444 masked %broadcast_in_dim3A_446 : vector<16xi32>, vector<16xi1> -> vector<16xi32>
      %sub3A_448 = arith.constant 1 : i32
      %sub3A_449 = vector.broadcast %sub3A_448 : i32 to vector<16xi32>
      %sub3A_450 = arith.subi %masked_cumsum3A_447, %sub3A_449 : vector<16xi32>
      %add3A_451 = arith.addi %sub3A_450, %add3A_434 : vector<16xi32>
      %add3A_452 = arith.constant 160 : i32
      %add3A_453 = arith.addi %mul3A_16, %add3A_452 : i32
      %add3A_454 = vector.broadcast %add3A_453 : i32 to vector<16xi32>
      %add3A_455 = arith.addi %iota3A, %add3A_454 : vector<16xi32>
      %add3A_456 = arith.constant 160 : i32
      %add3A_457 = vector.broadcast %add3A_456 : i32 to vector<16xi32>
      %add3A_458 = arith.addi %iota3A, %add3A_457 : vector<16xi32>
      %shift_right_logical3A_459 = arith.constant 3 : i32
      %shift_right_logical3A_460 = vector.broadcast %shift_right_logical3A_459 : i32 to vector<16xi32>
      %shift_right_logical3A_461 = arith.shrui %add3A_458, %shift_right_logical3A_460 : vector<16xi32>
      tpu.vector_store_idx %arg6[%add3A_451], %add3A_455 masked %ne3A_443 : memref<256xi32, #tpu.memory_space<vmem>>[vector<16xi32>], vector<16xi32>, vector<16xi1>
      tpu.vector_store_idx %arg7[%add3A_451], %shift_right_logical3A_461 masked %ne3A_443 : memref<256xi32, #tpu.memory_space<vmem>>[vector<16xi32>], vector<16xi32>, vector<16xi1>
      %all_reduce_population_count3A_462 = tpu.all_reduce %ne3A_443 {dim = 0 : i64, kind = #tpu.reduction_kind<sum>} : vector<16xi1> -> vector<16xi32>
      %add3A_463 = arith.addi %add3A_434, %all_reduce_population_count3A_462 : vector<16xi32>
      %mul3A_464 = arith.constant 256 : i32
      %mul3A_465 = arith.muli %scan3A_11, %mul3A_464 : i32
      %add3A_466 = arith.constant 176 : i32
      %add3A_467 = arith.addi %mul3A_465, %add3A_466 : i32
      %get3A_468 = arith.index_cast %add3A_467 : i32 to index
      %get3A_469 = tpu.vector_load %arg5[%get3A_468] {strides = array<i32>} : memref<512xi32, #tpu.memory_space<vmem>>, vector<16xi32>,
      %ne3A_470 = arith.constant 0 : i32
      %ne3A_471 = vector.broadcast %ne3A_470 : i32 to vector<16xi32>
      %ne3A_472 = arith.cmpi ne, %get3A_469, %ne3A_471 : vector<16xi32>
      %convert_element_type3A_473 = arith.extui %ne3A_472 : vector<16xi1> to vector<16xi32>
      %broadcast_in_dim3A_474 = arith.constant true
      %broadcast_in_dim3A_475 = vector.broadcast %broadcast_in_dim3A_474 : i1 to vector<16xi1>
      %masked_cumsum3A_476 = tpu.scan <sum>, %convert_element_type3A_473 masked %broadcast_in_dim3A_475 : vector<16xi32>, vector<16xi1> -> vector<16xi32>
      %sub3A_477 = arith.constant 1 : i32
      %sub3A_478 = vector.broadcast %sub3A_477 : i32 to vector<16xi32>
      %sub3A_479 = arith.subi %masked_cumsum3A_476, %sub3A_478 : vector<16xi32>
      %add3A_480 = arith.addi %sub3A_479, %add3A_463 : vector<16xi32>
      %add3A_481 = arith.constant 176 : i32
      %add3A_482 = arith.addi %mul3A_16, %add3A_481 : i32
      %add3A_483 = vector.broadcast %add3A_482 : i32 to vector<16xi32>
      %add3A_484 = arith.addi %iota3A, %add3A_483 : vector<16xi32>
      %add3A_485 = arith.constant 176 : i32
      %add3A_486 = vector.broadcast %add3A_485 : i32 to vector<16xi32>
      %add3A_487 = arith.addi %iota3A, %add3A_486 : vector<16xi32>
      %shift_right_logical3A_488 = arith.constant 3 : i32
      %shift_right_logical3A_489 = vector.broadcast %shift_right_logical3A_488 : i32 to vector<16xi32>
      %shift_right_logical3A_490 = arith.shrui %add3A_487, %shift_right_logical3A_489 : vector<16xi32>
      tpu.vector_store_idx %arg6[%add3A_480], %add3A_484 masked %ne3A_472 : memref<256xi32, #tpu.memory_space<vmem>>[vector<16xi32>], vector<16xi32>, vector<16xi1>
      tpu.vector_store_idx %arg7[%add3A_480], %shift_right_logical3A_490 masked %ne3A_472 : memref<256xi32, #tpu.memory_space<vmem>>[vector<16xi32>], vector<16xi32>, vector<16xi1>
      %all_reduce_population_count3A_491 = tpu.all_reduce %ne3A_472 {dim = 0 : i64, kind = #tpu.reduction_kind<sum>} : vector<16xi1> -> vector<16xi32>
      %add3A_492 = arith.addi %add3A_463, %all_reduce_population_count3A_491 : vector<16xi32>
      %mul3A_493 = arith.constant 256 : i32
      %mul3A_494 = arith.muli %scan3A_11, %mul3A_493 : i32
      %add3A_495 = arith.constant 192 : i32
      %add3A_496 = arith.addi %mul3A_494, %add3A_495 : i32
      %get3A_497 = arith.index_cast %add3A_496 : i32 to index
      %get3A_498 = tpu.vector_load %arg5[%get3A_497] {strides = array<i32>} : memref<512xi32, #tpu.memory_space<vmem>>, vector<16xi32>,
      %ne3A_499 = arith.constant 0 : i32
      %ne3A_500 = vector.broadcast %ne3A_499 : i32 to vector<16xi32>
      %ne3A_501 = arith.cmpi ne, %get3A_498, %ne3A_500 : vector<16xi32>
      %convert_element_type3A_502 = arith.extui %ne3A_501 : vector<16xi1> to vector<16xi32>
      %broadcast_in_dim3A_503 = arith.constant true
      %broadcast_in_dim3A_504 = vector.broadcast %broadcast_in_dim3A_503 : i1 to vector<16xi1>
      %masked_cumsum3A_505 = tpu.scan <sum>, %convert_element_type3A_502 masked %broadcast_in_dim3A_504 : vector<16xi32>, vector<16xi1> -> vector<16xi32>
      %sub3A_506 = arith.constant 1 : i32
      %sub3A_507 = vector.broadcast %sub3A_506 : i32 to vector<16xi32>
      %sub3A_508 = arith.subi %masked_cumsum3A_505, %sub3A_507 : vector<16xi32>
      %add3A_509 = arith.addi %sub3A_508, %add3A_492 : vector<16xi32>
      %add3A_510 = arith.constant 192 : i32
      %add3A_511 = arith.addi %mul3A_16, %add3A_510 : i32
      %add3A_512 = vector.broadcast %add3A_511 : i32 to vector<16xi32>
      %add3A_513 = arith.addi %iota3A, %add3A_512 : vector<16xi32>
      %add3A_514 = arith.constant 192 : i32
      %add3A_515 = vector.broadcast %add3A_514 : i32 to vector<16xi32>
      %add3A_516 = arith.addi %iota3A, %add3A_515 : vector<16xi32>
      %shift_right_logical3A_517 = arith.constant 3 : i32
      %shift_right_logical3A_518 = vector.broadcast %shift_right_logical3A_517 : i32 to vector<16xi32>
      %shift_right_logical3A_519 = arith.shrui %add3A_516, %shift_right_logical3A_518 : vector<16xi32>
      tpu.vector_store_idx %arg6[%add3A_509], %add3A_513 masked %ne3A_501 : memref<256xi32, #tpu.memory_space<vmem>>[vector<16xi32>], vector<16xi32>, vector<16xi1>
      tpu.vector_store_idx %arg7[%add3A_509], %shift_right_logical3A_519 masked %ne3A_501 : memref<256xi32, #tpu.memory_space<vmem>>[vector<16xi32>], vector<16xi32>, vector<16xi1>
      %all_reduce_population_count3A_520 = tpu.all_reduce %ne3A_501 {dim = 0 : i64, kind = #tpu.reduction_kind<sum>} : vector<16xi1> -> vector<16xi32>
      %add3A_521 = arith.addi %add3A_492, %all_reduce_population_count3A_520 : vector<16xi32>
      %mul3A_522 = arith.constant 256 : i32
      %mul3A_523 = arith.muli %scan3A_11, %mul3A_522 : i32
      %add3A_524 = arith.constant 208 : i32
      %add3A_525 = arith.addi %mul3A_523, %add3A_524 : i32
      %get3A_526 = arith.index_cast %add3A_525 : i32 to index
      %get3A_527 = tpu.vector_load %arg5[%get3A_526] {strides = array<i32>} : memref<512xi32, #tpu.memory_space<vmem>>, vector<16xi32>,
      %ne3A_528 = arith.constant 0 : i32
      %ne3A_529 = vector.broadcast %ne3A_528 : i32 to vector<16xi32>
      %ne3A_530 = arith.cmpi ne, %get3A_527, %ne3A_529 : vector<16xi32>
      %convert_element_type3A_531 = arith.extui %ne3A_530 : vector<16xi1> to vector<16xi32>
      %broadcast_in_dim3A_532 = arith.constant true
      %broadcast_in_dim3A_533 = vector.broadcast %broadcast_in_dim3A_532 : i1 to vector<16xi1>
      %masked_cumsum3A_534 = tpu.scan <sum>, %convert_element_type3A_531 masked %broadcast_in_dim3A_533 : vector<16xi32>, vector<16xi1> -> vector<16xi32>
      %sub3A_535 = arith.constant 1 : i32
      %sub3A_536 = vector.broadcast %sub3A_535 : i32 to vector<16xi32>
      %sub3A_537 = arith.subi %masked_cumsum3A_534, %sub3A_536 : vector<16xi32>
      %add3A_538 = arith.addi %sub3A_537, %add3A_521 : vector<16xi32>
      %add3A_539 = arith.constant 208 : i32
      %add3A_540 = arith.addi %mul3A_16, %add3A_539 : i32
      %add3A_541 = vector.broadcast %add3A_540 : i32 to vector<16xi32>
      %add3A_542 = arith.addi %iota3A, %add3A_541 : vector<16xi32>
      %add3A_543 = arith.constant 208 : i32
      %add3A_544 = vector.broadcast %add3A_543 : i32 to vector<16xi32>
      %add3A_545 = arith.addi %iota3A, %add3A_544 : vector<16xi32>
      %shift_right_logical3A_546 = arith.constant 3 : i32
      %shift_right_logical3A_547 = vector.broadcast %shift_right_logical3A_546 : i32 to vector<16xi32>
      %shift_right_logical3A_548 = arith.shrui %add3A_545, %shift_right_logical3A_547 : vector<16xi32>
      tpu.vector_store_idx %arg6[%add3A_538], %add3A_542 masked %ne3A_530 : memref<256xi32, #tpu.memory_space<vmem>>[vector<16xi32>], vector<16xi32>, vector<16xi1>
      tpu.vector_store_idx %arg7[%add3A_538], %shift_right_logical3A_548 masked %ne3A_530 : memref<256xi32, #tpu.memory_space<vmem>>[vector<16xi32>], vector<16xi32>, vector<16xi1>
      %all_reduce_population_count3A_549 = tpu.all_reduce %ne3A_530 {dim = 0 : i64, kind = #tpu.reduction_kind<sum>} : vector<16xi1> -> vector<16xi32>
      %add3A_550 = arith.addi %add3A_521, %all_reduce_population_count3A_549 : vector<16xi32>
      %mul3A_551 = arith.constant 256 : i32
      %mul3A_552 = arith.muli %scan3A_11, %mul3A_551 : i32
      %add3A_553 = arith.constant 224 : i32
      %add3A_554 = arith.addi %mul3A_552, %add3A_553 : i32
      %get3A_555 = arith.index_cast %add3A_554 : i32 to index
      %get3A_556 = tpu.vector_load %arg5[%get3A_555] {strides = array<i32>} : memref<512xi32, #tpu.memory_space<vmem>>, vector<16xi32>,
      %ne3A_557 = arith.constant 0 : i32
      %ne3A_558 = vector.broadcast %ne3A_557 : i32 to vector<16xi32>
      %ne3A_559 = arith.cmpi ne, %get3A_556, %ne3A_558 : vector<16xi32>
      %convert_element_type3A_560 = arith.extui %ne3A_559 : vector<16xi1> to vector<16xi32>
      %broadcast_in_dim3A_561 = arith.constant true
      %broadcast_in_dim3A_562 = vector.broadcast %broadcast_in_dim3A_561 : i1 to vector<16xi1>
      %masked_cumsum3A_563 = tpu.scan <sum>, %convert_element_type3A_560 masked %broadcast_in_dim3A_562 : vector<16xi32>, vector<16xi1> -> vector<16xi32>
      %sub3A_564 = arith.constant 1 : i32
      %sub3A_565 = vector.broadcast %sub3A_564 : i32 to vector<16xi32>
      %sub3A_566 = arith.subi %masked_cumsum3A_563, %sub3A_565 : vector<16xi32>
      %add3A_567 = arith.addi %sub3A_566, %add3A_550 : vector<16xi32>
      %add3A_568 = arith.constant 224 : i32
      %add3A_569 = arith.addi %mul3A_16, %add3A_568 : i32
      %add3A_570 = vector.broadcast %add3A_569 : i32 to vector<16xi32>
      %add3A_571 = arith.addi %iota3A, %add3A_570 : vector<16xi32>
      %add3A_572 = arith.constant 224 : i32
      %add3A_573 = vector.broadcast %add3A_572 : i32 to vector<16xi32>
      %add3A_574 = arith.addi %iota3A, %add3A_573 : vector<16xi32>
      %shift_right_logical3A_575 = arith.constant 3 : i32
      %shift_right_logical3A_576 = vector.broadcast %shift_right_logical3A_575 : i32 to vector<16xi32>
      %shift_right_logical3A_577 = arith.shrui %add3A_574, %shift_right_logical3A_576 : vector<16xi32>
      tpu.vector_store_idx %arg6[%add3A_567], %add3A_571 masked %ne3A_559 : memref<256xi32, #tpu.memory_space<vmem>>[vector<16xi32>], vector<16xi32>, vector<16xi1>
      tpu.vector_store_idx %arg7[%add3A_567], %shift_right_logical3A_577 masked %ne3A_559 : memref<256xi32, #tpu.memory_space<vmem>>[vector<16xi32>], vector<16xi32>, vector<16xi1>
      %all_reduce_population_count3A_578 = tpu.all_reduce %ne3A_559 {dim = 0 : i64, kind = #tpu.reduction_kind<sum>} : vector<16xi1> -> vector<16xi32>
      %add3A_579 = arith.addi %add3A_550, %all_reduce_population_count3A_578 : vector<16xi32>
      %mul3A_580 = arith.constant 256 : i32
      %mul3A_581 = arith.muli %scan3A_11, %mul3A_580 : i32
      %add3A_582 = arith.constant 240 : i32
      %add3A_583 = arith.addi %mul3A_581, %add3A_582 : i32
      %get3A_584 = arith.index_cast %add3A_583 : i32 to index
      %get3A_585 = tpu.vector_load %arg5[%get3A_584] {strides = array<i32>} : memref<512xi32, #tpu.memory_space<vmem>>, vector<16xi32>,
      %ne3A_586 = arith.constant 0 : i32
      %ne3A_587 = vector.broadcast %ne3A_586 : i32 to vector<16xi32>
      %ne3A_588 = arith.cmpi ne, %get3A_585, %ne3A_587 : vector<16xi32>
      %convert_element_type3A_589 = arith.extui %ne3A_588 : vector<16xi1> to vector<16xi32>
      %broadcast_in_dim3A_590 = arith.constant true
      %broadcast_in_dim3A_591 = vector.broadcast %broadcast_in_dim3A_590 : i1 to vector<16xi1>
      %masked_cumsum3A_592 = tpu.scan <sum>, %convert_element_type3A_589 masked %broadcast_in_dim3A_591 : vector<16xi32>, vector<16xi1> -> vector<16xi32>
      %sub3A_593 = arith.constant 1 : i32
      %sub3A_594 = vector.broadcast %sub3A_593 : i32 to vector<16xi32>
      %sub3A_595 = arith.subi %masked_cumsum3A_592, %sub3A_594 : vector<16xi32>
      %add3A_596 = arith.addi %sub3A_595, %add3A_579 : vector<16xi32>
      %add3A_597 = arith.constant 240 : i32
      %add3A_598 = arith.addi %mul3A_16, %add3A_597 : i32
      %add3A_599 = vector.broadcast %add3A_598 : i32 to vector<16xi32>
      %add3A_600 = arith.addi %iota3A, %add3A_599 : vector<16xi32>
      %add3A_601 = arith.constant 240 : i32
      %add3A_602 = vector.broadcast %add3A_601 : i32 to vector<16xi32>
      %add3A_603 = arith.addi %iota3A, %add3A_602 : vector<16xi32>
      %shift_right_logical3A_604 = arith.constant 3 : i32
      %shift_right_logical3A_605 = vector.broadcast %shift_right_logical3A_604 : i32 to vector<16xi32>
      %shift_right_logical3A_606 = arith.shrui %add3A_603, %shift_right_logical3A_605 : vector<16xi32>
      tpu.vector_store_idx %arg6[%add3A_596], %add3A_600 masked %ne3A_588 : memref<256xi32, #tpu.memory_space<vmem>>[vector<16xi32>], vector<16xi32>, vector<16xi1>
      tpu.vector_store_idx %arg7[%add3A_596], %shift_right_logical3A_606 masked %ne3A_588 : memref<256xi32, #tpu.memory_space<vmem>>[vector<16xi32>], vector<16xi32>, vector<16xi1>
      %all_reduce_population_count3A_607 = tpu.all_reduce %ne3A_588 {dim = 0 : i64, kind = #tpu.reduction_kind<sum>} : vector<16xi1> -> vector<16xi32>
      %add3A_608 = arith.addi %add3A_579, %all_reduce_population_count3A_607 : vector<16xi32>
      %reduce_max3A = arith.constant true
      %reduce_max3A_609 = vector.broadcast %reduce_max3A : i1 to vector<16xi1>
      %reduce_max3A_610 = arith.constant -2147483648 : i32
      %reduce_max3A_611 = vector.broadcast %reduce_max3A_610 : i32 to vector<16xi32>
      %reduce_max3A_612 = arith.xori %add3A_608, %reduce_max3A_611 : vector<16xi32>
      %reduce_max3A_613 = tpu.scan <max>, %reduce_max3A_612 masked %reduce_max3A_609 : vector<16xi32>, vector<16xi1> -> vector<16xi32>
      %reduce_max3A_614 = arith.xori %reduce_max3A_613, %reduce_max3A_611 : vector<16xi32>
      %reduce_max3A_615 = vector.extract %reduce_max3A_614[15] : i32 from vector<16xi32>
      %add3A_616 = arith.constant 16 : i32
      %add3A_617 = arith.addi %reduce_max3A_615, %add3A_616 : i32
      %sub3A_618 = arith.constant 1 : i32
      %sub3A_619 = arith.subi %add3A_617, %sub3A_618 : i32
      %jit3A = arith.constant 16 : i32
      %div3A = arith.divsi %sub3A_619, %jit3A : i32
      %sign3A = arith.constant 0 : i32
      %sign3A_620 = arith.cmpi sgt, %sub3A_619, %sign3A : i32
      %sign3A_621 = arith.extui %sign3A_620 : i1 to i32
      %sign3A_622 = arith.constant 0 : i32
      %sign3A_623 = arith.cmpi slt, %sub3A_619, %sign3A_622 : i32
      %sign3A_624 = arith.extui %sign3A_623 : i1 to i32
      %sign3A_625 = arith.subi %sign3A_621, %sign3A_624 : i32
      %sign3A_626 = arith.constant 0 : i32
      %sign3A_627 = arith.cmpi sgt, %jit3A, %sign3A_626 : i32
      %sign3A_628 = arith.extui %sign3A_627 : i1 to i32
      %sign3A_629 = arith.constant 0 : i32
      %sign3A_630 = arith.cmpi slt, %jit3A, %sign3A_629 : i32
      %sign3A_631 = arith.extui %sign3A_630 : i1 to i32
      %sign3A_632 = arith.subi %sign3A_628, %sign3A_631 : i32
      %ne3A_633 = arith.cmpi ne, %sign3A_625, %sign3A_632 : i32
      %rem3A = arith.remsi %sub3A_619, %jit3A : i32
      %ne3A_634 = arith.constant 0 : i32
      %ne3A_635 = arith.cmpi ne, %rem3A, %ne3A_634 : i32
      %and3A = arith.andi %ne3A_633, %ne3A_635 : i1
      %sub3A_636 = arith.constant 1 : i32
      %sub3A_637 = arith.subi %div3A, %sub3A_636 : i32
      %select_n3A = arith.select %and3A, %sub3A_637, %div3A : i32
      %gt3A = arith.constant 0 : i32
      %gt3A_638 = arith.cmpi sgt, %select_n3A, %gt3A : i32
      %convert_element_type3A_639 = arith.extui %gt3A_638 : i1 to i32
      %cond3A = arith.constant 0 : i32
      %cond3A_640 = arith.cmpi ne, %convert_element_type3A_639, %cond3A : i32
      scf.if %cond3A_640 {
        %dma_start3A = arith.constant 0 : i32
        %dma_start3A_707 = tpu.memref_slice %arg6[%dma_start3A] : memref<256xi32, #tpu.memory_space<vmem>> -> memref<16xi32, #tpu.memory_space<vmem>>
        %dma_start3A_708 = arith.constant 0 : i32
        %dma_start3A_709 = arith.constant 0 : i32
        %dma_start3A_710 = tpu.memref_slice %arg2[%dma_start3A_708, %dma_start3A_709] : memref<16384x1792xf32, #tpu.memory_space<hbm>> -> memref<16384x1792xf32, #tpu.memory_space<hbm>>
        tpu.enqueue_indirect_dma source(%dma_start3A_710 : memref<16384x1792xf32, #tpu.memory_space<hbm>>) target(%arg9 : memref<16x1792xf32, #tpu.memory_space<vmem>>) offsets(%dma_start3A_707 : memref<16xi32, #tpu.memory_space<vmem>>) semaphore(%arg11 : memref<!tpu.dma_semaphore, #tpu.memory_space<semaphore_mem>>)
      } else {
      }
      %gt3A_641 = arith.constant 1 : i32
      %gt3A_642 = arith.cmpi sgt, %select_n3A, %gt3A_641 : i32
      %convert_element_type3A_643 = arith.extui %gt3A_642 : i1 to i32
      %cond3A_644 = arith.constant 0 : i32
      %cond3A_645 = arith.cmpi ne, %convert_element_type3A_643, %cond3A_644 : i32
      scf.if %cond3A_645 {
        %dma_start3A = arith.constant 16 : i32
        %dma_start3A_707 = tpu.memref_slice %arg6[%dma_start3A] : memref<256xi32, #tpu.memory_space<vmem>> -> memref<16xi32, #tpu.memory_space<vmem>>
        %dma_start3A_708 = arith.constant 0 : i32
        %dma_start3A_709 = arith.constant 0 : i32
        %dma_start3A_710 = tpu.memref_slice %arg2[%dma_start3A_708, %dma_start3A_709] : memref<16384x1792xf32, #tpu.memory_space<hbm>> -> memref<16384x1792xf32, #tpu.memory_space<hbm>>
        tpu.enqueue_indirect_dma source(%dma_start3A_710 : memref<16384x1792xf32, #tpu.memory_space<hbm>>) target(%arg10 : memref<16x1792xf32, #tpu.memory_space<vmem>>) offsets(%dma_start3A_707 : memref<16xi32, #tpu.memory_space<vmem>>) semaphore(%arg12 : memref<!tpu.dma_semaphore, #tpu.memory_space<semaphore_mem>>)
      } else {
      }
      %add3A_646 = arith.constant 1 : i32
      %add3A_647 = arith.addi %select_n3A, %add3A_646 : i32
      %jit3A_648 = arith.constant 2 : i32
      %div3A_649 = arith.divsi %add3A_647, %jit3A_648 : i32
      %sign3A_650 = arith.constant 0 : i32
      %sign3A_651 = arith.cmpi sgt, %add3A_647, %sign3A_650 : i32
      %sign3A_652 = arith.extui %sign3A_651 : i1 to i32
      %sign3A_653 = arith.constant 0 : i32
      %sign3A_654 = arith.cmpi slt, %add3A_647, %sign3A_653 : i32
      %sign3A_655 = arith.extui %sign3A_654 : i1 to i32
      %sign3A_656 = arith.subi %sign3A_652, %sign3A_655 : i32
      %sign3A_657 = arith.constant 0 : i32
      %sign3A_658 = arith.cmpi sgt, %jit3A_648, %sign3A_657 : i32
      %sign3A_659 = arith.extui %sign3A_658 : i1 to i32
      %sign3A_660 = arith.constant 0 : i32
      %sign3A_661 = arith.cmpi slt, %jit3A_648, %sign3A_660 : i32
      %sign3A_662 = arith.extui %sign3A_661 : i1 to i32
      %sign3A_663 = arith.subi %sign3A_659, %sign3A_662 : i32
      %ne3A_664 = arith.cmpi ne, %sign3A_656, %sign3A_663 : i32
      %rem3A_665 = arith.remsi %add3A_647, %jit3A_648 : i32
      %ne3A_666 = arith.constant 0 : i32
      %ne3A_667 = arith.cmpi ne, %rem3A_665, %ne3A_666 : i32
      %and3A_668 = arith.andi %ne3A_664, %ne3A_667 : i1
      %sub3A_669 = arith.constant 1 : i32
      %sub3A_670 = arith.subi %div3A_649, %sub3A_669 : i32
      %select_n3A_671 = arith.select %and3A_668, %sub3A_670, %div3A_649 : i32
      %while3A = arith.constant 0 : i32
      %while3A_672 = arith.constant 0 : i32
      %while3A_673 = arith.subi %select_n3A_671, %while3A_672 : i32
      %while3A_674 = arith.addi %while3A_672, %while3A_673 : i32
      %while3A_675 = arith.constant 1 : i32
      %while3A_676 = arith.divsi %while3A_673, %while3A_675 : i32
      %while3A_677 = arith.muli %while3A_676, %while3A_675 : i32
      %while3A_678 = arith.addi %while3A_672, %while3A_677 : i32
      %while3A_679 = arith.constant 1 : i32
      scf.for %while3A_707 = %while3A_672 to %while3A_678 step %while3A_679  : i32 {
        %mul3A_708 = arith.constant 2 : i32
        %mul3A_709 = arith.muli %while3A_707, %mul3A_708 : i32
        %add3A_710 = arith.constant 0 : i32
        %add3A_711 = arith.addi %mul3A_709, %add3A_710 : i32
        %lt3A = arith.cmpi slt, %add3A_711, %select_n3A : i32
        %convert_element_type3A_712 = arith.extui %lt3A : i1 to i32
        %cond3A_713 = arith.constant 0 : i32
        %cond3A_714 = arith.cmpi ne, %convert_element_type3A_712, %cond3A_713 : i32
        scf.if %cond3A_714 {
          %mul3A_723 = arith.constant 16 : i32
          %mul3A_724 = arith.muli %add3A_711, %mul3A_723 : i32
          %dma_wait3A = tpu.memref_slice %arg6[%mul3A_724] : memref<256xi32, #tpu.memory_space<vmem>> -> memref<16xi32, #tpu.memory_space<vmem>>
          %dma_wait3A_725 = arith.constant 0 : i32
          %dma_wait3A_726 = arith.constant 0 : i32
          %dma_wait3A_727 = tpu.memref_slice %arg2[%dma_wait3A_725, %dma_wait3A_726] : memref<16384x1792xf32, #tpu.memory_space<hbm>> -> memref<16384x1792xf32, #tpu.memory_space<hbm>>
          tpu.wait_indirect_dma semaphore(%arg11 : memref<!tpu.dma_semaphore, #tpu.memory_space<semaphore_mem>>) src(%dma_wait3A_727 : memref<16384x1792xf32, #tpu.memory_space<hbm>>) dst(%arg9 : memref<16x1792xf32, #tpu.memory_space<vmem>>)
          %broadcast_in_dim3A_728 = arith.constant 0 : i32
          %broadcast_in_dim3A_729 = vector.broadcast %broadcast_in_dim3A_728 : i32 to vector<16xi32>
          %mul3A_730 = arith.constant 16 : i32
          %mul3A_731 = arith.muli %add3A_711, %mul3A_730 : i32
          %add3A_732 = arith.constant 0 : i32
          %add3A_733 = arith.addi %mul3A_731, %add3A_732 : i32
          %add3A_734 = vector.broadcast %add3A_733 : i32 to vector<16xi32>
          %add3A_735 = arith.addi %broadcast_in_dim3A_729, %add3A_734 : vector<16xi32>
          %gather3A = tpu.vector_load_idx %arg7[%add3A_735] : memref<256xi32, #tpu.memory_space<vmem>>[vector<16xi32>], vector<16xi32>,
          %mul3A_736 = arith.constant 1792 : i32
          %mul3A_737 = vector.broadcast %mul3A_736 : i32 to vector<16xi32>
          %mul3A_738 = arith.muli %gather3A, %mul3A_737 : vector<16xi32>
          %add3A_739 = arith.addi %mul3A_738, %iota3A : vector<16xi32>
          %broadcast_in_dim3A_740 = arith.constant 0 : i32
          %broadcast_in_dim3A_741 = vector.broadcast %broadcast_in_dim3A_740 : i32 to vector<16xi32>
          %mul3A_742 = arith.constant 16 : i32
          %mul3A_743 = arith.muli %add3A_711, %mul3A_742 : i32
          %add3A_744 = arith.constant 1 : i32
          %add3A_745 = arith.addi %mul3A_743, %add3A_744 : i32
          %add3A_746 = vector.broadcast %add3A_745 : i32 to vector<16xi32>
          %add3A_747 = arith.addi %broadcast_in_dim3A_741, %add3A_746 : vector<16xi32>
          %gather3A_748 = tpu.vector_load_idx %arg7[%add3A_747] : memref<256xi32, #tpu.memory_space<vmem>>[vector<16xi32>], vector<16xi32>,
          %mul3A_749 = arith.constant 1792 : i32
          %mul3A_750 = vector.broadcast %mul3A_749 : i32 to vector<16xi32>
          %mul3A_751 = arith.muli %gather3A_748, %mul3A_750 : vector<16xi32>
          %add3A_752 = arith.addi %mul3A_751, %iota3A : vector<16xi32>
          %broadcast_in_dim3A_753 = arith.constant 0 : i32
          %broadcast_in_dim3A_754 = vector.broadcast %broadcast_in_dim3A_753 : i32 to vector<16xi32>
          %mul3A_755 = arith.constant 16 : i32
          %mul3A_756 = arith.muli %add3A_711, %mul3A_755 : i32
          %add3A_757 = arith.constant 2 : i32
          %add3A_758 = arith.addi %mul3A_756, %add3A_757 : i32
          %add3A_759 = vector.broadcast %add3A_758 : i32 to vector<16xi32>
          %add3A_760 = arith.addi %broadcast_in_dim3A_754, %add3A_759 : vector<16xi32>
          %gather3A_761 = tpu.vector_load_idx %arg7[%add3A_760] : memref<256xi32, #tpu.memory_space<vmem>>[vector<16xi32>], vector<16xi32>,
          %mul3A_762 = arith.constant 1792 : i32
          %mul3A_763 = vector.broadcast %mul3A_762 : i32 to vector<16xi32>
          %mul3A_764 = arith.muli %gather3A_761, %mul3A_763 : vector<16xi32>
          %add3A_765 = arith.addi %mul3A_764, %iota3A : vector<16xi32>
          %broadcast_in_dim3A_766 = arith.constant 0 : i32
          %broadcast_in_dim3A_767 = vector.broadcast %broadcast_in_dim3A_766 : i32 to vector<16xi32>
          %mul3A_768 = arith.constant 16 : i32
          %mul3A_769 = arith.muli %add3A_711, %mul3A_768 : i32
          %add3A_770 = arith.constant 3 : i32
          %add3A_771 = arith.addi %mul3A_769, %add3A_770 : i32
          %add3A_772 = vector.broadcast %add3A_771 : i32 to vector<16xi32>
          %add3A_773 = arith.addi %broadcast_in_dim3A_767, %add3A_772 : vector<16xi32>
          %gather3A_774 = tpu.vector_load_idx %arg7[%add3A_773] : memref<256xi32, #tpu.memory_space<vmem>>[vector<16xi32>], vector<16xi32>,
          %mul3A_775 = arith.constant 1792 : i32
          %mul3A_776 = vector.broadcast %mul3A_775 : i32 to vector<16xi32>
          %mul3A_777 = arith.muli %gather3A_774, %mul3A_776 : vector<16xi32>
          %add3A_778 = arith.addi %mul3A_777, %iota3A : vector<16xi32>
          %scan3A_779 = arith.constant 0 : i32
          %scan3A_780 = arith.constant 0 : i32
          %scan3A_781 = arith.constant 28 : i32
          %scan3A_782 = arith.addi %scan3A_780, %scan3A_781 : i32
          %scan3A_783 = arith.constant 1 : i32
          scf.for %scan3A_965 = %scan3A_780 to %scan3A_782 step %scan3A_783  : i32 {
            %mul3A_966 = arith.constant 64 : i32
            %mul3A_967 = arith.muli %scan3A_965, %mul3A_966 : i32
            %add3A_968 = arith.constant 0 : i32
            %add3A_969 = arith.addi %mul3A_967, %add3A_968 : i32
            %add3A_970 = arith.constant 0 : i32
            %add3A_971 = arith.addi %mul3A_967, %add3A_970 : i32
            %get3A_972 = arith.constant 0 : i32
            %get3A_973 = arith.index_cast %get3A_972 : i32 to index
            %get3A_974 = arith.index_cast %add3A_971 : i32 to index
            %get3A_975 = tpu.vector_load %arg9[%get3A_973, %get3A_974] {strides = array<i32>} : memref<16x1792xf32, #tpu.memory_space<vmem>>, vector<16xf32>,
            %add3A_976 = arith.constant 0 : i32
            %add3A_977 = arith.addi %mul3A_967, %add3A_976 : i32
            %add3A_978 = arith.constant 0 : i32
            %add3A_979 = arith.addi %mul3A_967, %add3A_978 : i32
            %get3A_980 = arith.constant 1 : i32
            %get3A_981 = arith.index_cast %get3A_980 : i32 to index
            %get3A_982 = arith.index_cast %add3A_979 : i32 to index
            %get3A_983 = tpu.vector_load %arg9[%get3A_981, %get3A_982] {strides = array<i32>} : memref<16x1792xf32, #tpu.memory_space<vmem>>, vector<16xf32>,
            %add3A_984 = arith.constant 0 : i32
            %add3A_985 = arith.addi %mul3A_967, %add3A_984 : i32
            %add3A_986 = arith.constant 0 : i32
            %add3A_987 = arith.addi %mul3A_967, %add3A_986 : i32
            %get3A_988 = arith.constant 2 : i32
            %get3A_989 = arith.index_cast %get3A_988 : i32 to index
            %get3A_990 = arith.index_cast %add3A_987 : i32 to index
            %get3A_991 = tpu.vector_load %arg9[%get3A_989, %get3A_990] {strides = array<i32>} : memref<16x1792xf32, #tpu.memory_space<vmem>>, vector<16xf32>,
            %add3A_992 = arith.constant 0 : i32
            %add3A_993 = arith.addi %mul3A_967, %add3A_992 : i32
            %add3A_994 = arith.constant 0 : i32
            %add3A_995 = arith.addi %mul3A_967, %add3A_994 : i32
            %get3A_996 = arith.constant 3 : i32
            %get3A_997 = arith.index_cast %get3A_996 : i32 to index
            %get3A_998 = arith.index_cast %add3A_995 : i32 to index
            %get3A_999 = tpu.vector_load %arg9[%get3A_997, %get3A_998] {strides = array<i32>} : memref<16x1792xf32, #tpu.memory_space<vmem>>, vector<16xf32>,
            %add3A_1000 = arith.constant 16 : i32
            %add3A_1001 = arith.addi %mul3A_967, %add3A_1000 : i32
            %add3A_1002 = arith.constant 16 : i32
            %add3A_1003 = arith.addi %mul3A_967, %add3A_1002 : i32
            %get3A_1004 = arith.constant 0 : i32
            %get3A_1005 = arith.index_cast %get3A_1004 : i32 to index
            %get3A_1006 = arith.index_cast %add3A_1003 : i32 to index
            %get3A_1007 = tpu.vector_load %arg9[%get3A_1005, %get3A_1006] {strides = array<i32>} : memref<16x1792xf32, #tpu.memory_space<vmem>>, vector<16xf32>,
            %add3A_1008 = arith.constant 16 : i32
            %add3A_1009 = arith.addi %mul3A_967, %add3A_1008 : i32
            %add3A_1010 = arith.constant 16 : i32
            %add3A_1011 = arith.addi %mul3A_967, %add3A_1010 : i32
            %get3A_1012 = arith.constant 1 : i32
            %get3A_1013 = arith.index_cast %get3A_1012 : i32 to index
            %get3A_1014 = arith.index_cast %add3A_1011 : i32 to index
            %get3A_1015 = tpu.vector_load %arg9[%get3A_1013, %get3A_1014] {strides = array<i32>} : memref<16x1792xf32, #tpu.memory_space<vmem>>, vector<16xf32>,
            %add3A_1016 = arith.constant 16 : i32
            %add3A_1017 = arith.addi %mul3A_967, %add3A_1016 : i32
            %add3A_1018 = arith.constant 16 : i32
            %add3A_1019 = arith.addi %mul3A_967, %add3A_1018 : i32
            %get3A_1020 = arith.constant 2 : i32
            %get3A_1021 = arith.index_cast %get3A_1020 : i32 to index
            %get3A_1022 = arith.index_cast %add3A_1019 : i32 to index
            %get3A_1023 = tpu.vector_load %arg9[%get3A_1021, %get3A_1022] {strides = array<i32>} : memref<16x1792xf32, #tpu.memory_space<vmem>>, vector<16xf32>,
            %add3A_1024 = arith.constant 16 : i32
            %add3A_1025 = arith.addi %mul3A_967, %add3A_1024 : i32
            %add3A_1026 = arith.constant 16 : i32
            %add3A_1027 = arith.addi %mul3A_967, %add3A_1026 : i32
            %get3A_1028 = arith.constant 3 : i32
            %get3A_1029 = arith.index_cast %get3A_1028 : i32 to index
            %get3A_1030 = arith.index_cast %add3A_1027 : i32 to index
            %get3A_1031 = tpu.vector_load %arg9[%get3A_1029, %get3A_1030] {strides = array<i32>} : memref<16x1792xf32, #tpu.memory_space<vmem>>, vector<16xf32>,
            %add3A_1032 = arith.constant 32 : i32
            %add3A_1033 = arith.addi %mul3A_967, %add3A_1032 : i32
            %add3A_1034 = arith.constant 32 : i32
            %add3A_1035 = arith.addi %mul3A_967, %add3A_1034 : i32
            %get3A_1036 = arith.constant 0 : i32
            %get3A_1037 = arith.index_cast %get3A_1036 : i32 to index
            %get3A_1038 = arith.index_cast %add3A_1035 : i32 to index
            %get3A_1039 = tpu.vector_load %arg9[%get3A_1037, %get3A_1038] {strides = array<i32>} : memref<16x1792xf32, #tpu.memory_space<vmem>>, vector<16xf32>,
            %add3A_1040 = arith.constant 32 : i32
            %add3A_1041 = arith.addi %mul3A_967, %add3A_1040 : i32
            %add3A_1042 = arith.constant 32 : i32
            %add3A_1043 = arith.addi %mul3A_967, %add3A_1042 : i32
            %get3A_1044 = arith.constant 1 : i32
            %get3A_1045 = arith.index_cast %get3A_1044 : i32 to index
            %get3A_1046 = arith.index_cast %add3A_1043 : i32 to index
            %get3A_1047 = tpu.vector_load %arg9[%get3A_1045, %get3A_1046] {strides = array<i32>} : memref<16x1792xf32, #tpu.memory_space<vmem>>, vector<16xf32>,
            %add3A_1048 = arith.constant 32 : i32
            %add3A_1049 = arith.addi %mul3A_967, %add3A_1048 : i32
            %add3A_1050 = arith.constant 32 : i32
            %add3A_1051 = arith.addi %mul3A_967, %add3A_1050 : i32
            %get3A_1052 = arith.constant 2 : i32
            %get3A_1053 = arith.index_cast %get3A_1052 : i32 to index
            %get3A_1054 = arith.index_cast %add3A_1051 : i32 to index
            %get3A_1055 = tpu.vector_load %arg9[%get3A_1053, %get3A_1054] {strides = array<i32>} : memref<16x1792xf32, #tpu.memory_space<vmem>>, vector<16xf32>,
            %add3A_1056 = arith.constant 32 : i32
            %add3A_1057 = arith.addi %mul3A_967, %add3A_1056 : i32
            %add3A_1058 = arith.constant 32 : i32
            %add3A_1059 = arith.addi %mul3A_967, %add3A_1058 : i32
            %get3A_1060 = arith.constant 3 : i32
            %get3A_1061 = arith.index_cast %get3A_1060 : i32 to index
            %get3A_1062 = arith.index_cast %add3A_1059 : i32 to index
            %get3A_1063 = tpu.vector_load %arg9[%get3A_1061, %get3A_1062] {strides = array<i32>} : memref<16x1792xf32, #tpu.memory_space<vmem>>, vector<16xf32>,
            %add3A_1064 = arith.constant 48 : i32
            %add3A_1065 = arith.addi %mul3A_967, %add3A_1064 : i32
            %add3A_1066 = arith.constant 48 : i32
            %add3A_1067 = arith.addi %mul3A_967, %add3A_1066 : i32
            %get3A_1068 = arith.constant 0 : i32
            %get3A_1069 = arith.index_cast %get3A_1068 : i32 to index
            %get3A_1070 = arith.index_cast %add3A_1067 : i32 to index
            %get3A_1071 = tpu.vector_load %arg9[%get3A_1069, %get3A_1070] {strides = array<i32>} : memref<16x1792xf32, #tpu.memory_space<vmem>>, vector<16xf32>,
            %add3A_1072 = arith.constant 48 : i32
            %add3A_1073 = arith.addi %mul3A_967, %add3A_1072 : i32
            %add3A_1074 = arith.constant 48 : i32
            %add3A_1075 = arith.addi %mul3A_967, %add3A_1074 : i32
            %get3A_1076 = arith.constant 1 : i32
            %get3A_1077 = arith.index_cast %get3A_1076 : i32 to index
            %get3A_1078 = arith.index_cast %add3A_1075 : i32 to index
            %get3A_1079 = tpu.vector_load %arg9[%get3A_1077, %get3A_1078] {strides = array<i32>} : memref<16x1792xf32, #tpu.memory_space<vmem>>, vector<16xf32>,
            %add3A_1080 = arith.constant 48 : i32
            %add3A_1081 = arith.addi %mul3A_967, %add3A_1080 : i32
            %add3A_1082 = arith.constant 48 : i32
            %add3A_1083 = arith.addi %mul3A_967, %add3A_1082 : i32
            %get3A_1084 = arith.constant 2 : i32
            %get3A_1085 = arith.index_cast %get3A_1084 : i32 to index
            %get3A_1086 = arith.index_cast %add3A_1083 : i32 to index
            %get3A_1087 = tpu.vector_load %arg9[%get3A_1085, %get3A_1086] {strides = array<i32>} : memref<16x1792xf32, #tpu.memory_space<vmem>>, vector<16xf32>,
            %add3A_1088 = arith.constant 48 : i32
            %add3A_1089 = arith.addi %mul3A_967, %add3A_1088 : i32
            %add3A_1090 = arith.constant 48 : i32
            %add3A_1091 = arith.addi %mul3A_967, %add3A_1090 : i32
            %get3A_1092 = arith.constant 3 : i32
            %get3A_1093 = arith.index_cast %get3A_1092 : i32 to index
            %get3A_1094 = arith.index_cast %add3A_1091 : i32 to index
            %get3A_1095 = tpu.vector_load %arg9[%get3A_1093, %get3A_1094] {strides = array<i32>} : memref<16x1792xf32, #tpu.memory_space<vmem>>, vector<16xf32>,
            %add3A_1096 = vector.broadcast %add3A_969 : i32 to vector<16xi32>
            %add3A_1097 = arith.addi %add3A_739, %add3A_1096 : vector<16xi32>
            tpu.vector_store_idx %arg8[%add3A_1097], %get3A_975 {add = true} : memref<59136xf32, #tpu.memory_space<vmem>>[vector<16xi32>], vector<16xf32>,
            %add3A_1098 = vector.broadcast %add3A_977 : i32 to vector<16xi32>
            %add3A_1099 = arith.addi %add3A_752, %add3A_1098 : vector<16xi32>
            tpu.vector_store_idx %arg8[%add3A_1099], %get3A_983 {add = true} : memref<59136xf32, #tpu.memory_space<vmem>>[vector<16xi32>], vector<16xf32>,
            %add3A_1100 = vector.broadcast %add3A_985 : i32 to vector<16xi32>
            %add3A_1101 = arith.addi %add3A_765, %add3A_1100 : vector<16xi32>
            tpu.vector_store_idx %arg8[%add3A_1101], %get3A_991 {add = true} : memref<59136xf32, #tpu.memory_space<vmem>>[vector<16xi32>], vector<16xf32>,
            %add3A_1102 = vector.broadcast %add3A_993 : i32 to vector<16xi32>
            %add3A_1103 = arith.addi %add3A_778, %add3A_1102 : vector<16xi32>
            tpu.vector_store_idx %arg8[%add3A_1103], %get3A_999 {add = true} : memref<59136xf32, #tpu.memory_space<vmem>>[vector<16xi32>], vector<16xf32>,
            %add3A_1104 = vector.broadcast %add3A_1001 : i32 to vector<16xi32>
            %add3A_1105 = arith.addi %add3A_739, %add3A_1104 : vector<16xi32>
            tpu.vector_store_idx %arg8[%add3A_1105], %get3A_1007 {add = true} : memref<59136xf32, #tpu.memory_space<vmem>>[vector<16xi32>], vector<16xf32>,
            %add3A_1106 = vector.broadcast %add3A_1009 : i32 to vector<16xi32>
            %add3A_1107 = arith.addi %add3A_752, %add3A_1106 : vector<16xi32>
            tpu.vector_store_idx %arg8[%add3A_1107], %get3A_1015 {add = true} : memref<59136xf32, #tpu.memory_space<vmem>>[vector<16xi32>], vector<16xf32>,
            %add3A_1108 = vector.broadcast %add3A_1017 : i32 to vector<16xi32>
            %add3A_1109 = arith.addi %add3A_765, %add3A_1108 : vector<16xi32>
            tpu.vector_store_idx %arg8[%add3A_1109], %get3A_1023 {add = true} : memref<59136xf32, #tpu.memory_space<vmem>>[vector<16xi32>], vector<16xf32>,
            %add3A_1110 = vector.broadcast %add3A_1025 : i32 to vector<16xi32>
            %add3A_1111 = arith.addi %add3A_778, %add3A_1110 : vector<16xi32>
            tpu.vector_store_idx %arg8[%add3A_1111], %get3A_1031 {add = true} : memref<59136xf32, #tpu.memory_space<vmem>>[vector<16xi32>], vector<16xf32>,
            %add3A_1112 = vector.broadcast %add3A_1033 : i32 to vector<16xi32>
            %add3A_1113 = arith.addi %add3A_739, %add3A_1112 : vector<16xi32>
            tpu.vector_store_idx %arg8[%add3A_1113], %get3A_1039 {add = true} : memref<59136xf32, #tpu.memory_space<vmem>>[vector<16xi32>], vector<16xf32>,
            %add3A_1114 = vector.broadcast %add3A_1041 : i32 to vector<16xi32>
            %add3A_1115 = arith.addi %add3A_752, %add3A_1114 : vector<16xi32>
            tpu.vector_store_idx %arg8[%add3A_1115], %get3A_1047 {add = true} : memref<59136xf32, #tpu.memory_space<vmem>>[vector<16xi32>], vector<16xf32>,
            %add3A_1116 = vector.broadcast %add3A_1049 : i32 to vector<16xi32>
            %add3A_1117 = arith.addi %add3A_765, %add3A_1116 : vector<16xi32>
            tpu.vector_store_idx %arg8[%add3A_1117], %get3A_1055 {add = true} : memref<59136xf32, #tpu.memory_space<vmem>>[vector<16xi32>], vector<16xf32>,
            %add3A_1118 = vector.broadcast %add3A_1057 : i32 to vector<16xi32>
            %add3A_1119 = arith.addi %add3A_778, %add3A_1118 : vector<16xi32>
            tpu.vector_store_idx %arg8[%add3A_1119], %get3A_1063 {add = true} : memref<59136xf32, #tpu.memory_space<vmem>>[vector<16xi32>], vector<16xf32>,
            %add3A_1120 = vector.broadcast %add3A_1065 : i32 to vector<16xi32>
            %add3A_1121 = arith.addi %add3A_739, %add3A_1120 : vector<16xi32>
            tpu.vector_store_idx %arg8[%add3A_1121], %get3A_1071 {add = true} : memref<59136xf32, #tpu.memory_space<vmem>>[vector<16xi32>], vector<16xf32>,
            %add3A_1122 = vector.broadcast %add3A_1073 : i32 to vector<16xi32>
            %add3A_1123 = arith.addi %add3A_752, %add3A_1122 : vector<16xi32>
            tpu.vector_store_idx %arg8[%add3A_1123], %get3A_1079 {add = true} : memref<59136xf32, #tpu.memory_space<vmem>>[vector<16xi32>], vector<16xf32>,
            %add3A_1124 = vector.broadcast %add3A_1081 : i32 to vector<16xi32>
            %add3A_1125 = arith.addi %add3A_765, %add3A_1124 : vector<16xi32>
            tpu.vector_store_idx %arg8[%add3A_1125], %get3A_1087 {add = true} : memref<59136xf32, #tpu.memory_space<vmem>>[vector<16xi32>], vector<16xf32>,
            %add3A_1126 = vector.broadcast %add3A_1089 : i32 to vector<16xi32>
            %add3A_1127 = arith.addi %add3A_778, %add3A_1126 : vector<16xi32>
            tpu.vector_store_idx %arg8[%add3A_1127], %get3A_1095 {add = true} : memref<59136xf32, #tpu.memory_space<vmem>>[vector<16xi32>], vector<16xf32>,
          }
          %scan3A_784 = arith.constant 28 : i32
          %broadcast_in_dim3A_785 = arith.constant 0 : i32
          %broadcast_in_dim3A_786 = vector.broadcast %broadcast_in_dim3A_785 : i32 to vector<16xi32>
          %mul3A_787 = arith.constant 16 : i32
          %mul3A_788 = arith.muli %add3A_711, %mul3A_787 : i32
          %add3A_789 = arith.constant 4 : i32
          %add3A_790 = arith.addi %mul3A_788, %add3A_789 : i32
          %add3A_791 = vector.broadcast %add3A_790 : i32 to vector<16xi32>
          %add3A_792 = arith.addi %broadcast_in_dim3A_786, %add3A_791 : vector<16xi32>
          %gather3A_793 = tpu.vector_load_idx %arg7[%add3A_792] : memref<256xi32, #tpu.memory_space<vmem>>[vector<16xi32>], vector<16xi32>,
          %mul3A_794 = arith.constant 1792 : i32
          %mul3A_795 = vector.broadcast %mul3A_794 : i32 to vector<16xi32>
          %mul3A_796 = arith.muli %gather3A_793, %mul3A_795 : vector<16xi32>
          %add3A_797 = arith.addi %mul3A_796, %iota3A : vector<16xi32>
          %broadcast_in_dim3A_798 = arith.constant 0 : i32
          %broadcast_in_dim3A_799 = vector.broadcast %broadcast_in_dim3A_798 : i32 to vector<16xi32>
          %mul3A_800 = arith.constant 16 : i32
          %mul3A_801 = arith.muli %add3A_711, %mul3A_800 : i32
          %add3A_802 = arith.constant 5 : i32
          %add3A_803 = arith.addi %mul3A_801, %add3A_802 : i32
          %add3A_804 = vector.broadcast %add3A_803 : i32 to vector<16xi32>
          %add3A_805 = arith.addi %broadcast_in_dim3A_799, %add3A_804 : vector<16xi32>
          %gather3A_806 = tpu.vector_load_idx %arg7[%add3A_805] : memref<256xi32, #tpu.memory_space<vmem>>[vector<16xi32>], vector<16xi32>,
          %mul3A_807 = arith.constant 1792 : i32
          %mul3A_808 = vector.broadcast %mul3A_807 : i32 to vector<16xi32>
          %mul3A_809 = arith.muli %gather3A_806, %mul3A_808 : vector<16xi32>
          %add3A_810 = arith.addi %mul3A_809, %iota3A : vector<16xi32>
          %broadcast_in_dim3A_811 = arith.constant 0 : i32
          %broadcast_in_dim3A_812 = vector.broadcast %broadcast_in_dim3A_811 : i32 to vector<16xi32>
          %mul3A_813 = arith.constant 16 : i32
          %mul3A_814 = arith.muli %add3A_711, %mul3A_813 : i32
          %add3A_815 = arith.constant 6 : i32
          %add3A_816 = arith.addi %mul3A_814, %add3A_815 : i32
          %add3A_817 = vector.broadcast %add3A_816 : i32 to vector<16xi32>
          %add3A_818 = arith.addi %broadcast_in_dim3A_812, %add3A_817 : vector<16xi32>
          %gather3A_819 = tpu.vector_load_idx %arg7[%add3A_818] : memref<256xi32, #tpu.memory_space<vmem>>[vector<16xi32>], vector<16xi32>,
          %mul3A_820 = arith.constant 1792 : i32
          %mul3A_821 = vector.broadcast %mul3A_820 : i32 to vector<16xi32>
          %mul3A_822 = arith.muli %gather3A_819, %mul3A_821 : vector<16xi32>
          %add3A_823 = arith.addi %mul3A_822, %iota3A : vector<16xi32>
          %broadcast_in_dim3A_824 = arith.constant 0 : i32
          %broadcast_in_dim3A_825 = vector.broadcast %broadcast_in_dim3A_824 : i32 to vector<16xi32>
          %mul3A_826 = arith.constant 16 : i32
          %mul3A_827 = arith.muli %add3A_711, %mul3A_826 : i32
          %add3A_828 = arith.constant 7 : i32
          %add3A_829 = arith.addi %mul3A_827, %add3A_828 : i32
          %add3A_830 = vector.broadcast %add3A_829 : i32 to vector<16xi32>
          %add3A_831 = arith.addi %broadcast_in_dim3A_825, %add3A_830 : vector<16xi32>
          %gather3A_832 = tpu.vector_load_idx %arg7[%add3A_831] : memref<256xi32, #tpu.memory_space<vmem>>[vector<16xi32>], vector<16xi32>,
          %mul3A_833 = arith.constant 1792 : i32
          %mul3A_834 = vector.broadcast %mul3A_833 : i32 to vector<16xi32>
          %mul3A_835 = arith.muli %gather3A_832, %mul3A_834 : vector<16xi32>
          %add3A_836 = arith.addi %mul3A_835, %iota3A : vector<16xi32>
          %scan3A_837 = arith.constant 0 : i32
          %scan3A_838 = arith.constant 0 : i32
          %scan3A_839 = arith.constant 28 : i32
          %scan3A_840 = arith.addi %scan3A_838, %scan3A_839 : i32
          %scan3A_841 = arith.constant 1 : i32
          scf.for %scan3A_965 = %scan3A_838 to %scan3A_840 step %scan3A_841  : i32 {
            %mul3A_966 = arith.constant 64 : i32
            %mul3A_967 = arith.muli %scan3A_965, %mul3A_966 : i32
            %add3A_968 = arith.constant 0 : i32
            %add3A_969 = arith.addi %mul3A_967, %add3A_968 : i32
            %add3A_970 = arith.constant 0 : i32
            %add3A_971 = arith.addi %mul3A_967, %add3A_970 : i32
            %get3A_972 = arith.constant 4 : i32
            %get3A_973 = arith.index_cast %get3A_972 : i32 to index
            %get3A_974 = arith.index_cast %add3A_971 : i32 to index
            %get3A_975 = tpu.vector_load %arg9[%get3A_973, %get3A_974] {strides = array<i32>} : memref<16x1792xf32, #tpu.memory_space<vmem>>, vector<16xf32>,
            %add3A_976 = arith.constant 0 : i32
            %add3A_977 = arith.addi %mul3A_967, %add3A_976 : i32
            %add3A_978 = arith.constant 0 : i32
            %add3A_979 = arith.addi %mul3A_967, %add3A_978 : i32
            %get3A_980 = arith.constant 5 : i32
            %get3A_981 = arith.index_cast %get3A_980 : i32 to index
            %get3A_982 = arith.index_cast %add3A_979 : i32 to index
            %get3A_983 = tpu.vector_load %arg9[%get3A_981, %get3A_982] {strides = array<i32>} : memref<16x1792xf32, #tpu.memory_space<vmem>>, vector<16xf32>,
            %add3A_984 = arith.constant 0 : i32
            %add3A_985 = arith.addi %mul3A_967, %add3A_984 : i32
            %add3A_986 = arith.constant 0 : i32
            %add3A_987 = arith.addi %mul3A_967, %add3A_986 : i32
            %get3A_988 = arith.constant 6 : i32
            %get3A_989 = arith.index_cast %get3A_988 : i32 to index
            %get3A_990 = arith.index_cast %add3A_987 : i32 to index
            %get3A_991 = tpu.vector_load %arg9[%get3A_989, %get3A_990] {strides = array<i32>} : memref<16x1792xf32, #tpu.memory_space<vmem>>, vector<16xf32>,
            %add3A_992 = arith.constant 0 : i32
            %add3A_993 = arith.addi %mul3A_967, %add3A_992 : i32
            %add3A_994 = arith.constant 0 : i32
            %add3A_995 = arith.addi %mul3A_967, %add3A_994 : i32
            %get3A_996 = arith.constant 7 : i32
            %get3A_997 = arith.index_cast %get3A_996 : i32 to index
            %get3A_998 = arith.index_cast %add3A_995 : i32 to index
            %get3A_999 = tpu.vector_load %arg9[%get3A_997, %get3A_998] {strides = array<i32>} : memref<16x1792xf32, #tpu.memory_space<vmem>>, vector<16xf32>,
            %add3A_1000 = arith.constant 16 : i32
            %add3A_1001 = arith.addi %mul3A_967, %add3A_1000 : i32
            %add3A_1002 = arith.constant 16 : i32
            %add3A_1003 = arith.addi %mul3A_967, %add3A_1002 : i32
            %get3A_1004 = arith.constant 4 : i32
            %get3A_1005 = arith.index_cast %get3A_1004 : i32 to index
            %get3A_1006 = arith.index_cast %add3A_1003 : i32 to index
            %get3A_1007 = tpu.vector_load %arg9[%get3A_1005, %get3A_1006] {strides = array<i32>} : memref<16x1792xf32, #tpu.memory_space<vmem>>, vector<16xf32>,
            %add3A_1008 = arith.constant 16 : i32
            %add3A_1009 = arith.addi %mul3A_967, %add3A_1008 : i32
            %add3A_1010 = arith.constant 16 : i32
            %add3A_1011 = arith.addi %mul3A_967, %add3A_1010 : i32
            %get3A_1012 = arith.constant 5 : i32
            %get3A_1013 = arith.index_cast %get3A_1012 : i32 to index
            %get3A_1014 = arith.index_cast %add3A_1011 : i32 to index
            %get3A_1015 = tpu.vector_load %arg9[%get3A_1013, %get3A_1014] {strides = array<i32>} : memref<16x1792xf32, #tpu.memory_space<vmem>>, vector<16xf32>,
            %add3A_1016 = arith.constant 16 : i32
            %add3A_1017 = arith.addi %mul3A_967, %add3A_1016 : i32
            %add3A_1018 = arith.constant 16 : i32
            %add3A_1019 = arith.addi %mul3A_967, %add3A_1018 : i32
            %get3A_1020 = arith.constant 6 : i32
            %get3A_1021 = arith.index_cast %get3A_1020 : i32 to index
            %get3A_1022 = arith.index_cast %add3A_1019 : i32 to index
            %get3A_1023 = tpu.vector_load %arg9[%get3A_1021, %get3A_1022] {strides = array<i32>} : memref<16x1792xf32, #tpu.memory_space<vmem>>, vector<16xf32>,
            %add3A_1024 = arith.constant 16 : i32
            %add3A_1025 = arith.addi %mul3A_967, %add3A_1024 : i32
            %add3A_1026 = arith.constant 16 : i32
            %add3A_1027 = arith.addi %mul3A_967, %add3A_1026 : i32
            %get3A_1028 = arith.constant 7 : i32
            %get3A_1029 = arith.index_cast %get3A_1028 : i32 to index
            %get3A_1030 = arith.index_cast %add3A_1027 : i32 to index
            %get3A_1031 = tpu.vector_load %arg9[%get3A_1029, %get3A_1030] {strides = array<i32>} : memref<16x1792xf32, #tpu.memory_space<vmem>>, vector<16xf32>,
            %add3A_1032 = arith.constant 32 : i32
            %add3A_1033 = arith.addi %mul3A_967, %add3A_1032 : i32
            %add3A_1034 = arith.constant 32 : i32
            %add3A_1035 = arith.addi %mul3A_967, %add3A_1034 : i32
            %get3A_1036 = arith.constant 4 : i32
            %get3A_1037 = arith.index_cast %get3A_1036 : i32 to index
            %get3A_1038 = arith.index_cast %add3A_1035 : i32 to index
            %get3A_1039 = tpu.vector_load %arg9[%get3A_1037, %get3A_1038] {strides = array<i32>} : memref<16x1792xf32, #tpu.memory_space<vmem>>, vector<16xf32>,
            %add3A_1040 = arith.constant 32 : i32
            %add3A_1041 = arith.addi %mul3A_967, %add3A_1040 : i32
            %add3A_1042 = arith.constant 32 : i32
            %add3A_1043 = arith.addi %mul3A_967, %add3A_1042 : i32
            %get3A_1044 = arith.constant 5 : i32
            %get3A_1045 = arith.index_cast %get3A_1044 : i32 to index
            %get3A_1046 = arith.index_cast %add3A_1043 : i32 to index
            %get3A_1047 = tpu.vector_load %arg9[%get3A_1045, %get3A_1046] {strides = array<i32>} : memref<16x1792xf32, #tpu.memory_space<vmem>>, vector<16xf32>,
            %add3A_1048 = arith.constant 32 : i32
            %add3A_1049 = arith.addi %mul3A_967, %add3A_1048 : i32
            %add3A_1050 = arith.constant 32 : i32
            %add3A_1051 = arith.addi %mul3A_967, %add3A_1050 : i32
            %get3A_1052 = arith.constant 6 : i32
            %get3A_1053 = arith.index_cast %get3A_1052 : i32 to index
            %get3A_1054 = arith.index_cast %add3A_1051 : i32 to index
            %get3A_1055 = tpu.vector_load %arg9[%get3A_1053, %get3A_1054] {strides = array<i32>} : memref<16x1792xf32, #tpu.memory_space<vmem>>, vector<16xf32>,
            %add3A_1056 = arith.constant 32 : i32
            %add3A_1057 = arith.addi %mul3A_967, %add3A_1056 : i32
            %add3A_1058 = arith.constant 32 : i32
            %add3A_1059 = arith.addi %mul3A_967, %add3A_1058 : i32
            %get3A_1060 = arith.constant 7 : i32
            %get3A_1061 = arith.index_cast %get3A_1060 : i32 to index
            %get3A_1062 = arith.index_cast %add3A_1059 : i32 to index
            %get3A_1063 = tpu.vector_load %arg9[%get3A_1061, %get3A_1062] {strides = array<i32>} : memref<16x1792xf32, #tpu.memory_space<vmem>>, vector<16xf32>,
            %add3A_1064 = arith.constant 48 : i32
            %add3A_1065 = arith.addi %mul3A_967, %add3A_1064 : i32
            %add3A_1066 = arith.constant 48 : i32
            %add3A_1067 = arith.addi %mul3A_967, %add3A_1066 : i32
            %get3A_1068 = arith.constant 4 : i32
            %get3A_1069 = arith.index_cast %get3A_1068 : i32 to index
            %get3A_1070 = arith.index_cast %add3A_1067 : i32 to index
            %get3A_1071 = tpu.vector_load %arg9[%get3A_1069, %get3A_1070] {strides = array<i32>} : memref<16x1792xf32, #tpu.memory_space<vmem>>, vector<16xf32>,
            %add3A_1072 = arith.constant 48 : i32
            %add3A_1073 = arith.addi %mul3A_967, %add3A_1072 : i32
            %add3A_1074 = arith.constant 48 : i32
            %add3A_1075 = arith.addi %mul3A_967, %add3A_1074 : i32
            %get3A_1076 = arith.constant 5 : i32
            %get3A_1077 = arith.index_cast %get3A_1076 : i32 to index
            %get3A_1078 = arith.index_cast %add3A_1075 : i32 to index
            %get3A_1079 = tpu.vector_load %arg9[%get3A_1077, %get3A_1078] {strides = array<i32>} : memref<16x1792xf32, #tpu.memory_space<vmem>>, vector<16xf32>,
            %add3A_1080 = arith.constant 48 : i32
            %add3A_1081 = arith.addi %mul3A_967, %add3A_1080 : i32
            %add3A_1082 = arith.constant 48 : i32
            %add3A_1083 = arith.addi %mul3A_967, %add3A_1082 : i32
            %get3A_1084 = arith.constant 6 : i32
            %get3A_1085 = arith.index_cast %get3A_1084 : i32 to index
            %get3A_1086 = arith.index_cast %add3A_1083 : i32 to index
            %get3A_1087 = tpu.vector_load %arg9[%get3A_1085, %get3A_1086] {strides = array<i32>} : memref<16x1792xf32, #tpu.memory_space<vmem>>, vector<16xf32>,
            %add3A_1088 = arith.constant 48 : i32
            %add3A_1089 = arith.addi %mul3A_967, %add3A_1088 : i32
            %add3A_1090 = arith.constant 48 : i32
            %add3A_1091 = arith.addi %mul3A_967, %add3A_1090 : i32
            %get3A_1092 = arith.constant 7 : i32
            %get3A_1093 = arith.index_cast %get3A_1092 : i32 to index
            %get3A_1094 = arith.index_cast %add3A_1091 : i32 to index
            %get3A_1095 = tpu.vector_load %arg9[%get3A_1093, %get3A_1094] {strides = array<i32>} : memref<16x1792xf32, #tpu.memory_space<vmem>>, vector<16xf32>,
            %add3A_1096 = vector.broadcast %add3A_969 : i32 to vector<16xi32>
            %add3A_1097 = arith.addi %add3A_797, %add3A_1096 : vector<16xi32>
            tpu.vector_store_idx %arg8[%add3A_1097], %get3A_975 {add = true} : memref<59136xf32, #tpu.memory_space<vmem>>[vector<16xi32>], vector<16xf32>,
            %add3A_1098 = vector.broadcast %add3A_977 : i32 to vector<16xi32>
            %add3A_1099 = arith.addi %add3A_810, %add3A_1098 : vector<16xi32>
            tpu.vector_store_idx %arg8[%add3A_1099], %get3A_983 {add = true} : memref<59136xf32, #tpu.memory_space<vmem>>[vector<16xi32>], vector<16xf32>,
            %add3A_1100 = vector.broadcast %add3A_985 : i32 to vector<16xi32>
            %add3A_1101 = arith.addi %add3A_823, %add3A_1100 : vector<16xi32>
            tpu.vector_store_idx %arg8[%add3A_1101], %get3A_991 {add = true} : memref<59136xf32, #tpu.memory_space<vmem>>[vector<16xi32>], vector<16xf32>,
            %add3A_1102 = vector.broadcast %add3A_993 : i32 to vector<16xi32>
            %add3A_1103 = arith.addi %add3A_836, %add3A_1102 : vector<16xi32>
            tpu.vector_store_idx %arg8[%add3A_1103], %get3A_999 {add = true} : memref<59136xf32, #tpu.memory_space<vmem>>[vector<16xi32>], vector<16xf32>,
            %add3A_1104 = vector.broadcast %add3A_1001 : i32 to vector<16xi32>
            %add3A_1105 = arith.addi %add3A_797, %add3A_1104 : vector<16xi32>
            tpu.vector_store_idx %arg8[%add3A_1105], %get3A_1007 {add = true} : memref<59136xf32, #tpu.memory_space<vmem>>[vector<16xi32>], vector<16xf32>,
            %add3A_1106 = vector.broadcast %add3A_1009 : i32 to vector<16xi32>
            %add3A_1107 = arith.addi %add3A_810, %add3A_1106 : vector<16xi32>
            tpu.vector_store_idx %arg8[%add3A_1107], %get3A_1015 {add = true} : memref<59136xf32, #tpu.memory_space<vmem>>[vector<16xi32>], vector<16xf32>,
            %add3A_1108 = vector.broadcast %add3A_1017 : i32 to vector<16xi32>
            %add3A_1109 = arith.addi %add3A_823, %add3A_1108 : vector<16xi32>
            tpu.vector_store_idx %arg8[%add3A_1109], %get3A_1023 {add = true} : memref<59136xf32, #tpu.memory_space<vmem>>[vector<16xi32>], vector<16xf32>,
            %add3A_1110 = vector.broadcast %add3A_1025 : i32 to vector<16xi32>
            %add3A_1111 = arith.addi %add3A_836, %add3A_1110 : vector<16xi32>
            tpu.vector_store_idx %arg8[%add3A_1111], %get3A_1031 {add = true} : memref<59136xf32, #tpu.memory_space<vmem>>[vector<16xi32>], vector<16xf32>,
            %add3A_1112 = vector.broadcast %add3A_1033 : i32 to vector<16xi32>
            %add3A_1113 = arith.addi %add3A_797, %add3A_1112 : vector<16xi32>
            tpu.vector_store_idx %arg8[%add3A_1113], %get3A_1039 {add = true} : memref<59136xf32, #tpu.memory_space<vmem>>[vector<16xi32>], vector<16xf32>,
            %add3A_1114 = vector.broadcast %add3A_1041 : i32 to vector<16xi32>
            %add3A_1115 = arith.addi %add3A_810, %add3A_1114 : vector<16xi32>
            tpu.vector_store_idx %arg8[%add3A_1115], %get3A_1047 {add = true} : memref<59136xf32, #tpu.memory_space<vmem>>[vector<16xi32>], vector<16xf32>,
            %add3A_1116 = vector.broadcast %add3A_1049 : i32 to vector<16xi32>
            %add3A_1117 = arith.addi %add3A_823, %add3A_1116 : vector<16xi32>
            tpu.vector_store_idx %arg8[%add3A_1117], %get3A_1055 {add = true} : memref<59136xf32, #tpu.memory_space<vmem>>[vector<16xi32>], vector<16xf32>,
            %add3A_1118 = vector.broadcast %add3A_1057 : i32 to vector<16xi32>
            %add3A_1119 = arith.addi %add3A_836, %add3A_1118 : vector<16xi32>
            tpu.vector_store_idx %arg8[%add3A_1119], %get3A_1063 {add = true} : memref<59136xf32, #tpu.memory_space<vmem>>[vector<16xi32>], vector<16xf32>,
            %add3A_1120 = vector.broadcast %add3A_1065 : i32 to vector<16xi32>
            %add3A_1121 = arith.addi %add3A_797, %add3A_1120 : vector<16xi32>
            tpu.vector_store_idx %arg8[%add3A_1121], %get3A_1071 {add = true} : memref<59136xf32, #tpu.memory_space<vmem>>[vector<16xi32>], vector<16xf32>,
            %add3A_1122 = vector.broadcast %add3A_1073 : i32 to vector<16xi32>
            %add3A_1123 = arith.addi %add3A_810, %add3A_1122 : vector<16xi32>
            tpu.vector_store_idx %arg8[%add3A_1123], %get3A_1079 {add = true} : memref<59136xf32, #tpu.memory_space<vmem>>[vector<16xi32>], vector<16xf32>,
            %add3A_1124 = vector.broadcast %add3A_1081 : i32 to vector<16xi32>
            %add3A_1125 = arith.addi %add3A_823, %add3A_1124 : vector<16xi32>
            tpu.vector_store_idx %arg8[%add3A_1125], %get3A_1087 {add = true} : memref<59136xf32, #tpu.memory_space<vmem>>[vector<16xi32>], vector<16xf32>,
            %add3A_1126 = vector.broadcast %add3A_1089 : i32 to vector<16xi32>
            %add3A_1127 = arith.addi %add3A_836, %add3A_1126 : vector<16xi32>
            tpu.vector_store_idx %arg8[%add3A_1127], %get3A_1095 {add = true} : memref<59136xf32, #tpu.memory_space<vmem>>[vector<16xi32>], vector<16xf32>,
          }
          %scan3A_842 = arith.constant 28 : i32
          %broadcast_in_dim3A_843 = arith.constant 0 : i32
          %broadcast_in_dim3A_844 = vector.broadcast %broadcast_in_dim3A_843 : i32 to vector<16xi32>
          %mul3A_845 = arith.constant 16 : i32
          %mul3A_846 = arith.muli %add3A_711, %mul3A_845 : i32
          %add3A_847 = arith.constant 8 : i32
          %add3A_848 = arith.addi %mul3A_846, %add3A_847 : i32
          %add3A_849 = vector.broadcast %add3A_848 : i32 to vector<16xi32>
          %add3A_850 = arith.addi %broadcast_in_dim3A_844, %add3A_849 : vector<16xi32>
          %gather3A_851 = tpu.vector_load_idx %arg7[%add3A_850] : memref<256xi32, #tpu.memory_space<vmem>>[vector<16xi32>], vector<16xi32>,
          %mul3A_852 = arith.constant 1792 : i32
          %mul3A_853 = vector.broadcast %mul3A_852 : i32 to vector<16xi32>
          %mul3A_854 = arith.muli %gather3A_851, %mul3A_853 : vector<16xi32>
          %add3A_855 = arith.addi %mul3A_854, %iota3A : vector<16xi32>
          %broadcast_in_dim3A_856 = arith.constant 0 : i32
          %broadcast_in_dim3A_857 = vector.broadcast %broadcast_in_dim3A_856 : i32 to vector<16xi32>
          %mul3A_858 = arith.constant 16 : i32
          %mul3A_859 = arith.muli %add3A_711, %mul3A_858 : i32
          %add3A_860 = arith.constant 9 : i32
          %add3A_861 = arith.addi %mul3A_859, %add3A_860 : i32
          %add3A_862 = vector.broadcast %add3A_861 : i32 to vector<16xi32>
          %add3A_863 = arith.addi %broadcast_in_dim3A_857, %add3A_862 : vector<16xi32>
          %gather3A_864 = tpu.vector_load_idx %arg7[%add3A_863] : memref<256xi32, #tpu.memory_space<vmem>>[vector<16xi32>], vector<16xi32>,
          %mul3A_865 = arith.constant 1792 : i32
          %mul3A_866 = vector.broadcast %mul3A_865 : i32 to vector<16xi32>
          %mul3A_867 = arith.muli %gather3A_864, %mul3A_866 : vector<16xi32>
          %add3A_868 = arith.addi %mul3A_867, %iota3A : vector<16xi32>
          %broadcast_in_dim3A_869 = arith.constant 0 : i32
          %broadcast_in_dim3A_870 = vector.broadcast %broadcast_in_dim3A_869 : i32 to vector<16xi32>
          %mul3A_871 = arith.constant 16 : i32
          %mul3A_872 = arith.muli %add3A_711, %mul3A_871 : i32
          %add3A_873 = arith.constant 10 : i32
          %add3A_874 = arith.addi %mul3A_872, %add3A_873 : i32
          %add3A_875 = vector.broadcast %add3A_874 : i32 to vector<16xi32>
          %add3A_876 = arith.addi %broadcast_in_dim3A_870, %add3A_875 : vector<16xi32>
          %gather3A_877 = tpu.vector_load_idx %arg7[%add3A_876] : memref<256xi32, #tpu.memory_space<vmem>>[vector<16xi32>], vector<16xi32>,
          %mul3A_878 = arith.constant 1792 : i32
          %mul3A_879 = vector.broadcast %mul3A_878 : i32 to vector<16xi32>
          %mul3A_880 = arith.muli %gather3A_877, %mul3A_879 : vector<16xi32>
          %add3A_881 = arith.addi %mul3A_880, %iota3A : vector<16xi32>
          %broadcast_in_dim3A_882 = arith.constant 0 : i32
          %broadcast_in_dim3A_883 = vector.broadcast %broadcast_in_dim3A_882 : i32 to vector<16xi32>
          %mul3A_884 = arith.constant 16 : i32
          %mul3A_885 = arith.muli %add3A_711, %mul3A_884 : i32
          %add3A_886 = arith.constant 11 : i32
          %add3A_887 = arith.addi %mul3A_885, %add3A_886 : i32
          %add3A_888 = vector.broadcast %add3A_887 : i32 to vector<16xi32>
          %add3A_889 = arith.addi %broadcast_in_dim3A_883, %add3A_888 : vector<16xi32>
          %gather3A_890 = tpu.vector_load_idx %arg7[%add3A_889] : memref<256xi32, #tpu.memory_space<vmem>>[vector<16xi32>], vector<16xi32>,
          %mul3A_891 = arith.constant 1792 : i32
          %mul3A_892 = vector.broadcast %mul3A_891 : i32 to vector<16xi32>
          %mul3A_893 = arith.muli %gather3A_890, %mul3A_892 : vector<16xi32>
          %add3A_894 = arith.addi %mul3A_893, %iota3A : vector<16xi32>
          %scan3A_895 = arith.constant 0 : i32
          %scan3A_896 = arith.constant 0 : i32
          %scan3A_897 = arith.constant 28 : i32
          %scan3A_898 = arith.addi %scan3A_896, %scan3A_897 : i32
          %scan3A_899 = arith.constant 1 : i32
          scf.for %scan3A_965 = %scan3A_896 to %scan3A_898 step %scan3A_899  : i32 {
            %mul3A_966 = arith.constant 64 : i32
            %mul3A_967 = arith.muli %scan3A_965, %mul3A_966 : i32
            %add3A_968 = arith.constant 0 : i32
            %add3A_969 = arith.addi %mul3A_967, %add3A_968 : i32
            %add3A_970 = arith.constant 0 : i32
            %add3A_971 = arith.addi %mul3A_967, %add3A_970 : i32
            %get3A_972 = arith.constant 8 : i32
            %get3A_973 = arith.index_cast %get3A_972 : i32 to index
            %get3A_974 = arith.index_cast %add3A_971 : i32 to index
            %get3A_975 = tpu.vector_load %arg9[%get3A_973, %get3A_974] {strides = array<i32>} : memref<16x1792xf32, #tpu.memory_space<vmem>>, vector<16xf32>,
            %add3A_976 = arith.constant 0 : i32
            %add3A_977 = arith.addi %mul3A_967, %add3A_976 : i32
            %add3A_978 = arith.constant 0 : i32
            %add3A_979 = arith.addi %mul3A_967, %add3A_978 : i32
            %get3A_980 = arith.constant 9 : i32
            %get3A_981 = arith.index_cast %get3A_980 : i32 to index
            %get3A_982 = arith.index_cast %add3A_979 : i32 to index
            %get3A_983 = tpu.vector_load %arg9[%get3A_981, %get3A_982] {strides = array<i32>} : memref<16x1792xf32, #tpu.memory_space<vmem>>, vector<16xf32>,
            %add3A_984 = arith.constant 0 : i32
            %add3A_985 = arith.addi %mul3A_967, %add3A_984 : i32
            %add3A_986 = arith.constant 0 : i32
            %add3A_987 = arith.addi %mul3A_967, %add3A_986 : i32
            %get3A_988 = arith.constant 10 : i32
            %get3A_989 = arith.index_cast %get3A_988 : i32 to index
            %get3A_990 = arith.index_cast %add3A_987 : i32 to index
            %get3A_991 = tpu.vector_load %arg9[%get3A_989, %get3A_990] {strides = array<i32>} : memref<16x1792xf32, #tpu.memory_space<vmem>>, vector<16xf32>,
            %add3A_992 = arith.constant 0 : i32
            %add3A_993 = arith.addi %mul3A_967, %add3A_992 : i32
            %add3A_994 = arith.constant 0 : i32
            %add3A_995 = arith.addi %mul3A_967, %add3A_994 : i32
            %get3A_996 = arith.constant 11 : i32
            %get3A_997 = arith.index_cast %get3A_996 : i32 to index
            %get3A_998 = arith.index_cast %add3A_995 : i32 to index
            %get3A_999 = tpu.vector_load %arg9[%get3A_997, %get3A_998] {strides = array<i32>} : memref<16x1792xf32, #tpu.memory_space<vmem>>, vector<16xf32>,
            %add3A_1000 = arith.constant 16 : i32
            %add3A_1001 = arith.addi %mul3A_967, %add3A_1000 : i32
            %add3A_1002 = arith.constant 16 : i32
            %add3A_1003 = arith.addi %mul3A_967, %add3A_1002 : i32
            %get3A_1004 = arith.constant 8 : i32
            %get3A_1005 = arith.index_cast %get3A_1004 : i32 to index
            %get3A_1006 = arith.index_cast %add3A_1003 : i32 to index
            %get3A_1007 = tpu.vector_load %arg9[%get3A_1005, %get3A_1006] {strides = array<i32>} : memref<16x1792xf32, #tpu.memory_space<vmem>>, vector<16xf32>,
            %add3A_1008 = arith.constant 16 : i32
            %add3A_1009 = arith.addi %mul3A_967, %add3A_1008 : i32
            %add3A_1010 = arith.constant 16 : i32
            %add3A_1011 = arith.addi %mul3A_967, %add3A_1010 : i32
            %get3A_1012 = arith.constant 9 : i32
            %get3A_1013 = arith.index_cast %get3A_1012 : i32 to index
            %get3A_1014 = arith.index_cast %add3A_1011 : i32 to index
            %get3A_1015 = tpu.vector_load %arg9[%get3A_1013, %get3A_1014] {strides = array<i32>} : memref<16x1792xf32, #tpu.memory_space<vmem>>, vector<16xf32>,
            %add3A_1016 = arith.constant 16 : i32
            %add3A_1017 = arith.addi %mul3A_967, %add3A_1016 : i32
            %add3A_1018 = arith.constant 16 : i32
            %add3A_1019 = arith.addi %mul3A_967, %add3A_1018 : i32
            %get3A_1020 = arith.constant 10 : i32
            %get3A_1021 = arith.index_cast %get3A_1020 : i32 to index
            %get3A_1022 = arith.index_cast %add3A_1019 : i32 to index
            %get3A_1023 = tpu.vector_load %arg9[%get3A_1021, %get3A_1022] {strides = array<i32>} : memref<16x1792xf32, #tpu.memory_space<vmem>>, vector<16xf32>,
            %add3A_1024 = arith.constant 16 : i32
            %add3A_1025 = arith.addi %mul3A_967, %add3A_1024 : i32
            %add3A_1026 = arith.constant 16 : i32
            %add3A_1027 = arith.addi %mul3A_967, %add3A_1026 : i32
            %get3A_1028 = arith.constant 11 : i32
            %get3A_1029 = arith.index_cast %get3A_1028 : i32 to index
            %get3A_1030 = arith.index_cast %add3A_1027 : i32 to index
            %get3A_1031 = tpu.vector_load %arg9[%get3A_1029, %get3A_1030] {strides = array<i32>} : memref<16x1792xf32, #tpu.memory_space<vmem>>, vector<16xf32>,
            %add3A_1032 = arith.constant 32 : i32
            %add3A_1033 = arith.addi %mul3A_967, %add3A_1032 : i32
            %add3A_1034 = arith.constant 32 : i32
            %add3A_1035 = arith.addi %mul3A_967, %add3A_1034 : i32
            %get3A_1036 = arith.constant 8 : i32
            %get3A_1037 = arith.index_cast %get3A_1036 : i32 to index
            %get3A_1038 = arith.index_cast %add3A_1035 : i32 to index
            %get3A_1039 = tpu.vector_load %arg9[%get3A_1037, %get3A_1038] {strides = array<i32>} : memref<16x1792xf32, #tpu.memory_space<vmem>>, vector<16xf32>,
            %add3A_1040 = arith.constant 32 : i32
            %add3A_1041 = arith.addi %mul3A_967, %add3A_1040 : i32
            %add3A_1042 = arith.constant 32 : i32
            %add3A_1043 = arith.addi %mul3A_967, %add3A_1042 : i32
            %get3A_1044 = arith.constant 9 : i32
            %get3A_1045 = arith.index_cast %get3A_1044 : i32 to index
            %get3A_1046 = arith.index_cast %add3A_1043 : i32 to index
            %get3A_1047 = tpu.vector_load %arg9[%get3A_1045, %get3A_1046] {strides = array<i32>} : memref<16x1792xf32, #tpu.memory_space<vmem>>, vector<16xf32>,
            %add3A_1048 = arith.constant 32 : i32
            %add3A_1049 = arith.addi %mul3A_967, %add3A_1048 : i32
            %add3A_1050 = arith.constant 32 : i32
            %add3A_1051 = arith.addi %mul3A_967, %add3A_1050 : i32
            %get3A_1052 = arith.constant 10 : i32
            %get3A_1053 = arith.index_cast %get3A_1052 : i32 to index
            %get3A_1054 = arith.index_cast %add3A_1051 : i32 to index
            %get3A_1055 = tpu.vector_load %arg9[%get3A_1053, %get3A_1054] {strides = array<i32>} : memref<16x1792xf32, #tpu.memory_space<vmem>>, vector<16xf32>,
            %add3A_1056 = arith.constant 32 : i32
            %add3A_1057 = arith.addi %mul3A_967, %add3A_1056 : i32
            %add3A_1058 = arith.constant 32 : i32
            %add3A_1059 = arith.addi %mul3A_967, %add3A_1058 : i32
            %get3A_1060 = arith.constant 11 : i32
            %get3A_1061 = arith.index_cast %get3A_1060 : i32 to index
            %get3A_1062 = arith.index_cast %add3A_1059 : i32 to index
            %get3A_1063 = tpu.vector_load %arg9[%get3A_1061, %get3A_1062] {strides = array<i32>} : memref<16x1792xf32, #tpu.memory_space<vmem>>, vector<16xf32>,
            %add3A_1064 = arith.constant 48 : i32
            %add3A_1065 = arith.addi %mul3A_967, %add3A_1064 : i32
            %add3A_1066 = arith.constant 48 : i32
            %add3A_1067 = arith.addi %mul3A_967, %add3A_1066 : i32
            %get3A_1068 = arith.constant 8 : i32
            %get3A_1069 = arith.index_cast %get3A_1068 : i32 to index
            %get3A_1070 = arith.index_cast %add3A_1067 : i32 to index
            %get3A_1071 = tpu.vector_load %arg9[%get3A_1069, %get3A_1070] {strides = array<i32>} : memref<16x1792xf32, #tpu.memory_space<vmem>>, vector<16xf32>,
            %add3A_1072 = arith.constant 48 : i32
            %add3A_1073 = arith.addi %mul3A_967, %add3A_1072 : i32
            %add3A_1074 = arith.constant 48 : i32
            %add3A_1075 = arith.addi %mul3A_967, %add3A_1074 : i32
            %get3A_1076 = arith.constant 9 : i32
            %get3A_1077 = arith.index_cast %get3A_1076 : i32 to index
            %get3A_1078 = arith.index_cast %add3A_1075 : i32 to index
            %get3A_1079 = tpu.vector_load %arg9[%get3A_1077, %get3A_1078] {strides = array<i32>} : memref<16x1792xf32, #tpu.memory_space<vmem>>, vector<16xf32>,
            %add3A_1080 = arith.constant 48 : i32
            %add3A_1081 = arith.addi %mul3A_967, %add3A_1080 : i32
            %add3A_1082 = arith.constant 48 : i32
            %add3A_1083 = arith.addi %mul3A_967, %add3A_1082 : i32
            %get3A_1084 = arith.constant 10 : i32
            %get3A_1085 = arith.index_cast %get3A_1084 : i32 to index
            %get3A_1086 = arith.index_cast %add3A_1083 : i32 to index
            %get3A_1087 = tpu.vector_load %arg9[%get3A_1085, %get3A_1086] {strides = array<i32>} : memref<16x1792xf32, #tpu.memory_space<vmem>>, vector<16xf32>,
            %add3A_1088 = arith.constant 48 : i32
            %add3A_1089 = arith.addi %mul3A_967, %add3A_1088 : i32
            %add3A_1090 = arith.constant 48 : i32
            %add3A_1091 = arith.addi %mul3A_967, %add3A_1090 : i32
            %get3A_1092 = arith.constant 11 : i32
            %get3A_1093 = arith.index_cast %get3A_1092 : i32 to index
            %get3A_1094 = arith.index_cast %add3A_1091 : i32 to index
            %get3A_1095 = tpu.vector_load %arg9[%get3A_1093, %get3A_1094] {strides = array<i32>} : memref<16x1792xf32, #tpu.memory_space<vmem>>, vector<16xf32>,
            %add3A_1096 = vector.broadcast %add3A_969 : i32 to vector<16xi32>
            %add3A_1097 = arith.addi %add3A_855, %add3A_1096 : vector<16xi32>
            tpu.vector_store_idx %arg8[%add3A_1097], %get3A_975 {add = true} : memref<59136xf32, #tpu.memory_space<vmem>>[vector<16xi32>], vector<16xf32>,
            %add3A_1098 = vector.broadcast %add3A_977 : i32 to vector<16xi32>
            %add3A_1099 = arith.addi %add3A_868, %add3A_1098 : vector<16xi32>
            tpu.vector_store_idx %arg8[%add3A_1099], %get3A_983 {add = true} : memref<59136xf32, #tpu.memory_space<vmem>>[vector<16xi32>], vector<16xf32>,
            %add3A_1100 = vector.broadcast %add3A_985 : i32 to vector<16xi32>
            %add3A_1101 = arith.addi %add3A_881, %add3A_1100 : vector<16xi32>
            tpu.vector_store_idx %arg8[%add3A_1101], %get3A_991 {add = true} : memref<59136xf32, #tpu.memory_space<vmem>>[vector<16xi32>], vector<16xf32>,
            %add3A_1102 = vector.broadcast %add3A_993 : i32 to vector<16xi32>
            %add3A_1103 = arith.addi %add3A_894, %add3A_1102 : vector<16xi32>
            tpu.vector_store_idx %arg8[%add3A_1103], %get3A_999 {add = true} : memref<59136xf32, #tpu.memory_space<vmem>>[vector<16xi32>], vector<16xf32>,
            %add3A_1104 = vector.broadcast %add3A_1001 : i32 to vector<16xi32>
            %add3A_1105 = arith.addi %add3A_855, %add3A_1104 : vector<16xi32>
            tpu.vector_store_idx %arg8[%add3A_1105], %get3A_1007 {add = true} : memref<59136xf32, #tpu.memory_space<vmem>>[vector<16xi32>], vector<16xf32>,
            %add3A_1106 = vector.broadcast %add3A_1009 : i32 to vector<16xi32>
            %add3A_1107 = arith.addi %add3A_868, %add3A_1106 : vector<16xi32>
            tpu.vector_store_idx %arg8[%add3A_1107], %get3A_1015 {add = true} : memref<59136xf32, #tpu.memory_space<vmem>>[vector<16xi32>], vector<16xf32>,
            %add3A_1108 = vector.broadcast %add3A_1017 : i32 to vector<16xi32>
            %add3A_1109 = arith.addi %add3A_881, %add3A_1108 : vector<16xi32>
            tpu.vector_store_idx %arg8[%add3A_1109], %get3A_1023 {add = true} : memref<59136xf32, #tpu.memory_space<vmem>>[vector<16xi32>], vector<16xf32>,
            %add3A_1110 = vector.broadcast %add3A_1025 : i32 to vector<16xi32>
            %add3A_1111 = arith.addi %add3A_894, %add3A_1110 : vector<16xi32>
            tpu.vector_store_idx %arg8[%add3A_1111], %get3A_1031 {add = true} : memref<59136xf32, #tpu.memory_space<vmem>>[vector<16xi32>], vector<16xf32>,
            %add3A_1112 = vector.broadcast %add3A_1033 : i32 to vector<16xi32>
            %add3A_1113 = arith.addi %add3A_855, %add3A_1112 : vector<16xi32>
            tpu.vector_store_idx %arg8[%add3A_1113], %get3A_1039 {add = true} : memref<59136xf32, #tpu.memory_space<vmem>>[vector<16xi32>], vector<16xf32>,
            %add3A_1114 = vector.broadcast %add3A_1041 : i32 to vector<16xi32>
            %add3A_1115 = arith.addi %add3A_868, %add3A_1114 : vector<16xi32>
            tpu.vector_store_idx %arg8[%add3A_1115], %get3A_1047 {add = true} : memref<59136xf32, #tpu.memory_space<vmem>>[vector<16xi32>], vector<16xf32>,
            %add3A_1116 = vector.broadcast %add3A_1049 : i32 to vector<16xi32>
            %add3A_1117 = arith.addi %add3A_881, %add3A_1116 : vector<16xi32>
            tpu.vector_store_idx %arg8[%add3A_1117], %get3A_1055 {add = true} : memref<59136xf32, #tpu.memory_space<vmem>>[vector<16xi32>], vector<16xf32>,
            %add3A_1118 = vector.broadcast %add3A_1057 : i32 to vector<16xi32>
            %add3A_1119 = arith.addi %add3A_894, %add3A_1118 : vector<16xi32>
            tpu.vector_store_idx %arg8[%add3A_1119], %get3A_1063 {add = true} : memref<59136xf32, #tpu.memory_space<vmem>>[vector<16xi32>], vector<16xf32>,
            %add3A_1120 = vector.broadcast %add3A_1065 : i32 to vector<16xi32>
            %add3A_1121 = arith.addi %add3A_855, %add3A_1120 : vector<16xi32>
            tpu.vector_store_idx %arg8[%add3A_1121], %get3A_1071 {add = true} : memref<59136xf32, #tpu.memory_space<vmem>>[vector<16xi32>], vector<16xf32>,
            %add3A_1122 = vector.broadcast %add3A_1073 : i32 to vector<16xi32>
            %add3A_1123 = arith.addi %add3A_868, %add3A_1122 : vector<16xi32>
            tpu.vector_store_idx %arg8[%add3A_1123], %get3A_1079 {add = true} : memref<59136xf32, #tpu.memory_space<vmem>>[vector<16xi32>], vector<16xf32>,
            %add3A_1124 = vector.broadcast %add3A_1081 : i32 to vector<16xi32>
            %add3A_1125 = arith.addi %add3A_881, %add3A_1124 : vector<16xi32>
            tpu.vector_store_idx %arg8[%add3A_1125], %get3A_1087 {add = true} : memref<59136xf32, #tpu.memory_space<vmem>>[vector<16xi32>], vector<16xf32>,
            %add3A_1126 = vector.broadcast %add3A_1089 : i32 to vector<16xi32>
            %add3A_1127 = arith.addi %add3A_894, %add3A_1126 : vector<16xi32>
            tpu.vector_store_idx %arg8[%add3A_1127], %get3A_1095 {add = true} : memref<59136xf32, #tpu.memory_space<vmem>>[vector<16xi32>], vector<16xf32>,
          }
          %scan3A_900 = arith.constant 28 : i32
          %broadcast_in_dim3A_901 = arith.constant 0 : i32
          %broadcast_in_dim3A_902 = vector.broadcast %broadcast_in_dim3A_901 : i32 to vector<16xi32>
          %mul3A_903 = arith.constant 16 : i32
          %mul3A_904 = arith.muli %add3A_711, %mul3A_903 : i32
          %add3A_905 = arith.constant 12 : i32
          %add3A_906 = arith.addi %mul3A_904, %add3A_905 : i32
          %add3A_907 = vector.broadcast %add3A_906 : i32 to vector<16xi32>
          %add3A_908 = arith.addi %broadcast_in_dim3A_902, %add3A_907 : vector<16xi32>
          %gather3A_909 = tpu.vector_load_idx %arg7[%add3A_908] : memref<256xi32, #tpu.memory_space<vmem>>[vector<16xi32>], vector<16xi32>,
          %mul3A_910 = arith.constant 1792 : i32
          %mul3A_911 = vector.broadcast %mul3A_910 : i32 to vector<16xi32>
          %mul3A_912 = arith.muli %gather3A_909, %mul3A_911 : vector<16xi32>
          %add3A_913 = arith.addi %mul3A_912, %iota3A : vector<16xi32>
          %broadcast_in_dim3A_914 = arith.constant 0 : i32
          %broadcast_in_dim3A_915 = vector.broadcast %broadcast_in_dim3A_914 : i32 to vector<16xi32>
          %mul3A_916 = arith.constant 16 : i32
          %mul3A_917 = arith.muli %add3A_711, %mul3A_916 : i32
          %add3A_918 = arith.constant 13 : i32
          %add3A_919 = arith.addi %mul3A_917, %add3A_918 : i32
          %add3A_920 = vector.broadcast %add3A_919 : i32 to vector<16xi32>
          %add3A_921 = arith.addi %broadcast_in_dim3A_915, %add3A_920 : vector<16xi32>
          %gather3A_922 = tpu.vector_load_idx %arg7[%add3A_921] : memref<256xi32, #tpu.memory_space<vmem>>[vector<16xi32>], vector<16xi32>,
          %mul3A_923 = arith.constant 1792 : i32
          %mul3A_924 = vector.broadcast %mul3A_923 : i32 to vector<16xi32>
          %mul3A_925 = arith.muli %gather3A_922, %mul3A_924 : vector<16xi32>
          %add3A_926 = arith.addi %mul3A_925, %iota3A : vector<16xi32>
          %broadcast_in_dim3A_927 = arith.constant 0 : i32
          %broadcast_in_dim3A_928 = vector.broadcast %broadcast_in_dim3A_927 : i32 to vector<16xi32>
          %mul3A_929 = arith.constant 16 : i32
          %mul3A_930 = arith.muli %add3A_711, %mul3A_929 : i32
          %add3A_931 = arith.constant 14 : i32
          %add3A_932 = arith.addi %mul3A_930, %add3A_931 : i32
          %add3A_933 = vector.broadcast %add3A_932 : i32 to vector<16xi32>
          %add3A_934 = arith.addi %broadcast_in_dim3A_928, %add3A_933 : vector<16xi32>
          %gather3A_935 = tpu.vector_load_idx %arg7[%add3A_934] : memref<256xi32, #tpu.memory_space<vmem>>[vector<16xi32>], vector<16xi32>,
          %mul3A_936 = arith.constant 1792 : i32
          %mul3A_937 = vector.broadcast %mul3A_936 : i32 to vector<16xi32>
          %mul3A_938 = arith.muli %gather3A_935, %mul3A_937 : vector<16xi32>
          %add3A_939 = arith.addi %mul3A_938, %iota3A : vector<16xi32>
          %broadcast_in_dim3A_940 = arith.constant 0 : i32
          %broadcast_in_dim3A_941 = vector.broadcast %broadcast_in_dim3A_940 : i32 to vector<16xi32>
          %mul3A_942 = arith.constant 16 : i32
          %mul3A_943 = arith.muli %add3A_711, %mul3A_942 : i32
          %add3A_944 = arith.constant 15 : i32
          %add3A_945 = arith.addi %mul3A_943, %add3A_944 : i32
          %add3A_946 = vector.broadcast %add3A_945 : i32 to vector<16xi32>
          %add3A_947 = arith.addi %broadcast_in_dim3A_941, %add3A_946 : vector<16xi32>
          %gather3A_948 = tpu.vector_load_idx %arg7[%add3A_947] : memref<256xi32, #tpu.memory_space<vmem>>[vector<16xi32>], vector<16xi32>,
          %mul3A_949 = arith.constant 1792 : i32
          %mul3A_950 = vector.broadcast %mul3A_949 : i32 to vector<16xi32>
          %mul3A_951 = arith.muli %gather3A_948, %mul3A_950 : vector<16xi32>
          %add3A_952 = arith.addi %mul3A_951, %iota3A : vector<16xi32>
          %scan3A_953 = arith.constant 0 : i32
          %scan3A_954 = arith.constant 0 : i32
          %scan3A_955 = arith.constant 28 : i32
          %scan3A_956 = arith.addi %scan3A_954, %scan3A_955 : i32
          %scan3A_957 = arith.constant 1 : i32
          scf.for %scan3A_965 = %scan3A_954 to %scan3A_956 step %scan3A_957  : i32 {
            %mul3A_966 = arith.constant 64 : i32
            %mul3A_967 = arith.muli %scan3A_965, %mul3A_966 : i32
            %add3A_968 = arith.constant 0 : i32
            %add3A_969 = arith.addi %mul3A_967, %add3A_968 : i32
            %add3A_970 = arith.constant 0 : i32
            %add3A_971 = arith.addi %mul3A_967, %add3A_970 : i32
            %get3A_972 = arith.constant 12 : i32
            %get3A_973 = arith.index_cast %get3A_972 : i32 to index
            %get3A_974 = arith.index_cast %add3A_971 : i32 to index
            %get3A_975 = tpu.vector_load %arg9[%get3A_973, %get3A_974] {strides = array<i32>} : memref<16x1792xf32, #tpu.memory_space<vmem>>, vector<16xf32>,
            %add3A_976 = arith.constant 0 : i32
            %add3A_977 = arith.addi %mul3A_967, %add3A_976 : i32
            %add3A_978 = arith.constant 0 : i32
            %add3A_979 = arith.addi %mul3A_967, %add3A_978 : i32
            %get3A_980 = arith.constant 13 : i32
            %get3A_981 = arith.index_cast %get3A_980 : i32 to index
            %get3A_982 = arith.index_cast %add3A_979 : i32 to index
            %get3A_983 = tpu.vector_load %arg9[%get3A_981, %get3A_982] {strides = array<i32>} : memref<16x1792xf32, #tpu.memory_space<vmem>>, vector<16xf32>,
            %add3A_984 = arith.constant 0 : i32
            %add3A_985 = arith.addi %mul3A_967, %add3A_984 : i32
            %add3A_986 = arith.constant 0 : i32
            %add3A_987 = arith.addi %mul3A_967, %add3A_986 : i32
            %get3A_988 = arith.constant 14 : i32
            %get3A_989 = arith.index_cast %get3A_988 : i32 to index
            %get3A_990 = arith.index_cast %add3A_987 : i32 to index
            %get3A_991 = tpu.vector_load %arg9[%get3A_989, %get3A_990] {strides = array<i32>} : memref<16x1792xf32, #tpu.memory_space<vmem>>, vector<16xf32>,
            %add3A_992 = arith.constant 0 : i32
            %add3A_993 = arith.addi %mul3A_967, %add3A_992 : i32
            %add3A_994 = arith.constant 0 : i32
            %add3A_995 = arith.addi %mul3A_967, %add3A_994 : i32
            %get3A_996 = arith.constant 15 : i32
            %get3A_997 = arith.index_cast %get3A_996 : i32 to index
            %get3A_998 = arith.index_cast %add3A_995 : i32 to index
            %get3A_999 = tpu.vector_load %arg9[%get3A_997, %get3A_998] {strides = array<i32>} : memref<16x1792xf32, #tpu.memory_space<vmem>>, vector<16xf32>,
            %add3A_1000 = arith.constant 16 : i32
            %add3A_1001 = arith.addi %mul3A_967, %add3A_1000 : i32
            %add3A_1002 = arith.constant 16 : i32
            %add3A_1003 = arith.addi %mul3A_967, %add3A_1002 : i32
            %get3A_1004 = arith.constant 12 : i32
            %get3A_1005 = arith.index_cast %get3A_1004 : i32 to index
            %get3A_1006 = arith.index_cast %add3A_1003 : i32 to index
            %get3A_1007 = tpu.vector_load %arg9[%get3A_1005, %get3A_1006] {strides = array<i32>} : memref<16x1792xf32, #tpu.memory_space<vmem>>, vector<16xf32>,
            %add3A_1008 = arith.constant 16 : i32
            %add3A_1009 = arith.addi %mul3A_967, %add3A_1008 : i32
            %add3A_1010 = arith.constant 16 : i32
            %add3A_1011 = arith.addi %mul3A_967, %add3A_1010 : i32
            %get3A_1012 = arith.constant 13 : i32
            %get3A_1013 = arith.index_cast %get3A_1012 : i32 to index
            %get3A_1014 = arith.index_cast %add3A_1011 : i32 to index
            %get3A_1015 = tpu.vector_load %arg9[%get3A_1013, %get3A_1014] {strides = array<i32>} : memref<16x1792xf32, #tpu.memory_space<vmem>>, vector<16xf32>,
            %add3A_1016 = arith.constant 16 : i32
            %add3A_1017 = arith.addi %mul3A_967, %add3A_1016 : i32
            %add3A_1018 = arith.constant 16 : i32
            %add3A_1019 = arith.addi %mul3A_967, %add3A_1018 : i32
            %get3A_1020 = arith.constant 14 : i32
            %get3A_1021 = arith.index_cast %get3A_1020 : i32 to index
            %get3A_1022 = arith.index_cast %add3A_1019 : i32 to index
            %get3A_1023 = tpu.vector_load %arg9[%get3A_1021, %get3A_1022] {strides = array<i32>} : memref<16x1792xf32, #tpu.memory_space<vmem>>, vector<16xf32>,
            %add3A_1024 = arith.constant 16 : i32
            %add3A_1025 = arith.addi %mul3A_967, %add3A_1024 : i32
            %add3A_1026 = arith.constant 16 : i32
            %add3A_1027 = arith.addi %mul3A_967, %add3A_1026 : i32
            %get3A_1028 = arith.constant 15 : i32
            %get3A_1029 = arith.index_cast %get3A_1028 : i32 to index
            %get3A_1030 = arith.index_cast %add3A_1027 : i32 to index
            %get3A_1031 = tpu.vector_load %arg9[%get3A_1029, %get3A_1030] {strides = array<i32>} : memref<16x1792xf32, #tpu.memory_space<vmem>>, vector<16xf32>,
            %add3A_1032 = arith.constant 32 : i32
            %add3A_1033 = arith.addi %mul3A_967, %add3A_1032 : i32
            %add3A_1034 = arith.constant 32 : i32
            %add3A_1035 = arith.addi %mul3A_967, %add3A_1034 : i32
            %get3A_1036 = arith.constant 12 : i32
            %get3A_1037 = arith.index_cast %get3A_1036 : i32 to index
            %get3A_1038 = arith.index_cast %add3A_1035 : i32 to index
            %get3A_1039 = tpu.vector_load %arg9[%get3A_1037, %get3A_1038] {strides = array<i32>} : memref<16x1792xf32, #tpu.memory_space<vmem>>, vector<16xf32>,
            %add3A_1040 = arith.constant 32 : i32
            %add3A_1041 = arith.addi %mul3A_967, %add3A_1040 : i32
            %add3A_1042 = arith.constant 32 : i32
            %add3A_1043 = arith.addi %mul3A_967, %add3A_1042 : i32
            %get3A_1044 = arith.constant 13 : i32
            %get3A_1045 = arith.index_cast %get3A_1044 : i32 to index
            %get3A_1046 = arith.index_cast %add3A_1043 : i32 to index
            %get3A_1047 = tpu.vector_load %arg9[%get3A_1045, %get3A_1046] {strides = array<i32>} : memref<16x1792xf32, #tpu.memory_space<vmem>>, vector<16xf32>,
            %add3A_1048 = arith.constant 32 : i32
            %add3A_1049 = arith.addi %mul3A_967, %add3A_1048 : i32
            %add3A_1050 = arith.constant 32 : i32
            %add3A_1051 = arith.addi %mul3A_967, %add3A_1050 : i32
            %get3A_1052 = arith.constant 14 : i32
            %get3A_1053 = arith.index_cast %get3A_1052 : i32 to index
            %get3A_1054 = arith.index_cast %add3A_1051 : i32 to index
            %get3A_1055 = tpu.vector_load %arg9[%get3A_1053, %get3A_1054] {strides = array<i32>} : memref<16x1792xf32, #tpu.memory_space<vmem>>, vector<16xf32>,
            %add3A_1056 = arith.constant 32 : i32
            %add3A_1057 = arith.addi %mul3A_967, %add3A_1056 : i32
            %add3A_1058 = arith.constant 32 : i32
            %add3A_1059 = arith.addi %mul3A_967, %add3A_1058 : i32
            %get3A_1060 = arith.constant 15 : i32
            %get3A_1061 = arith.index_cast %get3A_1060 : i32 to index
            %get3A_1062 = arith.index_cast %add3A_1059 : i32 to index
            %get3A_1063 = tpu.vector_load %arg9[%get3A_1061, %get3A_1062] {strides = array<i32>} : memref<16x1792xf32, #tpu.memory_space<vmem>>, vector<16xf32>,
            %add3A_1064 = arith.constant 48 : i32
            %add3A_1065 = arith.addi %mul3A_967, %add3A_1064 : i32
            %add3A_1066 = arith.constant 48 : i32
            %add3A_1067 = arith.addi %mul3A_967, %add3A_1066 : i32
            %get3A_1068 = arith.constant 12 : i32
            %get3A_1069 = arith.index_cast %get3A_1068 : i32 to index
            %get3A_1070 = arith.index_cast %add3A_1067 : i32 to index
            %get3A_1071 = tpu.vector_load %arg9[%get3A_1069, %get3A_1070] {strides = array<i32>} : memref<16x1792xf32, #tpu.memory_space<vmem>>, vector<16xf32>,
            %add3A_1072 = arith.constant 48 : i32
            %add3A_1073 = arith.addi %mul3A_967, %add3A_1072 : i32
            %add3A_1074 = arith.constant 48 : i32
            %add3A_1075 = arith.addi %mul3A_967, %add3A_1074 : i32
            %get3A_1076 = arith.constant 13 : i32
            %get3A_1077 = arith.index_cast %get3A_1076 : i32 to index
            %get3A_1078 = arith.index_cast %add3A_1075 : i32 to index
            %get3A_1079 = tpu.vector_load %arg9[%get3A_1077, %get3A_1078] {strides = array<i32>} : memref<16x1792xf32, #tpu.memory_space<vmem>>, vector<16xf32>,
            %add3A_1080 = arith.constant 48 : i32
            %add3A_1081 = arith.addi %mul3A_967, %add3A_1080 : i32
            %add3A_1082 = arith.constant 48 : i32
            %add3A_1083 = arith.addi %mul3A_967, %add3A_1082 : i32
            %get3A_1084 = arith.constant 14 : i32
            %get3A_1085 = arith.index_cast %get3A_1084 : i32 to index
            %get3A_1086 = arith.index_cast %add3A_1083 : i32 to index
            %get3A_1087 = tpu.vector_load %arg9[%get3A_1085, %get3A_1086] {strides = array<i32>} : memref<16x1792xf32, #tpu.memory_space<vmem>>, vector<16xf32>,
            %add3A_1088 = arith.constant 48 : i32
            %add3A_1089 = arith.addi %mul3A_967, %add3A_1088 : i32
            %add3A_1090 = arith.constant 48 : i32
            %add3A_1091 = arith.addi %mul3A_967, %add3A_1090 : i32
            %get3A_1092 = arith.constant 15 : i32
            %get3A_1093 = arith.index_cast %get3A_1092 : i32 to index
            %get3A_1094 = arith.index_cast %add3A_1091 : i32 to index
            %get3A_1095 = tpu.vector_load %arg9[%get3A_1093, %get3A_1094] {strides = array<i32>} : memref<16x1792xf32, #tpu.memory_space<vmem>>, vector<16xf32>,
            %add3A_1096 = vector.broadcast %add3A_969 : i32 to vector<16xi32>
            %add3A_1097 = arith.addi %add3A_913, %add3A_1096 : vector<16xi32>
            tpu.vector_store_idx %arg8[%add3A_1097], %get3A_975 {add = true} : memref<59136xf32, #tpu.memory_space<vmem>>[vector<16xi32>], vector<16xf32>,
            %add3A_1098 = vector.broadcast %add3A_977 : i32 to vector<16xi32>
            %add3A_1099 = arith.addi %add3A_926, %add3A_1098 : vector<16xi32>
            tpu.vector_store_idx %arg8[%add3A_1099], %get3A_983 {add = true} : memref<59136xf32, #tpu.memory_space<vmem>>[vector<16xi32>], vector<16xf32>,
            %add3A_1100 = vector.broadcast %add3A_985 : i32 to vector<16xi32>
            %add3A_1101 = arith.addi %add3A_939, %add3A_1100 : vector<16xi32>
            tpu.vector_store_idx %arg8[%add3A_1101], %get3A_991 {add = true} : memref<59136xf32, #tpu.memory_space<vmem>>[vector<16xi32>], vector<16xf32>,
            %add3A_1102 = vector.broadcast %add3A_993 : i32 to vector<16xi32>
            %add3A_1103 = arith.addi %add3A_952, %add3A_1102 : vector<16xi32>
            tpu.vector_store_idx %arg8[%add3A_1103], %get3A_999 {add = true} : memref<59136xf32, #tpu.memory_space<vmem>>[vector<16xi32>], vector<16xf32>,
            %add3A_1104 = vector.broadcast %add3A_1001 : i32 to vector<16xi32>
            %add3A_1105 = arith.addi %add3A_913, %add3A_1104 : vector<16xi32>
            tpu.vector_store_idx %arg8[%add3A_1105], %get3A_1007 {add = true} : memref<59136xf32, #tpu.memory_space<vmem>>[vector<16xi32>], vector<16xf32>,
            %add3A_1106 = vector.broadcast %add3A_1009 : i32 to vector<16xi32>
            %add3A_1107 = arith.addi %add3A_926, %add3A_1106 : vector<16xi32>
            tpu.vector_store_idx %arg8[%add3A_1107], %get3A_1015 {add = true} : memref<59136xf32, #tpu.memory_space<vmem>>[vector<16xi32>], vector<16xf32>,
            %add3A_1108 = vector.broadcast %add3A_1017 : i32 to vector<16xi32>
            %add3A_1109 = arith.addi %add3A_939, %add3A_1108 : vector<16xi32>
            tpu.vector_store_idx %arg8[%add3A_1109], %get3A_1023 {add = true} : memref<59136xf32, #tpu.memory_space<vmem>>[vector<16xi32>], vector<16xf32>,
            %add3A_1110 = vector.broadcast %add3A_1025 : i32 to vector<16xi32>
            %add3A_1111 = arith.addi %add3A_952, %add3A_1110 : vector<16xi32>
            tpu.vector_store_idx %arg8[%add3A_1111], %get3A_1031 {add = true} : memref<59136xf32, #tpu.memory_space<vmem>>[vector<16xi32>], vector<16xf32>,
            %add3A_1112 = vector.broadcast %add3A_1033 : i32 to vector<16xi32>
            %add3A_1113 = arith.addi %add3A_913, %add3A_1112 : vector<16xi32>
            tpu.vector_store_idx %arg8[%add3A_1113], %get3A_1039 {add = true} : memref<59136xf32, #tpu.memory_space<vmem>>[vector<16xi32>], vector<16xf32>,
            %add3A_1114 = vector.broadcast %add3A_1041 : i32 to vector<16xi32>
            %add3A_1115 = arith.addi %add3A_926, %add3A_1114 : vector<16xi32>
            tpu.vector_store_idx %arg8[%add3A_1115], %get3A_1047 {add = true} : memref<59136xf32, #tpu.memory_space<vmem>>[vector<16xi32>], vector<16xf32>,
            %add3A_1116 = vector.broadcast %add3A_1049 : i32 to vector<16xi32>
            %add3A_1117 = arith.addi %add3A_939, %add3A_1116 : vector<16xi32>
            tpu.vector_store_idx %arg8[%add3A_1117], %get3A_1055 {add = true} : memref<59136xf32, #tpu.memory_space<vmem>>[vector<16xi32>], vector<16xf32>,
            %add3A_1118 = vector.broadcast %add3A_1057 : i32 to vector<16xi32>
            %add3A_1119 = arith.addi %add3A_952, %add3A_1118 : vector<16xi32>
            tpu.vector_store_idx %arg8[%add3A_1119], %get3A_1063 {add = true} : memref<59136xf32, #tpu.memory_space<vmem>>[vector<16xi32>], vector<16xf32>,
            %add3A_1120 = vector.broadcast %add3A_1065 : i32 to vector<16xi32>
            %add3A_1121 = arith.addi %add3A_913, %add3A_1120 : vector<16xi32>
            tpu.vector_store_idx %arg8[%add3A_1121], %get3A_1071 {add = true} : memref<59136xf32, #tpu.memory_space<vmem>>[vector<16xi32>], vector<16xf32>,
            %add3A_1122 = vector.broadcast %add3A_1073 : i32 to vector<16xi32>
            %add3A_1123 = arith.addi %add3A_926, %add3A_1122 : vector<16xi32>
            tpu.vector_store_idx %arg8[%add3A_1123], %get3A_1079 {add = true} : memref<59136xf32, #tpu.memory_space<vmem>>[vector<16xi32>], vector<16xf32>,
            %add3A_1124 = vector.broadcast %add3A_1081 : i32 to vector<16xi32>
            %add3A_1125 = arith.addi %add3A_939, %add3A_1124 : vector<16xi32>
            tpu.vector_store_idx %arg8[%add3A_1125], %get3A_1087 {add = true} : memref<59136xf32, #tpu.memory_space<vmem>>[vector<16xi32>], vector<16xf32>,
            %add3A_1126 = vector.broadcast %add3A_1089 : i32 to vector<16xi32>
            %add3A_1127 = arith.addi %add3A_952, %add3A_1126 : vector<16xi32>
            tpu.vector_store_idx %arg8[%add3A_1127], %get3A_1095 {add = true} : memref<59136xf32, #tpu.memory_space<vmem>>[vector<16xi32>], vector<16xf32>,
          }
          %scan3A_958 = arith.constant 28 : i32
          %add3A_959 = arith.constant 2 : i32
          %add3A_960 = arith.addi %add3A_711, %add3A_959 : i32
          %lt3A_961 = arith.cmpi slt, %add3A_960, %select_n3A : i32
          %convert_element_type3A_962 = arith.extui %lt3A_961 : i1 to i32
          %cond3A_963 = arith.constant 0 : i32
          %cond3A_964 = arith.cmpi ne, %convert_element_type3A_962, %cond3A_963 : i32
          scf.if %cond3A_964 {
            %add3A_965 = arith.constant 2 : i32
            %add3A_966 = arith.addi %add3A_711, %add3A_965 : i32
            %mul3A_967 = arith.constant 16 : i32
            %mul3A_968 = arith.muli %add3A_966, %mul3A_967 : i32
            %dma_start3A = tpu.memref_slice %arg6[%mul3A_968] : memref<256xi32, #tpu.memory_space<vmem>> -> memref<16xi32, #tpu.memory_space<vmem>>
            %dma_start3A_969 = arith.constant 0 : i32
            %dma_start3A_970 = arith.constant 0 : i32
            %dma_start3A_971 = tpu.memref_slice %arg2[%dma_start3A_969, %dma_start3A_970] : memref<16384x1792xf32, #tpu.memory_space<hbm>> -> memref<16384x1792xf32, #tpu.memory_space<hbm>>
            tpu.enqueue_indirect_dma source(%dma_start3A_971 : memref<16384x1792xf32, #tpu.memory_space<hbm>>) target(%arg9 : memref<16x1792xf32, #tpu.memory_space<vmem>>) offsets(%dma_start3A : memref<16xi32, #tpu.memory_space<vmem>>) semaphore(%arg11 : memref<!tpu.dma_semaphore, #tpu.memory_space<semaphore_mem>>)
          } else {
          }
        } else {
        }
        %mul3A_715 = arith.constant 2 : i32
        %mul3A_716 = arith.muli %while3A_707, %mul3A_715 : i32
        %add3A_717 = arith.constant 1 : i32
        %add3A_718 = arith.addi %mul3A_716, %add3A_717 : i32
        %lt3A_719 = arith.cmpi slt, %add3A_718, %select_n3A : i32
        %convert_element_type3A_720 = arith.extui %lt3A_719 : i1 to i32
        %cond3A_721 = arith.constant 0 : i32
        %cond3A_722 = arith.cmpi ne, %convert_element_type3A_720, %cond3A_721 : i32
        scf.if %cond3A_722 {
          %mul3A_723 = arith.constant 16 : i32
          %mul3A_724 = arith.muli %add3A_718, %mul3A_723 : i32
          %dma_wait3A = tpu.memref_slice %arg6[%mul3A_724] : memref<256xi32, #tpu.memory_space<vmem>> -> memref<16xi32, #tpu.memory_space<vmem>>
          %dma_wait3A_725 = arith.constant 0 : i32
          %dma_wait3A_726 = arith.constant 0 : i32
          %dma_wait3A_727 = tpu.memref_slice %arg2[%dma_wait3A_725, %dma_wait3A_726] : memref<16384x1792xf32, #tpu.memory_space<hbm>> -> memref<16384x1792xf32, #tpu.memory_space<hbm>>
          tpu.wait_indirect_dma semaphore(%arg12 : memref<!tpu.dma_semaphore, #tpu.memory_space<semaphore_mem>>) src(%dma_wait3A_727 : memref<16384x1792xf32, #tpu.memory_space<hbm>>) dst(%arg10 : memref<16x1792xf32, #tpu.memory_space<vmem>>)
          %broadcast_in_dim3A_728 = arith.constant 0 : i32
          %broadcast_in_dim3A_729 = vector.broadcast %broadcast_in_dim3A_728 : i32 to vector<16xi32>
          %mul3A_730 = arith.constant 16 : i32
          %mul3A_731 = arith.muli %add3A_718, %mul3A_730 : i32
          %add3A_732 = arith.constant 0 : i32
          %add3A_733 = arith.addi %mul3A_731, %add3A_732 : i32
          %add3A_734 = vector.broadcast %add3A_733 : i32 to vector<16xi32>
          %add3A_735 = arith.addi %broadcast_in_dim3A_729, %add3A_734 : vector<16xi32>
          %gather3A = tpu.vector_load_idx %arg7[%add3A_735] : memref<256xi32, #tpu.memory_space<vmem>>[vector<16xi32>], vector<16xi32>,
          %mul3A_736 = arith.constant 1792 : i32
          %mul3A_737 = vector.broadcast %mul3A_736 : i32 to vector<16xi32>
          %mul3A_738 = arith.muli %gather3A, %mul3A_737 : vector<16xi32>
          %add3A_739 = arith.addi %mul3A_738, %iota3A : vector<16xi32>
          %broadcast_in_dim3A_740 = arith.constant 0 : i32
          %broadcast_in_dim3A_741 = vector.broadcast %broadcast_in_dim3A_740 : i32 to vector<16xi32>
          %mul3A_742 = arith.constant 16 : i32
          %mul3A_743 = arith.muli %add3A_718, %mul3A_742 : i32
          %add3A_744 = arith.constant 1 : i32
          %add3A_745 = arith.addi %mul3A_743, %add3A_744 : i32
          %add3A_746 = vector.broadcast %add3A_745 : i32 to vector<16xi32>
          %add3A_747 = arith.addi %broadcast_in_dim3A_741, %add3A_746 : vector<16xi32>
          %gather3A_748 = tpu.vector_load_idx %arg7[%add3A_747] : memref<256xi32, #tpu.memory_space<vmem>>[vector<16xi32>], vector<16xi32>,
          %mul3A_749 = arith.constant 1792 : i32
          %mul3A_750 = vector.broadcast %mul3A_749 : i32 to vector<16xi32>
          %mul3A_751 = arith.muli %gather3A_748, %mul3A_750 : vector<16xi32>
          %add3A_752 = arith.addi %mul3A_751, %iota3A : vector<16xi32>
          %broadcast_in_dim3A_753 = arith.constant 0 : i32
          %broadcast_in_dim3A_754 = vector.broadcast %broadcast_in_dim3A_753 : i32 to vector<16xi32>
          %mul3A_755 = arith.constant 16 : i32
          %mul3A_756 = arith.muli %add3A_718, %mul3A_755 : i32
          %add3A_757 = arith.constant 2 : i32
          %add3A_758 = arith.addi %mul3A_756, %add3A_757 : i32
          %add3A_759 = vector.broadcast %add3A_758 : i32 to vector<16xi32>
          %add3A_760 = arith.addi %broadcast_in_dim3A_754, %add3A_759 : vector<16xi32>
          %gather3A_761 = tpu.vector_load_idx %arg7[%add3A_760] : memref<256xi32, #tpu.memory_space<vmem>>[vector<16xi32>], vector<16xi32>,
          %mul3A_762 = arith.constant 1792 : i32
          %mul3A_763 = vector.broadcast %mul3A_762 : i32 to vector<16xi32>
          %mul3A_764 = arith.muli %gather3A_761, %mul3A_763 : vector<16xi32>
          %add3A_765 = arith.addi %mul3A_764, %iota3A : vector<16xi32>
          %broadcast_in_dim3A_766 = arith.constant 0 : i32
          %broadcast_in_dim3A_767 = vector.broadcast %broadcast_in_dim3A_766 : i32 to vector<16xi32>
          %mul3A_768 = arith.constant 16 : i32
          %mul3A_769 = arith.muli %add3A_718, %mul3A_768 : i32
          %add3A_770 = arith.constant 3 : i32
          %add3A_771 = arith.addi %mul3A_769, %add3A_770 : i32
          %add3A_772 = vector.broadcast %add3A_771 : i32 to vector<16xi32>
          %add3A_773 = arith.addi %broadcast_in_dim3A_767, %add3A_772 : vector<16xi32>
          %gather3A_774 = tpu.vector_load_idx %arg7[%add3A_773] : memref<256xi32, #tpu.memory_space<vmem>>[vector<16xi32>], vector<16xi32>,
          %mul3A_775 = arith.constant 1792 : i32
          %mul3A_776 = vector.broadcast %mul3A_775 : i32 to vector<16xi32>
          %mul3A_777 = arith.muli %gather3A_774, %mul3A_776 : vector<16xi32>
          %add3A_778 = arith.addi %mul3A_777, %iota3A : vector<16xi32>
          %scan3A_779 = arith.constant 0 : i32
          %scan3A_780 = arith.constant 0 : i32
          %scan3A_781 = arith.constant 28 : i32
          %scan3A_782 = arith.addi %scan3A_780, %scan3A_781 : i32
          %scan3A_783 = arith.constant 1 : i32
          scf.for %scan3A_965 = %scan3A_780 to %scan3A_782 step %scan3A_783  : i32 {
            %mul3A_966 = arith.constant 64 : i32
            %mul3A_967 = arith.muli %scan3A_965, %mul3A_966 : i32
            %add3A_968 = arith.constant 0 : i32
            %add3A_969 = arith.addi %mul3A_967, %add3A_968 : i32
            %add3A_970 = arith.constant 0 : i32
            %add3A_971 = arith.addi %mul3A_967, %add3A_970 : i32
            %get3A_972 = arith.constant 0 : i32
            %get3A_973 = arith.index_cast %get3A_972 : i32 to index
            %get3A_974 = arith.index_cast %add3A_971 : i32 to index
            %get3A_975 = tpu.vector_load %arg10[%get3A_973, %get3A_974] {strides = array<i32>} : memref<16x1792xf32, #tpu.memory_space<vmem>>, vector<16xf32>,
            %add3A_976 = arith.constant 0 : i32
            %add3A_977 = arith.addi %mul3A_967, %add3A_976 : i32
            %add3A_978 = arith.constant 0 : i32
            %add3A_979 = arith.addi %mul3A_967, %add3A_978 : i32
            %get3A_980 = arith.constant 1 : i32
            %get3A_981 = arith.index_cast %get3A_980 : i32 to index
            %get3A_982 = arith.index_cast %add3A_979 : i32 to index
            %get3A_983 = tpu.vector_load %arg10[%get3A_981, %get3A_982] {strides = array<i32>} : memref<16x1792xf32, #tpu.memory_space<vmem>>, vector<16xf32>,
            %add3A_984 = arith.constant 0 : i32
            %add3A_985 = arith.addi %mul3A_967, %add3A_984 : i32
            %add3A_986 = arith.constant 0 : i32
            %add3A_987 = arith.addi %mul3A_967, %add3A_986 : i32
            %get3A_988 = arith.constant 2 : i32
            %get3A_989 = arith.index_cast %get3A_988 : i32 to index
            %get3A_990 = arith.index_cast %add3A_987 : i32 to index
            %get3A_991 = tpu.vector_load %arg10[%get3A_989, %get3A_990] {strides = array<i32>} : memref<16x1792xf32, #tpu.memory_space<vmem>>, vector<16xf32>,
            %add3A_992 = arith.constant 0 : i32
            %add3A_993 = arith.addi %mul3A_967, %add3A_992 : i32
            %add3A_994 = arith.constant 0 : i32
            %add3A_995 = arith.addi %mul3A_967, %add3A_994 : i32
            %get3A_996 = arith.constant 3 : i32
            %get3A_997 = arith.index_cast %get3A_996 : i32 to index
            %get3A_998 = arith.index_cast %add3A_995 : i32 to index
            %get3A_999 = tpu.vector_load %arg10[%get3A_997, %get3A_998] {strides = array<i32>} : memref<16x1792xf32, #tpu.memory_space<vmem>>, vector<16xf32>,
            %add3A_1000 = arith.constant 16 : i32
            %add3A_1001 = arith.addi %mul3A_967, %add3A_1000 : i32
            %add3A_1002 = arith.constant 16 : i32
            %add3A_1003 = arith.addi %mul3A_967, %add3A_1002 : i32
            %get3A_1004 = arith.constant 0 : i32
            %get3A_1005 = arith.index_cast %get3A_1004 : i32 to index
            %get3A_1006 = arith.index_cast %add3A_1003 : i32 to index
            %get3A_1007 = tpu.vector_load %arg10[%get3A_1005, %get3A_1006] {strides = array<i32>} : memref<16x1792xf32, #tpu.memory_space<vmem>>, vector<16xf32>,
            %add3A_1008 = arith.constant 16 : i32
            %add3A_1009 = arith.addi %mul3A_967, %add3A_1008 : i32
            %add3A_1010 = arith.constant 16 : i32
            %add3A_1011 = arith.addi %mul3A_967, %add3A_1010 : i32
            %get3A_1012 = arith.constant 1 : i32
            %get3A_1013 = arith.index_cast %get3A_1012 : i32 to index
            %get3A_1014 = arith.index_cast %add3A_1011 : i32 to index
            %get3A_1015 = tpu.vector_load %arg10[%get3A_1013, %get3A_1014] {strides = array<i32>} : memref<16x1792xf32, #tpu.memory_space<vmem>>, vector<16xf32>,
            %add3A_1016 = arith.constant 16 : i32
            %add3A_1017 = arith.addi %mul3A_967, %add3A_1016 : i32
            %add3A_1018 = arith.constant 16 : i32
            %add3A_1019 = arith.addi %mul3A_967, %add3A_1018 : i32
            %get3A_1020 = arith.constant 2 : i32
            %get3A_1021 = arith.index_cast %get3A_1020 : i32 to index
            %get3A_1022 = arith.index_cast %add3A_1019 : i32 to index
            %get3A_1023 = tpu.vector_load %arg10[%get3A_1021, %get3A_1022] {strides = array<i32>} : memref<16x1792xf32, #tpu.memory_space<vmem>>, vector<16xf32>,
            %add3A_1024 = arith.constant 16 : i32
            %add3A_1025 = arith.addi %mul3A_967, %add3A_1024 : i32
            %add3A_1026 = arith.constant 16 : i32
            %add3A_1027 = arith.addi %mul3A_967, %add3A_1026 : i32
            %get3A_1028 = arith.constant 3 : i32
            %get3A_1029 = arith.index_cast %get3A_1028 : i32 to index
            %get3A_1030 = arith.index_cast %add3A_1027 : i32 to index
            %get3A_1031 = tpu.vector_load %arg10[%get3A_1029, %get3A_1030] {strides = array<i32>} : memref<16x1792xf32, #tpu.memory_space<vmem>>, vector<16xf32>,
            %add3A_1032 = arith.constant 32 : i32
            %add3A_1033 = arith.addi %mul3A_967, %add3A_1032 : i32
            %add3A_1034 = arith.constant 32 : i32
            %add3A_1035 = arith.addi %mul3A_967, %add3A_1034 : i32
            %get3A_1036 = arith.constant 0 : i32
            %get3A_1037 = arith.index_cast %get3A_1036 : i32 to index
            %get3A_1038 = arith.index_cast %add3A_1035 : i32 to index
            %get3A_1039 = tpu.vector_load %arg10[%get3A_1037, %get3A_1038] {strides = array<i32>} : memref<16x1792xf32, #tpu.memory_space<vmem>>, vector<16xf32>,
            %add3A_1040 = arith.constant 32 : i32
            %add3A_1041 = arith.addi %mul3A_967, %add3A_1040 : i32
            %add3A_1042 = arith.constant 32 : i32
            %add3A_1043 = arith.addi %mul3A_967, %add3A_1042 : i32
            %get3A_1044 = arith.constant 1 : i32
            %get3A_1045 = arith.index_cast %get3A_1044 : i32 to index
            %get3A_1046 = arith.index_cast %add3A_1043 : i32 to index
            %get3A_1047 = tpu.vector_load %arg10[%get3A_1045, %get3A_1046] {strides = array<i32>} : memref<16x1792xf32, #tpu.memory_space<vmem>>, vector<16xf32>,
            %add3A_1048 = arith.constant 32 : i32
            %add3A_1049 = arith.addi %mul3A_967, %add3A_1048 : i32
            %add3A_1050 = arith.constant 32 : i32
            %add3A_1051 = arith.addi %mul3A_967, %add3A_1050 : i32
            %get3A_1052 = arith.constant 2 : i32
            %get3A_1053 = arith.index_cast %get3A_1052 : i32 to index
            %get3A_1054 = arith.index_cast %add3A_1051 : i32 to index
            %get3A_1055 = tpu.vector_load %arg10[%get3A_1053, %get3A_1054] {strides = array<i32>} : memref<16x1792xf32, #tpu.memory_space<vmem>>, vector<16xf32>,
            %add3A_1056 = arith.constant 32 : i32
            %add3A_1057 = arith.addi %mul3A_967, %add3A_1056 : i32
            %add3A_1058 = arith.constant 32 : i32
            %add3A_1059 = arith.addi %mul3A_967, %add3A_1058 : i32
            %get3A_1060 = arith.constant 3 : i32
            %get3A_1061 = arith.index_cast %get3A_1060 : i32 to index
            %get3A_1062 = arith.index_cast %add3A_1059 : i32 to index
            %get3A_1063 = tpu.vector_load %arg10[%get3A_1061, %get3A_1062] {strides = array<i32>} : memref<16x1792xf32, #tpu.memory_space<vmem>>, vector<16xf32>,
            %add3A_1064 = arith.constant 48 : i32
            %add3A_1065 = arith.addi %mul3A_967, %add3A_1064 : i32
            %add3A_1066 = arith.constant 48 : i32
            %add3A_1067 = arith.addi %mul3A_967, %add3A_1066 : i32
            %get3A_1068 = arith.constant 0 : i32
            %get3A_1069 = arith.index_cast %get3A_1068 : i32 to index
            %get3A_1070 = arith.index_cast %add3A_1067 : i32 to index
            %get3A_1071 = tpu.vector_load %arg10[%get3A_1069, %get3A_1070] {strides = array<i32>} : memref<16x1792xf32, #tpu.memory_space<vmem>>, vector<16xf32>,
            %add3A_1072 = arith.constant 48 : i32
            %add3A_1073 = arith.addi %mul3A_967, %add3A_1072 : i32
            %add3A_1074 = arith.constant 48 : i32
            %add3A_1075 = arith.addi %mul3A_967, %add3A_1074 : i32
            %get3A_1076 = arith.constant 1 : i32
            %get3A_1077 = arith.index_cast %get3A_1076 : i32 to index
            %get3A_1078 = arith.index_cast %add3A_1075 : i32 to index
            %get3A_1079 = tpu.vector_load %arg10[%get3A_1077, %get3A_1078] {strides = array<i32>} : memref<16x1792xf32, #tpu.memory_space<vmem>>, vector<16xf32>,
            %add3A_1080 = arith.constant 48 : i32
            %add3A_1081 = arith.addi %mul3A_967, %add3A_1080 : i32
            %add3A_1082 = arith.constant 48 : i32
            %add3A_1083 = arith.addi %mul3A_967, %add3A_1082 : i32
            %get3A_1084 = arith.constant 2 : i32
            %get3A_1085 = arith.index_cast %get3A_1084 : i32 to index
            %get3A_1086 = arith.index_cast %add3A_1083 : i32 to index
            %get3A_1087 = tpu.vector_load %arg10[%get3A_1085, %get3A_1086] {strides = array<i32>} : memref<16x1792xf32, #tpu.memory_space<vmem>>, vector<16xf32>,
            %add3A_1088 = arith.constant 48 : i32
            %add3A_1089 = arith.addi %mul3A_967, %add3A_1088 : i32
            %add3A_1090 = arith.constant 48 : i32
            %add3A_1091 = arith.addi %mul3A_967, %add3A_1090 : i32
            %get3A_1092 = arith.constant 3 : i32
            %get3A_1093 = arith.index_cast %get3A_1092 : i32 to index
            %get3A_1094 = arith.index_cast %add3A_1091 : i32 to index
            %get3A_1095 = tpu.vector_load %arg10[%get3A_1093, %get3A_1094] {strides = array<i32>} : memref<16x1792xf32, #tpu.memory_space<vmem>>, vector<16xf32>,
            %add3A_1096 = vector.broadcast %add3A_969 : i32 to vector<16xi32>
            %add3A_1097 = arith.addi %add3A_739, %add3A_1096 : vector<16xi32>
            tpu.vector_store_idx %arg8[%add3A_1097], %get3A_975 {add = true} : memref<59136xf32, #tpu.memory_space<vmem>>[vector<16xi32>], vector<16xf32>,
            %add3A_1098 = vector.broadcast %add3A_977 : i32 to vector<16xi32>
            %add3A_1099 = arith.addi %add3A_752, %add3A_1098 : vector<16xi32>
            tpu.vector_store_idx %arg8[%add3A_1099], %get3A_983 {add = true} : memref<59136xf32, #tpu.memory_space<vmem>>[vector<16xi32>], vector<16xf32>,
            %add3A_1100 = vector.broadcast %add3A_985 : i32 to vector<16xi32>
            %add3A_1101 = arith.addi %add3A_765, %add3A_1100 : vector<16xi32>
            tpu.vector_store_idx %arg8[%add3A_1101], %get3A_991 {add = true} : memref<59136xf32, #tpu.memory_space<vmem>>[vector<16xi32>], vector<16xf32>,
            %add3A_1102 = vector.broadcast %add3A_993 : i32 to vector<16xi32>
            %add3A_1103 = arith.addi %add3A_778, %add3A_1102 : vector<16xi32>
            tpu.vector_store_idx %arg8[%add3A_1103], %get3A_999 {add = true} : memref<59136xf32, #tpu.memory_space<vmem>>[vector<16xi32>], vector<16xf32>,
            %add3A_1104 = vector.broadcast %add3A_1001 : i32 to vector<16xi32>
            %add3A_1105 = arith.addi %add3A_739, %add3A_1104 : vector<16xi32>
            tpu.vector_store_idx %arg8[%add3A_1105], %get3A_1007 {add = true} : memref<59136xf32, #tpu.memory_space<vmem>>[vector<16xi32>], vector<16xf32>,
            %add3A_1106 = vector.broadcast %add3A_1009 : i32 to vector<16xi32>
            %add3A_1107 = arith.addi %add3A_752, %add3A_1106 : vector<16xi32>
            tpu.vector_store_idx %arg8[%add3A_1107], %get3A_1015 {add = true} : memref<59136xf32, #tpu.memory_space<vmem>>[vector<16xi32>], vector<16xf32>,
            %add3A_1108 = vector.broadcast %add3A_1017 : i32 to vector<16xi32>
            %add3A_1109 = arith.addi %add3A_765, %add3A_1108 : vector<16xi32>
            tpu.vector_store_idx %arg8[%add3A_1109], %get3A_1023 {add = true} : memref<59136xf32, #tpu.memory_space<vmem>>[vector<16xi32>], vector<16xf32>,
            %add3A_1110 = vector.broadcast %add3A_1025 : i32 to vector<16xi32>
            %add3A_1111 = arith.addi %add3A_778, %add3A_1110 : vector<16xi32>
            tpu.vector_store_idx %arg8[%add3A_1111], %get3A_1031 {add = true} : memref<59136xf32, #tpu.memory_space<vmem>>[vector<16xi32>], vector<16xf32>,
            %add3A_1112 = vector.broadcast %add3A_1033 : i32 to vector<16xi32>
            %add3A_1113 = arith.addi %add3A_739, %add3A_1112 : vector<16xi32>
            tpu.vector_store_idx %arg8[%add3A_1113], %get3A_1039 {add = true} : memref<59136xf32, #tpu.memory_space<vmem>>[vector<16xi32>], vector<16xf32>,
            %add3A_1114 = vector.broadcast %add3A_1041 : i32 to vector<16xi32>
            %add3A_1115 = arith.addi %add3A_752, %add3A_1114 : vector<16xi32>
            tpu.vector_store_idx %arg8[%add3A_1115], %get3A_1047 {add = true} : memref<59136xf32, #tpu.memory_space<vmem>>[vector<16xi32>], vector<16xf32>,
            %add3A_1116 = vector.broadcast %add3A_1049 : i32 to vector<16xi32>
            %add3A_1117 = arith.addi %add3A_765, %add3A_1116 : vector<16xi32>
            tpu.vector_store_idx %arg8[%add3A_1117], %get3A_1055 {add = true} : memref<59136xf32, #tpu.memory_space<vmem>>[vector<16xi32>], vector<16xf32>,
            %add3A_1118 = vector.broadcast %add3A_1057 : i32 to vector<16xi32>
            %add3A_1119 = arith.addi %add3A_778, %add3A_1118 : vector<16xi32>
            tpu.vector_store_idx %arg8[%add3A_1119], %get3A_1063 {add = true} : memref<59136xf32, #tpu.memory_space<vmem>>[vector<16xi32>], vector<16xf32>,
            %add3A_1120 = vector.broadcast %add3A_1065 : i32 to vector<16xi32>
            %add3A_1121 = arith.addi %add3A_739, %add3A_1120 : vector<16xi32>
            tpu.vector_store_idx %arg8[%add3A_1121], %get3A_1071 {add = true} : memref<59136xf32, #tpu.memory_space<vmem>>[vector<16xi32>], vector<16xf32>,
            %add3A_1122 = vector.broadcast %add3A_1073 : i32 to vector<16xi32>
            %add3A_1123 = arith.addi %add3A_752, %add3A_1122 : vector<16xi32>
            tpu.vector_store_idx %arg8[%add3A_1123], %get3A_1079 {add = true} : memref<59136xf32, #tpu.memory_space<vmem>>[vector<16xi32>], vector<16xf32>,
            %add3A_1124 = vector.broadcast %add3A_1081 : i32 to vector<16xi32>
            %add3A_1125 = arith.addi %add3A_765, %add3A_1124 : vector<16xi32>
            tpu.vector_store_idx %arg8[%add3A_1125], %get3A_1087 {add = true} : memref<59136xf32, #tpu.memory_space<vmem>>[vector<16xi32>], vector<16xf32>,
            %add3A_1126 = vector.broadcast %add3A_1089 : i32 to vector<16xi32>
            %add3A_1127 = arith.addi %add3A_778, %add3A_1126 : vector<16xi32>
            tpu.vector_store_idx %arg8[%add3A_1127], %get3A_1095 {add = true} : memref<59136xf32, #tpu.memory_space<vmem>>[vector<16xi32>], vector<16xf32>,
          }
          %scan3A_784 = arith.constant 28 : i32
          %broadcast_in_dim3A_785 = arith.constant 0 : i32
          %broadcast_in_dim3A_786 = vector.broadcast %broadcast_in_dim3A_785 : i32 to vector<16xi32>
          %mul3A_787 = arith.constant 16 : i32
          %mul3A_788 = arith.muli %add3A_718, %mul3A_787 : i32
          %add3A_789 = arith.constant 4 : i32
          %add3A_790 = arith.addi %mul3A_788, %add3A_789 : i32
          %add3A_791 = vector.broadcast %add3A_790 : i32 to vector<16xi32>
          %add3A_792 = arith.addi %broadcast_in_dim3A_786, %add3A_791 : vector<16xi32>
          %gather3A_793 = tpu.vector_load_idx %arg7[%add3A_792] : memref<256xi32, #tpu.memory_space<vmem>>[vector<16xi32>], vector<16xi32>,
          %mul3A_794 = arith.constant 1792 : i32
          %mul3A_795 = vector.broadcast %mul3A_794 : i32 to vector<16xi32>
          %mul3A_796 = arith.muli %gather3A_793, %mul3A_795 : vector<16xi32>
          %add3A_797 = arith.addi %mul3A_796, %iota3A : vector<16xi32>
          %broadcast_in_dim3A_798 = arith.constant 0 : i32
          %broadcast_in_dim3A_799 = vector.broadcast %broadcast_in_dim3A_798 : i32 to vector<16xi32>
          %mul3A_800 = arith.constant 16 : i32
          %mul3A_801 = arith.muli %add3A_718, %mul3A_800 : i32
          %add3A_802 = arith.constant 5 : i32
          %add3A_803 = arith.addi %mul3A_801, %add3A_802 : i32
          %add3A_804 = vector.broadcast %add3A_803 : i32 to vector<16xi32>
          %add3A_805 = arith.addi %broadcast_in_dim3A_799, %add3A_804 : vector<16xi32>
          %gather3A_806 = tpu.vector_load_idx %arg7[%add3A_805] : memref<256xi32, #tpu.memory_space<vmem>>[vector<16xi32>], vector<16xi32>,
          %mul3A_807 = arith.constant 1792 : i32
          %mul3A_808 = vector.broadcast %mul3A_807 : i32 to vector<16xi32>
          %mul3A_809 = arith.muli %gather3A_806, %mul3A_808 : vector<16xi32>
          %add3A_810 = arith.addi %mul3A_809, %iota3A : vector<16xi32>
          %broadcast_in_dim3A_811 = arith.constant 0 : i32
          %broadcast_in_dim3A_812 = vector.broadcast %broadcast_in_dim3A_811 : i32 to vector<16xi32>
          %mul3A_813 = arith.constant 16 : i32
          %mul3A_814 = arith.muli %add3A_718, %mul3A_813 : i32
          %add3A_815 = arith.constant 6 : i32
          %add3A_816 = arith.addi %mul3A_814, %add3A_815 : i32
          %add3A_817 = vector.broadcast %add3A_816 : i32 to vector<16xi32>
          %add3A_818 = arith.addi %broadcast_in_dim3A_812, %add3A_817 : vector<16xi32>
          %gather3A_819 = tpu.vector_load_idx %arg7[%add3A_818] : memref<256xi32, #tpu.memory_space<vmem>>[vector<16xi32>], vector<16xi32>,
          %mul3A_820 = arith.constant 1792 : i32
          %mul3A_821 = vector.broadcast %mul3A_820 : i32 to vector<16xi32>
          %mul3A_822 = arith.muli %gather3A_819, %mul3A_821 : vector<16xi32>
          %add3A_823 = arith.addi %mul3A_822, %iota3A : vector<16xi32>
          %broadcast_in_dim3A_824 = arith.constant 0 : i32
          %broadcast_in_dim3A_825 = vector.broadcast %broadcast_in_dim3A_824 : i32 to vector<16xi32>
          %mul3A_826 = arith.constant 16 : i32
          %mul3A_827 = arith.muli %add3A_718, %mul3A_826 : i32
          %add3A_828 = arith.constant 7 : i32
          %add3A_829 = arith.addi %mul3A_827, %add3A_828 : i32
          %add3A_830 = vector.broadcast %add3A_829 : i32 to vector<16xi32>
          %add3A_831 = arith.addi %broadcast_in_dim3A_825, %add3A_830 : vector<16xi32>
          %gather3A_832 = tpu.vector_load_idx %arg7[%add3A_831] : memref<256xi32, #tpu.memory_space<vmem>>[vector<16xi32>], vector<16xi32>,
          %mul3A_833 = arith.constant 1792 : i32
          %mul3A_834 = vector.broadcast %mul3A_833 : i32 to vector<16xi32>
          %mul3A_835 = arith.muli %gather3A_832, %mul3A_834 : vector<16xi32>
          %add3A_836 = arith.addi %mul3A_835, %iota3A : vector<16xi32>
          %scan3A_837 = arith.constant 0 : i32
          %scan3A_838 = arith.constant 0 : i32
          %scan3A_839 = arith.constant 28 : i32
          %scan3A_840 = arith.addi %scan3A_838, %scan3A_839 : i32
          %scan3A_841 = arith.constant 1 : i32
          scf.for %scan3A_965 = %scan3A_838 to %scan3A_840 step %scan3A_841  : i32 {
            %mul3A_966 = arith.constant 64 : i32
            %mul3A_967 = arith.muli %scan3A_965, %mul3A_966 : i32
            %add3A_968 = arith.constant 0 : i32
            %add3A_969 = arith.addi %mul3A_967, %add3A_968 : i32
            %add3A_970 = arith.constant 0 : i32
            %add3A_971 = arith.addi %mul3A_967, %add3A_970 : i32
            %get3A_972 = arith.constant 4 : i32
            %get3A_973 = arith.index_cast %get3A_972 : i32 to index
            %get3A_974 = arith.index_cast %add3A_971 : i32 to index
            %get3A_975 = tpu.vector_load %arg10[%get3A_973, %get3A_974] {strides = array<i32>} : memref<16x1792xf32, #tpu.memory_space<vmem>>, vector<16xf32>,
            %add3A_976 = arith.constant 0 : i32
            %add3A_977 = arith.addi %mul3A_967, %add3A_976 : i32
            %add3A_978 = arith.constant 0 : i32
            %add3A_979 = arith.addi %mul3A_967, %add3A_978 : i32
            %get3A_980 = arith.constant 5 : i32
            %get3A_981 = arith.index_cast %get3A_980 : i32 to index
            %get3A_982 = arith.index_cast %add3A_979 : i32 to index
            %get3A_983 = tpu.vector_load %arg10[%get3A_981, %get3A_982] {strides = array<i32>} : memref<16x1792xf32, #tpu.memory_space<vmem>>, vector<16xf32>,
            %add3A_984 = arith.constant 0 : i32
            %add3A_985 = arith.addi %mul3A_967, %add3A_984 : i32
            %add3A_986 = arith.constant 0 : i32
            %add3A_987 = arith.addi %mul3A_967, %add3A_986 : i32
            %get3A_988 = arith.constant 6 : i32
            %get3A_989 = arith.index_cast %get3A_988 : i32 to index
            %get3A_990 = arith.index_cast %add3A_987 : i32 to index
            %get3A_991 = tpu.vector_load %arg10[%get3A_989, %get3A_990] {strides = array<i32>} : memref<16x1792xf32, #tpu.memory_space<vmem>>, vector<16xf32>,
            %add3A_992 = arith.constant 0 : i32
            %add3A_993 = arith.addi %mul3A_967, %add3A_992 : i32
            %add3A_994 = arith.constant 0 : i32
            %add3A_995 = arith.addi %mul3A_967, %add3A_994 : i32
            %get3A_996 = arith.constant 7 : i32
            %get3A_997 = arith.index_cast %get3A_996 : i32 to index
            %get3A_998 = arith.index_cast %add3A_995 : i32 to index
            %get3A_999 = tpu.vector_load %arg10[%get3A_997, %get3A_998] {strides = array<i32>} : memref<16x1792xf32, #tpu.memory_space<vmem>>, vector<16xf32>,
            %add3A_1000 = arith.constant 16 : i32
            %add3A_1001 = arith.addi %mul3A_967, %add3A_1000 : i32
            %add3A_1002 = arith.constant 16 : i32
            %add3A_1003 = arith.addi %mul3A_967, %add3A_1002 : i32
            %get3A_1004 = arith.constant 4 : i32
            %get3A_1005 = arith.index_cast %get3A_1004 : i32 to index
            %get3A_1006 = arith.index_cast %add3A_1003 : i32 to index
            %get3A_1007 = tpu.vector_load %arg10[%get3A_1005, %get3A_1006] {strides = array<i32>} : memref<16x1792xf32, #tpu.memory_space<vmem>>, vector<16xf32>,
            %add3A_1008 = arith.constant 16 : i32
            %add3A_1009 = arith.addi %mul3A_967, %add3A_1008 : i32
            %add3A_1010 = arith.constant 16 : i32
            %add3A_1011 = arith.addi %mul3A_967, %add3A_1010 : i32
            %get3A_1012 = arith.constant 5 : i32
            %get3A_1013 = arith.index_cast %get3A_1012 : i32 to index
            %get3A_1014 = arith.index_cast %add3A_1011 : i32 to index
            %get3A_1015 = tpu.vector_load %arg10[%get3A_1013, %get3A_1014] {strides = array<i32>} : memref<16x1792xf32, #tpu.memory_space<vmem>>, vector<16xf32>,
            %add3A_1016 = arith.constant 16 : i32
            %add3A_1017 = arith.addi %mul3A_967, %add3A_1016 : i32
            %add3A_1018 = arith.constant 16 : i32
            %add3A_1019 = arith.addi %mul3A_967, %add3A_1018 : i32
            %get3A_1020 = arith.constant 6 : i32
            %get3A_1021 = arith.index_cast %get3A_1020 : i32 to index
            %get3A_1022 = arith.index_cast %add3A_1019 : i32 to index
            %get3A_1023 = tpu.vector_load %arg10[%get3A_1021, %get3A_1022] {strides = array<i32>} : memref<16x1792xf32, #tpu.memory_space<vmem>>, vector<16xf32>,
            %add3A_1024 = arith.constant 16 : i32
            %add3A_1025 = arith.addi %mul3A_967, %add3A_1024 : i32
            %add3A_1026 = arith.constant 16 : i32
            %add3A_1027 = arith.addi %mul3A_967, %add3A_1026 : i32
            %get3A_1028 = arith.constant 7 : i32
            %get3A_1029 = arith.index_cast %get3A_1028 : i32 to index
            %get3A_1030 = arith.index_cast %add3A_1027 : i32 to index
            %get3A_1031 = tpu.vector_load %arg10[%get3A_1029, %get3A_1030] {strides = array<i32>} : memref<16x1792xf32, #tpu.memory_space<vmem>>, vector<16xf32>,
            %add3A_1032 = arith.constant 32 : i32
            %add3A_1033 = arith.addi %mul3A_967, %add3A_1032 : i32
            %add3A_1034 = arith.constant 32 : i32
            %add3A_1035 = arith.addi %mul3A_967, %add3A_1034 : i32
            %get3A_1036 = arith.constant 4 : i32
            %get3A_1037 = arith.index_cast %get3A_1036 : i32 to index
            %get3A_1038 = arith.index_cast %add3A_1035 : i32 to index
            %get3A_1039 = tpu.vector_load %arg10[%get3A_1037, %get3A_1038] {strides = array<i32>} : memref<16x1792xf32, #tpu.memory_space<vmem>>, vector<16xf32>,
            %add3A_1040 = arith.constant 32 : i32
            %add3A_1041 = arith.addi %mul3A_967, %add3A_1040 : i32
            %add3A_1042 = arith.constant 32 : i32
            %add3A_1043 = arith.addi %mul3A_967, %add3A_1042 : i32
            %get3A_1044 = arith.constant 5 : i32
            %get3A_1045 = arith.index_cast %get3A_1044 : i32 to index
            %get3A_1046 = arith.index_cast %add3A_1043 : i32 to index
            %get3A_1047 = tpu.vector_load %arg10[%get3A_1045, %get3A_1046] {strides = array<i32>} : memref<16x1792xf32, #tpu.memory_space<vmem>>, vector<16xf32>,
            %add3A_1048 = arith.constant 32 : i32
            %add3A_1049 = arith.addi %mul3A_967, %add3A_1048 : i32
            %add3A_1050 = arith.constant 32 : i32
            %add3A_1051 = arith.addi %mul3A_967, %add3A_1050 : i32
            %get3A_1052 = arith.constant 6 : i32
            %get3A_1053 = arith.index_cast %get3A_1052 : i32 to index
            %get3A_1054 = arith.index_cast %add3A_1051 : i32 to index
            %get3A_1055 = tpu.vector_load %arg10[%get3A_1053, %get3A_1054] {strides = array<i32>} : memref<16x1792xf32, #tpu.memory_space<vmem>>, vector<16xf32>,
            %add3A_1056 = arith.constant 32 : i32
            %add3A_1057 = arith.addi %mul3A_967, %add3A_1056 : i32
            %add3A_1058 = arith.constant 32 : i32
            %add3A_1059 = arith.addi %mul3A_967, %add3A_1058 : i32
            %get3A_1060 = arith.constant 7 : i32
            %get3A_1061 = arith.index_cast %get3A_1060 : i32 to index
            %get3A_1062 = arith.index_cast %add3A_1059 : i32 to index
            %get3A_1063 = tpu.vector_load %arg10[%get3A_1061, %get3A_1062] {strides = array<i32>} : memref<16x1792xf32, #tpu.memory_space<vmem>>, vector<16xf32>,
            %add3A_1064 = arith.constant 48 : i32
            %add3A_1065 = arith.addi %mul3A_967, %add3A_1064 : i32
            %add3A_1066 = arith.constant 48 : i32
            %add3A_1067 = arith.addi %mul3A_967, %add3A_1066 : i32
            %get3A_1068 = arith.constant 4 : i32
            %get3A_1069 = arith.index_cast %get3A_1068 : i32 to index
            %get3A_1070 = arith.index_cast %add3A_1067 : i32 to index
            %get3A_1071 = tpu.vector_load %arg10[%get3A_1069, %get3A_1070] {strides = array<i32>} : memref<16x1792xf32, #tpu.memory_space<vmem>>, vector<16xf32>,
            %add3A_1072 = arith.constant 48 : i32
            %add3A_1073 = arith.addi %mul3A_967, %add3A_1072 : i32
            %add3A_1074 = arith.constant 48 : i32
            %add3A_1075 = arith.addi %mul3A_967, %add3A_1074 : i32
            %get3A_1076 = arith.constant 5 : i32
            %get3A_1077 = arith.index_cast %get3A_1076 : i32 to index
            %get3A_1078 = arith.index_cast %add3A_1075 : i32 to index
            %get3A_1079 = tpu.vector_load %arg10[%get3A_1077, %get3A_1078] {strides = array<i32>} : memref<16x1792xf32, #tpu.memory_space<vmem>>, vector<16xf32>,
            %add3A_1080 = arith.constant 48 : i32
            %add3A_1081 = arith.addi %mul3A_967, %add3A_1080 : i32
            %add3A_1082 = arith.constant 48 : i32
            %add3A_1083 = arith.addi %mul3A_967, %add3A_1082 : i32
            %get3A_1084 = arith.constant 6 : i32
            %get3A_1085 = arith.index_cast %get3A_1084 : i32 to index
            %get3A_1086 = arith.index_cast %add3A_1083 : i32 to index
            %get3A_1087 = tpu.vector_load %arg10[%get3A_1085, %get3A_1086] {strides = array<i32>} : memref<16x1792xf32, #tpu.memory_space<vmem>>, vector<16xf32>,
            %add3A_1088 = arith.constant 48 : i32
            %add3A_1089 = arith.addi %mul3A_967, %add3A_1088 : i32
            %add3A_1090 = arith.constant 48 : i32
            %add3A_1091 = arith.addi %mul3A_967, %add3A_1090 : i32
            %get3A_1092 = arith.constant 7 : i32
            %get3A_1093 = arith.index_cast %get3A_1092 : i32 to index
            %get3A_1094 = arith.index_cast %add3A_1091 : i32 to index
            %get3A_1095 = tpu.vector_load %arg10[%get3A_1093, %get3A_1094] {strides = array<i32>} : memref<16x1792xf32, #tpu.memory_space<vmem>>, vector<16xf32>,
            %add3A_1096 = vector.broadcast %add3A_969 : i32 to vector<16xi32>
            %add3A_1097 = arith.addi %add3A_797, %add3A_1096 : vector<16xi32>
            tpu.vector_store_idx %arg8[%add3A_1097], %get3A_975 {add = true} : memref<59136xf32, #tpu.memory_space<vmem>>[vector<16xi32>], vector<16xf32>,
            %add3A_1098 = vector.broadcast %add3A_977 : i32 to vector<16xi32>
            %add3A_1099 = arith.addi %add3A_810, %add3A_1098 : vector<16xi32>
            tpu.vector_store_idx %arg8[%add3A_1099], %get3A_983 {add = true} : memref<59136xf32, #tpu.memory_space<vmem>>[vector<16xi32>], vector<16xf32>,
            %add3A_1100 = vector.broadcast %add3A_985 : i32 to vector<16xi32>
            %add3A_1101 = arith.addi %add3A_823, %add3A_1100 : vector<16xi32>
            tpu.vector_store_idx %arg8[%add3A_1101], %get3A_991 {add = true} : memref<59136xf32, #tpu.memory_space<vmem>>[vector<16xi32>], vector<16xf32>,
            %add3A_1102 = vector.broadcast %add3A_993 : i32 to vector<16xi32>
            %add3A_1103 = arith.addi %add3A_836, %add3A_1102 : vector<16xi32>
            tpu.vector_store_idx %arg8[%add3A_1103], %get3A_999 {add = true} : memref<59136xf32, #tpu.memory_space<vmem>>[vector<16xi32>], vector<16xf32>,
            %add3A_1104 = vector.broadcast %add3A_1001 : i32 to vector<16xi32>
            %add3A_1105 = arith.addi %add3A_797, %add3A_1104 : vector<16xi32>
            tpu.vector_store_idx %arg8[%add3A_1105], %get3A_1007 {add = true} : memref<59136xf32, #tpu.memory_space<vmem>>[vector<16xi32>], vector<16xf32>,
            %add3A_1106 = vector.broadcast %add3A_1009 : i32 to vector<16xi32>
            %add3A_1107 = arith.addi %add3A_810, %add3A_1106 : vector<16xi32>
            tpu.vector_store_idx %arg8[%add3A_1107], %get3A_1015 {add = true} : memref<59136xf32, #tpu.memory_space<vmem>>[vector<16xi32>], vector<16xf32>,
            %add3A_1108 = vector.broadcast %add3A_1017 : i32 to vector<16xi32>
            %add3A_1109 = arith.addi %add3A_823, %add3A_1108 : vector<16xi32>
            tpu.vector_store_idx %arg8[%add3A_1109], %get3A_1023 {add = true} : memref<59136xf32, #tpu.memory_space<vmem>>[vector<16xi32>], vector<16xf32>,
            %add3A_1110 = vector.broadcast %add3A_1025 : i32 to vector<16xi32>
            %add3A_1111 = arith.addi %add3A_836, %add3A_1110 : vector<16xi32>
            tpu.vector_store_idx %arg8[%add3A_1111], %get3A_1031 {add = true} : memref<59136xf32, #tpu.memory_space<vmem>>[vector<16xi32>], vector<16xf32>,
            %add3A_1112 = vector.broadcast %add3A_1033 : i32 to vector<16xi32>
            %add3A_1113 = arith.addi %add3A_797, %add3A_1112 : vector<16xi32>
            tpu.vector_store_idx %arg8[%add3A_1113], %get3A_1039 {add = true} : memref<59136xf32, #tpu.memory_space<vmem>>[vector<16xi32>], vector<16xf32>,
            %add3A_1114 = vector.broadcast %add3A_1041 : i32 to vector<16xi32>
            %add3A_1115 = arith.addi %add3A_810, %add3A_1114 : vector<16xi32>
            tpu.vector_store_idx %arg8[%add3A_1115], %get3A_1047 {add = true} : memref<59136xf32, #tpu.memory_space<vmem>>[vector<16xi32>], vector<16xf32>,
            %add3A_1116 = vector.broadcast %add3A_1049 : i32 to vector<16xi32>
            %add3A_1117 = arith.addi %add3A_823, %add3A_1116 : vector<16xi32>
            tpu.vector_store_idx %arg8[%add3A_1117], %get3A_1055 {add = true} : memref<59136xf32, #tpu.memory_space<vmem>>[vector<16xi32>], vector<16xf32>,
            %add3A_1118 = vector.broadcast %add3A_1057 : i32 to vector<16xi32>
            %add3A_1119 = arith.addi %add3A_836, %add3A_1118 : vector<16xi32>
            tpu.vector_store_idx %arg8[%add3A_1119], %get3A_1063 {add = true} : memref<59136xf32, #tpu.memory_space<vmem>>[vector<16xi32>], vector<16xf32>,
            %add3A_1120 = vector.broadcast %add3A_1065 : i32 to vector<16xi32>
            %add3A_1121 = arith.addi %add3A_797, %add3A_1120 : vector<16xi32>
            tpu.vector_store_idx %arg8[%add3A_1121], %get3A_1071 {add = true} : memref<59136xf32, #tpu.memory_space<vmem>>[vector<16xi32>], vector<16xf32>,
            %add3A_1122 = vector.broadcast %add3A_1073 : i32 to vector<16xi32>
            %add3A_1123 = arith.addi %add3A_810, %add3A_1122 : vector<16xi32>
            tpu.vector_store_idx %arg8[%add3A_1123], %get3A_1079 {add = true} : memref<59136xf32, #tpu.memory_space<vmem>>[vector<16xi32>], vector<16xf32>,
            %add3A_1124 = vector.broadcast %add3A_1081 : i32 to vector<16xi32>
            %add3A_1125 = arith.addi %add3A_823, %add3A_1124 : vector<16xi32>
            tpu.vector_store_idx %arg8[%add3A_1125], %get3A_1087 {add = true} : memref<59136xf32, #tpu.memory_space<vmem>>[vector<16xi32>], vector<16xf32>,
            %add3A_1126 = vector.broadcast %add3A_1089 : i32 to vector<16xi32>
            %add3A_1127 = arith.addi %add3A_836, %add3A_1126 : vector<16xi32>
            tpu.vector_store_idx %arg8[%add3A_1127], %get3A_1095 {add = true} : memref<59136xf32, #tpu.memory_space<vmem>>[vector<16xi32>], vector<16xf32>,
          }
          %scan3A_842 = arith.constant 28 : i32
          %broadcast_in_dim3A_843 = arith.constant 0 : i32
          %broadcast_in_dim3A_844 = vector.broadcast %broadcast_in_dim3A_843 : i32 to vector<16xi32>
          %mul3A_845 = arith.constant 16 : i32
          %mul3A_846 = arith.muli %add3A_718, %mul3A_845 : i32
          %add3A_847 = arith.constant 8 : i32
          %add3A_848 = arith.addi %mul3A_846, %add3A_847 : i32
          %add3A_849 = vector.broadcast %add3A_848 : i32 to vector<16xi32>
          %add3A_850 = arith.addi %broadcast_in_dim3A_844, %add3A_849 : vector<16xi32>
          %gather3A_851 = tpu.vector_load_idx %arg7[%add3A_850] : memref<256xi32, #tpu.memory_space<vmem>>[vector<16xi32>], vector<16xi32>,
          %mul3A_852 = arith.constant 1792 : i32
          %mul3A_853 = vector.broadcast %mul3A_852 : i32 to vector<16xi32>
          %mul3A_854 = arith.muli %gather3A_851, %mul3A_853 : vector<16xi32>
          %add3A_855 = arith.addi %mul3A_854, %iota3A : vector<16xi32>
          %broadcast_in_dim3A_856 = arith.constant 0 : i32
          %broadcast_in_dim3A_857 = vector.broadcast %broadcast_in_dim3A_856 : i32 to vector<16xi32>
          %mul3A_858 = arith.constant 16 : i32
          %mul3A_859 = arith.muli %add3A_718, %mul3A_858 : i32
          %add3A_860 = arith.constant 9 : i32
          %add3A_861 = arith.addi %mul3A_859, %add3A_860 : i32
          %add3A_862 = vector.broadcast %add3A_861 : i32 to vector<16xi32>
          %add3A_863 = arith.addi %broadcast_in_dim3A_857, %add3A_862 : vector<16xi32>
          %gather3A_864 = tpu.vector_load_idx %arg7[%add3A_863] : memref<256xi32, #tpu.memory_space<vmem>>[vector<16xi32>], vector<16xi32>,
          %mul3A_865 = arith.constant 1792 : i32
          %mul3A_866 = vector.broadcast %mul3A_865 : i32 to vector<16xi32>
          %mul3A_867 = arith.muli %gather3A_864, %mul3A_866 : vector<16xi32>
          %add3A_868 = arith.addi %mul3A_867, %iota3A : vector<16xi32>
          %broadcast_in_dim3A_869 = arith.constant 0 : i32
          %broadcast_in_dim3A_870 = vector.broadcast %broadcast_in_dim3A_869 : i32 to vector<16xi32>
          %mul3A_871 = arith.constant 16 : i32
          %mul3A_872 = arith.muli %add3A_718, %mul3A_871 : i32
          %add3A_873 = arith.constant 10 : i32
          %add3A_874 = arith.addi %mul3A_872, %add3A_873 : i32
          %add3A_875 = vector.broadcast %add3A_874 : i32 to vector<16xi32>
          %add3A_876 = arith.addi %broadcast_in_dim3A_870, %add3A_875 : vector<16xi32>
          %gather3A_877 = tpu.vector_load_idx %arg7[%add3A_876] : memref<256xi32, #tpu.memory_space<vmem>>[vector<16xi32>], vector<16xi32>,
          %mul3A_878 = arith.constant 1792 : i32
          %mul3A_879 = vector.broadcast %mul3A_878 : i32 to vector<16xi32>
          %mul3A_880 = arith.muli %gather3A_877, %mul3A_879 : vector<16xi32>
          %add3A_881 = arith.addi %mul3A_880, %iota3A : vector<16xi32>
          %broadcast_in_dim3A_882 = arith.constant 0 : i32
          %broadcast_in_dim3A_883 = vector.broadcast %broadcast_in_dim3A_882 : i32 to vector<16xi32>
          %mul3A_884 = arith.constant 16 : i32
          %mul3A_885 = arith.muli %add3A_718, %mul3A_884 : i32
          %add3A_886 = arith.constant 11 : i32
          %add3A_887 = arith.addi %mul3A_885, %add3A_886 : i32
          %add3A_888 = vector.broadcast %add3A_887 : i32 to vector<16xi32>
          %add3A_889 = arith.addi %broadcast_in_dim3A_883, %add3A_888 : vector<16xi32>
          %gather3A_890 = tpu.vector_load_idx %arg7[%add3A_889] : memref<256xi32, #tpu.memory_space<vmem>>[vector<16xi32>], vector<16xi32>,
          %mul3A_891 = arith.constant 1792 : i32
          %mul3A_892 = vector.broadcast %mul3A_891 : i32 to vector<16xi32>
          %mul3A_893 = arith.muli %gather3A_890, %mul3A_892 : vector<16xi32>
          %add3A_894 = arith.addi %mul3A_893, %iota3A : vector<16xi32>
          %scan3A_895 = arith.constant 0 : i32
          %scan3A_896 = arith.constant 0 : i32
          %scan3A_897 = arith.constant 28 : i32
          %scan3A_898 = arith.addi %scan3A_896, %scan3A_897 : i32
          %scan3A_899 = arith.constant 1 : i32
          scf.for %scan3A_965 = %scan3A_896 to %scan3A_898 step %scan3A_899  : i32 {
            %mul3A_966 = arith.constant 64 : i32
            %mul3A_967 = arith.muli %scan3A_965, %mul3A_966 : i32
            %add3A_968 = arith.constant 0 : i32
            %add3A_969 = arith.addi %mul3A_967, %add3A_968 : i32
            %add3A_970 = arith.constant 0 : i32
            %add3A_971 = arith.addi %mul3A_967, %add3A_970 : i32
            %get3A_972 = arith.constant 8 : i32
            %get3A_973 = arith.index_cast %get3A_972 : i32 to index
            %get3A_974 = arith.index_cast %add3A_971 : i32 to index
            %get3A_975 = tpu.vector_load %arg10[%get3A_973, %get3A_974] {strides = array<i32>} : memref<16x1792xf32, #tpu.memory_space<vmem>>, vector<16xf32>,
            %add3A_976 = arith.constant 0 : i32
            %add3A_977 = arith.addi %mul3A_967, %add3A_976 : i32
            %add3A_978 = arith.constant 0 : i32
            %add3A_979 = arith.addi %mul3A_967, %add3A_978 : i32
            %get3A_980 = arith.constant 9 : i32
            %get3A_981 = arith.index_cast %get3A_980 : i32 to index
            %get3A_982 = arith.index_cast %add3A_979 : i32 to index
            %get3A_983 = tpu.vector_load %arg10[%get3A_981, %get3A_982] {strides = array<i32>} : memref<16x1792xf32, #tpu.memory_space<vmem>>, vector<16xf32>,
            %add3A_984 = arith.constant 0 : i32
            %add3A_985 = arith.addi %mul3A_967, %add3A_984 : i32
            %add3A_986 = arith.constant 0 : i32
            %add3A_987 = arith.addi %mul3A_967, %add3A_986 : i32
            %get3A_988 = arith.constant 10 : i32
            %get3A_989 = arith.index_cast %get3A_988 : i32 to index
            %get3A_990 = arith.index_cast %add3A_987 : i32 to index
            %get3A_991 = tpu.vector_load %arg10[%get3A_989, %get3A_990] {strides = array<i32>} : memref<16x1792xf32, #tpu.memory_space<vmem>>, vector<16xf32>,
            %add3A_992 = arith.constant 0 : i32
            %add3A_993 = arith.addi %mul3A_967, %add3A_992 : i32
            %add3A_994 = arith.constant 0 : i32
            %add3A_995 = arith.addi %mul3A_967, %add3A_994 : i32
            %get3A_996 = arith.constant 11 : i32
            %get3A_997 = arith.index_cast %get3A_996 : i32 to index
            %get3A_998 = arith.index_cast %add3A_995 : i32 to index
            %get3A_999 = tpu.vector_load %arg10[%get3A_997, %get3A_998] {strides = array<i32>} : memref<16x1792xf32, #tpu.memory_space<vmem>>, vector<16xf32>,
            %add3A_1000 = arith.constant 16 : i32
            %add3A_1001 = arith.addi %mul3A_967, %add3A_1000 : i32
            %add3A_1002 = arith.constant 16 : i32
            %add3A_1003 = arith.addi %mul3A_967, %add3A_1002 : i32
            %get3A_1004 = arith.constant 8 : i32
            %get3A_1005 = arith.index_cast %get3A_1004 : i32 to index
            %get3A_1006 = arith.index_cast %add3A_1003 : i32 to index
            %get3A_1007 = tpu.vector_load %arg10[%get3A_1005, %get3A_1006] {strides = array<i32>} : memref<16x1792xf32, #tpu.memory_space<vmem>>, vector<16xf32>,
            %add3A_1008 = arith.constant 16 : i32
            %add3A_1009 = arith.addi %mul3A_967, %add3A_1008 : i32
            %add3A_1010 = arith.constant 16 : i32
            %add3A_1011 = arith.addi %mul3A_967, %add3A_1010 : i32
            %get3A_1012 = arith.constant 9 : i32
            %get3A_1013 = arith.index_cast %get3A_1012 : i32 to index
            %get3A_1014 = arith.index_cast %add3A_1011 : i32 to index
            %get3A_1015 = tpu.vector_load %arg10[%get3A_1013, %get3A_1014] {strides = array<i32>} : memref<16x1792xf32, #tpu.memory_space<vmem>>, vector<16xf32>,
            %add3A_1016 = arith.constant 16 : i32
            %add3A_1017 = arith.addi %mul3A_967, %add3A_1016 : i32
            %add3A_1018 = arith.constant 16 : i32
            %add3A_1019 = arith.addi %mul3A_967, %add3A_1018 : i32
            %get3A_1020 = arith.constant 10 : i32
            %get3A_1021 = arith.index_cast %get3A_1020 : i32 to index
            %get3A_1022 = arith.index_cast %add3A_1019 : i32 to index
            %get3A_1023 = tpu.vector_load %arg10[%get3A_1021, %get3A_1022] {strides = array<i32>} : memref<16x1792xf32, #tpu.memory_space<vmem>>, vector<16xf32>,
            %add3A_1024 = arith.constant 16 : i32
            %add3A_1025 = arith.addi %mul3A_967, %add3A_1024 : i32
            %add3A_1026 = arith.constant 16 : i32
            %add3A_1027 = arith.addi %mul3A_967, %add3A_1026 : i32
            %get3A_1028 = arith.constant 11 : i32
            %get3A_1029 = arith.index_cast %get3A_1028 : i32 to index
            %get3A_1030 = arith.index_cast %add3A_1027 : i32 to index
            %get3A_1031 = tpu.vector_load %arg10[%get3A_1029, %get3A_1030] {strides = array<i32>} : memref<16x1792xf32, #tpu.memory_space<vmem>>, vector<16xf32>,
            %add3A_1032 = arith.constant 32 : i32
            %add3A_1033 = arith.addi %mul3A_967, %add3A_1032 : i32
            %add3A_1034 = arith.constant 32 : i32
            %add3A_1035 = arith.addi %mul3A_967, %add3A_1034 : i32
            %get3A_1036 = arith.constant 8 : i32
            %get3A_1037 = arith.index_cast %get3A_1036 : i32 to index
            %get3A_1038 = arith.index_cast %add3A_1035 : i32 to index
            %get3A_1039 = tpu.vector_load %arg10[%get3A_1037, %get3A_1038] {strides = array<i32>} : memref<16x1792xf32, #tpu.memory_space<vmem>>, vector<16xf32>,
            %add3A_1040 = arith.constant 32 : i32
            %add3A_1041 = arith.addi %mul3A_967, %add3A_1040 : i32
            %add3A_1042 = arith.constant 32 : i32
            %add3A_1043 = arith.addi %mul3A_967, %add3A_1042 : i32
            %get3A_1044 = arith.constant 9 : i32
            %get3A_1045 = arith.index_cast %get3A_1044 : i32 to index
            %get3A_1046 = arith.index_cast %add3A_1043 : i32 to index
            %get3A_1047 = tpu.vector_load %arg10[%get3A_1045, %get3A_1046] {strides = array<i32>} : memref<16x1792xf32, #tpu.memory_space<vmem>>, vector<16xf32>,
            %add3A_1048 = arith.constant 32 : i32
            %add3A_1049 = arith.addi %mul3A_967, %add3A_1048 : i32
            %add3A_1050 = arith.constant 32 : i32
            %add3A_1051 = arith.addi %mul3A_967, %add3A_1050 : i32
            %get3A_1052 = arith.constant 10 : i32
            %get3A_1053 = arith.index_cast %get3A_1052 : i32 to index
            %get3A_1054 = arith.index_cast %add3A_1051 : i32 to index
            %get3A_1055 = tpu.vector_load %arg10[%get3A_1053, %get3A_1054] {strides = array<i32>} : memref<16x1792xf32, #tpu.memory_space<vmem>>, vector<16xf32>,
            %add3A_1056 = arith.constant 32 : i32
            %add3A_1057 = arith.addi %mul3A_967, %add3A_1056 : i32
            %add3A_1058 = arith.constant 32 : i32
            %add3A_1059 = arith.addi %mul3A_967, %add3A_1058 : i32
            %get3A_1060 = arith.constant 11 : i32
            %get3A_1061 = arith.index_cast %get3A_1060 : i32 to index
            %get3A_1062 = arith.index_cast %add3A_1059 : i32 to index
            %get3A_1063 = tpu.vector_load %arg10[%get3A_1061, %get3A_1062] {strides = array<i32>} : memref<16x1792xf32, #tpu.memory_space<vmem>>, vector<16xf32>,
            %add3A_1064 = arith.constant 48 : i32
            %add3A_1065 = arith.addi %mul3A_967, %add3A_1064 : i32
            %add3A_1066 = arith.constant 48 : i32
            %add3A_1067 = arith.addi %mul3A_967, %add3A_1066 : i32
            %get3A_1068 = arith.constant 8 : i32
            %get3A_1069 = arith.index_cast %get3A_1068 : i32 to index
            %get3A_1070 = arith.index_cast %add3A_1067 : i32 to index
            %get3A_1071 = tpu.vector_load %arg10[%get3A_1069, %get3A_1070] {strides = array<i32>} : memref<16x1792xf32, #tpu.memory_space<vmem>>, vector<16xf32>,
            %add3A_1072 = arith.constant 48 : i32
            %add3A_1073 = arith.addi %mul3A_967, %add3A_1072 : i32
            %add3A_1074 = arith.constant 48 : i32
            %add3A_1075 = arith.addi %mul3A_967, %add3A_1074 : i32
            %get3A_1076 = arith.constant 9 : i32
            %get3A_1077 = arith.index_cast %get3A_1076 : i32 to index
            %get3A_1078 = arith.index_cast %add3A_1075 : i32 to index
            %get3A_1079 = tpu.vector_load %arg10[%get3A_1077, %get3A_1078] {strides = array<i32>} : memref<16x1792xf32, #tpu.memory_space<vmem>>, vector<16xf32>,
            %add3A_1080 = arith.constant 48 : i32
            %add3A_1081 = arith.addi %mul3A_967, %add3A_1080 : i32
            %add3A_1082 = arith.constant 48 : i32
            %add3A_1083 = arith.addi %mul3A_967, %add3A_1082 : i32
            %get3A_1084 = arith.constant 10 : i32
            %get3A_1085 = arith.index_cast %get3A_1084 : i32 to index
            %get3A_1086 = arith.index_cast %add3A_1083 : i32 to index
            %get3A_1087 = tpu.vector_load %arg10[%get3A_1085, %get3A_1086] {strides = array<i32>} : memref<16x1792xf32, #tpu.memory_space<vmem>>, vector<16xf32>,
            %add3A_1088 = arith.constant 48 : i32
            %add3A_1089 = arith.addi %mul3A_967, %add3A_1088 : i32
            %add3A_1090 = arith.constant 48 : i32
            %add3A_1091 = arith.addi %mul3A_967, %add3A_1090 : i32
            %get3A_1092 = arith.constant 11 : i32
            %get3A_1093 = arith.index_cast %get3A_1092 : i32 to index
            %get3A_1094 = arith.index_cast %add3A_1091 : i32 to index
            %get3A_1095 = tpu.vector_load %arg10[%get3A_1093, %get3A_1094] {strides = array<i32>} : memref<16x1792xf32, #tpu.memory_space<vmem>>, vector<16xf32>,
            %add3A_1096 = vector.broadcast %add3A_969 : i32 to vector<16xi32>
            %add3A_1097 = arith.addi %add3A_855, %add3A_1096 : vector<16xi32>
            tpu.vector_store_idx %arg8[%add3A_1097], %get3A_975 {add = true} : memref<59136xf32, #tpu.memory_space<vmem>>[vector<16xi32>], vector<16xf32>,
            %add3A_1098 = vector.broadcast %add3A_977 : i32 to vector<16xi32>
            %add3A_1099 = arith.addi %add3A_868, %add3A_1098 : vector<16xi32>
            tpu.vector_store_idx %arg8[%add3A_1099], %get3A_983 {add = true} : memref<59136xf32, #tpu.memory_space<vmem>>[vector<16xi32>], vector<16xf32>,
            %add3A_1100 = vector.broadcast %add3A_985 : i32 to vector<16xi32>
            %add3A_1101 = arith.addi %add3A_881, %add3A_1100 : vector<16xi32>
            tpu.vector_store_idx %arg8[%add3A_1101], %get3A_991 {add = true} : memref<59136xf32, #tpu.memory_space<vmem>>[vector<16xi32>], vector<16xf32>,
            %add3A_1102 = vector.broadcast %add3A_993 : i32 to vector<16xi32>
            %add3A_1103 = arith.addi %add3A_894, %add3A_1102 : vector<16xi32>
            tpu.vector_store_idx %arg8[%add3A_1103], %get3A_999 {add = true} : memref<59136xf32, #tpu.memory_space<vmem>>[vector<16xi32>], vector<16xf32>,
            %add3A_1104 = vector.broadcast %add3A_1001 : i32 to vector<16xi32>
            %add3A_1105 = arith.addi %add3A_855, %add3A_1104 : vector<16xi32>
            tpu.vector_store_idx %arg8[%add3A_1105], %get3A_1007 {add = true} : memref<59136xf32, #tpu.memory_space<vmem>>[vector<16xi32>], vector<16xf32>,
            %add3A_1106 = vector.broadcast %add3A_1009 : i32 to vector<16xi32>
            %add3A_1107 = arith.addi %add3A_868, %add3A_1106 : vector<16xi32>
            tpu.vector_store_idx %arg8[%add3A_1107], %get3A_1015 {add = true} : memref<59136xf32, #tpu.memory_space<vmem>>[vector<16xi32>], vector<16xf32>,
            %add3A_1108 = vector.broadcast %add3A_1017 : i32 to vector<16xi32>
            %add3A_1109 = arith.addi %add3A_881, %add3A_1108 : vector<16xi32>
            tpu.vector_store_idx %arg8[%add3A_1109], %get3A_1023 {add = true} : memref<59136xf32, #tpu.memory_space<vmem>>[vector<16xi32>], vector<16xf32>,
            %add3A_1110 = vector.broadcast %add3A_1025 : i32 to vector<16xi32>
            %add3A_1111 = arith.addi %add3A_894, %add3A_1110 : vector<16xi32>
            tpu.vector_store_idx %arg8[%add3A_1111], %get3A_1031 {add = true} : memref<59136xf32, #tpu.memory_space<vmem>>[vector<16xi32>], vector<16xf32>,
            %add3A_1112 = vector.broadcast %add3A_1033 : i32 to vector<16xi32>
            %add3A_1113 = arith.addi %add3A_855, %add3A_1112 : vector<16xi32>
            tpu.vector_store_idx %arg8[%add3A_1113], %get3A_1039 {add = true} : memref<59136xf32, #tpu.memory_space<vmem>>[vector<16xi32>], vector<16xf32>,
            %add3A_1114 = vector.broadcast %add3A_1041 : i32 to vector<16xi32>
            %add3A_1115 = arith.addi %add3A_868, %add3A_1114 : vector<16xi32>
            tpu.vector_store_idx %arg8[%add3A_1115], %get3A_1047 {add = true} : memref<59136xf32, #tpu.memory_space<vmem>>[vector<16xi32>], vector<16xf32>,
            %add3A_1116 = vector.broadcast %add3A_1049 : i32 to vector<16xi32>
            %add3A_1117 = arith.addi %add3A_881, %add3A_1116 : vector<16xi32>
            tpu.vector_store_idx %arg8[%add3A_1117], %get3A_1055 {add = true} : memref<59136xf32, #tpu.memory_space<vmem>>[vector<16xi32>], vector<16xf32>,
            %add3A_1118 = vector.broadcast %add3A_1057 : i32 to vector<16xi32>
            %add3A_1119 = arith.addi %add3A_894, %add3A_1118 : vector<16xi32>
            tpu.vector_store_idx %arg8[%add3A_1119], %get3A_1063 {add = true} : memref<59136xf32, #tpu.memory_space<vmem>>[vector<16xi32>], vector<16xf32>,
            %add3A_1120 = vector.broadcast %add3A_1065 : i32 to vector<16xi32>
            %add3A_1121 = arith.addi %add3A_855, %add3A_1120 : vector<16xi32>
            tpu.vector_store_idx %arg8[%add3A_1121], %get3A_1071 {add = true} : memref<59136xf32, #tpu.memory_space<vmem>>[vector<16xi32>], vector<16xf32>,
            %add3A_1122 = vector.broadcast %add3A_1073 : i32 to vector<16xi32>
            %add3A_1123 = arith.addi %add3A_868, %add3A_1122 : vector<16xi32>
            tpu.vector_store_idx %arg8[%add3A_1123], %get3A_1079 {add = true} : memref<59136xf32, #tpu.memory_space<vmem>>[vector<16xi32>], vector<16xf32>,
            %add3A_1124 = vector.broadcast %add3A_1081 : i32 to vector<16xi32>
            %add3A_1125 = arith.addi %add3A_881, %add3A_1124 : vector<16xi32>
            tpu.vector_store_idx %arg8[%add3A_1125], %get3A_1087 {add = true} : memref<59136xf32, #tpu.memory_space<vmem>>[vector<16xi32>], vector<16xf32>,
            %add3A_1126 = vector.broadcast %add3A_1089 : i32 to vector<16xi32>
            %add3A_1127 = arith.addi %add3A_894, %add3A_1126 : vector<16xi32>
            tpu.vector_store_idx %arg8[%add3A_1127], %get3A_1095 {add = true} : memref<59136xf32, #tpu.memory_space<vmem>>[vector<16xi32>], vector<16xf32>,
          }
          %scan3A_900 = arith.constant 28 : i32
          %broadcast_in_dim3A_901 = arith.constant 0 : i32
          %broadcast_in_dim3A_902 = vector.broadcast %broadcast_in_dim3A_901 : i32 to vector<16xi32>
          %mul3A_903 = arith.constant 16 : i32
          %mul3A_904 = arith.muli %add3A_718, %mul3A_903 : i32
          %add3A_905 = arith.constant 12 : i32
          %add3A_906 = arith.addi %mul3A_904, %add3A_905 : i32
          %add3A_907 = vector.broadcast %add3A_906 : i32 to vector<16xi32>
          %add3A_908 = arith.addi %broadcast_in_dim3A_902, %add3A_907 : vector<16xi32>
          %gather3A_909 = tpu.vector_load_idx %arg7[%add3A_908] : memref<256xi32, #tpu.memory_space<vmem>>[vector<16xi32>], vector<16xi32>,
          %mul3A_910 = arith.constant 1792 : i32
          %mul3A_911 = vector.broadcast %mul3A_910 : i32 to vector<16xi32>
          %mul3A_912 = arith.muli %gather3A_909, %mul3A_911 : vector<16xi32>
          %add3A_913 = arith.addi %mul3A_912, %iota3A : vector<16xi32>
          %broadcast_in_dim3A_914 = arith.constant 0 : i32
          %broadcast_in_dim3A_915 = vector.broadcast %broadcast_in_dim3A_914 : i32 to vector<16xi32>
          %mul3A_916 = arith.constant 16 : i32
          %mul3A_917 = arith.muli %add3A_718, %mul3A_916 : i32
          %add3A_918 = arith.constant 13 : i32
          %add3A_919 = arith.addi %mul3A_917, %add3A_918 : i32
          %add3A_920 = vector.broadcast %add3A_919 : i32 to vector<16xi32>
          %add3A_921 = arith.addi %broadcast_in_dim3A_915, %add3A_920 : vector<16xi32>
          %gather3A_922 = tpu.vector_load_idx %arg7[%add3A_921] : memref<256xi32, #tpu.memory_space<vmem>>[vector<16xi32>], vector<16xi32>,
          %mul3A_923 = arith.constant 1792 : i32
          %mul3A_924 = vector.broadcast %mul3A_923 : i32 to vector<16xi32>
          %mul3A_925 = arith.muli %gather3A_922, %mul3A_924 : vector<16xi32>
          %add3A_926 = arith.addi %mul3A_925, %iota3A : vector<16xi32>
          %broadcast_in_dim3A_927 = arith.constant 0 : i32
          %broadcast_in_dim3A_928 = vector.broadcast %broadcast_in_dim3A_927 : i32 to vector<16xi32>
          %mul3A_929 = arith.constant 16 : i32
          %mul3A_930 = arith.muli %add3A_718, %mul3A_929 : i32
          %add3A_931 = arith.constant 14 : i32
          %add3A_932 = arith.addi %mul3A_930, %add3A_931 : i32
          %add3A_933 = vector.broadcast %add3A_932 : i32 to vector<16xi32>
          %add3A_934 = arith.addi %broadcast_in_dim3A_928, %add3A_933 : vector<16xi32>
          %gather3A_935 = tpu.vector_load_idx %arg7[%add3A_934] : memref<256xi32, #tpu.memory_space<vmem>>[vector<16xi32>], vector<16xi32>,
          %mul3A_936 = arith.constant 1792 : i32
          %mul3A_937 = vector.broadcast %mul3A_936 : i32 to vector<16xi32>
          %mul3A_938 = arith.muli %gather3A_935, %mul3A_937 : vector<16xi32>
          %add3A_939 = arith.addi %mul3A_938, %iota3A : vector<16xi32>
          %broadcast_in_dim3A_940 = arith.constant 0 : i32
          %broadcast_in_dim3A_941 = vector.broadcast %broadcast_in_dim3A_940 : i32 to vector<16xi32>
          %mul3A_942 = arith.constant 16 : i32
          %mul3A_943 = arith.muli %add3A_718, %mul3A_942 : i32
          %add3A_944 = arith.constant 15 : i32
          %add3A_945 = arith.addi %mul3A_943, %add3A_944 : i32
          %add3A_946 = vector.broadcast %add3A_945 : i32 to vector<16xi32>
          %add3A_947 = arith.addi %broadcast_in_dim3A_941, %add3A_946 : vector<16xi32>
          %gather3A_948 = tpu.vector_load_idx %arg7[%add3A_947] : memref<256xi32, #tpu.memory_space<vmem>>[vector<16xi32>], vector<16xi32>,
          %mul3A_949 = arith.constant 1792 : i32
          %mul3A_950 = vector.broadcast %mul3A_949 : i32 to vector<16xi32>
          %mul3A_951 = arith.muli %gather3A_948, %mul3A_950 : vector<16xi32>
          %add3A_952 = arith.addi %mul3A_951, %iota3A : vector<16xi32>
          %scan3A_953 = arith.constant 0 : i32
          %scan3A_954 = arith.constant 0 : i32
          %scan3A_955 = arith.constant 28 : i32
          %scan3A_956 = arith.addi %scan3A_954, %scan3A_955 : i32
          %scan3A_957 = arith.constant 1 : i32
          scf.for %scan3A_965 = %scan3A_954 to %scan3A_956 step %scan3A_957  : i32 {
            %mul3A_966 = arith.constant 64 : i32
            %mul3A_967 = arith.muli %scan3A_965, %mul3A_966 : i32
            %add3A_968 = arith.constant 0 : i32
            %add3A_969 = arith.addi %mul3A_967, %add3A_968 : i32
            %add3A_970 = arith.constant 0 : i32
            %add3A_971 = arith.addi %mul3A_967, %add3A_970 : i32
            %get3A_972 = arith.constant 12 : i32
            %get3A_973 = arith.index_cast %get3A_972 : i32 to index
            %get3A_974 = arith.index_cast %add3A_971 : i32 to index
            %get3A_975 = tpu.vector_load %arg10[%get3A_973, %get3A_974] {strides = array<i32>} : memref<16x1792xf32, #tpu.memory_space<vmem>>, vector<16xf32>,
            %add3A_976 = arith.constant 0 : i32
            %add3A_977 = arith.addi %mul3A_967, %add3A_976 : i32
            %add3A_978 = arith.constant 0 : i32
            %add3A_979 = arith.addi %mul3A_967, %add3A_978 : i32
            %get3A_980 = arith.constant 13 : i32
            %get3A_981 = arith.index_cast %get3A_980 : i32 to index
            %get3A_982 = arith.index_cast %add3A_979 : i32 to index
            %get3A_983 = tpu.vector_load %arg10[%get3A_981, %get3A_982] {strides = array<i32>} : memref<16x1792xf32, #tpu.memory_space<vmem>>, vector<16xf32>,
            %add3A_984 = arith.constant 0 : i32
            %add3A_985 = arith.addi %mul3A_967, %add3A_984 : i32
            %add3A_986 = arith.constant 0 : i32
            %add3A_987 = arith.addi %mul3A_967, %add3A_986 : i32
            %get3A_988 = arith.constant 14 : i32
            %get3A_989 = arith.index_cast %get3A_988 : i32 to index
            %get3A_990 = arith.index_cast %add3A_987 : i32 to index
            %get3A_991 = tpu.vector_load %arg10[%get3A_989, %get3A_990] {strides = array<i32>} : memref<16x1792xf32, #tpu.memory_space<vmem>>, vector<16xf32>,
            %add3A_992 = arith.constant 0 : i32
            %add3A_993 = arith.addi %mul3A_967, %add3A_992 : i32
            %add3A_994 = arith.constant 0 : i32
            %add3A_995 = arith.addi %mul3A_967, %add3A_994 : i32
            %get3A_996 = arith.constant 15 : i32
            %get3A_997 = arith.index_cast %get3A_996 : i32 to index
            %get3A_998 = arith.index_cast %add3A_995 : i32 to index
            %get3A_999 = tpu.vector_load %arg10[%get3A_997, %get3A_998] {strides = array<i32>} : memref<16x1792xf32, #tpu.memory_space<vmem>>, vector<16xf32>,
            %add3A_1000 = arith.constant 16 : i32
            %add3A_1001 = arith.addi %mul3A_967, %add3A_1000 : i32
            %add3A_1002 = arith.constant 16 : i32
            %add3A_1003 = arith.addi %mul3A_967, %add3A_1002 : i32
            %get3A_1004 = arith.constant 12 : i32
            %get3A_1005 = arith.index_cast %get3A_1004 : i32 to index
            %get3A_1006 = arith.index_cast %add3A_1003 : i32 to index
            %get3A_1007 = tpu.vector_load %arg10[%get3A_1005, %get3A_1006] {strides = array<i32>} : memref<16x1792xf32, #tpu.memory_space<vmem>>, vector<16xf32>,
            %add3A_1008 = arith.constant 16 : i32
            %add3A_1009 = arith.addi %mul3A_967, %add3A_1008 : i32
            %add3A_1010 = arith.constant 16 : i32
            %add3A_1011 = arith.addi %mul3A_967, %add3A_1010 : i32
            %get3A_1012 = arith.constant 13 : i32
            %get3A_1013 = arith.index_cast %get3A_1012 : i32 to index
            %get3A_1014 = arith.index_cast %add3A_1011 : i32 to index
            %get3A_1015 = tpu.vector_load %arg10[%get3A_1013, %get3A_1014] {strides = array<i32>} : memref<16x1792xf32, #tpu.memory_space<vmem>>, vector<16xf32>,
            %add3A_1016 = arith.constant 16 : i32
            %add3A_1017 = arith.addi %mul3A_967, %add3A_1016 : i32
            %add3A_1018 = arith.constant 16 : i32
            %add3A_1019 = arith.addi %mul3A_967, %add3A_1018 : i32
            %get3A_1020 = arith.constant 14 : i32
            %get3A_1021 = arith.index_cast %get3A_1020 : i32 to index
            %get3A_1022 = arith.index_cast %add3A_1019 : i32 to index
            %get3A_1023 = tpu.vector_load %arg10[%get3A_1021, %get3A_1022] {strides = array<i32>} : memref<16x1792xf32, #tpu.memory_space<vmem>>, vector<16xf32>,
            %add3A_1024 = arith.constant 16 : i32
            %add3A_1025 = arith.addi %mul3A_967, %add3A_1024 : i32
            %add3A_1026 = arith.constant 16 : i32
            %add3A_1027 = arith.addi %mul3A_967, %add3A_1026 : i32
            %get3A_1028 = arith.constant 15 : i32
            %get3A_1029 = arith.index_cast %get3A_1028 : i32 to index
            %get3A_1030 = arith.index_cast %add3A_1027 : i32 to index
            %get3A_1031 = tpu.vector_load %arg10[%get3A_1029, %get3A_1030] {strides = array<i32>} : memref<16x1792xf32, #tpu.memory_space<vmem>>, vector<16xf32>,
            %add3A_1032 = arith.constant 32 : i32
            %add3A_1033 = arith.addi %mul3A_967, %add3A_1032 : i32
            %add3A_1034 = arith.constant 32 : i32
            %add3A_1035 = arith.addi %mul3A_967, %add3A_1034 : i32
            %get3A_1036 = arith.constant 12 : i32
            %get3A_1037 = arith.index_cast %get3A_1036 : i32 to index
            %get3A_1038 = arith.index_cast %add3A_1035 : i32 to index
            %get3A_1039 = tpu.vector_load %arg10[%get3A_1037, %get3A_1038] {strides = array<i32>} : memref<16x1792xf32, #tpu.memory_space<vmem>>, vector<16xf32>,
            %add3A_1040 = arith.constant 32 : i32
            %add3A_1041 = arith.addi %mul3A_967, %add3A_1040 : i32
            %add3A_1042 = arith.constant 32 : i32
            %add3A_1043 = arith.addi %mul3A_967, %add3A_1042 : i32
            %get3A_1044 = arith.constant 13 : i32
            %get3A_1045 = arith.index_cast %get3A_1044 : i32 to index
            %get3A_1046 = arith.index_cast %add3A_1043 : i32 to index
            %get3A_1047 = tpu.vector_load %arg10[%get3A_1045, %get3A_1046] {strides = array<i32>} : memref<16x1792xf32, #tpu.memory_space<vmem>>, vector<16xf32>,
            %add3A_1048 = arith.constant 32 : i32
            %add3A_1049 = arith.addi %mul3A_967, %add3A_1048 : i32
            %add3A_1050 = arith.constant 32 : i32
            %add3A_1051 = arith.addi %mul3A_967, %add3A_1050 : i32
            %get3A_1052 = arith.constant 14 : i32
            %get3A_1053 = arith.index_cast %get3A_1052 : i32 to index
            %get3A_1054 = arith.index_cast %add3A_1051 : i32 to index
            %get3A_1055 = tpu.vector_load %arg10[%get3A_1053, %get3A_1054] {strides = array<i32>} : memref<16x1792xf32, #tpu.memory_space<vmem>>, vector<16xf32>,
            %add3A_1056 = arith.constant 32 : i32
            %add3A_1057 = arith.addi %mul3A_967, %add3A_1056 : i32
            %add3A_1058 = arith.constant 32 : i32
            %add3A_1059 = arith.addi %mul3A_967, %add3A_1058 : i32
            %get3A_1060 = arith.constant 15 : i32
            %get3A_1061 = arith.index_cast %get3A_1060 : i32 to index
            %get3A_1062 = arith.index_cast %add3A_1059 : i32 to index
            %get3A_1063 = tpu.vector_load %arg10[%get3A_1061, %get3A_1062] {strides = array<i32>} : memref<16x1792xf32, #tpu.memory_space<vmem>>, vector<16xf32>,
            %add3A_1064 = arith.constant 48 : i32
            %add3A_1065 = arith.addi %mul3A_967, %add3A_1064 : i32
            %add3A_1066 = arith.constant 48 : i32
            %add3A_1067 = arith.addi %mul3A_967, %add3A_1066 : i32
            %get3A_1068 = arith.constant 12 : i32
            %get3A_1069 = arith.index_cast %get3A_1068 : i32 to index
            %get3A_1070 = arith.index_cast %add3A_1067 : i32 to index
            %get3A_1071 = tpu.vector_load %arg10[%get3A_1069, %get3A_1070] {strides = array<i32>} : memref<16x1792xf32, #tpu.memory_space<vmem>>, vector<16xf32>,
            %add3A_1072 = arith.constant 48 : i32
            %add3A_1073 = arith.addi %mul3A_967, %add3A_1072 : i32
            %add3A_1074 = arith.constant 48 : i32
            %add3A_1075 = arith.addi %mul3A_967, %add3A_1074 : i32
            %get3A_1076 = arith.constant 13 : i32
            %get3A_1077 = arith.index_cast %get3A_1076 : i32 to index
            %get3A_1078 = arith.index_cast %add3A_1075 : i32 to index
            %get3A_1079 = tpu.vector_load %arg10[%get3A_1077, %get3A_1078] {strides = array<i32>} : memref<16x1792xf32, #tpu.memory_space<vmem>>, vector<16xf32>,
            %add3A_1080 = arith.constant 48 : i32
            %add3A_1081 = arith.addi %mul3A_967, %add3A_1080 : i32
            %add3A_1082 = arith.constant 48 : i32
            %add3A_1083 = arith.addi %mul3A_967, %add3A_1082 : i32
            %get3A_1084 = arith.constant 14 : i32
            %get3A_1085 = arith.index_cast %get3A_1084 : i32 to index
            %get3A_1086 = arith.index_cast %add3A_1083 : i32 to index
            %get3A_1087 = tpu.vector_load %arg10[%get3A_1085, %get3A_1086] {strides = array<i32>} : memref<16x1792xf32, #tpu.memory_space<vmem>>, vector<16xf32>,
            %add3A_1088 = arith.constant 48 : i32
            %add3A_1089 = arith.addi %mul3A_967, %add3A_1088 : i32
            %add3A_1090 = arith.constant 48 : i32
            %add3A_1091 = arith.addi %mul3A_967, %add3A_1090 : i32
            %get3A_1092 = arith.constant 15 : i32
            %get3A_1093 = arith.index_cast %get3A_1092 : i32 to index
            %get3A_1094 = arith.index_cast %add3A_1091 : i32 to index
            %get3A_1095 = tpu.vector_load %arg10[%get3A_1093, %get3A_1094] {strides = array<i32>} : memref<16x1792xf32, #tpu.memory_space<vmem>>, vector<16xf32>,
            %add3A_1096 = vector.broadcast %add3A_969 : i32 to vector<16xi32>
            %add3A_1097 = arith.addi %add3A_913, %add3A_1096 : vector<16xi32>
            tpu.vector_store_idx %arg8[%add3A_1097], %get3A_975 {add = true} : memref<59136xf32, #tpu.memory_space<vmem>>[vector<16xi32>], vector<16xf32>,
            %add3A_1098 = vector.broadcast %add3A_977 : i32 to vector<16xi32>
            %add3A_1099 = arith.addi %add3A_926, %add3A_1098 : vector<16xi32>
            tpu.vector_store_idx %arg8[%add3A_1099], %get3A_983 {add = true} : memref<59136xf32, #tpu.memory_space<vmem>>[vector<16xi32>], vector<16xf32>,
            %add3A_1100 = vector.broadcast %add3A_985 : i32 to vector<16xi32>
            %add3A_1101 = arith.addi %add3A_939, %add3A_1100 : vector<16xi32>
            tpu.vector_store_idx %arg8[%add3A_1101], %get3A_991 {add = true} : memref<59136xf32, #tpu.memory_space<vmem>>[vector<16xi32>], vector<16xf32>,
            %add3A_1102 = vector.broadcast %add3A_993 : i32 to vector<16xi32>
            %add3A_1103 = arith.addi %add3A_952, %add3A_1102 : vector<16xi32>
            tpu.vector_store_idx %arg8[%add3A_1103], %get3A_999 {add = true} : memref<59136xf32, #tpu.memory_space<vmem>>[vector<16xi32>], vector<16xf32>,
            %add3A_1104 = vector.broadcast %add3A_1001 : i32 to vector<16xi32>
            %add3A_1105 = arith.addi %add3A_913, %add3A_1104 : vector<16xi32>
            tpu.vector_store_idx %arg8[%add3A_1105], %get3A_1007 {add = true} : memref<59136xf32, #tpu.memory_space<vmem>>[vector<16xi32>], vector<16xf32>,
            %add3A_1106 = vector.broadcast %add3A_1009 : i32 to vector<16xi32>
            %add3A_1107 = arith.addi %add3A_926, %add3A_1106 : vector<16xi32>
            tpu.vector_store_idx %arg8[%add3A_1107], %get3A_1015 {add = true} : memref<59136xf32, #tpu.memory_space<vmem>>[vector<16xi32>], vector<16xf32>,
            %add3A_1108 = vector.broadcast %add3A_1017 : i32 to vector<16xi32>
            %add3A_1109 = arith.addi %add3A_939, %add3A_1108 : vector<16xi32>
            tpu.vector_store_idx %arg8[%add3A_1109], %get3A_1023 {add = true} : memref<59136xf32, #tpu.memory_space<vmem>>[vector<16xi32>], vector<16xf32>,
            %add3A_1110 = vector.broadcast %add3A_1025 : i32 to vector<16xi32>
            %add3A_1111 = arith.addi %add3A_952, %add3A_1110 : vector<16xi32>
            tpu.vector_store_idx %arg8[%add3A_1111], %get3A_1031 {add = true} : memref<59136xf32, #tpu.memory_space<vmem>>[vector<16xi32>], vector<16xf32>,
            %add3A_1112 = vector.broadcast %add3A_1033 : i32 to vector<16xi32>
            %add3A_1113 = arith.addi %add3A_913, %add3A_1112 : vector<16xi32>
            tpu.vector_store_idx %arg8[%add3A_1113], %get3A_1039 {add = true} : memref<59136xf32, #tpu.memory_space<vmem>>[vector<16xi32>], vector<16xf32>,
            %add3A_1114 = vector.broadcast %add3A_1041 : i32 to vector<16xi32>
            %add3A_1115 = arith.addi %add3A_926, %add3A_1114 : vector<16xi32>
            tpu.vector_store_idx %arg8[%add3A_1115], %get3A_1047 {add = true} : memref<59136xf32, #tpu.memory_space<vmem>>[vector<16xi32>], vector<16xf32>,
            %add3A_1116 = vector.broadcast %add3A_1049 : i32 to vector<16xi32>
            %add3A_1117 = arith.addi %add3A_939, %add3A_1116 : vector<16xi32>
            tpu.vector_store_idx %arg8[%add3A_1117], %get3A_1055 {add = true} : memref<59136xf32, #tpu.memory_space<vmem>>[vector<16xi32>], vector<16xf32>,
            %add3A_1118 = vector.broadcast %add3A_1057 : i32 to vector<16xi32>
            %add3A_1119 = arith.addi %add3A_952, %add3A_1118 : vector<16xi32>
            tpu.vector_store_idx %arg8[%add3A_1119], %get3A_1063 {add = true} : memref<59136xf32, #tpu.memory_space<vmem>>[vector<16xi32>], vector<16xf32>,
            %add3A_1120 = vector.broadcast %add3A_1065 : i32 to vector<16xi32>
            %add3A_1121 = arith.addi %add3A_913, %add3A_1120 : vector<16xi32>
            tpu.vector_store_idx %arg8[%add3A_1121], %get3A_1071 {add = true} : memref<59136xf32, #tpu.memory_space<vmem>>[vector<16xi32>], vector<16xf32>,
            %add3A_1122 = vector.broadcast %add3A_1073 : i32 to vector<16xi32>
            %add3A_1123 = arith.addi %add3A_926, %add3A_1122 : vector<16xi32>
            tpu.vector_store_idx %arg8[%add3A_1123], %get3A_1079 {add = true} : memref<59136xf32, #tpu.memory_space<vmem>>[vector<16xi32>], vector<16xf32>,
            %add3A_1124 = vector.broadcast %add3A_1081 : i32 to vector<16xi32>
            %add3A_1125 = arith.addi %add3A_939, %add3A_1124 : vector<16xi32>
            tpu.vector_store_idx %arg8[%add3A_1125], %get3A_1087 {add = true} : memref<59136xf32, #tpu.memory_space<vmem>>[vector<16xi32>], vector<16xf32>,
            %add3A_1126 = vector.broadcast %add3A_1089 : i32 to vector<16xi32>
            %add3A_1127 = arith.addi %add3A_952, %add3A_1126 : vector<16xi32>
            tpu.vector_store_idx %arg8[%add3A_1127], %get3A_1095 {add = true} : memref<59136xf32, #tpu.memory_space<vmem>>[vector<16xi32>], vector<16xf32>,
          }
          %scan3A_958 = arith.constant 28 : i32
          %add3A_959 = arith.constant 2 : i32
          %add3A_960 = arith.addi %add3A_718, %add3A_959 : i32
          %lt3A_961 = arith.cmpi slt, %add3A_960, %select_n3A : i32
          %convert_element_type3A_962 = arith.extui %lt3A_961 : i1 to i32
          %cond3A_963 = arith.constant 0 : i32
          %cond3A_964 = arith.cmpi ne, %convert_element_type3A_962, %cond3A_963 : i32
          scf.if %cond3A_964 {
            %add3A_965 = arith.constant 2 : i32
            %add3A_966 = arith.addi %add3A_718, %add3A_965 : i32
            %mul3A_967 = arith.constant 16 : i32
            %mul3A_968 = arith.muli %add3A_966, %mul3A_967 : i32
            %dma_start3A = tpu.memref_slice %arg6[%mul3A_968] : memref<256xi32, #tpu.memory_space<vmem>> -> memref<16xi32, #tpu.memory_space<vmem>>
            %dma_start3A_969 = arith.constant 0 : i32
            %dma_start3A_970 = arith.constant 0 : i32
            %dma_start3A_971 = tpu.memref_slice %arg2[%dma_start3A_969, %dma_start3A_970] : memref<16384x1792xf32, #tpu.memory_space<hbm>> -> memref<16384x1792xf32, #tpu.memory_space<hbm>>
            tpu.enqueue_indirect_dma source(%dma_start3A_971 : memref<16384x1792xf32, #tpu.memory_space<hbm>>) target(%arg10 : memref<16x1792xf32, #tpu.memory_space<vmem>>) offsets(%dma_start3A : memref<16xi32, #tpu.memory_space<vmem>>) semaphore(%arg12 : memref<!tpu.dma_semaphore, #tpu.memory_space<semaphore_mem>>)
          } else {
          }
        } else {
        }
      }
      %while3A_680 = arith.constant 1 : i32
      scf.for %while3A_707 = %while3A_678 to %while3A_674 step %while3A_680  : i32 {
        %mul3A_708 = arith.constant 2 : i32
        %mul3A_709 = arith.muli %while3A_707, %mul3A_708 : i32
        %add3A_710 = arith.constant 0 : i32
        %add3A_711 = arith.addi %mul3A_709, %add3A_710 : i32
        %lt3A = arith.cmpi slt, %add3A_711, %select_n3A : i32
        %convert_element_type3A_712 = arith.extui %lt3A : i1 to i32
        %cond3A_713 = arith.constant 0 : i32
        %cond3A_714 = arith.cmpi ne, %convert_element_type3A_712, %cond3A_713 : i32
        scf.if %cond3A_714 {
          %mul3A_723 = arith.constant 16 : i32
          %mul3A_724 = arith.muli %add3A_711, %mul3A_723 : i32
          %dma_wait3A = tpu.memref_slice %arg6[%mul3A_724] : memref<256xi32, #tpu.memory_space<vmem>> -> memref<16xi32, #tpu.memory_space<vmem>>
          %dma_wait3A_725 = arith.constant 0 : i32
          %dma_wait3A_726 = arith.constant 0 : i32
          %dma_wait3A_727 = tpu.memref_slice %arg2[%dma_wait3A_725, %dma_wait3A_726] : memref<16384x1792xf32, #tpu.memory_space<hbm>> -> memref<16384x1792xf32, #tpu.memory_space<hbm>>
          tpu.wait_indirect_dma semaphore(%arg11 : memref<!tpu.dma_semaphore, #tpu.memory_space<semaphore_mem>>) src(%dma_wait3A_727 : memref<16384x1792xf32, #tpu.memory_space<hbm>>) dst(%arg9 : memref<16x1792xf32, #tpu.memory_space<vmem>>)
          %broadcast_in_dim3A_728 = arith.constant 0 : i32
          %broadcast_in_dim3A_729 = vector.broadcast %broadcast_in_dim3A_728 : i32 to vector<16xi32>
          %mul3A_730 = arith.constant 16 : i32
          %mul3A_731 = arith.muli %add3A_711, %mul3A_730 : i32
          %add3A_732 = arith.constant 0 : i32
          %add3A_733 = arith.addi %mul3A_731, %add3A_732 : i32
          %add3A_734 = vector.broadcast %add3A_733 : i32 to vector<16xi32>
          %add3A_735 = arith.addi %broadcast_in_dim3A_729, %add3A_734 : vector<16xi32>
          %gather3A = tpu.vector_load_idx %arg7[%add3A_735] : memref<256xi32, #tpu.memory_space<vmem>>[vector<16xi32>], vector<16xi32>,
          %mul3A_736 = arith.constant 1792 : i32
          %mul3A_737 = vector.broadcast %mul3A_736 : i32 to vector<16xi32>
          %mul3A_738 = arith.muli %gather3A, %mul3A_737 : vector<16xi32>
          %add3A_739 = arith.addi %mul3A_738, %iota3A : vector<16xi32>
          %broadcast_in_dim3A_740 = arith.constant 0 : i32
          %broadcast_in_dim3A_741 = vector.broadcast %broadcast_in_dim3A_740 : i32 to vector<16xi32>
          %mul3A_742 = arith.constant 16 : i32
          %mul3A_743 = arith.muli %add3A_711, %mul3A_742 : i32
          %add3A_744 = arith.constant 1 : i32
          %add3A_745 = arith.addi %mul3A_743, %add3A_744 : i32
          %add3A_746 = vector.broadcast %add3A_745 : i32 to vector<16xi32>
          %add3A_747 = arith.addi %broadcast_in_dim3A_741, %add3A_746 : vector<16xi32>
          %gather3A_748 = tpu.vector_load_idx %arg7[%add3A_747] : memref<256xi32, #tpu.memory_space<vmem>>[vector<16xi32>], vector<16xi32>,
          %mul3A_749 = arith.constant 1792 : i32
          %mul3A_750 = vector.broadcast %mul3A_749 : i32 to vector<16xi32>
          %mul3A_751 = arith.muli %gather3A_748, %mul3A_750 : vector<16xi32>
          %add3A_752 = arith.addi %mul3A_751, %iota3A : vector<16xi32>
          %broadcast_in_dim3A_753 = arith.constant 0 : i32
          %broadcast_in_dim3A_754 = vector.broadcast %broadcast_in_dim3A_753 : i32 to vector<16xi32>
          %mul3A_755 = arith.constant 16 : i32
          %mul3A_756 = arith.muli %add3A_711, %mul3A_755 : i32
          %add3A_757 = arith.constant 2 : i32
          %add3A_758 = arith.addi %mul3A_756, %add3A_757 : i32
          %add3A_759 = vector.broadcast %add3A_758 : i32 to vector<16xi32>
          %add3A_760 = arith.addi %broadcast_in_dim3A_754, %add3A_759 : vector<16xi32>
          %gather3A_761 = tpu.vector_load_idx %arg7[%add3A_760] : memref<256xi32, #tpu.memory_space<vmem>>[vector<16xi32>], vector<16xi32>,
          %mul3A_762 = arith.constant 1792 : i32
          %mul3A_763 = vector.broadcast %mul3A_762 : i32 to vector<16xi32>
          %mul3A_764 = arith.muli %gather3A_761, %mul3A_763 : vector<16xi32>
          %add3A_765 = arith.addi %mul3A_764, %iota3A : vector<16xi32>
          %broadcast_in_dim3A_766 = arith.constant 0 : i32
          %broadcast_in_dim3A_767 = vector.broadcast %broadcast_in_dim3A_766 : i32 to vector<16xi32>
          %mul3A_768 = arith.constant 16 : i32
          %mul3A_769 = arith.muli %add3A_711, %mul3A_768 : i32
          %add3A_770 = arith.constant 3 : i32
          %add3A_771 = arith.addi %mul3A_769, %add3A_770 : i32
          %add3A_772 = vector.broadcast %add3A_771 : i32 to vector<16xi32>
          %add3A_773 = arith.addi %broadcast_in_dim3A_767, %add3A_772 : vector<16xi32>
          %gather3A_774 = tpu.vector_load_idx %arg7[%add3A_773] : memref<256xi32, #tpu.memory_space<vmem>>[vector<16xi32>], vector<16xi32>,
          %mul3A_775 = arith.constant 1792 : i32
          %mul3A_776 = vector.broadcast %mul3A_775 : i32 to vector<16xi32>
          %mul3A_777 = arith.muli %gather3A_774, %mul3A_776 : vector<16xi32>
          %add3A_778 = arith.addi %mul3A_777, %iota3A : vector<16xi32>
          %scan3A_779 = arith.constant 0 : i32
          %scan3A_780 = arith.constant 0 : i32
          %scan3A_781 = arith.constant 28 : i32
          %scan3A_782 = arith.addi %scan3A_780, %scan3A_781 : i32
          %scan3A_783 = arith.constant 1 : i32
          scf.for %scan3A_965 = %scan3A_780 to %scan3A_782 step %scan3A_783  : i32 {
            %mul3A_966 = arith.constant 64 : i32
            %mul3A_967 = arith.muli %scan3A_965, %mul3A_966 : i32
            %add3A_968 = arith.constant 0 : i32
            %add3A_969 = arith.addi %mul3A_967, %add3A_968 : i32
            %add3A_970 = arith.constant 0 : i32
            %add3A_971 = arith.addi %mul3A_967, %add3A_970 : i32
            %get3A_972 = arith.constant 0 : i32
            %get3A_973 = arith.index_cast %get3A_972 : i32 to index
            %get3A_974 = arith.index_cast %add3A_971 : i32 to index
            %get3A_975 = tpu.vector_load %arg9[%get3A_973, %get3A_974] {strides = array<i32>} : memref<16x1792xf32, #tpu.memory_space<vmem>>, vector<16xf32>,
            %add3A_976 = arith.constant 0 : i32
            %add3A_977 = arith.addi %mul3A_967, %add3A_976 : i32
            %add3A_978 = arith.constant 0 : i32
            %add3A_979 = arith.addi %mul3A_967, %add3A_978 : i32
            %get3A_980 = arith.constant 1 : i32
            %get3A_981 = arith.index_cast %get3A_980 : i32 to index
            %get3A_982 = arith.index_cast %add3A_979 : i32 to index
            %get3A_983 = tpu.vector_load %arg9[%get3A_981, %get3A_982] {strides = array<i32>} : memref<16x1792xf32, #tpu.memory_space<vmem>>, vector<16xf32>,
            %add3A_984 = arith.constant 0 : i32
            %add3A_985 = arith.addi %mul3A_967, %add3A_984 : i32
            %add3A_986 = arith.constant 0 : i32
            %add3A_987 = arith.addi %mul3A_967, %add3A_986 : i32
            %get3A_988 = arith.constant 2 : i32
            %get3A_989 = arith.index_cast %get3A_988 : i32 to index
            %get3A_990 = arith.index_cast %add3A_987 : i32 to index
            %get3A_991 = tpu.vector_load %arg9[%get3A_989, %get3A_990] {strides = array<i32>} : memref<16x1792xf32, #tpu.memory_space<vmem>>, vector<16xf32>,
            %add3A_992 = arith.constant 0 : i32
            %add3A_993 = arith.addi %mul3A_967, %add3A_992 : i32
            %add3A_994 = arith.constant 0 : i32
            %add3A_995 = arith.addi %mul3A_967, %add3A_994 : i32
            %get3A_996 = arith.constant 3 : i32
            %get3A_997 = arith.index_cast %get3A_996 : i32 to index
            %get3A_998 = arith.index_cast %add3A_995 : i32 to index
            %get3A_999 = tpu.vector_load %arg9[%get3A_997, %get3A_998] {strides = array<i32>} : memref<16x1792xf32, #tpu.memory_space<vmem>>, vector<16xf32>,
            %add3A_1000 = arith.constant 16 : i32
            %add3A_1001 = arith.addi %mul3A_967, %add3A_1000 : i32
            %add3A_1002 = arith.constant 16 : i32
            %add3A_1003 = arith.addi %mul3A_967, %add3A_1002 : i32
            %get3A_1004 = arith.constant 0 : i32
            %get3A_1005 = arith.index_cast %get3A_1004 : i32 to index
            %get3A_1006 = arith.index_cast %add3A_1003 : i32 to index
            %get3A_1007 = tpu.vector_load %arg9[%get3A_1005, %get3A_1006] {strides = array<i32>} : memref<16x1792xf32, #tpu.memory_space<vmem>>, vector<16xf32>,
            %add3A_1008 = arith.constant 16 : i32
            %add3A_1009 = arith.addi %mul3A_967, %add3A_1008 : i32
            %add3A_1010 = arith.constant 16 : i32
            %add3A_1011 = arith.addi %mul3A_967, %add3A_1010 : i32
            %get3A_1012 = arith.constant 1 : i32
            %get3A_1013 = arith.index_cast %get3A_1012 : i32 to index
            %get3A_1014 = arith.index_cast %add3A_1011 : i32 to index
            %get3A_1015 = tpu.vector_load %arg9[%get3A_1013, %get3A_1014] {strides = array<i32>} : memref<16x1792xf32, #tpu.memory_space<vmem>>, vector<16xf32>,
            %add3A_1016 = arith.constant 16 : i32
            %add3A_1017 = arith.addi %mul3A_967, %add3A_1016 : i32
            %add3A_1018 = arith.constant 16 : i32
            %add3A_1019 = arith.addi %mul3A_967, %add3A_1018 : i32
            %get3A_1020 = arith.constant 2 : i32
            %get3A_1021 = arith.index_cast %get3A_1020 : i32 to index
            %get3A_1022 = arith.index_cast %add3A_1019 : i32 to index
            %get3A_1023 = tpu.vector_load %arg9[%get3A_1021, %get3A_1022] {strides = array<i32>} : memref<16x1792xf32, #tpu.memory_space<vmem>>, vector<16xf32>,
            %add3A_1024 = arith.constant 16 : i32
            %add3A_1025 = arith.addi %mul3A_967, %add3A_1024 : i32
            %add3A_1026 = arith.constant 16 : i32
            %add3A_1027 = arith.addi %mul3A_967, %add3A_1026 : i32
            %get3A_1028 = arith.constant 3 : i32
            %get3A_1029 = arith.index_cast %get3A_1028 : i32 to index
            %get3A_1030 = arith.index_cast %add3A_1027 : i32 to index
            %get3A_1031 = tpu.vector_load %arg9[%get3A_1029, %get3A_1030] {strides = array<i32>} : memref<16x1792xf32, #tpu.memory_space<vmem>>, vector<16xf32>,
            %add3A_1032 = arith.constant 32 : i32
            %add3A_1033 = arith.addi %mul3A_967, %add3A_1032 : i32
            %add3A_1034 = arith.constant 32 : i32
            %add3A_1035 = arith.addi %mul3A_967, %add3A_1034 : i32
            %get3A_1036 = arith.constant 0 : i32
            %get3A_1037 = arith.index_cast %get3A_1036 : i32 to index
            %get3A_1038 = arith.index_cast %add3A_1035 : i32 to index
            %get3A_1039 = tpu.vector_load %arg9[%get3A_1037, %get3A_1038] {strides = array<i32>} : memref<16x1792xf32, #tpu.memory_space<vmem>>, vector<16xf32>,
            %add3A_1040 = arith.constant 32 : i32
            %add3A_1041 = arith.addi %mul3A_967, %add3A_1040 : i32
            %add3A_1042 = arith.constant 32 : i32
            %add3A_1043 = arith.addi %mul3A_967, %add3A_1042 : i32
            %get3A_1044 = arith.constant 1 : i32
            %get3A_1045 = arith.index_cast %get3A_1044 : i32 to index
            %get3A_1046 = arith.index_cast %add3A_1043 : i32 to index
            %get3A_1047 = tpu.vector_load %arg9[%get3A_1045, %get3A_1046] {strides = array<i32>} : memref<16x1792xf32, #tpu.memory_space<vmem>>, vector<16xf32>,
            %add3A_1048 = arith.constant 32 : i32
            %add3A_1049 = arith.addi %mul3A_967, %add3A_1048 : i32
            %add3A_1050 = arith.constant 32 : i32
            %add3A_1051 = arith.addi %mul3A_967, %add3A_1050 : i32
            %get3A_1052 = arith.constant 2 : i32
            %get3A_1053 = arith.index_cast %get3A_1052 : i32 to index
            %get3A_1054 = arith.index_cast %add3A_1051 : i32 to index
            %get3A_1055 = tpu.vector_load %arg9[%get3A_1053, %get3A_1054] {strides = array<i32>} : memref<16x1792xf32, #tpu.memory_space<vmem>>, vector<16xf32>,
            %add3A_1056 = arith.constant 32 : i32
            %add3A_1057 = arith.addi %mul3A_967, %add3A_1056 : i32
            %add3A_1058 = arith.constant 32 : i32
            %add3A_1059 = arith.addi %mul3A_967, %add3A_1058 : i32
            %get3A_1060 = arith.constant 3 : i32
            %get3A_1061 = arith.index_cast %get3A_1060 : i32 to index
            %get3A_1062 = arith.index_cast %add3A_1059 : i32 to index
            %get3A_1063 = tpu.vector_load %arg9[%get3A_1061, %get3A_1062] {strides = array<i32>} : memref<16x1792xf32, #tpu.memory_space<vmem>>, vector<16xf32>,
            %add3A_1064 = arith.constant 48 : i32
            %add3A_1065 = arith.addi %mul3A_967, %add3A_1064 : i32
            %add3A_1066 = arith.constant 48 : i32
            %add3A_1067 = arith.addi %mul3A_967, %add3A_1066 : i32
            %get3A_1068 = arith.constant 0 : i32
            %get3A_1069 = arith.index_cast %get3A_1068 : i32 to index
            %get3A_1070 = arith.index_cast %add3A_1067 : i32 to index
            %get3A_1071 = tpu.vector_load %arg9[%get3A_1069, %get3A_1070] {strides = array<i32>} : memref<16x1792xf32, #tpu.memory_space<vmem>>, vector<16xf32>,
            %add3A_1072 = arith.constant 48 : i32
            %add3A_1073 = arith.addi %mul3A_967, %add3A_1072 : i32
            %add3A_1074 = arith.constant 48 : i32
            %add3A_1075 = arith.addi %mul3A_967, %add3A_1074 : i32
            %get3A_1076 = arith.constant 1 : i32
            %get3A_1077 = arith.index_cast %get3A_1076 : i32 to index
            %get3A_1078 = arith.index_cast %add3A_1075 : i32 to index
            %get3A_1079 = tpu.vector_load %arg9[%get3A_1077, %get3A_1078] {strides = array<i32>} : memref<16x1792xf32, #tpu.memory_space<vmem>>, vector<16xf32>,
            %add3A_1080 = arith.constant 48 : i32
            %add3A_1081 = arith.addi %mul3A_967, %add3A_1080 : i32
            %add3A_1082 = arith.constant 48 : i32
            %add3A_1083 = arith.addi %mul3A_967, %add3A_1082 : i32
            %get3A_1084 = arith.constant 2 : i32
            %get3A_1085 = arith.index_cast %get3A_1084 : i32 to index
            %get3A_1086 = arith.index_cast %add3A_1083 : i32 to index
            %get3A_1087 = tpu.vector_load %arg9[%get3A_1085, %get3A_1086] {strides = array<i32>} : memref<16x1792xf32, #tpu.memory_space<vmem>>, vector<16xf32>,
            %add3A_1088 = arith.constant 48 : i32
            %add3A_1089 = arith.addi %mul3A_967, %add3A_1088 : i32
            %add3A_1090 = arith.constant 48 : i32
            %add3A_1091 = arith.addi %mul3A_967, %add3A_1090 : i32
            %get3A_1092 = arith.constant 3 : i32
            %get3A_1093 = arith.index_cast %get3A_1092 : i32 to index
            %get3A_1094 = arith.index_cast %add3A_1091 : i32 to index
            %get3A_1095 = tpu.vector_load %arg9[%get3A_1093, %get3A_1094] {strides = array<i32>} : memref<16x1792xf32, #tpu.memory_space<vmem>>, vector<16xf32>,
            %add3A_1096 = vector.broadcast %add3A_969 : i32 to vector<16xi32>
            %add3A_1097 = arith.addi %add3A_739, %add3A_1096 : vector<16xi32>
            tpu.vector_store_idx %arg8[%add3A_1097], %get3A_975 {add = true} : memref<59136xf32, #tpu.memory_space<vmem>>[vector<16xi32>], vector<16xf32>,
            %add3A_1098 = vector.broadcast %add3A_977 : i32 to vector<16xi32>
            %add3A_1099 = arith.addi %add3A_752, %add3A_1098 : vector<16xi32>
            tpu.vector_store_idx %arg8[%add3A_1099], %get3A_983 {add = true} : memref<59136xf32, #tpu.memory_space<vmem>>[vector<16xi32>], vector<16xf32>,
            %add3A_1100 = vector.broadcast %add3A_985 : i32 to vector<16xi32>
            %add3A_1101 = arith.addi %add3A_765, %add3A_1100 : vector<16xi32>
            tpu.vector_store_idx %arg8[%add3A_1101], %get3A_991 {add = true} : memref<59136xf32, #tpu.memory_space<vmem>>[vector<16xi32>], vector<16xf32>,
            %add3A_1102 = vector.broadcast %add3A_993 : i32 to vector<16xi32>
            %add3A_1103 = arith.addi %add3A_778, %add3A_1102 : vector<16xi32>
            tpu.vector_store_idx %arg8[%add3A_1103], %get3A_999 {add = true} : memref<59136xf32, #tpu.memory_space<vmem>>[vector<16xi32>], vector<16xf32>,
            %add3A_1104 = vector.broadcast %add3A_1001 : i32 to vector<16xi32>
            %add3A_1105 = arith.addi %add3A_739, %add3A_1104 : vector<16xi32>
            tpu.vector_store_idx %arg8[%add3A_1105], %get3A_1007 {add = true} : memref<59136xf32, #tpu.memory_space<vmem>>[vector<16xi32>], vector<16xf32>,
            %add3A_1106 = vector.broadcast %add3A_1009 : i32 to vector<16xi32>
            %add3A_1107 = arith.addi %add3A_752, %add3A_1106 : vector<16xi32>
            tpu.vector_store_idx %arg8[%add3A_1107], %get3A_1015 {add = true} : memref<59136xf32, #tpu.memory_space<vmem>>[vector<16xi32>], vector<16xf32>,
            %add3A_1108 = vector.broadcast %add3A_1017 : i32 to vector<16xi32>
            %add3A_1109 = arith.addi %add3A_765, %add3A_1108 : vector<16xi32>
            tpu.vector_store_idx %arg8[%add3A_1109], %get3A_1023 {add = true} : memref<59136xf32, #tpu.memory_space<vmem>>[vector<16xi32>], vector<16xf32>,
            %add3A_1110 = vector.broadcast %add3A_1025 : i32 to vector<16xi32>
            %add3A_1111 = arith.addi %add3A_778, %add3A_1110 : vector<16xi32>
            tpu.vector_store_idx %arg8[%add3A_1111], %get3A_1031 {add = true} : memref<59136xf32, #tpu.memory_space<vmem>>[vector<16xi32>], vector<16xf32>,
            %add3A_1112 = vector.broadcast %add3A_1033 : i32 to vector<16xi32>
            %add3A_1113 = arith.addi %add3A_739, %add3A_1112 : vector<16xi32>
            tpu.vector_store_idx %arg8[%add3A_1113], %get3A_1039 {add = true} : memref<59136xf32, #tpu.memory_space<vmem>>[vector<16xi32>], vector<16xf32>,
            %add3A_1114 = vector.broadcast %add3A_1041 : i32 to vector<16xi32>
            %add3A_1115 = arith.addi %add3A_752, %add3A_1114 : vector<16xi32>
            tpu.vector_store_idx %arg8[%add3A_1115], %get3A_1047 {add = true} : memref<59136xf32, #tpu.memory_space<vmem>>[vector<16xi32>], vector<16xf32>,
            %add3A_1116 = vector.broadcast %add3A_1049 : i32 to vector<16xi32>
            %add3A_1117 = arith.addi %add3A_765, %add3A_1116 : vector<16xi32>
            tpu.vector_store_idx %arg8[%add3A_1117], %get3A_1055 {add = true} : memref<59136xf32, #tpu.memory_space<vmem>>[vector<16xi32>], vector<16xf32>,
            %add3A_1118 = vector.broadcast %add3A_1057 : i32 to vector<16xi32>
            %add3A_1119 = arith.addi %add3A_778, %add3A_1118 : vector<16xi32>
            tpu.vector_store_idx %arg8[%add3A_1119], %get3A_1063 {add = true} : memref<59136xf32, #tpu.memory_space<vmem>>[vector<16xi32>], vector<16xf32>,
            %add3A_1120 = vector.broadcast %add3A_1065 : i32 to vector<16xi32>
            %add3A_1121 = arith.addi %add3A_739, %add3A_1120 : vector<16xi32>
            tpu.vector_store_idx %arg8[%add3A_1121], %get3A_1071 {add = true} : memref<59136xf32, #tpu.memory_space<vmem>>[vector<16xi32>], vector<16xf32>,
            %add3A_1122 = vector.broadcast %add3A_1073 : i32 to vector<16xi32>
            %add3A_1123 = arith.addi %add3A_752, %add3A_1122 : vector<16xi32>
            tpu.vector_store_idx %arg8[%add3A_1123], %get3A_1079 {add = true} : memref<59136xf32, #tpu.memory_space<vmem>>[vector<16xi32>], vector<16xf32>,
            %add3A_1124 = vector.broadcast %add3A_1081 : i32 to vector<16xi32>
            %add3A_1125 = arith.addi %add3A_765, %add3A_1124 : vector<16xi32>
            tpu.vector_store_idx %arg8[%add3A_1125], %get3A_1087 {add = true} : memref<59136xf32, #tpu.memory_space<vmem>>[vector<16xi32>], vector<16xf32>,
            %add3A_1126 = vector.broadcast %add3A_1089 : i32 to vector<16xi32>
            %add3A_1127 = arith.addi %add3A_778, %add3A_1126 : vector<16xi32>
            tpu.vector_store_idx %arg8[%add3A_1127], %get3A_1095 {add = true} : memref<59136xf32, #tpu.memory_space<vmem>>[vector<16xi32>], vector<16xf32>,
          }
          %scan3A_784 = arith.constant 28 : i32
          %broadcast_in_dim3A_785 = arith.constant 0 : i32
          %broadcast_in_dim3A_786 = vector.broadcast %broadcast_in_dim3A_785 : i32 to vector<16xi32>
          %mul3A_787 = arith.constant 16 : i32
          %mul3A_788 = arith.muli %add3A_711, %mul3A_787 : i32
          %add3A_789 = arith.constant 4 : i32
          %add3A_790 = arith.addi %mul3A_788, %add3A_789 : i32
          %add3A_791 = vector.broadcast %add3A_790 : i32 to vector<16xi32>
          %add3A_792 = arith.addi %broadcast_in_dim3A_786, %add3A_791 : vector<16xi32>
          %gather3A_793 = tpu.vector_load_idx %arg7[%add3A_792] : memref<256xi32, #tpu.memory_space<vmem>>[vector<16xi32>], vector<16xi32>,
          %mul3A_794 = arith.constant 1792 : i32
          %mul3A_795 = vector.broadcast %mul3A_794 : i32 to vector<16xi32>
          %mul3A_796 = arith.muli %gather3A_793, %mul3A_795 : vector<16xi32>
          %add3A_797 = arith.addi %mul3A_796, %iota3A : vector<16xi32>
          %broadcast_in_dim3A_798 = arith.constant 0 : i32
          %broadcast_in_dim3A_799 = vector.broadcast %broadcast_in_dim3A_798 : i32 to vector<16xi32>
          %mul3A_800 = arith.constant 16 : i32
          %mul3A_801 = arith.muli %add3A_711, %mul3A_800 : i32
          %add3A_802 = arith.constant 5 : i32
          %add3A_803 = arith.addi %mul3A_801, %add3A_802 : i32
          %add3A_804 = vector.broadcast %add3A_803 : i32 to vector<16xi32>
          %add3A_805 = arith.addi %broadcast_in_dim3A_799, %add3A_804 : vector<16xi32>
          %gather3A_806 = tpu.vector_load_idx %arg7[%add3A_805] : memref<256xi32, #tpu.memory_space<vmem>>[vector<16xi32>], vector<16xi32>,
          %mul3A_807 = arith.constant 1792 : i32
          %mul3A_808 = vector.broadcast %mul3A_807 : i32 to vector<16xi32>
          %mul3A_809 = arith.muli %gather3A_806, %mul3A_808 : vector<16xi32>
          %add3A_810 = arith.addi %mul3A_809, %iota3A : vector<16xi32>
          %broadcast_in_dim3A_811 = arith.constant 0 : i32
          %broadcast_in_dim3A_812 = vector.broadcast %broadcast_in_dim3A_811 : i32 to vector<16xi32>
          %mul3A_813 = arith.constant 16 : i32
          %mul3A_814 = arith.muli %add3A_711, %mul3A_813 : i32
          %add3A_815 = arith.constant 6 : i32
          %add3A_816 = arith.addi %mul3A_814, %add3A_815 : i32
          %add3A_817 = vector.broadcast %add3A_816 : i32 to vector<16xi32>
          %add3A_818 = arith.addi %broadcast_in_dim3A_812, %add3A_817 : vector<16xi32>
          %gather3A_819 = tpu.vector_load_idx %arg7[%add3A_818] : memref<256xi32, #tpu.memory_space<vmem>>[vector<16xi32>], vector<16xi32>,
          %mul3A_820 = arith.constant 1792 : i32
          %mul3A_821 = vector.broadcast %mul3A_820 : i32 to vector<16xi32>
          %mul3A_822 = arith.muli %gather3A_819, %mul3A_821 : vector<16xi32>
          %add3A_823 = arith.addi %mul3A_822, %iota3A : vector<16xi32>
          %broadcast_in_dim3A_824 = arith.constant 0 : i32
          %broadcast_in_dim3A_825 = vector.broadcast %broadcast_in_dim3A_824 : i32 to vector<16xi32>
          %mul3A_826 = arith.constant 16 : i32
          %mul3A_827 = arith.muli %add3A_711, %mul3A_826 : i32
          %add3A_828 = arith.constant 7 : i32
          %add3A_829 = arith.addi %mul3A_827, %add3A_828 : i32
          %add3A_830 = vector.broadcast %add3A_829 : i32 to vector<16xi32>
          %add3A_831 = arith.addi %broadcast_in_dim3A_825, %add3A_830 : vector<16xi32>
          %gather3A_832 = tpu.vector_load_idx %arg7[%add3A_831] : memref<256xi32, #tpu.memory_space<vmem>>[vector<16xi32>], vector<16xi32>,
          %mul3A_833 = arith.constant 1792 : i32
          %mul3A_834 = vector.broadcast %mul3A_833 : i32 to vector<16xi32>
          %mul3A_835 = arith.muli %gather3A_832, %mul3A_834 : vector<16xi32>
          %add3A_836 = arith.addi %mul3A_835, %iota3A : vector<16xi32>
          %scan3A_837 = arith.constant 0 : i32
          %scan3A_838 = arith.constant 0 : i32
          %scan3A_839 = arith.constant 28 : i32
          %scan3A_840 = arith.addi %scan3A_838, %scan3A_839 : i32
          %scan3A_841 = arith.constant 1 : i32
          scf.for %scan3A_965 = %scan3A_838 to %scan3A_840 step %scan3A_841  : i32 {
            %mul3A_966 = arith.constant 64 : i32
            %mul3A_967 = arith.muli %scan3A_965, %mul3A_966 : i32
            %add3A_968 = arith.constant 0 : i32
            %add3A_969 = arith.addi %mul3A_967, %add3A_968 : i32
            %add3A_970 = arith.constant 0 : i32
            %add3A_971 = arith.addi %mul3A_967, %add3A_970 : i32
            %get3A_972 = arith.constant 4 : i32
            %get3A_973 = arith.index_cast %get3A_972 : i32 to index
            %get3A_974 = arith.index_cast %add3A_971 : i32 to index
            %get3A_975 = tpu.vector_load %arg9[%get3A_973, %get3A_974] {strides = array<i32>} : memref<16x1792xf32, #tpu.memory_space<vmem>>, vector<16xf32>,
            %add3A_976 = arith.constant 0 : i32
            %add3A_977 = arith.addi %mul3A_967, %add3A_976 : i32
            %add3A_978 = arith.constant 0 : i32
            %add3A_979 = arith.addi %mul3A_967, %add3A_978 : i32
            %get3A_980 = arith.constant 5 : i32
            %get3A_981 = arith.index_cast %get3A_980 : i32 to index
            %get3A_982 = arith.index_cast %add3A_979 : i32 to index
            %get3A_983 = tpu.vector_load %arg9[%get3A_981, %get3A_982] {strides = array<i32>} : memref<16x1792xf32, #tpu.memory_space<vmem>>, vector<16xf32>,
            %add3A_984 = arith.constant 0 : i32
            %add3A_985 = arith.addi %mul3A_967, %add3A_984 : i32
            %add3A_986 = arith.constant 0 : i32
            %add3A_987 = arith.addi %mul3A_967, %add3A_986 : i32
            %get3A_988 = arith.constant 6 : i32
            %get3A_989 = arith.index_cast %get3A_988 : i32 to index
            %get3A_990 = arith.index_cast %add3A_987 : i32 to index
            %get3A_991 = tpu.vector_load %arg9[%get3A_989, %get3A_990] {strides = array<i32>} : memref<16x1792xf32, #tpu.memory_space<vmem>>, vector<16xf32>,
            %add3A_992 = arith.constant 0 : i32
            %add3A_993 = arith.addi %mul3A_967, %add3A_992 : i32
            %add3A_994 = arith.constant 0 : i32
            %add3A_995 = arith.addi %mul3A_967, %add3A_994 : i32
            %get3A_996 = arith.constant 7 : i32
            %get3A_997 = arith.index_cast %get3A_996 : i32 to index
            %get3A_998 = arith.index_cast %add3A_995 : i32 to index
            %get3A_999 = tpu.vector_load %arg9[%get3A_997, %get3A_998] {strides = array<i32>} : memref<16x1792xf32, #tpu.memory_space<vmem>>, vector<16xf32>,
            %add3A_1000 = arith.constant 16 : i32
            %add3A_1001 = arith.addi %mul3A_967, %add3A_1000 : i32
            %add3A_1002 = arith.constant 16 : i32
            %add3A_1003 = arith.addi %mul3A_967, %add3A_1002 : i32
            %get3A_1004 = arith.constant 4 : i32
            %get3A_1005 = arith.index_cast %get3A_1004 : i32 to index
            %get3A_1006 = arith.index_cast %add3A_1003 : i32 to index
            %get3A_1007 = tpu.vector_load %arg9[%get3A_1005, %get3A_1006] {strides = array<i32>} : memref<16x1792xf32, #tpu.memory_space<vmem>>, vector<16xf32>,
            %add3A_1008 = arith.constant 16 : i32
            %add3A_1009 = arith.addi %mul3A_967, %add3A_1008 : i32
            %add3A_1010 = arith.constant 16 : i32
            %add3A_1011 = arith.addi %mul3A_967, %add3A_1010 : i32
            %get3A_1012 = arith.constant 5 : i32
            %get3A_1013 = arith.index_cast %get3A_1012 : i32 to index
            %get3A_1014 = arith.index_cast %add3A_1011 : i32 to index
            %get3A_1015 = tpu.vector_load %arg9[%get3A_1013, %get3A_1014] {strides = array<i32>} : memref<16x1792xf32, #tpu.memory_space<vmem>>, vector<16xf32>,
            %add3A_1016 = arith.constant 16 : i32
            %add3A_1017 = arith.addi %mul3A_967, %add3A_1016 : i32
            %add3A_1018 = arith.constant 16 : i32
            %add3A_1019 = arith.addi %mul3A_967, %add3A_1018 : i32
            %get3A_1020 = arith.constant 6 : i32
            %get3A_1021 = arith.index_cast %get3A_1020 : i32 to index
            %get3A_1022 = arith.index_cast %add3A_1019 : i32 to index
            %get3A_1023 = tpu.vector_load %arg9[%get3A_1021, %get3A_1022] {strides = array<i32>} : memref<16x1792xf32, #tpu.memory_space<vmem>>, vector<16xf32>,
            %add3A_1024 = arith.constant 16 : i32
            %add3A_1025 = arith.addi %mul3A_967, %add3A_1024 : i32
            %add3A_1026 = arith.constant 16 : i32
            %add3A_1027 = arith.addi %mul3A_967, %add3A_1026 : i32
            %get3A_1028 = arith.constant 7 : i32
            %get3A_1029 = arith.index_cast %get3A_1028 : i32 to index
            %get3A_1030 = arith.index_cast %add3A_1027 : i32 to index
            %get3A_1031 = tpu.vector_load %arg9[%get3A_1029, %get3A_1030] {strides = array<i32>} : memref<16x1792xf32, #tpu.memory_space<vmem>>, vector<16xf32>,
            %add3A_1032 = arith.constant 32 : i32
            %add3A_1033 = arith.addi %mul3A_967, %add3A_1032 : i32
            %add3A_1034 = arith.constant 32 : i32
            %add3A_1035 = arith.addi %mul3A_967, %add3A_1034 : i32
            %get3A_1036 = arith.constant 4 : i32
            %get3A_1037 = arith.index_cast %get3A_1036 : i32 to index
            %get3A_1038 = arith.index_cast %add3A_1035 : i32 to index
            %get3A_1039 = tpu.vector_load %arg9[%get3A_1037, %get3A_1038] {strides = array<i32>} : memref<16x1792xf32, #tpu.memory_space<vmem>>, vector<16xf32>,
            %add3A_1040 = arith.constant 32 : i32
            %add3A_1041 = arith.addi %mul3A_967, %add3A_1040 : i32
            %add3A_1042 = arith.constant 32 : i32
            %add3A_1043 = arith.addi %mul3A_967, %add3A_1042 : i32
            %get3A_1044 = arith.constant 5 : i32
            %get3A_1045 = arith.index_cast %get3A_1044 : i32 to index
            %get3A_1046 = arith.index_cast %add3A_1043 : i32 to index
            %get3A_1047 = tpu.vector_load %arg9[%get3A_1045, %get3A_1046] {strides = array<i32>} : memref<16x1792xf32, #tpu.memory_space<vmem>>, vector<16xf32>,
            %add3A_1048 = arith.constant 32 : i32
            %add3A_1049 = arith.addi %mul3A_967, %add3A_1048 : i32
            %add3A_1050 = arith.constant 32 : i32
            %add3A_1051 = arith.addi %mul3A_967, %add3A_1050 : i32
            %get3A_1052 = arith.constant 6 : i32
            %get3A_1053 = arith.index_cast %get3A_1052 : i32 to index
            %get3A_1054 = arith.index_cast %add3A_1051 : i32 to index
            %get3A_1055 = tpu.vector_load %arg9[%get3A_1053, %get3A_1054] {strides = array<i32>} : memref<16x1792xf32, #tpu.memory_space<vmem>>, vector<16xf32>,
            %add3A_1056 = arith.constant 32 : i32
            %add3A_1057 = arith.addi %mul3A_967, %add3A_1056 : i32
            %add3A_1058 = arith.constant 32 : i32
            %add3A_1059 = arith.addi %mul3A_967, %add3A_1058 : i32
            %get3A_1060 = arith.constant 7 : i32
            %get3A_1061 = arith.index_cast %get3A_1060 : i32 to index
            %get3A_1062 = arith.index_cast %add3A_1059 : i32 to index
            %get3A_1063 = tpu.vector_load %arg9[%get3A_1061, %get3A_1062] {strides = array<i32>} : memref<16x1792xf32, #tpu.memory_space<vmem>>, vector<16xf32>,
            %add3A_1064 = arith.constant 48 : i32
            %add3A_1065 = arith.addi %mul3A_967, %add3A_1064 : i32
            %add3A_1066 = arith.constant 48 : i32
            %add3A_1067 = arith.addi %mul3A_967, %add3A_1066 : i32
            %get3A_1068 = arith.constant 4 : i32
            %get3A_1069 = arith.index_cast %get3A_1068 : i32 to index
            %get3A_1070 = arith.index_cast %add3A_1067 : i32 to index
            %get3A_1071 = tpu.vector_load %arg9[%get3A_1069, %get3A_1070] {strides = array<i32>} : memref<16x1792xf32, #tpu.memory_space<vmem>>, vector<16xf32>,
            %add3A_1072 = arith.constant 48 : i32
            %add3A_1073 = arith.addi %mul3A_967, %add3A_1072 : i32
            %add3A_1074 = arith.constant 48 : i32
            %add3A_1075 = arith.addi %mul3A_967, %add3A_1074 : i32
            %get3A_1076 = arith.constant 5 : i32
            %get3A_1077 = arith.index_cast %get3A_1076 : i32 to index
            %get3A_1078 = arith.index_cast %add3A_1075 : i32 to index
            %get3A_1079 = tpu.vector_load %arg9[%get3A_1077, %get3A_1078] {strides = array<i32>} : memref<16x1792xf32, #tpu.memory_space<vmem>>, vector<16xf32>,
            %add3A_1080 = arith.constant 48 : i32
            %add3A_1081 = arith.addi %mul3A_967, %add3A_1080 : i32
            %add3A_1082 = arith.constant 48 : i32
            %add3A_1083 = arith.addi %mul3A_967, %add3A_1082 : i32
            %get3A_1084 = arith.constant 6 : i32
            %get3A_1085 = arith.index_cast %get3A_1084 : i32 to index
            %get3A_1086 = arith.index_cast %add3A_1083 : i32 to index
            %get3A_1087 = tpu.vector_load %arg9[%get3A_1085, %get3A_1086] {strides = array<i32>} : memref<16x1792xf32, #tpu.memory_space<vmem>>, vector<16xf32>,
            %add3A_1088 = arith.constant 48 : i32
            %add3A_1089 = arith.addi %mul3A_967, %add3A_1088 : i32
            %add3A_1090 = arith.constant 48 : i32
            %add3A_1091 = arith.addi %mul3A_967, %add3A_1090 : i32
            %get3A_1092 = arith.constant 7 : i32
            %get3A_1093 = arith.index_cast %get3A_1092 : i32 to index
            %get3A_1094 = arith.index_cast %add3A_1091 : i32 to index
            %get3A_1095 = tpu.vector_load %arg9[%get3A_1093, %get3A_1094] {strides = array<i32>} : memref<16x1792xf32, #tpu.memory_space<vmem>>, vector<16xf32>,
            %add3A_1096 = vector.broadcast %add3A_969 : i32 to vector<16xi32>
            %add3A_1097 = arith.addi %add3A_797, %add3A_1096 : vector<16xi32>
            tpu.vector_store_idx %arg8[%add3A_1097], %get3A_975 {add = true} : memref<59136xf32, #tpu.memory_space<vmem>>[vector<16xi32>], vector<16xf32>,
            %add3A_1098 = vector.broadcast %add3A_977 : i32 to vector<16xi32>
            %add3A_1099 = arith.addi %add3A_810, %add3A_1098 : vector<16xi32>
            tpu.vector_store_idx %arg8[%add3A_1099], %get3A_983 {add = true} : memref<59136xf32, #tpu.memory_space<vmem>>[vector<16xi32>], vector<16xf32>,
            %add3A_1100 = vector.broadcast %add3A_985 : i32 to vector<16xi32>
            %add3A_1101 = arith.addi %add3A_823, %add3A_1100 : vector<16xi32>
            tpu.vector_store_idx %arg8[%add3A_1101], %get3A_991 {add = true} : memref<59136xf32, #tpu.memory_space<vmem>>[vector<16xi32>], vector<16xf32>,
            %add3A_1102 = vector.broadcast %add3A_993 : i32 to vector<16xi32>
            %add3A_1103 = arith.addi %add3A_836, %add3A_1102 : vector<16xi32>
            tpu.vector_store_idx %arg8[%add3A_1103], %get3A_999 {add = true} : memref<59136xf32, #tpu.memory_space<vmem>>[vector<16xi32>], vector<16xf32>,
            %add3A_1104 = vector.broadcast %add3A_1001 : i32 to vector<16xi32>
            %add3A_1105 = arith.addi %add3A_797, %add3A_1104 : vector<16xi32>
            tpu.vector_store_idx %arg8[%add3A_1105], %get3A_1007 {add = true} : memref<59136xf32, #tpu.memory_space<vmem>>[vector<16xi32>], vector<16xf32>,
            %add3A_1106 = vector.broadcast %add3A_1009 : i32 to vector<16xi32>
            %add3A_1107 = arith.addi %add3A_810, %add3A_1106 : vector<16xi32>
            tpu.vector_store_idx %arg8[%add3A_1107], %get3A_1015 {add = true} : memref<59136xf32, #tpu.memory_space<vmem>>[vector<16xi32>], vector<16xf32>,
            %add3A_1108 = vector.broadcast %add3A_1017 : i32 to vector<16xi32>
            %add3A_1109 = arith.addi %add3A_823, %add3A_1108 : vector<16xi32>
            tpu.vector_store_idx %arg8[%add3A_1109], %get3A_1023 {add = true} : memref<59136xf32, #tpu.memory_space<vmem>>[vector<16xi32>], vector<16xf32>,
            %add3A_1110 = vector.broadcast %add3A_1025 : i32 to vector<16xi32>
            %add3A_1111 = arith.addi %add3A_836, %add3A_1110 : vector<16xi32>
            tpu.vector_store_idx %arg8[%add3A_1111], %get3A_1031 {add = true} : memref<59136xf32, #tpu.memory_space<vmem>>[vector<16xi32>], vector<16xf32>,
            %add3A_1112 = vector.broadcast %add3A_1033 : i32 to vector<16xi32>
            %add3A_1113 = arith.addi %add3A_797, %add3A_1112 : vector<16xi32>
            tpu.vector_store_idx %arg8[%add3A_1113], %get3A_1039 {add = true} : memref<59136xf32, #tpu.memory_space<vmem>>[vector<16xi32>], vector<16xf32>,
            %add3A_1114 = vector.broadcast %add3A_1041 : i32 to vector<16xi32>
            %add3A_1115 = arith.addi %add3A_810, %add3A_1114 : vector<16xi32>
            tpu.vector_store_idx %arg8[%add3A_1115], %get3A_1047 {add = true} : memref<59136xf32, #tpu.memory_space<vmem>>[vector<16xi32>], vector<16xf32>,
            %add3A_1116 = vector.broadcast %add3A_1049 : i32 to vector<16xi32>
            %add3A_1117 = arith.addi %add3A_823, %add3A_1116 : vector<16xi32>
            tpu.vector_store_idx %arg8[%add3A_1117], %get3A_1055 {add = true} : memref<59136xf32, #tpu.memory_space<vmem>>[vector<16xi32>], vector<16xf32>,
            %add3A_1118 = vector.broadcast %add3A_1057 : i32 to vector<16xi32>
            %add3A_1119 = arith.addi %add3A_836, %add3A_1118 : vector<16xi32>
            tpu.vector_store_idx %arg8[%add3A_1119], %get3A_1063 {add = true} : memref<59136xf32, #tpu.memory_space<vmem>>[vector<16xi32>], vector<16xf32>,
            %add3A_1120 = vector.broadcast %add3A_1065 : i32 to vector<16xi32>
            %add3A_1121 = arith.addi %add3A_797, %add3A_1120 : vector<16xi32>
            tpu.vector_store_idx %arg8[%add3A_1121], %get3A_1071 {add = true} : memref<59136xf32, #tpu.memory_space<vmem>>[vector<16xi32>], vector<16xf32>,
            %add3A_1122 = vector.broadcast %add3A_1073 : i32 to vector<16xi32>
            %add3A_1123 = arith.addi %add3A_810, %add3A_1122 : vector<16xi32>
            tpu.vector_store_idx %arg8[%add3A_1123], %get3A_1079 {add = true} : memref<59136xf32, #tpu.memory_space<vmem>>[vector<16xi32>], vector<16xf32>,
            %add3A_1124 = vector.broadcast %add3A_1081 : i32 to vector<16xi32>
            %add3A_1125 = arith.addi %add3A_823, %add3A_1124 : vector<16xi32>
            tpu.vector_store_idx %arg8[%add3A_1125], %get3A_1087 {add = true} : memref<59136xf32, #tpu.memory_space<vmem>>[vector<16xi32>], vector<16xf32>,
            %add3A_1126 = vector.broadcast %add3A_1089 : i32 to vector<16xi32>
            %add3A_1127 = arith.addi %add3A_836, %add3A_1126 : vector<16xi32>
            tpu.vector_store_idx %arg8[%add3A_1127], %get3A_1095 {add = true} : memref<59136xf32, #tpu.memory_space<vmem>>[vector<16xi32>], vector<16xf32>,
          }
          %scan3A_842 = arith.constant 28 : i32
          %broadcast_in_dim3A_843 = arith.constant 0 : i32
          %broadcast_in_dim3A_844 = vector.broadcast %broadcast_in_dim3A_843 : i32 to vector<16xi32>
          %mul3A_845 = arith.constant 16 : i32
          %mul3A_846 = arith.muli %add3A_711, %mul3A_845 : i32
          %add3A_847 = arith.constant 8 : i32
          %add3A_848 = arith.addi %mul3A_846, %add3A_847 : i32
          %add3A_849 = vector.broadcast %add3A_848 : i32 to vector<16xi32>
          %add3A_850 = arith.addi %broadcast_in_dim3A_844, %add3A_849 : vector<16xi32>
          %gather3A_851 = tpu.vector_load_idx %arg7[%add3A_850] : memref<256xi32, #tpu.memory_space<vmem>>[vector<16xi32>], vector<16xi32>,
          %mul3A_852 = arith.constant 1792 : i32
          %mul3A_853 = vector.broadcast %mul3A_852 : i32 to vector<16xi32>
          %mul3A_854 = arith.muli %gather3A_851, %mul3A_853 : vector<16xi32>
          %add3A_855 = arith.addi %mul3A_854, %iota3A : vector<16xi32>
          %broadcast_in_dim3A_856 = arith.constant 0 : i32
          %broadcast_in_dim3A_857 = vector.broadcast %broadcast_in_dim3A_856 : i32 to vector<16xi32>
          %mul3A_858 = arith.constant 16 : i32
          %mul3A_859 = arith.muli %add3A_711, %mul3A_858 : i32
          %add3A_860 = arith.constant 9 : i32
          %add3A_861 = arith.addi %mul3A_859, %add3A_860 : i32
          %add3A_862 = vector.broadcast %add3A_861 : i32 to vector<16xi32>
          %add3A_863 = arith.addi %broadcast_in_dim3A_857, %add3A_862 : vector<16xi32>
          %gather3A_864 = tpu.vector_load_idx %arg7[%add3A_863] : memref<256xi32, #tpu.memory_space<vmem>>[vector<16xi32>], vector<16xi32>,
          %mul3A_865 = arith.constant 1792 : i32
          %mul3A_866 = vector.broadcast %mul3A_865 : i32 to vector<16xi32>
          %mul3A_867 = arith.muli %gather3A_864, %mul3A_866 : vector<16xi32>
          %add3A_868 = arith.addi %mul3A_867, %iota3A : vector<16xi32>
          %broadcast_in_dim3A_869 = arith.constant 0 : i32
          %broadcast_in_dim3A_870 = vector.broadcast %broadcast_in_dim3A_869 : i32 to vector<16xi32>
          %mul3A_871 = arith.constant 16 : i32
          %mul3A_872 = arith.muli %add3A_711, %mul3A_871 : i32
          %add3A_873 = arith.constant 10 : i32
          %add3A_874 = arith.addi %mul3A_872, %add3A_873 : i32
          %add3A_875 = vector.broadcast %add3A_874 : i32 to vector<16xi32>
          %add3A_876 = arith.addi %broadcast_in_dim3A_870, %add3A_875 : vector<16xi32>
          %gather3A_877 = tpu.vector_load_idx %arg7[%add3A_876] : memref<256xi32, #tpu.memory_space<vmem>>[vector<16xi32>], vector<16xi32>,
          %mul3A_878 = arith.constant 1792 : i32
          %mul3A_879 = vector.broadcast %mul3A_878 : i32 to vector<16xi32>
          %mul3A_880 = arith.muli %gather3A_877, %mul3A_879 : vector<16xi32>
          %add3A_881 = arith.addi %mul3A_880, %iota3A : vector<16xi32>
          %broadcast_in_dim3A_882 = arith.constant 0 : i32
          %broadcast_in_dim3A_883 = vector.broadcast %broadcast_in_dim3A_882 : i32 to vector<16xi32>
          %mul3A_884 = arith.constant 16 : i32
          %mul3A_885 = arith.muli %add3A_711, %mul3A_884 : i32
          %add3A_886 = arith.constant 11 : i32
          %add3A_887 = arith.addi %mul3A_885, %add3A_886 : i32
          %add3A_888 = vector.broadcast %add3A_887 : i32 to vector<16xi32>
          %add3A_889 = arith.addi %broadcast_in_dim3A_883, %add3A_888 : vector<16xi32>
          %gather3A_890 = tpu.vector_load_idx %arg7[%add3A_889] : memref<256xi32, #tpu.memory_space<vmem>>[vector<16xi32>], vector<16xi32>,
          %mul3A_891 = arith.constant 1792 : i32
          %mul3A_892 = vector.broadcast %mul3A_891 : i32 to vector<16xi32>
          %mul3A_893 = arith.muli %gather3A_890, %mul3A_892 : vector<16xi32>
          %add3A_894 = arith.addi %mul3A_893, %iota3A : vector<16xi32>
          %scan3A_895 = arith.constant 0 : i32
          %scan3A_896 = arith.constant 0 : i32
          %scan3A_897 = arith.constant 28 : i32
          %scan3A_898 = arith.addi %scan3A_896, %scan3A_897 : i32
          %scan3A_899 = arith.constant 1 : i32
          scf.for %scan3A_965 = %scan3A_896 to %scan3A_898 step %scan3A_899  : i32 {
            %mul3A_966 = arith.constant 64 : i32
            %mul3A_967 = arith.muli %scan3A_965, %mul3A_966 : i32
            %add3A_968 = arith.constant 0 : i32
            %add3A_969 = arith.addi %mul3A_967, %add3A_968 : i32
            %add3A_970 = arith.constant 0 : i32
            %add3A_971 = arith.addi %mul3A_967, %add3A_970 : i32
            %get3A_972 = arith.constant 8 : i32
            %get3A_973 = arith.index_cast %get3A_972 : i32 to index
            %get3A_974 = arith.index_cast %add3A_971 : i32 to index
            %get3A_975 = tpu.vector_load %arg9[%get3A_973, %get3A_974] {strides = array<i32>} : memref<16x1792xf32, #tpu.memory_space<vmem>>, vector<16xf32>,
            %add3A_976 = arith.constant 0 : i32
            %add3A_977 = arith.addi %mul3A_967, %add3A_976 : i32
            %add3A_978 = arith.constant 0 : i32
            %add3A_979 = arith.addi %mul3A_967, %add3A_978 : i32
            %get3A_980 = arith.constant 9 : i32
            %get3A_981 = arith.index_cast %get3A_980 : i32 to index
            %get3A_982 = arith.index_cast %add3A_979 : i32 to index
            %get3A_983 = tpu.vector_load %arg9[%get3A_981, %get3A_982] {strides = array<i32>} : memref<16x1792xf32, #tpu.memory_space<vmem>>, vector<16xf32>,
            %add3A_984 = arith.constant 0 : i32
            %add3A_985 = arith.addi %mul3A_967, %add3A_984 : i32
            %add3A_986 = arith.constant 0 : i32
            %add3A_987 = arith.addi %mul3A_967, %add3A_986 : i32
            %get3A_988 = arith.constant 10 : i32
            %get3A_989 = arith.index_cast %get3A_988 : i32 to index
            %get3A_990 = arith.index_cast %add3A_987 : i32 to index
            %get3A_991 = tpu.vector_load %arg9[%get3A_989, %get3A_990] {strides = array<i32>} : memref<16x1792xf32, #tpu.memory_space<vmem>>, vector<16xf32>,
            %add3A_992 = arith.constant 0 : i32
            %add3A_993 = arith.addi %mul3A_967, %add3A_992 : i32
            %add3A_994 = arith.constant 0 : i32
            %add3A_995 = arith.addi %mul3A_967, %add3A_994 : i32
            %get3A_996 = arith.constant 11 : i32
            %get3A_997 = arith.index_cast %get3A_996 : i32 to index
            %get3A_998 = arith.index_cast %add3A_995 : i32 to index
            %get3A_999 = tpu.vector_load %arg9[%get3A_997, %get3A_998] {strides = array<i32>} : memref<16x1792xf32, #tpu.memory_space<vmem>>, vector<16xf32>,
            %add3A_1000 = arith.constant 16 : i32
            %add3A_1001 = arith.addi %mul3A_967, %add3A_1000 : i32
            %add3A_1002 = arith.constant 16 : i32
            %add3A_1003 = arith.addi %mul3A_967, %add3A_1002 : i32
            %get3A_1004 = arith.constant 8 : i32
            %get3A_1005 = arith.index_cast %get3A_1004 : i32 to index
            %get3A_1006 = arith.index_cast %add3A_1003 : i32 to index
            %get3A_1007 = tpu.vector_load %arg9[%get3A_1005, %get3A_1006] {strides = array<i32>} : memref<16x1792xf32, #tpu.memory_space<vmem>>, vector<16xf32>,
            %add3A_1008 = arith.constant 16 : i32
            %add3A_1009 = arith.addi %mul3A_967, %add3A_1008 : i32
            %add3A_1010 = arith.constant 16 : i32
            %add3A_1011 = arith.addi %mul3A_967, %add3A_1010 : i32
            %get3A_1012 = arith.constant 9 : i32
            %get3A_1013 = arith.index_cast %get3A_1012 : i32 to index
            %get3A_1014 = arith.index_cast %add3A_1011 : i32 to index
            %get3A_1015 = tpu.vector_load %arg9[%get3A_1013, %get3A_1014] {strides = array<i32>} : memref<16x1792xf32, #tpu.memory_space<vmem>>, vector<16xf32>,
            %add3A_1016 = arith.constant 16 : i32
            %add3A_1017 = arith.addi %mul3A_967, %add3A_1016 : i32
            %add3A_1018 = arith.constant 16 : i32
            %add3A_1019 = arith.addi %mul3A_967, %add3A_1018 : i32
            %get3A_1020 = arith.constant 10 : i32
            %get3A_1021 = arith.index_cast %get3A_1020 : i32 to index
            %get3A_1022 = arith.index_cast %add3A_1019 : i32 to index
            %get3A_1023 = tpu.vector_load %arg9[%get3A_1021, %get3A_1022] {strides = array<i32>} : memref<16x1792xf32, #tpu.memory_space<vmem>>, vector<16xf32>,
            %add3A_1024 = arith.constant 16 : i32
            %add3A_1025 = arith.addi %mul3A_967, %add3A_1024 : i32
            %add3A_1026 = arith.constant 16 : i32
            %add3A_1027 = arith.addi %mul3A_967, %add3A_1026 : i32
            %get3A_1028 = arith.constant 11 : i32
            %get3A_1029 = arith.index_cast %get3A_1028 : i32 to index
            %get3A_1030 = arith.index_cast %add3A_1027 : i32 to index
            %get3A_1031 = tpu.vector_load %arg9[%get3A_1029, %get3A_1030] {strides = array<i32>} : memref<16x1792xf32, #tpu.memory_space<vmem>>, vector<16xf32>,
            %add3A_1032 = arith.constant 32 : i32
            %add3A_1033 = arith.addi %mul3A_967, %add3A_1032 : i32
            %add3A_1034 = arith.constant 32 : i32
            %add3A_1035 = arith.addi %mul3A_967, %add3A_1034 : i32
            %get3A_1036 = arith.constant 8 : i32
            %get3A_1037 = arith.index_cast %get3A_1036 : i32 to index
            %get3A_1038 = arith.index_cast %add3A_1035 : i32 to index
            %get3A_1039 = tpu.vector_load %arg9[%get3A_1037, %get3A_1038] {strides = array<i32>} : memref<16x1792xf32, #tpu.memory_space<vmem>>, vector<16xf32>,
            %add3A_1040 = arith.constant 32 : i32
            %add3A_1041 = arith.addi %mul3A_967, %add3A_1040 : i32
            %add3A_1042 = arith.constant 32 : i32
            %add3A_1043 = arith.addi %mul3A_967, %add3A_1042 : i32
            %get3A_1044 = arith.constant 9 : i32
            %get3A_1045 = arith.index_cast %get3A_1044 : i32 to index
            %get3A_1046 = arith.index_cast %add3A_1043 : i32 to index
            %get3A_1047 = tpu.vector_load %arg9[%get3A_1045, %get3A_1046] {strides = array<i32>} : memref<16x1792xf32, #tpu.memory_space<vmem>>, vector<16xf32>,
            %add3A_1048 = arith.constant 32 : i32
            %add3A_1049 = arith.addi %mul3A_967, %add3A_1048 : i32
            %add3A_1050 = arith.constant 32 : i32
            %add3A_1051 = arith.addi %mul3A_967, %add3A_1050 : i32
            %get3A_1052 = arith.constant 10 : i32
            %get3A_1053 = arith.index_cast %get3A_1052 : i32 to index
            %get3A_1054 = arith.index_cast %add3A_1051 : i32 to index
            %get3A_1055 = tpu.vector_load %arg9[%get3A_1053, %get3A_1054] {strides = array<i32>} : memref<16x1792xf32, #tpu.memory_space<vmem>>, vector<16xf32>,
            %add3A_1056 = arith.constant 32 : i32
            %add3A_1057 = arith.addi %mul3A_967, %add3A_1056 : i32
            %add3A_1058 = arith.constant 32 : i32
            %add3A_1059 = arith.addi %mul3A_967, %add3A_1058 : i32
            %get3A_1060 = arith.constant 11 : i32
            %get3A_1061 = arith.index_cast %get3A_1060 : i32 to index
            %get3A_1062 = arith.index_cast %add3A_1059 : i32 to index
            %get3A_1063 = tpu.vector_load %arg9[%get3A_1061, %get3A_1062] {strides = array<i32>} : memref<16x1792xf32, #tpu.memory_space<vmem>>, vector<16xf32>,
            %add3A_1064 = arith.constant 48 : i32
            %add3A_1065 = arith.addi %mul3A_967, %add3A_1064 : i32
            %add3A_1066 = arith.constant 48 : i32
            %add3A_1067 = arith.addi %mul3A_967, %add3A_1066 : i32
            %get3A_1068 = arith.constant 8 : i32
            %get3A_1069 = arith.index_cast %get3A_1068 : i32 to index
            %get3A_1070 = arith.index_cast %add3A_1067 : i32 to index
            %get3A_1071 = tpu.vector_load %arg9[%get3A_1069, %get3A_1070] {strides = array<i32>} : memref<16x1792xf32, #tpu.memory_space<vmem>>, vector<16xf32>,
            %add3A_1072 = arith.constant 48 : i32
            %add3A_1073 = arith.addi %mul3A_967, %add3A_1072 : i32
            %add3A_1074 = arith.constant 48 : i32
            %add3A_1075 = arith.addi %mul3A_967, %add3A_1074 : i32
            %get3A_1076 = arith.constant 9 : i32
            %get3A_1077 = arith.index_cast %get3A_1076 : i32 to index
            %get3A_1078 = arith.index_cast %add3A_1075 : i32 to index
            %get3A_1079 = tpu.vector_load %arg9[%get3A_1077, %get3A_1078] {strides = array<i32>} : memref<16x1792xf32, #tpu.memory_space<vmem>>, vector<16xf32>,
            %add3A_1080 = arith.constant 48 : i32
            %add3A_1081 = arith.addi %mul3A_967, %add3A_1080 : i32
            %add3A_1082 = arith.constant 48 : i32
            %add3A_1083 = arith.addi %mul3A_967, %add3A_1082 : i32
            %get3A_1084 = arith.constant 10 : i32
            %get3A_1085 = arith.index_cast %get3A_1084 : i32 to index
            %get3A_1086 = arith.index_cast %add3A_1083 : i32 to index
            %get3A_1087 = tpu.vector_load %arg9[%get3A_1085, %get3A_1086] {strides = array<i32>} : memref<16x1792xf32, #tpu.memory_space<vmem>>, vector<16xf32>,
            %add3A_1088 = arith.constant 48 : i32
            %add3A_1089 = arith.addi %mul3A_967, %add3A_1088 : i32
            %add3A_1090 = arith.constant 48 : i32
            %add3A_1091 = arith.addi %mul3A_967, %add3A_1090 : i32
            %get3A_1092 = arith.constant 11 : i32
            %get3A_1093 = arith.index_cast %get3A_1092 : i32 to index
            %get3A_1094 = arith.index_cast %add3A_1091 : i32 to index
            %get3A_1095 = tpu.vector_load %arg9[%get3A_1093, %get3A_1094] {strides = array<i32>} : memref<16x1792xf32, #tpu.memory_space<vmem>>, vector<16xf32>,
            %add3A_1096 = vector.broadcast %add3A_969 : i32 to vector<16xi32>
            %add3A_1097 = arith.addi %add3A_855, %add3A_1096 : vector<16xi32>
            tpu.vector_store_idx %arg8[%add3A_1097], %get3A_975 {add = true} : memref<59136xf32, #tpu.memory_space<vmem>>[vector<16xi32>], vector<16xf32>,
            %add3A_1098 = vector.broadcast %add3A_977 : i32 to vector<16xi32>
            %add3A_1099 = arith.addi %add3A_868, %add3A_1098 : vector<16xi32>
            tpu.vector_store_idx %arg8[%add3A_1099], %get3A_983 {add = true} : memref<59136xf32, #tpu.memory_space<vmem>>[vector<16xi32>], vector<16xf32>,
            %add3A_1100 = vector.broadcast %add3A_985 : i32 to vector<16xi32>
            %add3A_1101 = arith.addi %add3A_881, %add3A_1100 : vector<16xi32>
            tpu.vector_store_idx %arg8[%add3A_1101], %get3A_991 {add = true} : memref<59136xf32, #tpu.memory_space<vmem>>[vector<16xi32>], vector<16xf32>,
            %add3A_1102 = vector.broadcast %add3A_993 : i32 to vector<16xi32>
            %add3A_1103 = arith.addi %add3A_894, %add3A_1102 : vector<16xi32>
            tpu.vector_store_idx %arg8[%add3A_1103], %get3A_999 {add = true} : memref<59136xf32, #tpu.memory_space<vmem>>[vector<16xi32>], vector<16xf32>,
            %add3A_1104 = vector.broadcast %add3A_1001 : i32 to vector<16xi32>
            %add3A_1105 = arith.addi %add3A_855, %add3A_1104 : vector<16xi32>
            tpu.vector_store_idx %arg8[%add3A_1105], %get3A_1007 {add = true} : memref<59136xf32, #tpu.memory_space<vmem>>[vector<16xi32>], vector<16xf32>,
            %add3A_1106 = vector.broadcast %add3A_1009 : i32 to vector<16xi32>
            %add3A_1107 = arith.addi %add3A_868, %add3A_1106 : vector<16xi32>
            tpu.vector_store_idx %arg8[%add3A_1107], %get3A_1015 {add = true} : memref<59136xf32, #tpu.memory_space<vmem>>[vector<16xi32>], vector<16xf32>,
            %add3A_1108 = vector.broadcast %add3A_1017 : i32 to vector<16xi32>
            %add3A_1109 = arith.addi %add3A_881, %add3A_1108 : vector<16xi32>
            tpu.vector_store_idx %arg8[%add3A_1109], %get3A_1023 {add = true} : memref<59136xf32, #tpu.memory_space<vmem>>[vector<16xi32>], vector<16xf32>,
            %add3A_1110 = vector.broadcast %add3A_1025 : i32 to vector<16xi32>
            %add3A_1111 = arith.addi %add3A_894, %add3A_1110 : vector<16xi32>
            tpu.vector_store_idx %arg8[%add3A_1111], %get3A_1031 {add = true} : memref<59136xf32, #tpu.memory_space<vmem>>[vector<16xi32>], vector<16xf32>,
            %add3A_1112 = vector.broadcast %add3A_1033 : i32 to vector<16xi32>
            %add3A_1113 = arith.addi %add3A_855, %add3A_1112 : vector<16xi32>
            tpu.vector_store_idx %arg8[%add3A_1113], %get3A_1039 {add = true} : memref<59136xf32, #tpu.memory_space<vmem>>[vector<16xi32>], vector<16xf32>,
            %add3A_1114 = vector.broadcast %add3A_1041 : i32 to vector<16xi32>
            %add3A_1115 = arith.addi %add3A_868, %add3A_1114 : vector<16xi32>
            tpu.vector_store_idx %arg8[%add3A_1115], %get3A_1047 {add = true} : memref<59136xf32, #tpu.memory_space<vmem>>[vector<16xi32>], vector<16xf32>,
            %add3A_1116 = vector.broadcast %add3A_1049 : i32 to vector<16xi32>
            %add3A_1117 = arith.addi %add3A_881, %add3A_1116 : vector<16xi32>
            tpu.vector_store_idx %arg8[%add3A_1117], %get3A_1055 {add = true} : memref<59136xf32, #tpu.memory_space<vmem>>[vector<16xi32>], vector<16xf32>,
            %add3A_1118 = vector.broadcast %add3A_1057 : i32 to vector<16xi32>
            %add3A_1119 = arith.addi %add3A_894, %add3A_1118 : vector<16xi32>
            tpu.vector_store_idx %arg8[%add3A_1119], %get3A_1063 {add = true} : memref<59136xf32, #tpu.memory_space<vmem>>[vector<16xi32>], vector<16xf32>,
            %add3A_1120 = vector.broadcast %add3A_1065 : i32 to vector<16xi32>
            %add3A_1121 = arith.addi %add3A_855, %add3A_1120 : vector<16xi32>
            tpu.vector_store_idx %arg8[%add3A_1121], %get3A_1071 {add = true} : memref<59136xf32, #tpu.memory_space<vmem>>[vector<16xi32>], vector<16xf32>,
            %add3A_1122 = vector.broadcast %add3A_1073 : i32 to vector<16xi32>
            %add3A_1123 = arith.addi %add3A_868, %add3A_1122 : vector<16xi32>
            tpu.vector_store_idx %arg8[%add3A_1123], %get3A_1079 {add = true} : memref<59136xf32, #tpu.memory_space<vmem>>[vector<16xi32>], vector<16xf32>,
            %add3A_1124 = vector.broadcast %add3A_1081 : i32 to vector<16xi32>
            %add3A_1125 = arith.addi %add3A_881, %add3A_1124 : vector<16xi32>
            tpu.vector_store_idx %arg8[%add3A_1125], %get3A_1087 {add = true} : memref<59136xf32, #tpu.memory_space<vmem>>[vector<16xi32>], vector<16xf32>,
            %add3A_1126 = vector.broadcast %add3A_1089 : i32 to vector<16xi32>
            %add3A_1127 = arith.addi %add3A_894, %add3A_1126 : vector<16xi32>
            tpu.vector_store_idx %arg8[%add3A_1127], %get3A_1095 {add = true} : memref<59136xf32, #tpu.memory_space<vmem>>[vector<16xi32>], vector<16xf32>,
          }
          %scan3A_900 = arith.constant 28 : i32
          %broadcast_in_dim3A_901 = arith.constant 0 : i32
          %broadcast_in_dim3A_902 = vector.broadcast %broadcast_in_dim3A_901 : i32 to vector<16xi32>
          %mul3A_903 = arith.constant 16 : i32
          %mul3A_904 = arith.muli %add3A_711, %mul3A_903 : i32
          %add3A_905 = arith.constant 12 : i32
          %add3A_906 = arith.addi %mul3A_904, %add3A_905 : i32
          %add3A_907 = vector.broadcast %add3A_906 : i32 to vector<16xi32>
          %add3A_908 = arith.addi %broadcast_in_dim3A_902, %add3A_907 : vector<16xi32>
          %gather3A_909 = tpu.vector_load_idx %arg7[%add3A_908] : memref<256xi32, #tpu.memory_space<vmem>>[vector<16xi32>], vector<16xi32>,
          %mul3A_910 = arith.constant 1792 : i32
          %mul3A_911 = vector.broadcast %mul3A_910 : i32 to vector<16xi32>
          %mul3A_912 = arith.muli %gather3A_909, %mul3A_911 : vector<16xi32>
          %add3A_913 = arith.addi %mul3A_912, %iota3A : vector<16xi32>
          %broadcast_in_dim3A_914 = arith.constant 0 : i32
          %broadcast_in_dim3A_915 = vector.broadcast %broadcast_in_dim3A_914 : i32 to vector<16xi32>
          %mul3A_916 = arith.constant 16 : i32
          %mul3A_917 = arith.muli %add3A_711, %mul3A_916 : i32
          %add3A_918 = arith.constant 13 : i32
          %add3A_919 = arith.addi %mul3A_917, %add3A_918 : i32
          %add3A_920 = vector.broadcast %add3A_919 : i32 to vector<16xi32>
          %add3A_921 = arith.addi %broadcast_in_dim3A_915, %add3A_920 : vector<16xi32>
          %gather3A_922 = tpu.vector_load_idx %arg7[%add3A_921] : memref<256xi32, #tpu.memory_space<vmem>>[vector<16xi32>], vector<16xi32>,
          %mul3A_923 = arith.constant 1792 : i32
          %mul3A_924 = vector.broadcast %mul3A_923 : i32 to vector<16xi32>
          %mul3A_925 = arith.muli %gather3A_922, %mul3A_924 : vector<16xi32>
          %add3A_926 = arith.addi %mul3A_925, %iota3A : vector<16xi32>
          %broadcast_in_dim3A_927 = arith.constant 0 : i32
          %broadcast_in_dim3A_928 = vector.broadcast %broadcast_in_dim3A_927 : i32 to vector<16xi32>
          %mul3A_929 = arith.constant 16 : i32
          %mul3A_930 = arith.muli %add3A_711, %mul3A_929 : i32
          %add3A_931 = arith.constant 14 : i32
          %add3A_932 = arith.addi %mul3A_930, %add3A_931 : i32
          %add3A_933 = vector.broadcast %add3A_932 : i32 to vector<16xi32>
          %add3A_934 = arith.addi %broadcast_in_dim3A_928, %add3A_933 : vector<16xi32>
          %gather3A_935 = tpu.vector_load_idx %arg7[%add3A_934] : memref<256xi32, #tpu.memory_space<vmem>>[vector<16xi32>], vector<16xi32>,
          %mul3A_936 = arith.constant 1792 : i32
          %mul3A_937 = vector.broadcast %mul3A_936 : i32 to vector<16xi32>
          %mul3A_938 = arith.muli %gather3A_935, %mul3A_937 : vector<16xi32>
          %add3A_939 = arith.addi %mul3A_938, %iota3A : vector<16xi32>
          %broadcast_in_dim3A_940 = arith.constant 0 : i32
          %broadcast_in_dim3A_941 = vector.broadcast %broadcast_in_dim3A_940 : i32 to vector<16xi32>
          %mul3A_942 = arith.constant 16 : i32
          %mul3A_943 = arith.muli %add3A_711, %mul3A_942 : i32
          %add3A_944 = arith.constant 15 : i32
          %add3A_945 = arith.addi %mul3A_943, %add3A_944 : i32
          %add3A_946 = vector.broadcast %add3A_945 : i32 to vector<16xi32>
          %add3A_947 = arith.addi %broadcast_in_dim3A_941, %add3A_946 : vector<16xi32>
          %gather3A_948 = tpu.vector_load_idx %arg7[%add3A_947] : memref<256xi32, #tpu.memory_space<vmem>>[vector<16xi32>], vector<16xi32>,
          %mul3A_949 = arith.constant 1792 : i32
          %mul3A_950 = vector.broadcast %mul3A_949 : i32 to vector<16xi32>
          %mul3A_951 = arith.muli %gather3A_948, %mul3A_950 : vector<16xi32>
          %add3A_952 = arith.addi %mul3A_951, %iota3A : vector<16xi32>
          %scan3A_953 = arith.constant 0 : i32
          %scan3A_954 = arith.constant 0 : i32
          %scan3A_955 = arith.constant 28 : i32
          %scan3A_956 = arith.addi %scan3A_954, %scan3A_955 : i32
          %scan3A_957 = arith.constant 1 : i32
          scf.for %scan3A_965 = %scan3A_954 to %scan3A_956 step %scan3A_957  : i32 {
            %mul3A_966 = arith.constant 64 : i32
            %mul3A_967 = arith.muli %scan3A_965, %mul3A_966 : i32
            %add3A_968 = arith.constant 0 : i32
            %add3A_969 = arith.addi %mul3A_967, %add3A_968 : i32
            %add3A_970 = arith.constant 0 : i32
            %add3A_971 = arith.addi %mul3A_967, %add3A_970 : i32
            %get3A_972 = arith.constant 12 : i32
            %get3A_973 = arith.index_cast %get3A_972 : i32 to index
            %get3A_974 = arith.index_cast %add3A_971 : i32 to index
            %get3A_975 = tpu.vector_load %arg9[%get3A_973, %get3A_974] {strides = array<i32>} : memref<16x1792xf32, #tpu.memory_space<vmem>>, vector<16xf32>,
            %add3A_976 = arith.constant 0 : i32
            %add3A_977 = arith.addi %mul3A_967, %add3A_976 : i32
            %add3A_978 = arith.constant 0 : i32
            %add3A_979 = arith.addi %mul3A_967, %add3A_978 : i32
            %get3A_980 = arith.constant 13 : i32
            %get3A_981 = arith.index_cast %get3A_980 : i32 to index
            %get3A_982 = arith.index_cast %add3A_979 : i32 to index
            %get3A_983 = tpu.vector_load %arg9[%get3A_981, %get3A_982] {strides = array<i32>} : memref<16x1792xf32, #tpu.memory_space<vmem>>, vector<16xf32>,
            %add3A_984 = arith.constant 0 : i32
            %add3A_985 = arith.addi %mul3A_967, %add3A_984 : i32
            %add3A_986 = arith.constant 0 : i32
            %add3A_987 = arith.addi %mul3A_967, %add3A_986 : i32
            %get3A_988 = arith.constant 14 : i32
            %get3A_989 = arith.index_cast %get3A_988 : i32 to index
            %get3A_990 = arith.index_cast %add3A_987 : i32 to index
            %get3A_991 = tpu.vector_load %arg9[%get3A_989, %get3A_990] {strides = array<i32>} : memref<16x1792xf32, #tpu.memory_space<vmem>>, vector<16xf32>,
            %add3A_992 = arith.constant 0 : i32
            %add3A_993 = arith.addi %mul3A_967, %add3A_992 : i32
            %add3A_994 = arith.constant 0 : i32
            %add3A_995 = arith.addi %mul3A_967, %add3A_994 : i32
            %get3A_996 = arith.constant 15 : i32
            %get3A_997 = arith.index_cast %get3A_996 : i32 to index
            %get3A_998 = arith.index_cast %add3A_995 : i32 to index
            %get3A_999 = tpu.vector_load %arg9[%get3A_997, %get3A_998] {strides = array<i32>} : memref<16x1792xf32, #tpu.memory_space<vmem>>, vector<16xf32>,
            %add3A_1000 = arith.constant 16 : i32
            %add3A_1001 = arith.addi %mul3A_967, %add3A_1000 : i32
            %add3A_1002 = arith.constant 16 : i32
            %add3A_1003 = arith.addi %mul3A_967, %add3A_1002 : i32
            %get3A_1004 = arith.constant 12 : i32
            %get3A_1005 = arith.index_cast %get3A_1004 : i32 to index
            %get3A_1006 = arith.index_cast %add3A_1003 : i32 to index
            %get3A_1007 = tpu.vector_load %arg9[%get3A_1005, %get3A_1006] {strides = array<i32>} : memref<16x1792xf32, #tpu.memory_space<vmem>>, vector<16xf32>,
            %add3A_1008 = arith.constant 16 : i32
            %add3A_1009 = arith.addi %mul3A_967, %add3A_1008 : i32
            %add3A_1010 = arith.constant 16 : i32
            %add3A_1011 = arith.addi %mul3A_967, %add3A_1010 : i32
            %get3A_1012 = arith.constant 13 : i32
            %get3A_1013 = arith.index_cast %get3A_1012 : i32 to index
            %get3A_1014 = arith.index_cast %add3A_1011 : i32 to index
            %get3A_1015 = tpu.vector_load %arg9[%get3A_1013, %get3A_1014] {strides = array<i32>} : memref<16x1792xf32, #tpu.memory_space<vmem>>, vector<16xf32>,
            %add3A_1016 = arith.constant 16 : i32
            %add3A_1017 = arith.addi %mul3A_967, %add3A_1016 : i32
            %add3A_1018 = arith.constant 16 : i32
            %add3A_1019 = arith.addi %mul3A_967, %add3A_1018 : i32
            %get3A_1020 = arith.constant 14 : i32
            %get3A_1021 = arith.index_cast %get3A_1020 : i32 to index
            %get3A_1022 = arith.index_cast %add3A_1019 : i32 to index
            %get3A_1023 = tpu.vector_load %arg9[%get3A_1021, %get3A_1022] {strides = array<i32>} : memref<16x1792xf32, #tpu.memory_space<vmem>>, vector<16xf32>,
            %add3A_1024 = arith.constant 16 : i32
            %add3A_1025 = arith.addi %mul3A_967, %add3A_1024 : i32
            %add3A_1026 = arith.constant 16 : i32
            %add3A_1027 = arith.addi %mul3A_967, %add3A_1026 : i32
            %get3A_1028 = arith.constant 15 : i32
            %get3A_1029 = arith.index_cast %get3A_1028 : i32 to index
            %get3A_1030 = arith.index_cast %add3A_1027 : i32 to index
            %get3A_1031 = tpu.vector_load %arg9[%get3A_1029, %get3A_1030] {strides = array<i32>} : memref<16x1792xf32, #tpu.memory_space<vmem>>, vector<16xf32>,
            %add3A_1032 = arith.constant 32 : i32
            %add3A_1033 = arith.addi %mul3A_967, %add3A_1032 : i32
            %add3A_1034 = arith.constant 32 : i32
            %add3A_1035 = arith.addi %mul3A_967, %add3A_1034 : i32
            %get3A_1036 = arith.constant 12 : i32
            %get3A_1037 = arith.index_cast %get3A_1036 : i32 to index
            %get3A_1038 = arith.index_cast %add3A_1035 : i32 to index
            %get3A_1039 = tpu.vector_load %arg9[%get3A_1037, %get3A_1038] {strides = array<i32>} : memref<16x1792xf32, #tpu.memory_space<vmem>>, vector<16xf32>,
            %add3A_1040 = arith.constant 32 : i32
            %add3A_1041 = arith.addi %mul3A_967, %add3A_1040 : i32
            %add3A_1042 = arith.constant 32 : i32
            %add3A_1043 = arith.addi %mul3A_967, %add3A_1042 : i32
            %get3A_1044 = arith.constant 13 : i32
            %get3A_1045 = arith.index_cast %get3A_1044 : i32 to index
            %get3A_1046 = arith.index_cast %add3A_1043 : i32 to index
            %get3A_1047 = tpu.vector_load %arg9[%get3A_1045, %get3A_1046] {strides = array<i32>} : memref<16x1792xf32, #tpu.memory_space<vmem>>, vector<16xf32>,
            %add3A_1048 = arith.constant 32 : i32
            %add3A_1049 = arith.addi %mul3A_967, %add3A_1048 : i32
            %add3A_1050 = arith.constant 32 : i32
            %add3A_1051 = arith.addi %mul3A_967, %add3A_1050 : i32
            %get3A_1052 = arith.constant 14 : i32
            %get3A_1053 = arith.index_cast %get3A_1052 : i32 to index
            %get3A_1054 = arith.index_cast %add3A_1051 : i32 to index
            %get3A_1055 = tpu.vector_load %arg9[%get3A_1053, %get3A_1054] {strides = array<i32>} : memref<16x1792xf32, #tpu.memory_space<vmem>>, vector<16xf32>,
            %add3A_1056 = arith.constant 32 : i32
            %add3A_1057 = arith.addi %mul3A_967, %add3A_1056 : i32
            %add3A_1058 = arith.constant 32 : i32
            %add3A_1059 = arith.addi %mul3A_967, %add3A_1058 : i32
            %get3A_1060 = arith.constant 15 : i32
            %get3A_1061 = arith.index_cast %get3A_1060 : i32 to index
            %get3A_1062 = arith.index_cast %add3A_1059 : i32 to index
            %get3A_1063 = tpu.vector_load %arg9[%get3A_1061, %get3A_1062] {strides = array<i32>} : memref<16x1792xf32, #tpu.memory_space<vmem>>, vector<16xf32>,
            %add3A_1064 = arith.constant 48 : i32
            %add3A_1065 = arith.addi %mul3A_967, %add3A_1064 : i32
            %add3A_1066 = arith.constant 48 : i32
            %add3A_1067 = arith.addi %mul3A_967, %add3A_1066 : i32
            %get3A_1068 = arith.constant 12 : i32
            %get3A_1069 = arith.index_cast %get3A_1068 : i32 to index
            %get3A_1070 = arith.index_cast %add3A_1067 : i32 to index
            %get3A_1071 = tpu.vector_load %arg9[%get3A_1069, %get3A_1070] {strides = array<i32>} : memref<16x1792xf32, #tpu.memory_space<vmem>>, vector<16xf32>,
            %add3A_1072 = arith.constant 48 : i32
            %add3A_1073 = arith.addi %mul3A_967, %add3A_1072 : i32
            %add3A_1074 = arith.constant 48 : i32
            %add3A_1075 = arith.addi %mul3A_967, %add3A_1074 : i32
            %get3A_1076 = arith.constant 13 : i32
            %get3A_1077 = arith.index_cast %get3A_1076 : i32 to index
            %get3A_1078 = arith.index_cast %add3A_1075 : i32 to index
            %get3A_1079 = tpu.vector_load %arg9[%get3A_1077, %get3A_1078] {strides = array<i32>} : memref<16x1792xf32, #tpu.memory_space<vmem>>, vector<16xf32>,
            %add3A_1080 = arith.constant 48 : i32
            %add3A_1081 = arith.addi %mul3A_967, %add3A_1080 : i32
            %add3A_1082 = arith.constant 48 : i32
            %add3A_1083 = arith.addi %mul3A_967, %add3A_1082 : i32
            %get3A_1084 = arith.constant 14 : i32
            %get3A_1085 = arith.index_cast %get3A_1084 : i32 to index
            %get3A_1086 = arith.index_cast %add3A_1083 : i32 to index
            %get3A_1087 = tpu.vector_load %arg9[%get3A_1085, %get3A_1086] {strides = array<i32>} : memref<16x1792xf32, #tpu.memory_space<vmem>>, vector<16xf32>,
            %add3A_1088 = arith.constant 48 : i32
            %add3A_1089 = arith.addi %mul3A_967, %add3A_1088 : i32
            %add3A_1090 = arith.constant 48 : i32
            %add3A_1091 = arith.addi %mul3A_967, %add3A_1090 : i32
            %get3A_1092 = arith.constant 15 : i32
            %get3A_1093 = arith.index_cast %get3A_1092 : i32 to index
            %get3A_1094 = arith.index_cast %add3A_1091 : i32 to index
            %get3A_1095 = tpu.vector_load %arg9[%get3A_1093, %get3A_1094] {strides = array<i32>} : memref<16x1792xf32, #tpu.memory_space<vmem>>, vector<16xf32>,
            %add3A_1096 = vector.broadcast %add3A_969 : i32 to vector<16xi32>
            %add3A_1097 = arith.addi %add3A_913, %add3A_1096 : vector<16xi32>
            tpu.vector_store_idx %arg8[%add3A_1097], %get3A_975 {add = true} : memref<59136xf32, #tpu.memory_space<vmem>>[vector<16xi32>], vector<16xf32>,
            %add3A_1098 = vector.broadcast %add3A_977 : i32 to vector<16xi32>
            %add3A_1099 = arith.addi %add3A_926, %add3A_1098 : vector<16xi32>
            tpu.vector_store_idx %arg8[%add3A_1099], %get3A_983 {add = true} : memref<59136xf32, #tpu.memory_space<vmem>>[vector<16xi32>], vector<16xf32>,
            %add3A_1100 = vector.broadcast %add3A_985 : i32 to vector<16xi32>
            %add3A_1101 = arith.addi %add3A_939, %add3A_1100 : vector<16xi32>
            tpu.vector_store_idx %arg8[%add3A_1101], %get3A_991 {add = true} : memref<59136xf32, #tpu.memory_space<vmem>>[vector<16xi32>], vector<16xf32>,
            %add3A_1102 = vector.broadcast %add3A_993 : i32 to vector<16xi32>
            %add3A_1103 = arith.addi %add3A_952, %add3A_1102 : vector<16xi32>
            tpu.vector_store_idx %arg8[%add3A_1103], %get3A_999 {add = true} : memref<59136xf32, #tpu.memory_space<vmem>>[vector<16xi32>], vector<16xf32>,
            %add3A_1104 = vector.broadcast %add3A_1001 : i32 to vector<16xi32>
            %add3A_1105 = arith.addi %add3A_913, %add3A_1104 : vector<16xi32>
            tpu.vector_store_idx %arg8[%add3A_1105], %get3A_1007 {add = true} : memref<59136xf32, #tpu.memory_space<vmem>>[vector<16xi32>], vector<16xf32>,
            %add3A_1106 = vector.broadcast %add3A_1009 : i32 to vector<16xi32>
            %add3A_1107 = arith.addi %add3A_926, %add3A_1106 : vector<16xi32>
            tpu.vector_store_idx %arg8[%add3A_1107], %get3A_1015 {add = true} : memref<59136xf32, #tpu.memory_space<vmem>>[vector<16xi32>], vector<16xf32>,
            %add3A_1108 = vector.broadcast %add3A_1017 : i32 to vector<16xi32>
            %add3A_1109 = arith.addi %add3A_939, %add3A_1108 : vector<16xi32>
            tpu.vector_store_idx %arg8[%add3A_1109], %get3A_1023 {add = true} : memref<59136xf32, #tpu.memory_space<vmem>>[vector<16xi32>], vector<16xf32>,
            %add3A_1110 = vector.broadcast %add3A_1025 : i32 to vector<16xi32>
            %add3A_1111 = arith.addi %add3A_952, %add3A_1110 : vector<16xi32>
            tpu.vector_store_idx %arg8[%add3A_1111], %get3A_1031 {add = true} : memref<59136xf32, #tpu.memory_space<vmem>>[vector<16xi32>], vector<16xf32>,
            %add3A_1112 = vector.broadcast %add3A_1033 : i32 to vector<16xi32>
            %add3A_1113 = arith.addi %add3A_913, %add3A_1112 : vector<16xi32>
            tpu.vector_store_idx %arg8[%add3A_1113], %get3A_1039 {add = true} : memref<59136xf32, #tpu.memory_space<vmem>>[vector<16xi32>], vector<16xf32>,
            %add3A_1114 = vector.broadcast %add3A_1041 : i32 to vector<16xi32>
            %add3A_1115 = arith.addi %add3A_926, %add3A_1114 : vector<16xi32>
            tpu.vector_store_idx %arg8[%add3A_1115], %get3A_1047 {add = true} : memref<59136xf32, #tpu.memory_space<vmem>>[vector<16xi32>], vector<16xf32>,
            %add3A_1116 = vector.broadcast %add3A_1049 : i32 to vector<16xi32>
            %add3A_1117 = arith.addi %add3A_939, %add3A_1116 : vector<16xi32>
            tpu.vector_store_idx %arg8[%add3A_1117], %get3A_1055 {add = true} : memref<59136xf32, #tpu.memory_space<vmem>>[vector<16xi32>], vector<16xf32>,
            %add3A_1118 = vector.broadcast %add3A_1057 : i32 to vector<16xi32>
            %add3A_1119 = arith.addi %add3A_952, %add3A_1118 : vector<16xi32>
            tpu.vector_store_idx %arg8[%add3A_1119], %get3A_1063 {add = true} : memref<59136xf32, #tpu.memory_space<vmem>>[vector<16xi32>], vector<16xf32>,
            %add3A_1120 = vector.broadcast %add3A_1065 : i32 to vector<16xi32>
            %add3A_1121 = arith.addi %add3A_913, %add3A_1120 : vector<16xi32>
            tpu.vector_store_idx %arg8[%add3A_1121], %get3A_1071 {add = true} : memref<59136xf32, #tpu.memory_space<vmem>>[vector<16xi32>], vector<16xf32>,
            %add3A_1122 = vector.broadcast %add3A_1073 : i32 to vector<16xi32>
            %add3A_1123 = arith.addi %add3A_926, %add3A_1122 : vector<16xi32>
            tpu.vector_store_idx %arg8[%add3A_1123], %get3A_1079 {add = true} : memref<59136xf32, #tpu.memory_space<vmem>>[vector<16xi32>], vector<16xf32>,
            %add3A_1124 = vector.broadcast %add3A_1081 : i32 to vector<16xi32>
            %add3A_1125 = arith.addi %add3A_939, %add3A_1124 : vector<16xi32>
            tpu.vector_store_idx %arg8[%add3A_1125], %get3A_1087 {add = true} : memref<59136xf32, #tpu.memory_space<vmem>>[vector<16xi32>], vector<16xf32>,
            %add3A_1126 = vector.broadcast %add3A_1089 : i32 to vector<16xi32>
            %add3A_1127 = arith.addi %add3A_952, %add3A_1126 : vector<16xi32>
            tpu.vector_store_idx %arg8[%add3A_1127], %get3A_1095 {add = true} : memref<59136xf32, #tpu.memory_space<vmem>>[vector<16xi32>], vector<16xf32>,
          }
          %scan3A_958 = arith.constant 28 : i32
          %add3A_959 = arith.constant 2 : i32
          %add3A_960 = arith.addi %add3A_711, %add3A_959 : i32
          %lt3A_961 = arith.cmpi slt, %add3A_960, %select_n3A : i32
          %convert_element_type3A_962 = arith.extui %lt3A_961 : i1 to i32
          %cond3A_963 = arith.constant 0 : i32
          %cond3A_964 = arith.cmpi ne, %convert_element_type3A_962, %cond3A_963 : i32
          scf.if %cond3A_964 {
            %add3A_965 = arith.constant 2 : i32
            %add3A_966 = arith.addi %add3A_711, %add3A_965 : i32
            %mul3A_967 = arith.constant 16 : i32
            %mul3A_968 = arith.muli %add3A_966, %mul3A_967 : i32
            %dma_start3A = tpu.memref_slice %arg6[%mul3A_968] : memref<256xi32, #tpu.memory_space<vmem>> -> memref<16xi32, #tpu.memory_space<vmem>>
            %dma_start3A_969 = arith.constant 0 : i32
            %dma_start3A_970 = arith.constant 0 : i32
            %dma_start3A_971 = tpu.memref_slice %arg2[%dma_start3A_969, %dma_start3A_970] : memref<16384x1792xf32, #tpu.memory_space<hbm>> -> memref<16384x1792xf32, #tpu.memory_space<hbm>>
            tpu.enqueue_indirect_dma source(%dma_start3A_971 : memref<16384x1792xf32, #tpu.memory_space<hbm>>) target(%arg9 : memref<16x1792xf32, #tpu.memory_space<vmem>>) offsets(%dma_start3A : memref<16xi32, #tpu.memory_space<vmem>>) semaphore(%arg11 : memref<!tpu.dma_semaphore, #tpu.memory_space<semaphore_mem>>)
          } else {
          }
        } else {
        }
        %mul3A_715 = arith.constant 2 : i32
        %mul3A_716 = arith.muli %while3A_707, %mul3A_715 : i32
        %add3A_717 = arith.constant 1 : i32
        %add3A_718 = arith.addi %mul3A_716, %add3A_717 : i32
        %lt3A_719 = arith.cmpi slt, %add3A_718, %select_n3A : i32
        %convert_element_type3A_720 = arith.extui %lt3A_719 : i1 to i32
        %cond3A_721 = arith.constant 0 : i32
        %cond3A_722 = arith.cmpi ne, %convert_element_type3A_720, %cond3A_721 : i32
        scf.if %cond3A_722 {
          %mul3A_723 = arith.constant 16 : i32
          %mul3A_724 = arith.muli %add3A_718, %mul3A_723 : i32
          %dma_wait3A = tpu.memref_slice %arg6[%mul3A_724] : memref<256xi32, #tpu.memory_space<vmem>> -> memref<16xi32, #tpu.memory_space<vmem>>
          %dma_wait3A_725 = arith.constant 0 : i32
          %dma_wait3A_726 = arith.constant 0 : i32
          %dma_wait3A_727 = tpu.memref_slice %arg2[%dma_wait3A_725, %dma_wait3A_726] : memref<16384x1792xf32, #tpu.memory_space<hbm>> -> memref<16384x1792xf32, #tpu.memory_space<hbm>>
          tpu.wait_indirect_dma semaphore(%arg12 : memref<!tpu.dma_semaphore, #tpu.memory_space<semaphore_mem>>) src(%dma_wait3A_727 : memref<16384x1792xf32, #tpu.memory_space<hbm>>) dst(%arg10 : memref<16x1792xf32, #tpu.memory_space<vmem>>)
          %broadcast_in_dim3A_728 = arith.constant 0 : i32
          %broadcast_in_dim3A_729 = vector.broadcast %broadcast_in_dim3A_728 : i32 to vector<16xi32>
          %mul3A_730 = arith.constant 16 : i32
          %mul3A_731 = arith.muli %add3A_718, %mul3A_730 : i32
          %add3A_732 = arith.constant 0 : i32
          %add3A_733 = arith.addi %mul3A_731, %add3A_732 : i32
          %add3A_734 = vector.broadcast %add3A_733 : i32 to vector<16xi32>
          %add3A_735 = arith.addi %broadcast_in_dim3A_729, %add3A_734 : vector<16xi32>
          %gather3A = tpu.vector_load_idx %arg7[%add3A_735] : memref<256xi32, #tpu.memory_space<vmem>>[vector<16xi32>], vector<16xi32>,
          %mul3A_736 = arith.constant 1792 : i32
          %mul3A_737 = vector.broadcast %mul3A_736 : i32 to vector<16xi32>
          %mul3A_738 = arith.muli %gather3A, %mul3A_737 : vector<16xi32>
          %add3A_739 = arith.addi %mul3A_738, %iota3A : vector<16xi32>
          %broadcast_in_dim3A_740 = arith.constant 0 : i32
          %broadcast_in_dim3A_741 = vector.broadcast %broadcast_in_dim3A_740 : i32 to vector<16xi32>
          %mul3A_742 = arith.constant 16 : i32
          %mul3A_743 = arith.muli %add3A_718, %mul3A_742 : i32
          %add3A_744 = arith.constant 1 : i32
          %add3A_745 = arith.addi %mul3A_743, %add3A_744 : i32
          %add3A_746 = vector.broadcast %add3A_745 : i32 to vector<16xi32>
          %add3A_747 = arith.addi %broadcast_in_dim3A_741, %add3A_746 : vector<16xi32>
          %gather3A_748 = tpu.vector_load_idx %arg7[%add3A_747] : memref<256xi32, #tpu.memory_space<vmem>>[vector<16xi32>], vector<16xi32>,
          %mul3A_749 = arith.constant 1792 : i32
          %mul3A_750 = vector.broadcast %mul3A_749 : i32 to vector<16xi32>
          %mul3A_751 = arith.muli %gather3A_748, %mul3A_750 : vector<16xi32>
          %add3A_752 = arith.addi %mul3A_751, %iota3A : vector<16xi32>
          %broadcast_in_dim3A_753 = arith.constant 0 : i32
          %broadcast_in_dim3A_754 = vector.broadcast %broadcast_in_dim3A_753 : i32 to vector<16xi32>
          %mul3A_755 = arith.constant 16 : i32
          %mul3A_756 = arith.muli %add3A_718, %mul3A_755 : i32
          %add3A_757 = arith.constant 2 : i32
          %add3A_758 = arith.addi %mul3A_756, %add3A_757 : i32
          %add3A_759 = vector.broadcast %add3A_758 : i32 to vector<16xi32>
          %add3A_760 = arith.addi %broadcast_in_dim3A_754, %add3A_759 : vector<16xi32>
          %gather3A_761 = tpu.vector_load_idx %arg7[%add3A_760] : memref<256xi32, #tpu.memory_space<vmem>>[vector<16xi32>], vector<16xi32>,
          %mul3A_762 = arith.constant 1792 : i32
          %mul3A_763 = vector.broadcast %mul3A_762 : i32 to vector<16xi32>
          %mul3A_764 = arith.muli %gather3A_761, %mul3A_763 : vector<16xi32>
          %add3A_765 = arith.addi %mul3A_764, %iota3A : vector<16xi32>
          %broadcast_in_dim3A_766 = arith.constant 0 : i32
          %broadcast_in_dim3A_767 = vector.broadcast %broadcast_in_dim3A_766 : i32 to vector<16xi32>
          %mul3A_768 = arith.constant 16 : i32
          %mul3A_769 = arith.muli %add3A_718, %mul3A_768 : i32
          %add3A_770 = arith.constant 3 : i32
          %add3A_771 = arith.addi %mul3A_769, %add3A_770 : i32
          %add3A_772 = vector.broadcast %add3A_771 : i32 to vector<16xi32>
          %add3A_773 = arith.addi %broadcast_in_dim3A_767, %add3A_772 : vector<16xi32>
          %gather3A_774 = tpu.vector_load_idx %arg7[%add3A_773] : memref<256xi32, #tpu.memory_space<vmem>>[vector<16xi32>], vector<16xi32>,
          %mul3A_775 = arith.constant 1792 : i32
          %mul3A_776 = vector.broadcast %mul3A_775 : i32 to vector<16xi32>
          %mul3A_777 = arith.muli %gather3A_774, %mul3A_776 : vector<16xi32>
          %add3A_778 = arith.addi %mul3A_777, %iota3A : vector<16xi32>
          %scan3A_779 = arith.constant 0 : i32
          %scan3A_780 = arith.constant 0 : i32
          %scan3A_781 = arith.constant 28 : i32
          %scan3A_782 = arith.addi %scan3A_780, %scan3A_781 : i32
          %scan3A_783 = arith.constant 1 : i32
          scf.for %scan3A_965 = %scan3A_780 to %scan3A_782 step %scan3A_783  : i32 {
            %mul3A_966 = arith.constant 64 : i32
            %mul3A_967 = arith.muli %scan3A_965, %mul3A_966 : i32
            %add3A_968 = arith.constant 0 : i32
            %add3A_969 = arith.addi %mul3A_967, %add3A_968 : i32
            %add3A_970 = arith.constant 0 : i32
            %add3A_971 = arith.addi %mul3A_967, %add3A_970 : i32
            %get3A_972 = arith.constant 0 : i32
            %get3A_973 = arith.index_cast %get3A_972 : i32 to index
            %get3A_974 = arith.index_cast %add3A_971 : i32 to index
            %get3A_975 = tpu.vector_load %arg10[%get3A_973, %get3A_974] {strides = array<i32>} : memref<16x1792xf32, #tpu.memory_space<vmem>>, vector<16xf32>,
            %add3A_976 = arith.constant 0 : i32
            %add3A_977 = arith.addi %mul3A_967, %add3A_976 : i32
            %add3A_978 = arith.constant 0 : i32
            %add3A_979 = arith.addi %mul3A_967, %add3A_978 : i32
            %get3A_980 = arith.constant 1 : i32
            %get3A_981 = arith.index_cast %get3A_980 : i32 to index
            %get3A_982 = arith.index_cast %add3A_979 : i32 to index
            %get3A_983 = tpu.vector_load %arg10[%get3A_981, %get3A_982] {strides = array<i32>} : memref<16x1792xf32, #tpu.memory_space<vmem>>, vector<16xf32>,
            %add3A_984 = arith.constant 0 : i32
            %add3A_985 = arith.addi %mul3A_967, %add3A_984 : i32
            %add3A_986 = arith.constant 0 : i32
            %add3A_987 = arith.addi %mul3A_967, %add3A_986 : i32
            %get3A_988 = arith.constant 2 : i32
            %get3A_989 = arith.index_cast %get3A_988 : i32 to index
            %get3A_990 = arith.index_cast %add3A_987 : i32 to index
            %get3A_991 = tpu.vector_load %arg10[%get3A_989, %get3A_990] {strides = array<i32>} : memref<16x1792xf32, #tpu.memory_space<vmem>>, vector<16xf32>,
            %add3A_992 = arith.constant 0 : i32
            %add3A_993 = arith.addi %mul3A_967, %add3A_992 : i32
            %add3A_994 = arith.constant 0 : i32
            %add3A_995 = arith.addi %mul3A_967, %add3A_994 : i32
            %get3A_996 = arith.constant 3 : i32
            %get3A_997 = arith.index_cast %get3A_996 : i32 to index
            %get3A_998 = arith.index_cast %add3A_995 : i32 to index
            %get3A_999 = tpu.vector_load %arg10[%get3A_997, %get3A_998] {strides = array<i32>} : memref<16x1792xf32, #tpu.memory_space<vmem>>, vector<16xf32>,
            %add3A_1000 = arith.constant 16 : i32
            %add3A_1001 = arith.addi %mul3A_967, %add3A_1000 : i32
            %add3A_1002 = arith.constant 16 : i32
            %add3A_1003 = arith.addi %mul3A_967, %add3A_1002 : i32
            %get3A_1004 = arith.constant 0 : i32
            %get3A_1005 = arith.index_cast %get3A_1004 : i32 to index
            %get3A_1006 = arith.index_cast %add3A_1003 : i32 to index
            %get3A_1007 = tpu.vector_load %arg10[%get3A_1005, %get3A_1006] {strides = array<i32>} : memref<16x1792xf32, #tpu.memory_space<vmem>>, vector<16xf32>,
            %add3A_1008 = arith.constant 16 : i32
            %add3A_1009 = arith.addi %mul3A_967, %add3A_1008 : i32
            %add3A_1010 = arith.constant 16 : i32
            %add3A_1011 = arith.addi %mul3A_967, %add3A_1010 : i32
            %get3A_1012 = arith.constant 1 : i32
            %get3A_1013 = arith.index_cast %get3A_1012 : i32 to index
            %get3A_1014 = arith.index_cast %add3A_1011 : i32 to index
            %get3A_1015 = tpu.vector_load %arg10[%get3A_1013, %get3A_1014] {strides = array<i32>} : memref<16x1792xf32, #tpu.memory_space<vmem>>, vector<16xf32>,
            %add3A_1016 = arith.constant 16 : i32
            %add3A_1017 = arith.addi %mul3A_967, %add3A_1016 : i32
            %add3A_1018 = arith.constant 16 : i32
            %add3A_1019 = arith.addi %mul3A_967, %add3A_1018 : i32
            %get3A_1020 = arith.constant 2 : i32
            %get3A_1021 = arith.index_cast %get3A_1020 : i32 to index
            %get3A_1022 = arith.index_cast %add3A_1019 : i32 to index
            %get3A_1023 = tpu.vector_load %arg10[%get3A_1021, %get3A_1022] {strides = array<i32>} : memref<16x1792xf32, #tpu.memory_space<vmem>>, vector<16xf32>,
            %add3A_1024 = arith.constant 16 : i32
            %add3A_1025 = arith.addi %mul3A_967, %add3A_1024 : i32
            %add3A_1026 = arith.constant 16 : i32
            %add3A_1027 = arith.addi %mul3A_967, %add3A_1026 : i32
            %get3A_1028 = arith.constant 3 : i32
            %get3A_1029 = arith.index_cast %get3A_1028 : i32 to index
            %get3A_1030 = arith.index_cast %add3A_1027 : i32 to index
            %get3A_1031 = tpu.vector_load %arg10[%get3A_1029, %get3A_1030] {strides = array<i32>} : memref<16x1792xf32, #tpu.memory_space<vmem>>, vector<16xf32>,
            %add3A_1032 = arith.constant 32 : i32
            %add3A_1033 = arith.addi %mul3A_967, %add3A_1032 : i32
            %add3A_1034 = arith.constant 32 : i32
            %add3A_1035 = arith.addi %mul3A_967, %add3A_1034 : i32
            %get3A_1036 = arith.constant 0 : i32
            %get3A_1037 = arith.index_cast %get3A_1036 : i32 to index
            %get3A_1038 = arith.index_cast %add3A_1035 : i32 to index
            %get3A_1039 = tpu.vector_load %arg10[%get3A_1037, %get3A_1038] {strides = array<i32>} : memref<16x1792xf32, #tpu.memory_space<vmem>>, vector<16xf32>,
            %add3A_1040 = arith.constant 32 : i32
            %add3A_1041 = arith.addi %mul3A_967, %add3A_1040 : i32
            %add3A_1042 = arith.constant 32 : i32
            %add3A_1043 = arith.addi %mul3A_967, %add3A_1042 : i32
            %get3A_1044 = arith.constant 1 : i32
            %get3A_1045 = arith.index_cast %get3A_1044 : i32 to index
            %get3A_1046 = arith.index_cast %add3A_1043 : i32 to index
            %get3A_1047 = tpu.vector_load %arg10[%get3A_1045, %get3A_1046] {strides = array<i32>} : memref<16x1792xf32, #tpu.memory_space<vmem>>, vector<16xf32>,
            %add3A_1048 = arith.constant 32 : i32
            %add3A_1049 = arith.addi %mul3A_967, %add3A_1048 : i32
            %add3A_1050 = arith.constant 32 : i32
            %add3A_1051 = arith.addi %mul3A_967, %add3A_1050 : i32
            %get3A_1052 = arith.constant 2 : i32
            %get3A_1053 = arith.index_cast %get3A_1052 : i32 to index
            %get3A_1054 = arith.index_cast %add3A_1051 : i32 to index
            %get3A_1055 = tpu.vector_load %arg10[%get3A_1053, %get3A_1054] {strides = array<i32>} : memref<16x1792xf32, #tpu.memory_space<vmem>>, vector<16xf32>,
            %add3A_1056 = arith.constant 32 : i32
            %add3A_1057 = arith.addi %mul3A_967, %add3A_1056 : i32
            %add3A_1058 = arith.constant 32 : i32
            %add3A_1059 = arith.addi %mul3A_967, %add3A_1058 : i32
            %get3A_1060 = arith.constant 3 : i32
            %get3A_1061 = arith.index_cast %get3A_1060 : i32 to index
            %get3A_1062 = arith.index_cast %add3A_1059 : i32 to index
            %get3A_1063 = tpu.vector_load %arg10[%get3A_1061, %get3A_1062] {strides = array<i32>} : memref<16x1792xf32, #tpu.memory_space<vmem>>, vector<16xf32>,
            %add3A_1064 = arith.constant 48 : i32
            %add3A_1065 = arith.addi %mul3A_967, %add3A_1064 : i32
            %add3A_1066 = arith.constant 48 : i32
            %add3A_1067 = arith.addi %mul3A_967, %add3A_1066 : i32
            %get3A_1068 = arith.constant 0 : i32
            %get3A_1069 = arith.index_cast %get3A_1068 : i32 to index
            %get3A_1070 = arith.index_cast %add3A_1067 : i32 to index
            %get3A_1071 = tpu.vector_load %arg10[%get3A_1069, %get3A_1070] {strides = array<i32>} : memref<16x1792xf32, #tpu.memory_space<vmem>>, vector<16xf32>,
            %add3A_1072 = arith.constant 48 : i32
            %add3A_1073 = arith.addi %mul3A_967, %add3A_1072 : i32
            %add3A_1074 = arith.constant 48 : i32
            %add3A_1075 = arith.addi %mul3A_967, %add3A_1074 : i32
            %get3A_1076 = arith.constant 1 : i32
            %get3A_1077 = arith.index_cast %get3A_1076 : i32 to index
            %get3A_1078 = arith.index_cast %add3A_1075 : i32 to index
            %get3A_1079 = tpu.vector_load %arg10[%get3A_1077, %get3A_1078] {strides = array<i32>} : memref<16x1792xf32, #tpu.memory_space<vmem>>, vector<16xf32>,
            %add3A_1080 = arith.constant 48 : i32
            %add3A_1081 = arith.addi %mul3A_967, %add3A_1080 : i32
            %add3A_1082 = arith.constant 48 : i32
            %add3A_1083 = arith.addi %mul3A_967, %add3A_1082 : i32
            %get3A_1084 = arith.constant 2 : i32
            %get3A_1085 = arith.index_cast %get3A_1084 : i32 to index
            %get3A_1086 = arith.index_cast %add3A_1083 : i32 to index
            %get3A_1087 = tpu.vector_load %arg10[%get3A_1085, %get3A_1086] {strides = array<i32>} : memref<16x1792xf32, #tpu.memory_space<vmem>>, vector<16xf32>,
            %add3A_1088 = arith.constant 48 : i32
            %add3A_1089 = arith.addi %mul3A_967, %add3A_1088 : i32
            %add3A_1090 = arith.constant 48 : i32
            %add3A_1091 = arith.addi %mul3A_967, %add3A_1090 : i32
            %get3A_1092 = arith.constant 3 : i32
            %get3A_1093 = arith.index_cast %get3A_1092 : i32 to index
            %get3A_1094 = arith.index_cast %add3A_1091 : i32 to index
            %get3A_1095 = tpu.vector_load %arg10[%get3A_1093, %get3A_1094] {strides = array<i32>} : memref<16x1792xf32, #tpu.memory_space<vmem>>, vector<16xf32>,
            %add3A_1096 = vector.broadcast %add3A_969 : i32 to vector<16xi32>
            %add3A_1097 = arith.addi %add3A_739, %add3A_1096 : vector<16xi32>
            tpu.vector_store_idx %arg8[%add3A_1097], %get3A_975 {add = true} : memref<59136xf32, #tpu.memory_space<vmem>>[vector<16xi32>], vector<16xf32>,
            %add3A_1098 = vector.broadcast %add3A_977 : i32 to vector<16xi32>
            %add3A_1099 = arith.addi %add3A_752, %add3A_1098 : vector<16xi32>
            tpu.vector_store_idx %arg8[%add3A_1099], %get3A_983 {add = true} : memref<59136xf32, #tpu.memory_space<vmem>>[vector<16xi32>], vector<16xf32>,
            %add3A_1100 = vector.broadcast %add3A_985 : i32 to vector<16xi32>
            %add3A_1101 = arith.addi %add3A_765, %add3A_1100 : vector<16xi32>
            tpu.vector_store_idx %arg8[%add3A_1101], %get3A_991 {add = true} : memref<59136xf32, #tpu.memory_space<vmem>>[vector<16xi32>], vector<16xf32>,
            %add3A_1102 = vector.broadcast %add3A_993 : i32 to vector<16xi32>
            %add3A_1103 = arith.addi %add3A_778, %add3A_1102 : vector<16xi32>
            tpu.vector_store_idx %arg8[%add3A_1103], %get3A_999 {add = true} : memref<59136xf32, #tpu.memory_space<vmem>>[vector<16xi32>], vector<16xf32>,
            %add3A_1104 = vector.broadcast %add3A_1001 : i32 to vector<16xi32>
            %add3A_1105 = arith.addi %add3A_739, %add3A_1104 : vector<16xi32>
            tpu.vector_store_idx %arg8[%add3A_1105], %get3A_1007 {add = true} : memref<59136xf32, #tpu.memory_space<vmem>>[vector<16xi32>], vector<16xf32>,
            %add3A_1106 = vector.broadcast %add3A_1009 : i32 to vector<16xi32>
            %add3A_1107 = arith.addi %add3A_752, %add3A_1106 : vector<16xi32>
            tpu.vector_store_idx %arg8[%add3A_1107], %get3A_1015 {add = true} : memref<59136xf32, #tpu.memory_space<vmem>>[vector<16xi32>], vector<16xf32>,
            %add3A_1108 = vector.broadcast %add3A_1017 : i32 to vector<16xi32>
            %add3A_1109 = arith.addi %add3A_765, %add3A_1108 : vector<16xi32>
            tpu.vector_store_idx %arg8[%add3A_1109], %get3A_1023 {add = true} : memref<59136xf32, #tpu.memory_space<vmem>>[vector<16xi32>], vector<16xf32>,
            %add3A_1110 = vector.broadcast %add3A_1025 : i32 to vector<16xi32>
            %add3A_1111 = arith.addi %add3A_778, %add3A_1110 : vector<16xi32>
            tpu.vector_store_idx %arg8[%add3A_1111], %get3A_1031 {add = true} : memref<59136xf32, #tpu.memory_space<vmem>>[vector<16xi32>], vector<16xf32>,
            %add3A_1112 = vector.broadcast %add3A_1033 : i32 to vector<16xi32>
            %add3A_1113 = arith.addi %add3A_739, %add3A_1112 : vector<16xi32>
            tpu.vector_store_idx %arg8[%add3A_1113], %get3A_1039 {add = true} : memref<59136xf32, #tpu.memory_space<vmem>>[vector<16xi32>], vector<16xf32>,
            %add3A_1114 = vector.broadcast %add3A_1041 : i32 to vector<16xi32>
            %add3A_1115 = arith.addi %add3A_752, %add3A_1114 : vector<16xi32>
            tpu.vector_store_idx %arg8[%add3A_1115], %get3A_1047 {add = true} : memref<59136xf32, #tpu.memory_space<vmem>>[vector<16xi32>], vector<16xf32>,
            %add3A_1116 = vector.broadcast %add3A_1049 : i32 to vector<16xi32>
            %add3A_1117 = arith.addi %add3A_765, %add3A_1116 : vector<16xi32>
            tpu.vector_store_idx %arg8[%add3A_1117], %get3A_1055 {add = true} : memref<59136xf32, #tpu.memory_space<vmem>>[vector<16xi32>], vector<16xf32>,
            %add3A_1118 = vector.broadcast %add3A_1057 : i32 to vector<16xi32>
            %add3A_1119 = arith.addi %add3A_778, %add3A_1118 : vector<16xi32>
            tpu.vector_store_idx %arg8[%add3A_1119], %get3A_1063 {add = true} : memref<59136xf32, #tpu.memory_space<vmem>>[vector<16xi32>], vector<16xf32>,
            %add3A_1120 = vector.broadcast %add3A_1065 : i32 to vector<16xi32>
            %add3A_1121 = arith.addi %add3A_739, %add3A_1120 : vector<16xi32>
            tpu.vector_store_idx %arg8[%add3A_1121], %get3A_1071 {add = true} : memref<59136xf32, #tpu.memory_space<vmem>>[vector<16xi32>], vector<16xf32>,
            %add3A_1122 = vector.broadcast %add3A_1073 : i32 to vector<16xi32>
            %add3A_1123 = arith.addi %add3A_752, %add3A_1122 : vector<16xi32>
            tpu.vector_store_idx %arg8[%add3A_1123], %get3A_1079 {add = true} : memref<59136xf32, #tpu.memory_space<vmem>>[vector<16xi32>], vector<16xf32>,
            %add3A_1124 = vector.broadcast %add3A_1081 : i32 to vector<16xi32>
            %add3A_1125 = arith.addi %add3A_765, %add3A_1124 : vector<16xi32>
            tpu.vector_store_idx %arg8[%add3A_1125], %get3A_1087 {add = true} : memref<59136xf32, #tpu.memory_space<vmem>>[vector<16xi32>], vector<16xf32>,
            %add3A_1126 = vector.broadcast %add3A_1089 : i32 to vector<16xi32>
            %add3A_1127 = arith.addi %add3A_778, %add3A_1126 : vector<16xi32>
            tpu.vector_store_idx %arg8[%add3A_1127], %get3A_1095 {add = true} : memref<59136xf32, #tpu.memory_space<vmem>>[vector<16xi32>], vector<16xf32>,
          }
          %scan3A_784 = arith.constant 28 : i32
          %broadcast_in_dim3A_785 = arith.constant 0 : i32
          %broadcast_in_dim3A_786 = vector.broadcast %broadcast_in_dim3A_785 : i32 to vector<16xi32>
          %mul3A_787 = arith.constant 16 : i32
          %mul3A_788 = arith.muli %add3A_718, %mul3A_787 : i32
          %add3A_789 = arith.constant 4 : i32
          %add3A_790 = arith.addi %mul3A_788, %add3A_789 : i32
          %add3A_791 = vector.broadcast %add3A_790 : i32 to vector<16xi32>
          %add3A_792 = arith.addi %broadcast_in_dim3A_786, %add3A_791 : vector<16xi32>
          %gather3A_793 = tpu.vector_load_idx %arg7[%add3A_792] : memref<256xi32, #tpu.memory_space<vmem>>[vector<16xi32>], vector<16xi32>,
          %mul3A_794 = arith.constant 1792 : i32
          %mul3A_795 = vector.broadcast %mul3A_794 : i32 to vector<16xi32>
          %mul3A_796 = arith.muli %gather3A_793, %mul3A_795 : vector<16xi32>
          %add3A_797 = arith.addi %mul3A_796, %iota3A : vector<16xi32>
          %broadcast_in_dim3A_798 = arith.constant 0 : i32
          %broadcast_in_dim3A_799 = vector.broadcast %broadcast_in_dim3A_798 : i32 to vector<16xi32>
          %mul3A_800 = arith.constant 16 : i32
          %mul3A_801 = arith.muli %add3A_718, %mul3A_800 : i32
          %add3A_802 = arith.constant 5 : i32
          %add3A_803 = arith.addi %mul3A_801, %add3A_802 : i32
          %add3A_804 = vector.broadcast %add3A_803 : i32 to vector<16xi32>
          %add3A_805 = arith.addi %broadcast_in_dim3A_799, %add3A_804 : vector<16xi32>
          %gather3A_806 = tpu.vector_load_idx %arg7[%add3A_805] : memref<256xi32, #tpu.memory_space<vmem>>[vector<16xi32>], vector<16xi32>,
          %mul3A_807 = arith.constant 1792 : i32
          %mul3A_808 = vector.broadcast %mul3A_807 : i32 to vector<16xi32>
          %mul3A_809 = arith.muli %gather3A_806, %mul3A_808 : vector<16xi32>
          %add3A_810 = arith.addi %mul3A_809, %iota3A : vector<16xi32>
          %broadcast_in_dim3A_811 = arith.constant 0 : i32
          %broadcast_in_dim3A_812 = vector.broadcast %broadcast_in_dim3A_811 : i32 to vector<16xi32>
          %mul3A_813 = arith.constant 16 : i32
          %mul3A_814 = arith.muli %add3A_718, %mul3A_813 : i32
          %add3A_815 = arith.constant 6 : i32
          %add3A_816 = arith.addi %mul3A_814, %add3A_815 : i32
          %add3A_817 = vector.broadcast %add3A_816 : i32 to vector<16xi32>
          %add3A_818 = arith.addi %broadcast_in_dim3A_812, %add3A_817 : vector<16xi32>
          %gather3A_819 = tpu.vector_load_idx %arg7[%add3A_818] : memref<256xi32, #tpu.memory_space<vmem>>[vector<16xi32>], vector<16xi32>,
          %mul3A_820 = arith.constant 1792 : i32
          %mul3A_821 = vector.broadcast %mul3A_820 : i32 to vector<16xi32>
          %mul3A_822 = arith.muli %gather3A_819, %mul3A_821 : vector<16xi32>
          %add3A_823 = arith.addi %mul3A_822, %iota3A : vector<16xi32>
          %broadcast_in_dim3A_824 = arith.constant 0 : i32
          %broadcast_in_dim3A_825 = vector.broadcast %broadcast_in_dim3A_824 : i32 to vector<16xi32>
          %mul3A_826 = arith.constant 16 : i32
          %mul3A_827 = arith.muli %add3A_718, %mul3A_826 : i32
          %add3A_828 = arith.constant 7 : i32
          %add3A_829 = arith.addi %mul3A_827, %add3A_828 : i32
          %add3A_830 = vector.broadcast %add3A_829 : i32 to vector<16xi32>
          %add3A_831 = arith.addi %broadcast_in_dim3A_825, %add3A_830 : vector<16xi32>
          %gather3A_832 = tpu.vector_load_idx %arg7[%add3A_831] : memref<256xi32, #tpu.memory_space<vmem>>[vector<16xi32>], vector<16xi32>,
          %mul3A_833 = arith.constant 1792 : i32
          %mul3A_834 = vector.broadcast %mul3A_833 : i32 to vector<16xi32>
          %mul3A_835 = arith.muli %gather3A_832, %mul3A_834 : vector<16xi32>
          %add3A_836 = arith.addi %mul3A_835, %iota3A : vector<16xi32>
          %scan3A_837 = arith.constant 0 : i32
          %scan3A_838 = arith.constant 0 : i32
          %scan3A_839 = arith.constant 28 : i32
          %scan3A_840 = arith.addi %scan3A_838, %scan3A_839 : i32
          %scan3A_841 = arith.constant 1 : i32
          scf.for %scan3A_965 = %scan3A_838 to %scan3A_840 step %scan3A_841  : i32 {
            %mul3A_966 = arith.constant 64 : i32
            %mul3A_967 = arith.muli %scan3A_965, %mul3A_966 : i32
            %add3A_968 = arith.constant 0 : i32
            %add3A_969 = arith.addi %mul3A_967, %add3A_968 : i32
            %add3A_970 = arith.constant 0 : i32
            %add3A_971 = arith.addi %mul3A_967, %add3A_970 : i32
            %get3A_972 = arith.constant 4 : i32
            %get3A_973 = arith.index_cast %get3A_972 : i32 to index
            %get3A_974 = arith.index_cast %add3A_971 : i32 to index
            %get3A_975 = tpu.vector_load %arg10[%get3A_973, %get3A_974] {strides = array<i32>} : memref<16x1792xf32, #tpu.memory_space<vmem>>, vector<16xf32>,
            %add3A_976 = arith.constant 0 : i32
            %add3A_977 = arith.addi %mul3A_967, %add3A_976 : i32
            %add3A_978 = arith.constant 0 : i32
            %add3A_979 = arith.addi %mul3A_967, %add3A_978 : i32
            %get3A_980 = arith.constant 5 : i32
            %get3A_981 = arith.index_cast %get3A_980 : i32 to index
            %get3A_982 = arith.index_cast %add3A_979 : i32 to index
            %get3A_983 = tpu.vector_load %arg10[%get3A_981, %get3A_982] {strides = array<i32>} : memref<16x1792xf32, #tpu.memory_space<vmem>>, vector<16xf32>,
            %add3A_984 = arith.constant 0 : i32
            %add3A_985 = arith.addi %mul3A_967, %add3A_984 : i32
            %add3A_986 = arith.constant 0 : i32
            %add3A_987 = arith.addi %mul3A_967, %add3A_986 : i32
            %get3A_988 = arith.constant 6 : i32
            %get3A_989 = arith.index_cast %get3A_988 : i32 to index
            %get3A_990 = arith.index_cast %add3A_987 : i32 to index
            %get3A_991 = tpu.vector_load %arg10[%get3A_989, %get3A_990] {strides = array<i32>} : memref<16x1792xf32, #tpu.memory_space<vmem>>, vector<16xf32>,
            %add3A_992 = arith.constant 0 : i32
            %add3A_993 = arith.addi %mul3A_967, %add3A_992 : i32
            %add3A_994 = arith.constant 0 : i32
            %add3A_995 = arith.addi %mul3A_967, %add3A_994 : i32
            %get3A_996 = arith.constant 7 : i32
            %get3A_997 = arith.index_cast %get3A_996 : i32 to index
            %get3A_998 = arith.index_cast %add3A_995 : i32 to index
            %get3A_999 = tpu.vector_load %arg10[%get3A_997, %get3A_998] {strides = array<i32>} : memref<16x1792xf32, #tpu.memory_space<vmem>>, vector<16xf32>,
            %add3A_1000 = arith.constant 16 : i32
            %add3A_1001 = arith.addi %mul3A_967, %add3A_1000 : i32
            %add3A_1002 = arith.constant 16 : i32
            %add3A_1003 = arith.addi %mul3A_967, %add3A_1002 : i32
            %get3A_1004 = arith.constant 4 : i32
            %get3A_1005 = arith.index_cast %get3A_1004 : i32 to index
            %get3A_1006 = arith.index_cast %add3A_1003 : i32 to index
            %get3A_1007 = tpu.vector_load %arg10[%get3A_1005, %get3A_1006] {strides = array<i32>} : memref<16x1792xf32, #tpu.memory_space<vmem>>, vector<16xf32>,
            %add3A_1008 = arith.constant 16 : i32
            %add3A_1009 = arith.addi %mul3A_967, %add3A_1008 : i32
            %add3A_1010 = arith.constant 16 : i32
            %add3A_1011 = arith.addi %mul3A_967, %add3A_1010 : i32
            %get3A_1012 = arith.constant 5 : i32
            %get3A_1013 = arith.index_cast %get3A_1012 : i32 to index
            %get3A_1014 = arith.index_cast %add3A_1011 : i32 to index
            %get3A_1015 = tpu.vector_load %arg10[%get3A_1013, %get3A_1014] {strides = array<i32>} : memref<16x1792xf32, #tpu.memory_space<vmem>>, vector<16xf32>,
            %add3A_1016 = arith.constant 16 : i32
            %add3A_1017 = arith.addi %mul3A_967, %add3A_1016 : i32
            %add3A_1018 = arith.constant 16 : i32
            %add3A_1019 = arith.addi %mul3A_967, %add3A_1018 : i32
            %get3A_1020 = arith.constant 6 : i32
            %get3A_1021 = arith.index_cast %get3A_1020 : i32 to index
            %get3A_1022 = arith.index_cast %add3A_1019 : i32 to index
            %get3A_1023 = tpu.vector_load %arg10[%get3A_1021, %get3A_1022] {strides = array<i32>} : memref<16x1792xf32, #tpu.memory_space<vmem>>, vector<16xf32>,
            %add3A_1024 = arith.constant 16 : i32
            %add3A_1025 = arith.addi %mul3A_967, %add3A_1024 : i32
            %add3A_1026 = arith.constant 16 : i32
            %add3A_1027 = arith.addi %mul3A_967, %add3A_1026 : i32
            %get3A_1028 = arith.constant 7 : i32
            %get3A_1029 = arith.index_cast %get3A_1028 : i32 to index
            %get3A_1030 = arith.index_cast %add3A_1027 : i32 to index
            %get3A_1031 = tpu.vector_load %arg10[%get3A_1029, %get3A_1030] {strides = array<i32>} : memref<16x1792xf32, #tpu.memory_space<vmem>>, vector<16xf32>,
            %add3A_1032 = arith.constant 32 : i32
            %add3A_1033 = arith.addi %mul3A_967, %add3A_1032 : i32
            %add3A_1034 = arith.constant 32 : i32
            %add3A_1035 = arith.addi %mul3A_967, %add3A_1034 : i32
            %get3A_1036 = arith.constant 4 : i32
            %get3A_1037 = arith.index_cast %get3A_1036 : i32 to index
            %get3A_1038 = arith.index_cast %add3A_1035 : i32 to index
            %get3A_1039 = tpu.vector_load %arg10[%get3A_1037, %get3A_1038] {strides = array<i32>} : memref<16x1792xf32, #tpu.memory_space<vmem>>, vector<16xf32>,
            %add3A_1040 = arith.constant 32 : i32
            %add3A_1041 = arith.addi %mul3A_967, %add3A_1040 : i32
            %add3A_1042 = arith.constant 32 : i32
            %add3A_1043 = arith.addi %mul3A_967, %add3A_1042 : i32
            %get3A_1044 = arith.constant 5 : i32
            %get3A_1045 = arith.index_cast %get3A_1044 : i32 to index
            %get3A_1046 = arith.index_cast %add3A_1043 : i32 to index
            %get3A_1047 = tpu.vector_load %arg10[%get3A_1045, %get3A_1046] {strides = array<i32>} : memref<16x1792xf32, #tpu.memory_space<vmem>>, vector<16xf32>,
            %add3A_1048 = arith.constant 32 : i32
            %add3A_1049 = arith.addi %mul3A_967, %add3A_1048 : i32
            %add3A_1050 = arith.constant 32 : i32
            %add3A_1051 = arith.addi %mul3A_967, %add3A_1050 : i32
            %get3A_1052 = arith.constant 6 : i32
            %get3A_1053 = arith.index_cast %get3A_1052 : i32 to index
            %get3A_1054 = arith.index_cast %add3A_1051 : i32 to index
            %get3A_1055 = tpu.vector_load %arg10[%get3A_1053, %get3A_1054] {strides = array<i32>} : memref<16x1792xf32, #tpu.memory_space<vmem>>, vector<16xf32>,
            %add3A_1056 = arith.constant 32 : i32
            %add3A_1057 = arith.addi %mul3A_967, %add3A_1056 : i32
            %add3A_1058 = arith.constant 32 : i32
            %add3A_1059 = arith.addi %mul3A_967, %add3A_1058 : i32
            %get3A_1060 = arith.constant 7 : i32
            %get3A_1061 = arith.index_cast %get3A_1060 : i32 to index
            %get3A_1062 = arith.index_cast %add3A_1059 : i32 to index
            %get3A_1063 = tpu.vector_load %arg10[%get3A_1061, %get3A_1062] {strides = array<i32>} : memref<16x1792xf32, #tpu.memory_space<vmem>>, vector<16xf32>,
            %add3A_1064 = arith.constant 48 : i32
            %add3A_1065 = arith.addi %mul3A_967, %add3A_1064 : i32
            %add3A_1066 = arith.constant 48 : i32
            %add3A_1067 = arith.addi %mul3A_967, %add3A_1066 : i32
            %get3A_1068 = arith.constant 4 : i32
            %get3A_1069 = arith.index_cast %get3A_1068 : i32 to index
            %get3A_1070 = arith.index_cast %add3A_1067 : i32 to index
            %get3A_1071 = tpu.vector_load %arg10[%get3A_1069, %get3A_1070] {strides = array<i32>} : memref<16x1792xf32, #tpu.memory_space<vmem>>, vector<16xf32>,
            %add3A_1072 = arith.constant 48 : i32
            %add3A_1073 = arith.addi %mul3A_967, %add3A_1072 : i32
            %add3A_1074 = arith.constant 48 : i32
            %add3A_1075 = arith.addi %mul3A_967, %add3A_1074 : i32
            %get3A_1076 = arith.constant 5 : i32
            %get3A_1077 = arith.index_cast %get3A_1076 : i32 to index
            %get3A_1078 = arith.index_cast %add3A_1075 : i32 to index
            %get3A_1079 = tpu.vector_load %arg10[%get3A_1077, %get3A_1078] {strides = array<i32>} : memref<16x1792xf32, #tpu.memory_space<vmem>>, vector<16xf32>,
            %add3A_1080 = arith.constant 48 : i32
            %add3A_1081 = arith.addi %mul3A_967, %add3A_1080 : i32
            %add3A_1082 = arith.constant 48 : i32
            %add3A_1083 = arith.addi %mul3A_967, %add3A_1082 : i32
            %get3A_1084 = arith.constant 6 : i32
            %get3A_1085 = arith.index_cast %get3A_1084 : i32 to index
            %get3A_1086 = arith.index_cast %add3A_1083 : i32 to index
            %get3A_1087 = tpu.vector_load %arg10[%get3A_1085, %get3A_1086] {strides = array<i32>} : memref<16x1792xf32, #tpu.memory_space<vmem>>, vector<16xf32>,
            %add3A_1088 = arith.constant 48 : i32
            %add3A_1089 = arith.addi %mul3A_967, %add3A_1088 : i32
            %add3A_1090 = arith.constant 48 : i32
            %add3A_1091 = arith.addi %mul3A_967, %add3A_1090 : i32
            %get3A_1092 = arith.constant 7 : i32
            %get3A_1093 = arith.index_cast %get3A_1092 : i32 to index
            %get3A_1094 = arith.index_cast %add3A_1091 : i32 to index
            %get3A_1095 = tpu.vector_load %arg10[%get3A_1093, %get3A_1094] {strides = array<i32>} : memref<16x1792xf32, #tpu.memory_space<vmem>>, vector<16xf32>,
            %add3A_1096 = vector.broadcast %add3A_969 : i32 to vector<16xi32>
            %add3A_1097 = arith.addi %add3A_797, %add3A_1096 : vector<16xi32>
            tpu.vector_store_idx %arg8[%add3A_1097], %get3A_975 {add = true} : memref<59136xf32, #tpu.memory_space<vmem>>[vector<16xi32>], vector<16xf32>,
            %add3A_1098 = vector.broadcast %add3A_977 : i32 to vector<16xi32>
            %add3A_1099 = arith.addi %add3A_810, %add3A_1098 : vector<16xi32>
            tpu.vector_store_idx %arg8[%add3A_1099], %get3A_983 {add = true} : memref<59136xf32, #tpu.memory_space<vmem>>[vector<16xi32>], vector<16xf32>,
            %add3A_1100 = vector.broadcast %add3A_985 : i32 to vector<16xi32>
            %add3A_1101 = arith.addi %add3A_823, %add3A_1100 : vector<16xi32>
            tpu.vector_store_idx %arg8[%add3A_1101], %get3A_991 {add = true} : memref<59136xf32, #tpu.memory_space<vmem>>[vector<16xi32>], vector<16xf32>,
            %add3A_1102 = vector.broadcast %add3A_993 : i32 to vector<16xi32>
            %add3A_1103 = arith.addi %add3A_836, %add3A_1102 : vector<16xi32>
            tpu.vector_store_idx %arg8[%add3A_1103], %get3A_999 {add = true} : memref<59136xf32, #tpu.memory_space<vmem>>[vector<16xi32>], vector<16xf32>,
            %add3A_1104 = vector.broadcast %add3A_1001 : i32 to vector<16xi32>
            %add3A_1105 = arith.addi %add3A_797, %add3A_1104 : vector<16xi32>
            tpu.vector_store_idx %arg8[%add3A_1105], %get3A_1007 {add = true} : memref<59136xf32, #tpu.memory_space<vmem>>[vector<16xi32>], vector<16xf32>,
            %add3A_1106 = vector.broadcast %add3A_1009 : i32 to vector<16xi32>
            %add3A_1107 = arith.addi %add3A_810, %add3A_1106 : vector<16xi32>
            tpu.vector_store_idx %arg8[%add3A_1107], %get3A_1015 {add = true} : memref<59136xf32, #tpu.memory_space<vmem>>[vector<16xi32>], vector<16xf32>,
            %add3A_1108 = vector.broadcast %add3A_1017 : i32 to vector<16xi32>
            %add3A_1109 = arith.addi %add3A_823, %add3A_1108 : vector<16xi32>
            tpu.vector_store_idx %arg8[%add3A_1109], %get3A_1023 {add = true} : memref<59136xf32, #tpu.memory_space<vmem>>[vector<16xi32>], vector<16xf32>,
            %add3A_1110 = vector.broadcast %add3A_1025 : i32 to vector<16xi32>
            %add3A_1111 = arith.addi %add3A_836, %add3A_1110 : vector<16xi32>
            tpu.vector_store_idx %arg8[%add3A_1111], %get3A_1031 {add = true} : memref<59136xf32, #tpu.memory_space<vmem>>[vector<16xi32>], vector<16xf32>,
            %add3A_1112 = vector.broadcast %add3A_1033 : i32 to vector<16xi32>
            %add3A_1113 = arith.addi %add3A_797, %add3A_1112 : vector<16xi32>
            tpu.vector_store_idx %arg8[%add3A_1113], %get3A_1039 {add = true} : memref<59136xf32, #tpu.memory_space<vmem>>[vector<16xi32>], vector<16xf32>,
            %add3A_1114 = vector.broadcast %add3A_1041 : i32 to vector<16xi32>
            %add3A_1115 = arith.addi %add3A_810, %add3A_1114 : vector<16xi32>
            tpu.vector_store_idx %arg8[%add3A_1115], %get3A_1047 {add = true} : memref<59136xf32, #tpu.memory_space<vmem>>[vector<16xi32>], vector<16xf32>,
            %add3A_1116 = vector.broadcast %add3A_1049 : i32 to vector<16xi32>
            %add3A_1117 = arith.addi %add3A_823, %add3A_1116 : vector<16xi32>
            tpu.vector_store_idx %arg8[%add3A_1117], %get3A_1055 {add = true} : memref<59136xf32, #tpu.memory_space<vmem>>[vector<16xi32>], vector<16xf32>,
            %add3A_1118 = vector.broadcast %add3A_1057 : i32 to vector<16xi32>
            %add3A_1119 = arith.addi %add3A_836, %add3A_1118 : vector<16xi32>
            tpu.vector_store_idx %arg8[%add3A_1119], %get3A_1063 {add = true} : memref<59136xf32, #tpu.memory_space<vmem>>[vector<16xi32>], vector<16xf32>,
            %add3A_1120 = vector.broadcast %add3A_1065 : i32 to vector<16xi32>
            %add3A_1121 = arith.addi %add3A_797, %add3A_1120 : vector<16xi32>
            tpu.vector_store_idx %arg8[%add3A_1121], %get3A_1071 {add = true} : memref<59136xf32, #tpu.memory_space<vmem>>[vector<16xi32>], vector<16xf32>,
            %add3A_1122 = vector.broadcast %add3A_1073 : i32 to vector<16xi32>
            %add3A_1123 = arith.addi %add3A_810, %add3A_1122 : vector<16xi32>
            tpu.vector_store_idx %arg8[%add3A_1123], %get3A_1079 {add = true} : memref<59136xf32, #tpu.memory_space<vmem>>[vector<16xi32>], vector<16xf32>,
            %add3A_1124 = vector.broadcast %add3A_1081 : i32 to vector<16xi32>
            %add3A_1125 = arith.addi %add3A_823, %add3A_1124 : vector<16xi32>
            tpu.vector_store_idx %arg8[%add3A_1125], %get3A_1087 {add = true} : memref<59136xf32, #tpu.memory_space<vmem>>[vector<16xi32>], vector<16xf32>,
            %add3A_1126 = vector.broadcast %add3A_1089 : i32 to vector<16xi32>
            %add3A_1127 = arith.addi %add3A_836, %add3A_1126 : vector<16xi32>
            tpu.vector_store_idx %arg8[%add3A_1127], %get3A_1095 {add = true} : memref<59136xf32, #tpu.memory_space<vmem>>[vector<16xi32>], vector<16xf32>,
          }
          %scan3A_842 = arith.constant 28 : i32
          %broadcast_in_dim3A_843 = arith.constant 0 : i32
          %broadcast_in_dim3A_844 = vector.broadcast %broadcast_in_dim3A_843 : i32 to vector<16xi32>
          %mul3A_845 = arith.constant 16 : i32
          %mul3A_846 = arith.muli %add3A_718, %mul3A_845 : i32
          %add3A_847 = arith.constant 8 : i32
          %add3A_848 = arith.addi %mul3A_846, %add3A_847 : i32
          %add3A_849 = vector.broadcast %add3A_848 : i32 to vector<16xi32>
          %add3A_850 = arith.addi %broadcast_in_dim3A_844, %add3A_849 : vector<16xi32>
          %gather3A_851 = tpu.vector_load_idx %arg7[%add3A_850] : memref<256xi32, #tpu.memory_space<vmem>>[vector<16xi32>], vector<16xi32>,
          %mul3A_852 = arith.constant 1792 : i32
          %mul3A_853 = vector.broadcast %mul3A_852 : i32 to vector<16xi32>
          %mul3A_854 = arith.muli %gather3A_851, %mul3A_853 : vector<16xi32>
          %add3A_855 = arith.addi %mul3A_854, %iota3A : vector<16xi32>
          %broadcast_in_dim3A_856 = arith.constant 0 : i32
          %broadcast_in_dim3A_857 = vector.broadcast %broadcast_in_dim3A_856 : i32 to vector<16xi32>
          %mul3A_858 = arith.constant 16 : i32
          %mul3A_859 = arith.muli %add3A_718, %mul3A_858 : i32
          %add3A_860 = arith.constant 9 : i32
          %add3A_861 = arith.addi %mul3A_859, %add3A_860 : i32
          %add3A_862 = vector.broadcast %add3A_861 : i32 to vector<16xi32>
          %add3A_863 = arith.addi %broadcast_in_dim3A_857, %add3A_862 : vector<16xi32>
          %gather3A_864 = tpu.vector_load_idx %arg7[%add3A_863] : memref<256xi32, #tpu.memory_space<vmem>>[vector<16xi32>], vector<16xi32>,
          %mul3A_865 = arith.constant 1792 : i32
          %mul3A_866 = vector.broadcast %mul3A_865 : i32 to vector<16xi32>
          %mul3A_867 = arith.muli %gather3A_864, %mul3A_866 : vector<16xi32>
          %add3A_868 = arith.addi %mul3A_867, %iota3A : vector<16xi32>
          %broadcast_in_dim3A_869 = arith.constant 0 : i32
          %broadcast_in_dim3A_870 = vector.broadcast %broadcast_in_dim3A_869 : i32 to vector<16xi32>
          %mul3A_871 = arith.constant 16 : i32
          %mul3A_872 = arith.muli %add3A_718, %mul3A_871 : i32
          %add3A_873 = arith.constant 10 : i32
          %add3A_874 = arith.addi %mul3A_872, %add3A_873 : i32
          %add3A_875 = vector.broadcast %add3A_874 : i32 to vector<16xi32>
          %add3A_876 = arith.addi %broadcast_in_dim3A_870, %add3A_875 : vector<16xi32>
          %gather3A_877 = tpu.vector_load_idx %arg7[%add3A_876] : memref<256xi32, #tpu.memory_space<vmem>>[vector<16xi32>], vector<16xi32>,
          %mul3A_878 = arith.constant 1792 : i32
          %mul3A_879 = vector.broadcast %mul3A_878 : i32 to vector<16xi32>
          %mul3A_880 = arith.muli %gather3A_877, %mul3A_879 : vector<16xi32>
          %add3A_881 = arith.addi %mul3A_880, %iota3A : vector<16xi32>
          %broadcast_in_dim3A_882 = arith.constant 0 : i32
          %broadcast_in_dim3A_883 = vector.broadcast %broadcast_in_dim3A_882 : i32 to vector<16xi32>
          %mul3A_884 = arith.constant 16 : i32
          %mul3A_885 = arith.muli %add3A_718, %mul3A_884 : i32
          %add3A_886 = arith.constant 11 : i32
          %add3A_887 = arith.addi %mul3A_885, %add3A_886 : i32
          %add3A_888 = vector.broadcast %add3A_887 : i32 to vector<16xi32>
          %add3A_889 = arith.addi %broadcast_in_dim3A_883, %add3A_888 : vector<16xi32>
          %gather3A_890 = tpu.vector_load_idx %arg7[%add3A_889] : memref<256xi32, #tpu.memory_space<vmem>>[vector<16xi32>], vector<16xi32>,
          %mul3A_891 = arith.constant 1792 : i32
          %mul3A_892 = vector.broadcast %mul3A_891 : i32 to vector<16xi32>
          %mul3A_893 = arith.muli %gather3A_890, %mul3A_892 : vector<16xi32>
          %add3A_894 = arith.addi %mul3A_893, %iota3A : vector<16xi32>
          %scan3A_895 = arith.constant 0 : i32
          %scan3A_896 = arith.constant 0 : i32
          %scan3A_897 = arith.constant 28 : i32
          %scan3A_898 = arith.addi %scan3A_896, %scan3A_897 : i32
          %scan3A_899 = arith.constant 1 : i32
          scf.for %scan3A_965 = %scan3A_896 to %scan3A_898 step %scan3A_899  : i32 {
            %mul3A_966 = arith.constant 64 : i32
            %mul3A_967 = arith.muli %scan3A_965, %mul3A_966 : i32
            %add3A_968 = arith.constant 0 : i32
            %add3A_969 = arith.addi %mul3A_967, %add3A_968 : i32
            %add3A_970 = arith.constant 0 : i32
            %add3A_971 = arith.addi %mul3A_967, %add3A_970 : i32
            %get3A_972 = arith.constant 8 : i32
            %get3A_973 = arith.index_cast %get3A_972 : i32 to index
            %get3A_974 = arith.index_cast %add3A_971 : i32 to index
            %get3A_975 = tpu.vector_load %arg10[%get3A_973, %get3A_974] {strides = array<i32>} : memref<16x1792xf32, #tpu.memory_space<vmem>>, vector<16xf32>,
            %add3A_976 = arith.constant 0 : i32
            %add3A_977 = arith.addi %mul3A_967, %add3A_976 : i32
            %add3A_978 = arith.constant 0 : i32
            %add3A_979 = arith.addi %mul3A_967, %add3A_978 : i32
            %get3A_980 = arith.constant 9 : i32
            %get3A_981 = arith.index_cast %get3A_980 : i32 to index
            %get3A_982 = arith.index_cast %add3A_979 : i32 to index
            %get3A_983 = tpu.vector_load %arg10[%get3A_981, %get3A_982] {strides = array<i32>} : memref<16x1792xf32, #tpu.memory_space<vmem>>, vector<16xf32>,
            %add3A_984 = arith.constant 0 : i32
            %add3A_985 = arith.addi %mul3A_967, %add3A_984 : i32
            %add3A_986 = arith.constant 0 : i32
            %add3A_987 = arith.addi %mul3A_967, %add3A_986 : i32
            %get3A_988 = arith.constant 10 : i32
            %get3A_989 = arith.index_cast %get3A_988 : i32 to index
            %get3A_990 = arith.index_cast %add3A_987 : i32 to index
            %get3A_991 = tpu.vector_load %arg10[%get3A_989, %get3A_990] {strides = array<i32>} : memref<16x1792xf32, #tpu.memory_space<vmem>>, vector<16xf32>,
            %add3A_992 = arith.constant 0 : i32
            %add3A_993 = arith.addi %mul3A_967, %add3A_992 : i32
            %add3A_994 = arith.constant 0 : i32
            %add3A_995 = arith.addi %mul3A_967, %add3A_994 : i32
            %get3A_996 = arith.constant 11 : i32
            %get3A_997 = arith.index_cast %get3A_996 : i32 to index
            %get3A_998 = arith.index_cast %add3A_995 : i32 to index
            %get3A_999 = tpu.vector_load %arg10[%get3A_997, %get3A_998] {strides = array<i32>} : memref<16x1792xf32, #tpu.memory_space<vmem>>, vector<16xf32>,
            %add3A_1000 = arith.constant 16 : i32
            %add3A_1001 = arith.addi %mul3A_967, %add3A_1000 : i32
            %add3A_1002 = arith.constant 16 : i32
            %add3A_1003 = arith.addi %mul3A_967, %add3A_1002 : i32
            %get3A_1004 = arith.constant 8 : i32
            %get3A_1005 = arith.index_cast %get3A_1004 : i32 to index
            %get3A_1006 = arith.index_cast %add3A_1003 : i32 to index
            %get3A_1007 = tpu.vector_load %arg10[%get3A_1005, %get3A_1006] {strides = array<i32>} : memref<16x1792xf32, #tpu.memory_space<vmem>>, vector<16xf32>,
            %add3A_1008 = arith.constant 16 : i32
            %add3A_1009 = arith.addi %mul3A_967, %add3A_1008 : i32
            %add3A_1010 = arith.constant 16 : i32
            %add3A_1011 = arith.addi %mul3A_967, %add3A_1010 : i32
            %get3A_1012 = arith.constant 9 : i32
            %get3A_1013 = arith.index_cast %get3A_1012 : i32 to index
            %get3A_1014 = arith.index_cast %add3A_1011 : i32 to index
            %get3A_1015 = tpu.vector_load %arg10[%get3A_1013, %get3A_1014] {strides = array<i32>} : memref<16x1792xf32, #tpu.memory_space<vmem>>, vector<16xf32>,
            %add3A_1016 = arith.constant 16 : i32
            %add3A_1017 = arith.addi %mul3A_967, %add3A_1016 : i32
            %add3A_1018 = arith.constant 16 : i32
            %add3A_1019 = arith.addi %mul3A_967, %add3A_1018 : i32
            %get3A_1020 = arith.constant 10 : i32
            %get3A_1021 = arith.index_cast %get3A_1020 : i32 to index
            %get3A_1022 = arith.index_cast %add3A_1019 : i32 to index
            %get3A_1023 = tpu.vector_load %arg10[%get3A_1021, %get3A_1022] {strides = array<i32>} : memref<16x1792xf32, #tpu.memory_space<vmem>>, vector<16xf32>,
            %add3A_1024 = arith.constant 16 : i32
            %add3A_1025 = arith.addi %mul3A_967, %add3A_1024 : i32
            %add3A_1026 = arith.constant 16 : i32
            %add3A_1027 = arith.addi %mul3A_967, %add3A_1026 : i32
            %get3A_1028 = arith.constant 11 : i32
            %get3A_1029 = arith.index_cast %get3A_1028 : i32 to index
            %get3A_1030 = arith.index_cast %add3A_1027 : i32 to index
            %get3A_1031 = tpu.vector_load %arg10[%get3A_1029, %get3A_1030] {strides = array<i32>} : memref<16x1792xf32, #tpu.memory_space<vmem>>, vector<16xf32>,
            %add3A_1032 = arith.constant 32 : i32
            %add3A_1033 = arith.addi %mul3A_967, %add3A_1032 : i32
            %add3A_1034 = arith.constant 32 : i32
            %add3A_1035 = arith.addi %mul3A_967, %add3A_1034 : i32
            %get3A_1036 = arith.constant 8 : i32
            %get3A_1037 = arith.index_cast %get3A_1036 : i32 to index
            %get3A_1038 = arith.index_cast %add3A_1035 : i32 to index
            %get3A_1039 = tpu.vector_load %arg10[%get3A_1037, %get3A_1038] {strides = array<i32>} : memref<16x1792xf32, #tpu.memory_space<vmem>>, vector<16xf32>,
            %add3A_1040 = arith.constant 32 : i32
            %add3A_1041 = arith.addi %mul3A_967, %add3A_1040 : i32
            %add3A_1042 = arith.constant 32 : i32
            %add3A_1043 = arith.addi %mul3A_967, %add3A_1042 : i32
            %get3A_1044 = arith.constant 9 : i32
            %get3A_1045 = arith.index_cast %get3A_1044 : i32 to index
            %get3A_1046 = arith.index_cast %add3A_1043 : i32 to index
            %get3A_1047 = tpu.vector_load %arg10[%get3A_1045, %get3A_1046] {strides = array<i32>} : memref<16x1792xf32, #tpu.memory_space<vmem>>, vector<16xf32>,
            %add3A_1048 = arith.constant 32 : i32
            %add3A_1049 = arith.addi %mul3A_967, %add3A_1048 : i32
            %add3A_1050 = arith.constant 32 : i32
            %add3A_1051 = arith.addi %mul3A_967, %add3A_1050 : i32
            %get3A_1052 = arith.constant 10 : i32
            %get3A_1053 = arith.index_cast %get3A_1052 : i32 to index
            %get3A_1054 = arith.index_cast %add3A_1051 : i32 to index
            %get3A_1055 = tpu.vector_load %arg10[%get3A_1053, %get3A_1054] {strides = array<i32>} : memref<16x1792xf32, #tpu.memory_space<vmem>>, vector<16xf32>,
            %add3A_1056 = arith.constant 32 : i32
            %add3A_1057 = arith.addi %mul3A_967, %add3A_1056 : i32
            %add3A_1058 = arith.constant 32 : i32
            %add3A_1059 = arith.addi %mul3A_967, %add3A_1058 : i32
            %get3A_1060 = arith.constant 11 : i32
            %get3A_1061 = arith.index_cast %get3A_1060 : i32 to index
            %get3A_1062 = arith.index_cast %add3A_1059 : i32 to index
            %get3A_1063 = tpu.vector_load %arg10[%get3A_1061, %get3A_1062] {strides = array<i32>} : memref<16x1792xf32, #tpu.memory_space<vmem>>, vector<16xf32>,
            %add3A_1064 = arith.constant 48 : i32
            %add3A_1065 = arith.addi %mul3A_967, %add3A_1064 : i32
            %add3A_1066 = arith.constant 48 : i32
            %add3A_1067 = arith.addi %mul3A_967, %add3A_1066 : i32
            %get3A_1068 = arith.constant 8 : i32
            %get3A_1069 = arith.index_cast %get3A_1068 : i32 to index
            %get3A_1070 = arith.index_cast %add3A_1067 : i32 to index
            %get3A_1071 = tpu.vector_load %arg10[%get3A_1069, %get3A_1070] {strides = array<i32>} : memref<16x1792xf32, #tpu.memory_space<vmem>>, vector<16xf32>,
            %add3A_1072 = arith.constant 48 : i32
            %add3A_1073 = arith.addi %mul3A_967, %add3A_1072 : i32
            %add3A_1074 = arith.constant 48 : i32
            %add3A_1075 = arith.addi %mul3A_967, %add3A_1074 : i32
            %get3A_1076 = arith.constant 9 : i32
            %get3A_1077 = arith.index_cast %get3A_1076 : i32 to index
            %get3A_1078 = arith.index_cast %add3A_1075 : i32 to index
            %get3A_1079 = tpu.vector_load %arg10[%get3A_1077, %get3A_1078] {strides = array<i32>} : memref<16x1792xf32, #tpu.memory_space<vmem>>, vector<16xf32>,
            %add3A_1080 = arith.constant 48 : i32
            %add3A_1081 = arith.addi %mul3A_967, %add3A_1080 : i32
            %add3A_1082 = arith.constant 48 : i32
            %add3A_1083 = arith.addi %mul3A_967, %add3A_1082 : i32
            %get3A_1084 = arith.constant 10 : i32
            %get3A_1085 = arith.index_cast %get3A_1084 : i32 to index
            %get3A_1086 = arith.index_cast %add3A_1083 : i32 to index
            %get3A_1087 = tpu.vector_load %arg10[%get3A_1085, %get3A_1086] {strides = array<i32>} : memref<16x1792xf32, #tpu.memory_space<vmem>>, vector<16xf32>,
            %add3A_1088 = arith.constant 48 : i32
            %add3A_1089 = arith.addi %mul3A_967, %add3A_1088 : i32
            %add3A_1090 = arith.constant 48 : i32
            %add3A_1091 = arith.addi %mul3A_967, %add3A_1090 : i32
            %get3A_1092 = arith.constant 11 : i32
            %get3A_1093 = arith.index_cast %get3A_1092 : i32 to index
            %get3A_1094 = arith.index_cast %add3A_1091 : i32 to index
            %get3A_1095 = tpu.vector_load %arg10[%get3A_1093, %get3A_1094] {strides = array<i32>} : memref<16x1792xf32, #tpu.memory_space<vmem>>, vector<16xf32>,
            %add3A_1096 = vector.broadcast %add3A_969 : i32 to vector<16xi32>
            %add3A_1097 = arith.addi %add3A_855, %add3A_1096 : vector<16xi32>
            tpu.vector_store_idx %arg8[%add3A_1097], %get3A_975 {add = true} : memref<59136xf32, #tpu.memory_space<vmem>>[vector<16xi32>], vector<16xf32>,
            %add3A_1098 = vector.broadcast %add3A_977 : i32 to vector<16xi32>
            %add3A_1099 = arith.addi %add3A_868, %add3A_1098 : vector<16xi32>
            tpu.vector_store_idx %arg8[%add3A_1099], %get3A_983 {add = true} : memref<59136xf32, #tpu.memory_space<vmem>>[vector<16xi32>], vector<16xf32>,
            %add3A_1100 = vector.broadcast %add3A_985 : i32 to vector<16xi32>
            %add3A_1101 = arith.addi %add3A_881, %add3A_1100 : vector<16xi32>
            tpu.vector_store_idx %arg8[%add3A_1101], %get3A_991 {add = true} : memref<59136xf32, #tpu.memory_space<vmem>>[vector<16xi32>], vector<16xf32>,
            %add3A_1102 = vector.broadcast %add3A_993 : i32 to vector<16xi32>
            %add3A_1103 = arith.addi %add3A_894, %add3A_1102 : vector<16xi32>
            tpu.vector_store_idx %arg8[%add3A_1103], %get3A_999 {add = true} : memref<59136xf32, #tpu.memory_space<vmem>>[vector<16xi32>], vector<16xf32>,
            %add3A_1104 = vector.broadcast %add3A_1001 : i32 to vector<16xi32>
            %add3A_1105 = arith.addi %add3A_855, %add3A_1104 : vector<16xi32>
            tpu.vector_store_idx %arg8[%add3A_1105], %get3A_1007 {add = true} : memref<59136xf32, #tpu.memory_space<vmem>>[vector<16xi32>], vector<16xf32>,
            %add3A_1106 = vector.broadcast %add3A_1009 : i32 to vector<16xi32>
            %add3A_1107 = arith.addi %add3A_868, %add3A_1106 : vector<16xi32>
            tpu.vector_store_idx %arg8[%add3A_1107], %get3A_1015 {add = true} : memref<59136xf32, #tpu.memory_space<vmem>>[vector<16xi32>], vector<16xf32>,
            %add3A_1108 = vector.broadcast %add3A_1017 : i32 to vector<16xi32>
            %add3A_1109 = arith.addi %add3A_881, %add3A_1108 : vector<16xi32>
            tpu.vector_store_idx %arg8[%add3A_1109], %get3A_1023 {add = true} : memref<59136xf32, #tpu.memory_space<vmem>>[vector<16xi32>], vector<16xf32>,
            %add3A_1110 = vector.broadcast %add3A_1025 : i32 to vector<16xi32>
            %add3A_1111 = arith.addi %add3A_894, %add3A_1110 : vector<16xi32>
            tpu.vector_store_idx %arg8[%add3A_1111], %get3A_1031 {add = true} : memref<59136xf32, #tpu.memory_space<vmem>>[vector<16xi32>], vector<16xf32>,
            %add3A_1112 = vector.broadcast %add3A_1033 : i32 to vector<16xi32>
            %add3A_1113 = arith.addi %add3A_855, %add3A_1112 : vector<16xi32>
            tpu.vector_store_idx %arg8[%add3A_1113], %get3A_1039 {add = true} : memref<59136xf32, #tpu.memory_space<vmem>>[vector<16xi32>], vector<16xf32>,
            %add3A_1114 = vector.broadcast %add3A_1041 : i32 to vector<16xi32>
            %add3A_1115 = arith.addi %add3A_868, %add3A_1114 : vector<16xi32>
            tpu.vector_store_idx %arg8[%add3A_1115], %get3A_1047 {add = true} : memref<59136xf32, #tpu.memory_space<vmem>>[vector<16xi32>], vector<16xf32>,
            %add3A_1116 = vector.broadcast %add3A_1049 : i32 to vector<16xi32>
            %add3A_1117 = arith.addi %add3A_881, %add3A_1116 : vector<16xi32>
            tpu.vector_store_idx %arg8[%add3A_1117], %get3A_1055 {add = true} : memref<59136xf32, #tpu.memory_space<vmem>>[vector<16xi32>], vector<16xf32>,
            %add3A_1118 = vector.broadcast %add3A_1057 : i32 to vector<16xi32>
            %add3A_1119 = arith.addi %add3A_894, %add3A_1118 : vector<16xi32>
            tpu.vector_store_idx %arg8[%add3A_1119], %get3A_1063 {add = true} : memref<59136xf32, #tpu.memory_space<vmem>>[vector<16xi32>], vector<16xf32>,
            %add3A_1120 = vector.broadcast %add3A_1065 : i32 to vector<16xi32>
            %add3A_1121 = arith.addi %add3A_855, %add3A_1120 : vector<16xi32>
            tpu.vector_store_idx %arg8[%add3A_1121], %get3A_1071 {add = true} : memref<59136xf32, #tpu.memory_space<vmem>>[vector<16xi32>], vector<16xf32>,
            %add3A_1122 = vector.broadcast %add3A_1073 : i32 to vector<16xi32>
            %add3A_1123 = arith.addi %add3A_868, %add3A_1122 : vector<16xi32>
            tpu.vector_store_idx %arg8[%add3A_1123], %get3A_1079 {add = true} : memref<59136xf32, #tpu.memory_space<vmem>>[vector<16xi32>], vector<16xf32>,
            %add3A_1124 = vector.broadcast %add3A_1081 : i32 to vector<16xi32>
            %add3A_1125 = arith.addi %add3A_881, %add3A_1124 : vector<16xi32>
            tpu.vector_store_idx %arg8[%add3A_1125], %get3A_1087 {add = true} : memref<59136xf32, #tpu.memory_space<vmem>>[vector<16xi32>], vector<16xf32>,
            %add3A_1126 = vector.broadcast %add3A_1089 : i32 to vector<16xi32>
            %add3A_1127 = arith.addi %add3A_894, %add3A_1126 : vector<16xi32>
            tpu.vector_store_idx %arg8[%add3A_1127], %get3A_1095 {add = true} : memref<59136xf32, #tpu.memory_space<vmem>>[vector<16xi32>], vector<16xf32>,
          }
          %scan3A_900 = arith.constant 28 : i32
          %broadcast_in_dim3A_901 = arith.constant 0 : i32
          %broadcast_in_dim3A_902 = vector.broadcast %broadcast_in_dim3A_901 : i32 to vector<16xi32>
          %mul3A_903 = arith.constant 16 : i32
          %mul3A_904 = arith.muli %add3A_718, %mul3A_903 : i32
          %add3A_905 = arith.constant 12 : i32
          %add3A_906 = arith.addi %mul3A_904, %add3A_905 : i32
          %add3A_907 = vector.broadcast %add3A_906 : i32 to vector<16xi32>
          %add3A_908 = arith.addi %broadcast_in_dim3A_902, %add3A_907 : vector<16xi32>
          %gather3A_909 = tpu.vector_load_idx %arg7[%add3A_908] : memref<256xi32, #tpu.memory_space<vmem>>[vector<16xi32>], vector<16xi32>,
          %mul3A_910 = arith.constant 1792 : i32
          %mul3A_911 = vector.broadcast %mul3A_910 : i32 to vector<16xi32>
          %mul3A_912 = arith.muli %gather3A_909, %mul3A_911 : vector<16xi32>
          %add3A_913 = arith.addi %mul3A_912, %iota3A : vector<16xi32>
          %broadcast_in_dim3A_914 = arith.constant 0 : i32
          %broadcast_in_dim3A_915 = vector.broadcast %broadcast_in_dim3A_914 : i32 to vector<16xi32>
          %mul3A_916 = arith.constant 16 : i32
          %mul3A_917 = arith.muli %add3A_718, %mul3A_916 : i32
          %add3A_918 = arith.constant 13 : i32
          %add3A_919 = arith.addi %mul3A_917, %add3A_918 : i32
          %add3A_920 = vector.broadcast %add3A_919 : i32 to vector<16xi32>
          %add3A_921 = arith.addi %broadcast_in_dim3A_915, %add3A_920 : vector<16xi32>
          %gather3A_922 = tpu.vector_load_idx %arg7[%add3A_921] : memref<256xi32, #tpu.memory_space<vmem>>[vector<16xi32>], vector<16xi32>,
          %mul3A_923 = arith.constant 1792 : i32
          %mul3A_924 = vector.broadcast %mul3A_923 : i32 to vector<16xi32>
          %mul3A_925 = arith.muli %gather3A_922, %mul3A_924 : vector<16xi32>
          %add3A_926 = arith.addi %mul3A_925, %iota3A : vector<16xi32>
          %broadcast_in_dim3A_927 = arith.constant 0 : i32
          %broadcast_in_dim3A_928 = vector.broadcast %broadcast_in_dim3A_927 : i32 to vector<16xi32>
          %mul3A_929 = arith.constant 16 : i32
          %mul3A_930 = arith.muli %add3A_718, %mul3A_929 : i32
          %add3A_931 = arith.constant 14 : i32
          %add3A_932 = arith.addi %mul3A_930, %add3A_931 : i32
          %add3A_933 = vector.broadcast %add3A_932 : i32 to vector<16xi32>
          %add3A_934 = arith.addi %broadcast_in_dim3A_928, %add3A_933 : vector<16xi32>
          %gather3A_935 = tpu.vector_load_idx %arg7[%add3A_934] : memref<256xi32, #tpu.memory_space<vmem>>[vector<16xi32>], vector<16xi32>,
          %mul3A_936 = arith.constant 1792 : i32
          %mul3A_937 = vector.broadcast %mul3A_936 : i32 to vector<16xi32>
          %mul3A_938 = arith.muli %gather3A_935, %mul3A_937 : vector<16xi32>
          %add3A_939 = arith.addi %mul3A_938, %iota3A : vector<16xi32>
          %broadcast_in_dim3A_940 = arith.constant 0 : i32
          %broadcast_in_dim3A_941 = vector.broadcast %broadcast_in_dim3A_940 : i32 to vector<16xi32>
          %mul3A_942 = arith.constant 16 : i32
          %mul3A_943 = arith.muli %add3A_718, %mul3A_942 : i32
          %add3A_944 = arith.constant 15 : i32
          %add3A_945 = arith.addi %mul3A_943, %add3A_944 : i32
          %add3A_946 = vector.broadcast %add3A_945 : i32 to vector<16xi32>
          %add3A_947 = arith.addi %broadcast_in_dim3A_941, %add3A_946 : vector<16xi32>
          %gather3A_948 = tpu.vector_load_idx %arg7[%add3A_947] : memref<256xi32, #tpu.memory_space<vmem>>[vector<16xi32>], vector<16xi32>,
          %mul3A_949 = arith.constant 1792 : i32
          %mul3A_950 = vector.broadcast %mul3A_949 : i32 to vector<16xi32>
          %mul3A_951 = arith.muli %gather3A_948, %mul3A_950 : vector<16xi32>
          %add3A_952 = arith.addi %mul3A_951, %iota3A : vector<16xi32>
          %scan3A_953 = arith.constant 0 : i32
          %scan3A_954 = arith.constant 0 : i32
          %scan3A_955 = arith.constant 28 : i32
          %scan3A_956 = arith.addi %scan3A_954, %scan3A_955 : i32
          %scan3A_957 = arith.constant 1 : i32
          scf.for %scan3A_965 = %scan3A_954 to %scan3A_956 step %scan3A_957  : i32 {
            %mul3A_966 = arith.constant 64 : i32
            %mul3A_967 = arith.muli %scan3A_965, %mul3A_966 : i32
            %add3A_968 = arith.constant 0 : i32
            %add3A_969 = arith.addi %mul3A_967, %add3A_968 : i32
            %add3A_970 = arith.constant 0 : i32
            %add3A_971 = arith.addi %mul3A_967, %add3A_970 : i32
            %get3A_972 = arith.constant 12 : i32
            %get3A_973 = arith.index_cast %get3A_972 : i32 to index
            %get3A_974 = arith.index_cast %add3A_971 : i32 to index
            %get3A_975 = tpu.vector_load %arg10[%get3A_973, %get3A_974] {strides = array<i32>} : memref<16x1792xf32, #tpu.memory_space<vmem>>, vector<16xf32>,
            %add3A_976 = arith.constant 0 : i32
            %add3A_977 = arith.addi %mul3A_967, %add3A_976 : i32
            %add3A_978 = arith.constant 0 : i32
            %add3A_979 = arith.addi %mul3A_967, %add3A_978 : i32
            %get3A_980 = arith.constant 13 : i32
            %get3A_981 = arith.index_cast %get3A_980 : i32 to index
            %get3A_982 = arith.index_cast %add3A_979 : i32 to index
            %get3A_983 = tpu.vector_load %arg10[%get3A_981, %get3A_982] {strides = array<i32>} : memref<16x1792xf32, #tpu.memory_space<vmem>>, vector<16xf32>,
            %add3A_984 = arith.constant 0 : i32
            %add3A_985 = arith.addi %mul3A_967, %add3A_984 : i32
            %add3A_986 = arith.constant 0 : i32
            %add3A_987 = arith.addi %mul3A_967, %add3A_986 : i32
            %get3A_988 = arith.constant 14 : i32
            %get3A_989 = arith.index_cast %get3A_988 : i32 to index
            %get3A_990 = arith.index_cast %add3A_987 : i32 to index
            %get3A_991 = tpu.vector_load %arg10[%get3A_989, %get3A_990] {strides = array<i32>} : memref<16x1792xf32, #tpu.memory_space<vmem>>, vector<16xf32>,
            %add3A_992 = arith.constant 0 : i32
            %add3A_993 = arith.addi %mul3A_967, %add3A_992 : i32
            %add3A_994 = arith.constant 0 : i32
            %add3A_995 = arith.addi %mul3A_967, %add3A_994 : i32
            %get3A_996 = arith.constant 15 : i32
            %get3A_997 = arith.index_cast %get3A_996 : i32 to index
            %get3A_998 = arith.index_cast %add3A_995 : i32 to index
            %get3A_999 = tpu.vector_load %arg10[%get3A_997, %get3A_998] {strides = array<i32>} : memref<16x1792xf32, #tpu.memory_space<vmem>>, vector<16xf32>,
            %add3A_1000 = arith.constant 16 : i32
            %add3A_1001 = arith.addi %mul3A_967, %add3A_1000 : i32
            %add3A_1002 = arith.constant 16 : i32
            %add3A_1003 = arith.addi %mul3A_967, %add3A_1002 : i32
            %get3A_1004 = arith.constant 12 : i32
            %get3A_1005 = arith.index_cast %get3A_1004 : i32 to index
            %get3A_1006 = arith.index_cast %add3A_1003 : i32 to index
            %get3A_1007 = tpu.vector_load %arg10[%get3A_1005, %get3A_1006] {strides = array<i32>} : memref<16x1792xf32, #tpu.memory_space<vmem>>, vector<16xf32>,
            %add3A_1008 = arith.constant 16 : i32
            %add3A_1009 = arith.addi %mul3A_967, %add3A_1008 : i32
            %add3A_1010 = arith.constant 16 : i32
            %add3A_1011 = arith.addi %mul3A_967, %add3A_1010 : i32
            %get3A_1012 = arith.constant 13 : i32
            %get3A_1013 = arith.index_cast %get3A_1012 : i32 to index
            %get3A_1014 = arith.index_cast %add3A_1011 : i32 to index
            %get3A_1015 = tpu.vector_load %arg10[%get3A_1013, %get3A_1014] {strides = array<i32>} : memref<16x1792xf32, #tpu.memory_space<vmem>>, vector<16xf32>,
            %add3A_1016 = arith.constant 16 : i32
            %add3A_1017 = arith.addi %mul3A_967, %add3A_1016 : i32
            %add3A_1018 = arith.constant 16 : i32
            %add3A_1019 = arith.addi %mul3A_967, %add3A_1018 : i32
            %get3A_1020 = arith.constant 14 : i32
            %get3A_1021 = arith.index_cast %get3A_1020 : i32 to index
            %get3A_1022 = arith.index_cast %add3A_1019 : i32 to index
            %get3A_1023 = tpu.vector_load %arg10[%get3A_1021, %get3A_1022] {strides = array<i32>} : memref<16x1792xf32, #tpu.memory_space<vmem>>, vector<16xf32>,
            %add3A_1024 = arith.constant 16 : i32
            %add3A_1025 = arith.addi %mul3A_967, %add3A_1024 : i32
            %add3A_1026 = arith.constant 16 : i32
            %add3A_1027 = arith.addi %mul3A_967, %add3A_1026 : i32
            %get3A_1028 = arith.constant 15 : i32
            %get3A_1029 = arith.index_cast %get3A_1028 : i32 to index
            %get3A_1030 = arith.index_cast %add3A_1027 : i32 to index
            %get3A_1031 = tpu.vector_load %arg10[%get3A_1029, %get3A_1030] {strides = array<i32>} : memref<16x1792xf32, #tpu.memory_space<vmem>>, vector<16xf32>,
            %add3A_1032 = arith.constant 32 : i32
            %add3A_1033 = arith.addi %mul3A_967, %add3A_1032 : i32
            %add3A_1034 = arith.constant 32 : i32
            %add3A_1035 = arith.addi %mul3A_967, %add3A_1034 : i32
            %get3A_1036 = arith.constant 12 : i32
            %get3A_1037 = arith.index_cast %get3A_1036 : i32 to index
            %get3A_1038 = arith.index_cast %add3A_1035 : i32 to index
            %get3A_1039 = tpu.vector_load %arg10[%get3A_1037, %get3A_1038] {strides = array<i32>} : memref<16x1792xf32, #tpu.memory_space<vmem>>, vector<16xf32>,
            %add3A_1040 = arith.constant 32 : i32
            %add3A_1041 = arith.addi %mul3A_967, %add3A_1040 : i32
            %add3A_1042 = arith.constant 32 : i32
            %add3A_1043 = arith.addi %mul3A_967, %add3A_1042 : i32
            %get3A_1044 = arith.constant 13 : i32
            %get3A_1045 = arith.index_cast %get3A_1044 : i32 to index
            %get3A_1046 = arith.index_cast %add3A_1043 : i32 to index
            %get3A_1047 = tpu.vector_load %arg10[%get3A_1045, %get3A_1046] {strides = array<i32>} : memref<16x1792xf32, #tpu.memory_space<vmem>>, vector<16xf32>,
            %add3A_1048 = arith.constant 32 : i32
            %add3A_1049 = arith.addi %mul3A_967, %add3A_1048 : i32
            %add3A_1050 = arith.constant 32 : i32
            %add3A_1051 = arith.addi %mul3A_967, %add3A_1050 : i32
            %get3A_1052 = arith.constant 14 : i32
            %get3A_1053 = arith.index_cast %get3A_1052 : i32 to index
            %get3A_1054 = arith.index_cast %add3A_1051 : i32 to index
            %get3A_1055 = tpu.vector_load %arg10[%get3A_1053, %get3A_1054] {strides = array<i32>} : memref<16x1792xf32, #tpu.memory_space<vmem>>, vector<16xf32>,
            %add3A_1056 = arith.constant 32 : i32
            %add3A_1057 = arith.addi %mul3A_967, %add3A_1056 : i32
            %add3A_1058 = arith.constant 32 : i32
            %add3A_1059 = arith.addi %mul3A_967, %add3A_1058 : i32
            %get3A_1060 = arith.constant 15 : i32
            %get3A_1061 = arith.index_cast %get3A_1060 : i32 to index
            %get3A_1062 = arith.index_cast %add3A_1059 : i32 to index
            %get3A_1063 = tpu.vector_load %arg10[%get3A_1061, %get3A_1062] {strides = array<i32>} : memref<16x1792xf32, #tpu.memory_space<vmem>>, vector<16xf32>,
            %add3A_1064 = arith.constant 48 : i32
            %add3A_1065 = arith.addi %mul3A_967, %add3A_1064 : i32
            %add3A_1066 = arith.constant 48 : i32
            %add3A_1067 = arith.addi %mul3A_967, %add3A_1066 : i32
            %get3A_1068 = arith.constant 12 : i32
            %get3A_1069 = arith.index_cast %get3A_1068 : i32 to index
            %get3A_1070 = arith.index_cast %add3A_1067 : i32 to index
            %get3A_1071 = tpu.vector_load %arg10[%get3A_1069, %get3A_1070] {strides = array<i32>} : memref<16x1792xf32, #tpu.memory_space<vmem>>, vector<16xf32>,
            %add3A_1072 = arith.constant 48 : i32
            %add3A_1073 = arith.addi %mul3A_967, %add3A_1072 : i32
            %add3A_1074 = arith.constant 48 : i32
            %add3A_1075 = arith.addi %mul3A_967, %add3A_1074 : i32
            %get3A_1076 = arith.constant 13 : i32
            %get3A_1077 = arith.index_cast %get3A_1076 : i32 to index
            %get3A_1078 = arith.index_cast %add3A_1075 : i32 to index
            %get3A_1079 = tpu.vector_load %arg10[%get3A_1077, %get3A_1078] {strides = array<i32>} : memref<16x1792xf32, #tpu.memory_space<vmem>>, vector<16xf32>,
            %add3A_1080 = arith.constant 48 : i32
            %add3A_1081 = arith.addi %mul3A_967, %add3A_1080 : i32
            %add3A_1082 = arith.constant 48 : i32
            %add3A_1083 = arith.addi %mul3A_967, %add3A_1082 : i32
            %get3A_1084 = arith.constant 14 : i32
            %get3A_1085 = arith.index_cast %get3A_1084 : i32 to index
            %get3A_1086 = arith.index_cast %add3A_1083 : i32 to index
            %get3A_1087 = tpu.vector_load %arg10[%get3A_1085, %get3A_1086] {strides = array<i32>} : memref<16x1792xf32, #tpu.memory_space<vmem>>, vector<16xf32>,
            %add3A_1088 = arith.constant 48 : i32
            %add3A_1089 = arith.addi %mul3A_967, %add3A_1088 : i32
            %add3A_1090 = arith.constant 48 : i32
            %add3A_1091 = arith.addi %mul3A_967, %add3A_1090 : i32
            %get3A_1092 = arith.constant 15 : i32
            %get3A_1093 = arith.index_cast %get3A_1092 : i32 to index
            %get3A_1094 = arith.index_cast %add3A_1091 : i32 to index
            %get3A_1095 = tpu.vector_load %arg10[%get3A_1093, %get3A_1094] {strides = array<i32>} : memref<16x1792xf32, #tpu.memory_space<vmem>>, vector<16xf32>,
            %add3A_1096 = vector.broadcast %add3A_969 : i32 to vector<16xi32>
            %add3A_1097 = arith.addi %add3A_913, %add3A_1096 : vector<16xi32>
            tpu.vector_store_idx %arg8[%add3A_1097], %get3A_975 {add = true} : memref<59136xf32, #tpu.memory_space<vmem>>[vector<16xi32>], vector<16xf32>,
            %add3A_1098 = vector.broadcast %add3A_977 : i32 to vector<16xi32>
            %add3A_1099 = arith.addi %add3A_926, %add3A_1098 : vector<16xi32>
            tpu.vector_store_idx %arg8[%add3A_1099], %get3A_983 {add = true} : memref<59136xf32, #tpu.memory_space<vmem>>[vector<16xi32>], vector<16xf32>,
            %add3A_1100 = vector.broadcast %add3A_985 : i32 to vector<16xi32>
            %add3A_1101 = arith.addi %add3A_939, %add3A_1100 : vector<16xi32>
            tpu.vector_store_idx %arg8[%add3A_1101], %get3A_991 {add = true} : memref<59136xf32, #tpu.memory_space<vmem>>[vector<16xi32>], vector<16xf32>,
            %add3A_1102 = vector.broadcast %add3A_993 : i32 to vector<16xi32>
            %add3A_1103 = arith.addi %add3A_952, %add3A_1102 : vector<16xi32>
            tpu.vector_store_idx %arg8[%add3A_1103], %get3A_999 {add = true} : memref<59136xf32, #tpu.memory_space<vmem>>[vector<16xi32>], vector<16xf32>,
            %add3A_1104 = vector.broadcast %add3A_1001 : i32 to vector<16xi32>
            %add3A_1105 = arith.addi %add3A_913, %add3A_1104 : vector<16xi32>
            tpu.vector_store_idx %arg8[%add3A_1105], %get3A_1007 {add = true} : memref<59136xf32, #tpu.memory_space<vmem>>[vector<16xi32>], vector<16xf32>,
            %add3A_1106 = vector.broadcast %add3A_1009 : i32 to vector<16xi32>
            %add3A_1107 = arith.addi %add3A_926, %add3A_1106 : vector<16xi32>
            tpu.vector_store_idx %arg8[%add3A_1107], %get3A_1015 {add = true} : memref<59136xf32, #tpu.memory_space<vmem>>[vector<16xi32>], vector<16xf32>,
            %add3A_1108 = vector.broadcast %add3A_1017 : i32 to vector<16xi32>
            %add3A_1109 = arith.addi %add3A_939, %add3A_1108 : vector<16xi32>
            tpu.vector_store_idx %arg8[%add3A_1109], %get3A_1023 {add = true} : memref<59136xf32, #tpu.memory_space<vmem>>[vector<16xi32>], vector<16xf32>,
            %add3A_1110 = vector.broadcast %add3A_1025 : i32 to vector<16xi32>
            %add3A_1111 = arith.addi %add3A_952, %add3A_1110 : vector<16xi32>
            tpu.vector_store_idx %arg8[%add3A_1111], %get3A_1031 {add = true} : memref<59136xf32, #tpu.memory_space<vmem>>[vector<16xi32>], vector<16xf32>,
            %add3A_1112 = vector.broadcast %add3A_1033 : i32 to vector<16xi32>
            %add3A_1113 = arith.addi %add3A_913, %add3A_1112 : vector<16xi32>
            tpu.vector_store_idx %arg8[%add3A_1113], %get3A_1039 {add = true} : memref<59136xf32, #tpu.memory_space<vmem>>[vector<16xi32>], vector<16xf32>,
            %add3A_1114 = vector.broadcast %add3A_1041 : i32 to vector<16xi32>
            %add3A_1115 = arith.addi %add3A_926, %add3A_1114 : vector<16xi32>
            tpu.vector_store_idx %arg8[%add3A_1115], %get3A_1047 {add = true} : memref<59136xf32, #tpu.memory_space<vmem>>[vector<16xi32>], vector<16xf32>,
            %add3A_1116 = vector.broadcast %add3A_1049 : i32 to vector<16xi32>
            %add3A_1117 = arith.addi %add3A_939, %add3A_1116 : vector<16xi32>
            tpu.vector_store_idx %arg8[%add3A_1117], %get3A_1055 {add = true} : memref<59136xf32, #tpu.memory_space<vmem>>[vector<16xi32>], vector<16xf32>,
            %add3A_1118 = vector.broadcast %add3A_1057 : i32 to vector<16xi32>
            %add3A_1119 = arith.addi %add3A_952, %add3A_1118 : vector<16xi32>
            tpu.vector_store_idx %arg8[%add3A_1119], %get3A_1063 {add = true} : memref<59136xf32, #tpu.memory_space<vmem>>[vector<16xi32>], vector<16xf32>,
            %add3A_1120 = vector.broadcast %add3A_1065 : i32 to vector<16xi32>
            %add3A_1121 = arith.addi %add3A_913, %add3A_1120 : vector<16xi32>
            tpu.vector_store_idx %arg8[%add3A_1121], %get3A_1071 {add = true} : memref<59136xf32, #tpu.memory_space<vmem>>[vector<16xi32>], vector<16xf32>,
            %add3A_1122 = vector.broadcast %add3A_1073 : i32 to vector<16xi32>
            %add3A_1123 = arith.addi %add3A_926, %add3A_1122 : vector<16xi32>
            tpu.vector_store_idx %arg8[%add3A_1123], %get3A_1079 {add = true} : memref<59136xf32, #tpu.memory_space<vmem>>[vector<16xi32>], vector<16xf32>,
            %add3A_1124 = vector.broadcast %add3A_1081 : i32 to vector<16xi32>
            %add3A_1125 = arith.addi %add3A_939, %add3A_1124 : vector<16xi32>
            tpu.vector_store_idx %arg8[%add3A_1125], %get3A_1087 {add = true} : memref<59136xf32, #tpu.memory_space<vmem>>[vector<16xi32>], vector<16xf32>,
            %add3A_1126 = vector.broadcast %add3A_1089 : i32 to vector<16xi32>
            %add3A_1127 = arith.addi %add3A_952, %add3A_1126 : vector<16xi32>
            tpu.vector_store_idx %arg8[%add3A_1127], %get3A_1095 {add = true} : memref<59136xf32, #tpu.memory_space<vmem>>[vector<16xi32>], vector<16xf32>,
          }
          %scan3A_958 = arith.constant 28 : i32
          %add3A_959 = arith.constant 2 : i32
          %add3A_960 = arith.addi %add3A_718, %add3A_959 : i32
          %lt3A_961 = arith.cmpi slt, %add3A_960, %select_n3A : i32
          %convert_element_type3A_962 = arith.extui %lt3A_961 : i1 to i32
          %cond3A_963 = arith.constant 0 : i32
          %cond3A_964 = arith.cmpi ne, %convert_element_type3A_962, %cond3A_963 : i32
          scf.if %cond3A_964 {
            %add3A_965 = arith.constant 2 : i32
            %add3A_966 = arith.addi %add3A_718, %add3A_965 : i32
            %mul3A_967 = arith.constant 16 : i32
            %mul3A_968 = arith.muli %add3A_966, %mul3A_967 : i32
            %dma_start3A = tpu.memref_slice %arg6[%mul3A_968] : memref<256xi32, #tpu.memory_space<vmem>> -> memref<16xi32, #tpu.memory_space<vmem>>
            %dma_start3A_969 = arith.constant 0 : i32
            %dma_start3A_970 = arith.constant 0 : i32
            %dma_start3A_971 = tpu.memref_slice %arg2[%dma_start3A_969, %dma_start3A_970] : memref<16384x1792xf32, #tpu.memory_space<hbm>> -> memref<16384x1792xf32, #tpu.memory_space<hbm>>
            tpu.enqueue_indirect_dma source(%dma_start3A_971 : memref<16384x1792xf32, #tpu.memory_space<hbm>>) target(%arg10 : memref<16x1792xf32, #tpu.memory_space<vmem>>) offsets(%dma_start3A : memref<16xi32, #tpu.memory_space<vmem>>) semaphore(%arg12 : memref<!tpu.dma_semaphore, #tpu.memory_space<semaphore_mem>>)
          } else {
          }
        } else {
        }
      }
      %jit3A_681 = arith.constant 8 : i32
      %div3A_682 = arith.divsi %mul3A_16, %jit3A_681 : i32
      %sign3A_683 = arith.constant 0 : i32
      %sign3A_684 = arith.cmpi sgt, %mul3A_16, %sign3A_683 : i32
      %sign3A_685 = arith.extui %sign3A_684 : i1 to i32
      %sign3A_686 = arith.constant 0 : i32
      %sign3A_687 = arith.cmpi slt, %mul3A_16, %sign3A_686 : i32
      %sign3A_688 = arith.extui %sign3A_687 : i1 to i32
      %sign3A_689 = arith.subi %sign3A_685, %sign3A_688 : i32
      %sign3A_690 = arith.constant 0 : i32
      %sign3A_691 = arith.cmpi sgt, %jit3A_681, %sign3A_690 : i32
      %sign3A_692 = arith.extui %sign3A_691 : i1 to i32
      %sign3A_693 = arith.constant 0 : i32
      %sign3A_694 = arith.cmpi slt, %jit3A_681, %sign3A_693 : i32
      %sign3A_695 = arith.extui %sign3A_694 : i1 to i32
      %sign3A_696 = arith.subi %sign3A_692, %sign3A_695 : i32
      %ne3A_697 = arith.cmpi ne, %sign3A_689, %sign3A_696 : i32
      %rem3A_698 = arith.remsi %mul3A_16, %jit3A_681 : i32
      %ne3A_699 = arith.constant 0 : i32
      %ne3A_700 = arith.cmpi ne, %rem3A_698, %ne3A_699 : i32
      %and3A_701 = arith.andi %ne3A_697, %ne3A_700 : i1
      %sub3A_702 = arith.constant 1 : i32
      %sub3A_703 = arith.subi %div3A_682, %sub3A_702 : i32
      %select_n3A_704 = arith.select %and3A_701, %sub3A_703, %div3A_682 : i32
      %mul3A_705 = arith.constant 1792 : i32
      %mul3A_706 = arith.muli %select_n3A_704, %mul3A_705 : i32
      "tpu.region"() ({
        %run_scoped3A = tpu.sem_alloc : memref<!tpu.dma_semaphore, #tpu.memory_space<semaphore_mem>>
        %dma_start3A = arith.constant 0 : i32
        %dma_start3A_707 = tpu.memref_slice %arg8[%dma_start3A] : memref<59136xf32, #tpu.memory_space<vmem>> -> memref<57344xf32, #tpu.memory_space<vmem>>
        %dma_start3A_708 = tpu.memref_slice %arg4[%mul3A_706] : memref<3670016xf32, #tpu.memory_space<hbm>> -> memref<57344xf32, #tpu.memory_space<hbm>>
        %dma_start3A_709 = tpu.memref_slice %arg4[%mul3A_706] : memref<3670016xf32, #tpu.memory_space<hbm>> -> memref<57344xf32, #tpu.memory_space<hbm>>
        %dma_start3A_710 = arith.constant 0 : i32
        %dma_start3A_711 = tpu.memref_slice %arg8[%dma_start3A_710] : memref<59136xf32, #tpu.memory_space<vmem>> -> memref<57344xf32, #tpu.memory_space<vmem>>
        tpu.enqueue_dma source(%dma_start3A_711 : memref<57344xf32, #tpu.memory_space<vmem>>) target(%dma_start3A_709 : memref<57344xf32, #tpu.memory_space<hbm>>) target_semaphore(%run_scoped3A : memref<!tpu.dma_semaphore, #tpu.memory_space<semaphore_mem>>)
        %dma_wait3A = arith.constant 0 : i32
        %dma_wait3A_712 = tpu.memref_slice %arg8[%dma_wait3A] : memref<59136xf32, #tpu.memory_space<vmem>> -> memref<57344xf32, #tpu.memory_space<vmem>>
        %dma_wait3A_713 = tpu.memref_slice %arg4[%mul3A_706] : memref<3670016xf32, #tpu.memory_space<hbm>> -> memref<57344xf32, #tpu.memory_space<hbm>>
        %dma_wait3A_714 = tpu.memref_slice %arg4[%mul3A_706] : memref<3670016xf32, #tpu.memory_space<hbm>> -> memref<57344xf32, #tpu.memory_space<hbm>>
        %dma_wait3A_715 = arith.constant 0 : i32
        %dma_wait3A_716 = tpu.memref_slice %arg8[%dma_wait3A_715] : memref<59136xf32, #tpu.memory_space<vmem>> -> memref<57344xf32, #tpu.memory_space<vmem>>
        tpu.wait_dma2 semaphore(%run_scoped3A : memref<!tpu.dma_semaphore, #tpu.memory_space<semaphore_mem>>) src(%dma_wait3A_716 : memref<57344xf32, #tpu.memory_space<vmem>>) dst(%dma_wait3A_714 : memref<57344xf32, #tpu.memory_space<hbm>>)
        tpu.yield
      }) : () -> ()
    }
    %scan3A_10 = arith.constant 2 : i32
    return
  }
}

module attributes {stable_mosaic.version = 14 : i64} {
  func.func @_proj_kernel(%arg0: i32, %arg1: memref<64x1792xf32, #tpu.memory_space<vmem>>, %arg2: memref<64x8x8xf32, #tpu.memory_space<vmem>>, %arg3: memref<64x8xf32, #tpu.memory_space<vmem>>, %arg4: memref<1792x64xf32, #tpu.memory_space<vmem>>, %arg5: memref<8x64xf32, #tpu.memory_space<vmem>>, %arg6: memref<1x64xf32, #tpu.memory_space<vmem>>, %arg7: memref<64x64xf32, #tpu.memory_space<vmem>>) attributes {dimension_semantics = [#tpu.dimension_semantics<arbitrary>], iteration_bounds = array<i64: 32>, scalar_prefetch = 0 : i64, scratch_operands = 0 : i64, tpu.core_type = #tpu.core_type<tc>, window_params = [{transform_indices = @transform_0, window_bounds = array<i64: 64, 1792>}, {transform_indices = @transform_1, window_bounds = array<i64: 64, 8, 8>}, {transform_indices = @transform_2, window_bounds = array<i64: 64, 8>}, {pipeline_mode = #tpu.pipeline_mode<synchronous>, transform_indices = @transform_3, window_bounds = array<i64: 1792, 64>}, {pipeline_mode = #tpu.pipeline_mode<synchronous>, transform_indices = @transform_4, window_bounds = array<i64: 8, 64>}, {pipeline_mode = #tpu.pipeline_mode<synchronous>, transform_indices = @transform_5, window_bounds = array<i64: 1, 64>}, {transform_indices = @transform_6, window_bounds = array<i64: 64, 64>}]} {
    %get3A = arith.constant 0 : index
    %get3A_0 = arith.constant 0 : index
    %get3A_1 = vector.load %arg3[%get3A, %get3A_0] : memref<64x8xf32, #tpu.memory_space<vmem>>, vector<64x8xf32>
    %reduce_sum3A = arith.constant dense<0.000000e+00> : vector<64xf32>
    %reduce_sum3A_2 = vector.multi_reduction <add>, %get3A_1, %reduce_sum3A [1] : vector<64x8xf32> to vector<64xf32>
    %broadcast_in_dim3A = vector.shape_cast %reduce_sum3A_2 : vector<64xf32> to vector<64x1xf32>
    %gt3A = arith.constant 0.000000e+00 : f32
    %gt3A_3 = vector.broadcast %gt3A : f32 to vector<64x1xf32>
    %gt3A_4 = arith.cmpf ogt, %broadcast_in_dim3A, %gt3A_3 : vector<64x1xf32>
    %max3A = arith.constant 1.000000e+00 : f32
    %max3A_5 = vector.broadcast %max3A : f32 to vector<64x1xf32>
    %max3A_6 = arith.maximumf %broadcast_in_dim3A, %max3A_5 : vector<64x1xf32>
    %div3A = arith.constant 1.000000e+00 : f32
    %div3A_7 = vector.broadcast %div3A : f32 to vector<64x1xf32>
    %div3A_8 = arith.divf %div3A_7, %max3A_6 : vector<64x1xf32>
    %jit3A = arith.constant 0.000000e+00 : f32
    %broadcast_in_dim3A_9 = vector.broadcast %jit3A : f32 to vector<64x1xf32>
    %select_n3A = arith.select %gt3A_4, %div3A_8, %broadcast_in_dim3A_9 : vector<64x1xi1>, vector<64x1xf32>
    %mul3A = vector.broadcast %select_n3A : vector<64x1xf32> to vector<64x8xf32>
    %mul3A_10 = arith.mulf %get3A_1, %mul3A : vector<64x8xf32>
    %get3A_11 = arith.constant 0 : index
    %get3A_12 = arith.constant 0 : index
    %get3A_13 = vector.load %arg1[%get3A_11, %get3A_12] : memref<64x1792xf32, #tpu.memory_space<vmem>>, vector<64x1792xf32>
    %mul3A_14 = vector.broadcast %select_n3A : vector<64x1xf32> to vector<64x1792xf32>
    %mul3A_15 = arith.mulf %get3A_13, %mul3A_14 : vector<64x1792xf32>
    %get3A_16 = arith.constant 0 : index
    %get3A_17 = arith.constant 0 : index
    %get3A_18 = arith.constant 0 : index
    %get3A_19 = vector.load %arg2[%get3A_16, %get3A_17, %get3A_18] : memref<64x8x8xf32, #tpu.memory_space<vmem>>, vector<64x8x8xf32>
    %broadcast_in_dim3A_20 = vector.shape_cast %mul3A_10 : vector<64x8xf32> to vector<64x8x1xf32>
    %mul3A_21 = vector.broadcast %broadcast_in_dim3A_20 : vector<64x8x1xf32> to vector<64x8x8xf32>
    %mul3A_22 = arith.mulf %get3A_19, %mul3A_21 : vector<64x8x8xf32>
    %reduce_sum3A_23 = arith.constant dense<0.000000e+00> : vector<64x8xf32>
    %reduce_sum3A_24 = vector.multi_reduction <add>, %mul3A_22, %reduce_sum3A_23 [1] : vector<64x8x8xf32> to vector<64x8xf32>
    %get3A_25 = arith.constant 0 : index
    %get3A_26 = arith.constant 0 : index
    %get3A_27 = vector.load %arg4[%get3A_25, %get3A_26] : memref<1792x64xf32, #tpu.memory_space<vmem>>, vector<1792x64xf32>
    %dot_general3A = arith.constant dense<0.000000e+00> : vector<64x64xf32>
    %dot_general3A_28 = tpu.matmul %mul3A_15, %get3A_27, %dot_general3A {dimension_numbers = #tpu.dot_dimension_numbers<[1], [0], [0], [1], [0, 0, 1, 1], [], []>, transpose_lhs_hint = false} : vector<64x1792xf32>, vector<1792x64xf32>, vector<64x64xf32> -> vector<64x64xf32>
    %get3A_29 = arith.constant 0 : index
    %get3A_30 = arith.constant 0 : index
    %get3A_31 = vector.load %arg5[%get3A_29, %get3A_30] : memref<8x64xf32, #tpu.memory_space<vmem>>, vector<8x64xf32>
    %dot_general3A_32 = arith.constant dense<0.000000e+00> : vector<64x64xf32>
    %dot_general3A_33 = tpu.matmul %reduce_sum3A_24, %get3A_31, %dot_general3A_32 {dimension_numbers = #tpu.dot_dimension_numbers<[1], [0], [0], [1], [0, 0, 1, 1], [], []>, transpose_lhs_hint = false} : vector<64x8xf32>, vector<8x64xf32>, vector<64x64xf32> -> vector<64x64xf32>
    %add3A = arith.addf %dot_general3A_28, %dot_general3A_33 : vector<64x64xf32>
    %gt3A_34 = arith.constant 0.000000e+00 : f32
    %gt3A_35 = vector.broadcast %gt3A_34 : f32 to vector<64x1xf32>
    %gt3A_36 = arith.cmpf ogt, %broadcast_in_dim3A, %gt3A_35 : vector<64x1xf32>
    %convert_element_type3A = arith.extui %gt3A_36 : vector<64x1xi1> to vector<64x1xi32>
    %convert_element_type3A_37 = arith.sitofp %convert_element_type3A : vector<64x1xi32> to vector<64x1xf32>
    %get3A_38 = arith.constant 0 : index
    %get3A_39 = arith.constant 0 : index
    %get3A_40 = vector.load %arg6[%get3A_38, %get3A_39] : memref<1x64xf32, #tpu.memory_space<vmem>>, vector<1x64xf32>
    %mul3A_41 = vector.broadcast %convert_element_type3A_37 : vector<64x1xf32> to vector<64x64xf32>
    %mul3A_42 = vector.broadcast %get3A_40 : vector<1x64xf32> to vector<64x64xf32>
    %mul3A_43 = arith.mulf %mul3A_41, %mul3A_42 : vector<64x64xf32>
    %add3A_44 = arith.addf %add3A, %mul3A_43 : vector<64x64xf32>
    %swap3A = arith.constant 0 : index
    %swap3A_45 = arith.constant 0 : index
    %swap3A_46 = vector.load %arg7[%swap3A, %swap3A_45] : memref<64x64xf32, #tpu.memory_space<vmem>>, vector<64x64xf32>
    tpu.vector_store %arg7[%swap3A, %swap3A_45], %add3A_44 {strides = array<i32>} : memref<64x64xf32, #tpu.memory_space<vmem>>, vector<64x64xf32>,
    return
  }
  func.func @transform_0(%arg0: i32) -> (i32, i32) {
    %c0_i32 = arith.constant 0 : i32
    %c0_i32_0 = arith.constant 0 : i32
    return %arg0, %c0_i32 : i32, i32
  }
  func.func @transform_1(%arg0: i32) -> (i32, i32, i32) {
    %c0_i32 = arith.constant 0 : i32
    %c0_i32_0 = arith.constant 0 : i32
    %c0_i32_1 = arith.constant 0 : i32
    return %arg0, %c0_i32, %c0_i32_0 : i32, i32, i32
  }
  func.func @transform_2(%arg0: i32) -> (i32, i32) {
    %c0_i32 = arith.constant 0 : i32
    %c0_i32_0 = arith.constant 0 : i32
    return %arg0, %c0_i32 : i32, i32
  }
  func.func @transform_3(%arg0: i32) -> (i32, i32) {
    %c0_i32 = arith.constant 0 : i32
    %c0_i32_0 = arith.constant 0 : i32
    %c0_i32_1 = arith.constant 0 : i32
    return %c0_i32, %c0_i32_0 : i32, i32
  }
  func.func @transform_4(%arg0: i32) -> (i32, i32) {
    %c0_i32 = arith.constant 0 : i32
    %c0_i32_0 = arith.constant 0 : i32
    %c0_i32_1 = arith.constant 0 : i32
    return %c0_i32, %c0_i32_0 : i32, i32
  }
  func.func @transform_5(%arg0: i32) -> (i32, i32) {
    %c0_i32 = arith.constant 0 : i32
    %c0_i32_0 = arith.constant 0 : i32
    %c0_i32_1 = arith.constant 0 : i32
    return %c0_i32, %c0_i32_0 : i32, i32
  }
  func.func @transform_6(%arg0: i32) -> (i32, i32) {
    %c0_i32 = arith.constant 0 : i32
    %c0_i32_0 = arith.constant 0 : i32
    return %arg0, %c0_i32 : i32, i32
  }
}

</mosaic_0001>

<sc_bundles>
// kernel: kernel.4.cloned.1.call-start
scs
__scs_entry_jumppad:
0x0: {  	(pc) =	sbr.rel $0x88, $3  }
0x1: {  	(tag) =	ssettag $0x0;
	lr =	simm.s32 $0x1  }
0x2: {  	[smem:$0x3F9C] =	sst lr;
	_ =	strace $0xD0000000  }
0x3: {  	_ = 	snop  }
0x4: {  	_ = 	snop  }
0x5: {  	_ = 	snop  }
0x6: {  	_ = 	snop  }
0x7: {  	_ = 	snop  }
__scs_overlays_trampoline_lowered:
0x8: {  	[smem:$0x3FAB] =	sst s0  }
0x9: {  	[smem:$0x3FAC] =	sst s1  }
0xa: {  	[smem:$0x3FAD] =	sst s2  }
0xb: {  	[smem:$0x3FAE] =	sst s3  }
0xc: {  	[smem:$0x3FAF] =	sst s4  }
0xd: {  	[smem:$0x3FB0] =	sst s5  }
0xe: {  	[smem:$0x3FB1] =	sst s6  }
0xf: {  	[smem:$0x3FB2] =	sst s7  }
0x10: {  	[smem:$0x3FB3] =	sst s8  }
0x11: {  	[smem:$0x3FB4] =	sst s9;
	s0 =	simm.s32 @!p0 $0x0  }
0x12: {  	s1 =	sld [smem:$0x3F9A];
	s0 =	simm.s32 @p0 $0x1  }
0x13: {  	[smem:$0x3FB5] =	sst s0;
	s0 =	simm.s32 @!p1 $0x0  }
0x14: {  	s2 =	sld [smem:$0x3F99];
	s0 =	simm.s32 @p1 $0x1  }
0x15: {  	[smem:$0x3FB6] =	sst s0;
	s0 =	simm.s32 @!p2 $0x0  }
0x16: {  	s3 =	sld [smem:$0x3FDB];
	s0 =	simm.s32 @p2 $0x1  }
0x17: {  	s4 =	simm.s32 $0x1BF5;
	[smem:$0x3FB8] =	sst s0  }
0x18: {  	s0 =	sld [smem:$0x3F9B];
	_ =	swait.ge [sflag:s4], $0x0  }
0x19: {  	s7 =	sld [smem:$0x3F9C]  }
0x1a: {  	s8 =	sadd.s32 $0xFFFFE003, lr  }
0x1b: {  	s9 =	sadd.s32 $0xFFFFFEF7, lr;
	s5 =	simm.s32 $0xFFFFFFFF;
	p2 =	slt.u32 s8, $0xFFFFF086  }
0x1c: {  	p1 =	slt.u32 s9, $0xF7A;
	s5 =	simm.s32 @!p2 $0x0  }
0x1d: {  	s5 =	simm.s32 @p1 $0x1;
	p0 =	seq.s32 s7, s2  }
0x1e: {  	s7 =	smul.u32 @!p0 $0xF7A, s2;
	p2 =	seq.s32 @!p0 s5, $0x0  }
0x1f: {  	s9 =	smul.u32 $0xF7A, s1;
	s8 =	simm.s32 @!p0 $0x1BF5;
	p2 =	por !p2, p0  }
0x20: {  	[sflag:s8] =	ssyncset.s32 @!p0 $0xFFFFF086;
	s6 =	sadd.s32 @!p0 s3, s7;
	s7 =	simm.s32 @!p0 $0x108  }
0x21: {  	s3 =	sadd.s32 s3, s9;
	s6 =	sadd.s32 @!p0 $0x88, s6;
	s7 =	simm.s32 @p2 $0x1082  }
0x22: {  	[simem:s7], [sflag:s8] =	dma.local @!p0 [hbm:s6], $0xF7A  }
0x23: {  	s9 =	sor.u32 $0xD0000000, s2;
	s6 =	simm.s32 $0x108;
	_ =	swait.ge @!p0 [sflag:s8], $0x0  }
0x24: {  	s3 =	sadd.s32 $0x88, s3;
	s6 =	simm.s32 @!p1 $0x1082;
	[sflag:s4] =	ssyncset.s32 $0xFFFFF086  }
0x25: {  	[simem:s6], [sflag:s4] =	dma.local [hbm:s3], $0xF7A  }
0x26: {  	[smem:$0x3F9C] =	sst s1;
	(tag) =	ssettag s2;
	_ =	strace s9  }
0x27: {  	s1 =	sld [smem:$0x3FAC]  }
0x28: {  	s2 =	sld [smem:$0x3FAD]  }
0x29: {  	s4 =	sld [smem:$0x3FAF]  }
0x2a: {  	p0 =	seq.s32 s5, $0x0;
	s5 =	sld [smem:$0x3FB0]  }
0x2b: {  	s6 =	sld [smem:$0x3FB1]  }
0x2c: {  	s7 =	sld [smem:$0x3FB2]  }
0x2d: {  	s3 =	simm.s32 $0x108;
	s8 =	sld [smem:$0x3FB3]  }
0x2e: {  	s3 =	simm.s32 @!p0 $0x1082;
	s9 =	sld [smem:$0x3FB4]  }
0x2f: {  	lr =	sadd.s32 s0, s3;
	s0 =	sld [smem:$0x3FAB]  }
0x30: {  	s3 =	sld [smem:$0x3FAE]  }
0x31: {  	[smem:$0x3FB7] =	sst s10  }
0x32: {  	s10 =	sld [smem:$0x3FB5];
	_ =	sdelay $0x3  }
0x33: {  	p0 =	seq.s32 s10, $0x1;
	s10 =	sld [smem:$0x3FB7];
	_ =	sdelay $0x3  }
0x34: {  	[smem:$0x3FB7] =	sst s10  }
0x35: {  	s10 =	sld [smem:$0x3FB6];
	_ =	sdelay $0x3  }
0x36: {  	p1 =	seq.s32 s10, $0x1;
	s10 =	sld [smem:$0x3FB7];
	_ =	sdelay $0x3  }
0x37: {  	[smem:$0x3FB7] =	sst s10  }
0x38: {  	s10 =	sld [smem:$0x3FB8]  }
0x39: {  	_ = 	snop;
	(pc) =	sbr.ind lr, $3  }
0x3a: {  	_ = 	snop  }
0x3b: {  	_ = 	snop  }
0x3c: {  	p2 =	seq.s32 s10, $0x1;
	s10 =	sld [smem:$0x3FB7]  }
0x3d: {  	_ =	shalt  }
0x3e: {  	_ =	shalt  }
0x3f: {  	_ =	shalt  }
0x40: {  	_ =	shalt  }
0x41: {  	_ =	shalt  }
0x42: {  	_ =	shalt  }
0x43: {  	_ =	shalt  }
0x44: {  	_ =	shalt  }
0x45: {  	_ =	shalt  }
0x46: {  	_ =	shalt  }
0x47: {  	_ =	shalt  }
0x48: {  	_ =	shalt  }
0x49: {  	_ =	shalt  }
0x4a: {  	_ =	shalt  }
0x4b: {  	_ =	shalt  }
0x4c: {  	_ =	shalt  }
0x4d: {  	_ =	shalt  }
0x4e: {  	_ =	shalt  }
0x4f: {  	_ =	shalt  }
0x50: {  	_ =	shalt  }
0x51: {  	_ =	shalt  }
0x52: {  	_ =	shalt  }
0x53: {  	_ =	shalt  }
0x54: {  	_ =	shalt  }
0x55: {  	_ =	shalt  }
0x56: {  	_ =	shalt  }
0x57: {  	_ =	shalt  }
0x58: {  	_ =	shalt  }
0x59: {  	_ =	shalt  }
0x5a: {  	_ =	shalt  }
0x5b: {  	_ =	shalt  }
0x5c: {  	_ =	shalt  }
0x5d: {  	_ =	shalt  }
0x5e: {  	_ =	shalt  }
0x5f: {  	_ =	shalt  }
0x60: {  	_ =	shalt  }
0x61: {  	_ =	shalt  }
0x62: {  	_ =	shalt  }
0x63: {  	_ =	shalt  }
0x64: {  	_ =	shalt  }
0x65: {  	_ =	shalt  }
0x66: {  	_ =	shalt  }
0x67: {  	_ =	shalt  }
0x68: {  	_ =	shalt  }
0x69: {  	_ =	shalt  }
0x6a: {  	_ =	shalt  }
0x6b: {  	_ =	shalt  }
0x6c: {  	_ =	shalt  }
0x6d: {  	_ =	shalt  }
0x6e: {  	_ =	shalt  }
0x6f: {  	_ =	shalt  }
0x70: {  	_ =	shalt  }
0x71: {  	_ =	shalt  }
0x72: {  	_ =	shalt  }
0x73: {  	_ =	shalt  }
0x74: {  	_ =	shalt  }
0x75: {  	_ =	shalt  }
0x76: {  	_ =	shalt  }
0x77: {  	_ =	shalt  }
0x78: {  	_ =	shalt  }
0x79: {  	_ =	shalt  }
0x7a: {  	_ =	shalt  }
0x7b: {  	_ =	shalt  }
0x7c: {  	_ =	shalt  }
0x7d: {  	_ =	shalt  }
0x7e: {  	_ =	shalt  }
0x7f: {  	_ =	shalt  }
0x80: {  	_ =	shalt  }
0x81: {  	_ =	shalt  }
0x82: {  	_ =	shalt  }
0x83: {  	_ =	shalt  }
0x84: {  	_ =	shalt  }
0x85: {  	_ =	shalt  }
0x86: {  	_ =	shalt  }
0x87: {  	_ =	shalt  }
.Lfunc_end0:
.L_simem_size_0:
called_computation_lowered:
.L_overlay_start_0:
0x88: {  	s2 =	sld [smem:$0x3FD9]  }
0x89: {  	s3 =	sld [smem:$0x3FFE];
	_ =	sdelay $0x1  }
0x8a: {  	s1 =	srdreg.scid  }
0x8b: {  	s0 =	sand.u32 $0x1, s1  }
0x8c: {  	s17 =	sshll.u32 s0, $0xA;
	s2 =	sadd.s32 s3, s2  }
0x8d: {  	s2 =	sadd.s32 s2, s17  }
0x8e: {  	[smem:$0x3FC3] =	sst s2  }
0x8f: {  	_ = 	snop  }
0x90: {  	s2 =	sld [smem:$0x3FC9]  }
0x91: {  	s18 =	sld [smem:$0x3FD0];
	(tm) =	ssettm $0x1  }
0x92: {  	s4 =	sld [smem:$0x3FFB];
	_ =	sdelay $0x3  }
0x93: {  	_ =	strace s4  }
0x94: {  	s4 =	sld [smem:$0x3FFC];
	_ =	sdelay $0x3  }
0x95: {  	_ =	strace s4  }
0x96: {  	s4 =	sld [smem:$0x3FFD];
	_ =	sdelay $0x3  }
0x97: {  	_ =	strace s4  }
0x98: {  	_ =	strace $0x8FFFFFFF  }
0x99: {  	s19 =	sld [smem:$0x3FDB];
	_ =	sdelay $0x1  }
0x9a: {  	s5 =	simm.s32 $_scs_section_size  }
0x9b: {  	s6 =	simm.s32 $_size__tile_overlayer_lowered;
	s7 =	simm.s32 $_tile_overlayer_lowered  }
0x9c: {  	s22 =	simm.s32 $0x1BFF;
	s21 =	sshll.u32 s7, $0x1;
	s4 =	sadd.s32 s5, s19  }
0x9d: {  	s8 =	simm.s32 $0x0;
	s20 =	sshll.u32 s6, $0x1;
	s6 =	sadd.s32 s21, s4  }
0x9e: {  	[timem:s8], [sflag:s22] =	dma.local [hbm:s6], s20  }
0x9f: {  	_ =	swait.ge [sflag:s22], s20  }
0xa0: {  	s5 =	ssub.s32 $0x0, s20;
	[sflag:s22] =	ssyncset.done $0x0  }
0xa1: {  	[sflag:s22] =	ssyncadd.s32 s5;
	_ =	sdelay $0x1  }
0xa2: {  	s23 =	simm.s32 $0x1B8B  }
0xa3: {  	_ =	swait.ge [sflag:s23], $0x1  }
0xa4: {  	[sflag:s23] =	ssyncset.done $0x0  }
0xa5: {  	s25 =	simm.s32 $0x1B8E;
	s24 =	sld [smem:$0x3FFE];
	[sflag:s23] =	ssyncadd.s32 $0xFFFFFFFF  }
0xa6: {  	s26 =	simm.s32 $execute0_lowered;
	[smem:$0x3FD2] =	sst s25  }
0xa7: {  	s6 =	sshll.u32 s26, $0x1;
	_ =	strace $0x80000046;
	[dreg:$0x1] =	wrdreg $0xFFFFFFFF  }
0xa8: {  	s28 =	simm.s32 $_size_execute0_lowered;
	s4 =	sadd.s32 s4, s6;
	[dreg:$0x0] =	wrdreg $0x0  }
0xa9: {  	s6 =	sshll.u32 s28, $0x1;
	[dreg:$0x2] =	wrdreg s4  }
0xaa: {  	[dreg:$0x3] =	wrdreg s6  }
0xab: {  	[dreg:$0x4] =	wrdreg $0xC0  }
0xac: {  	_ =	task [dreg:s8], $0x5FFFF  }
0xad: {  	[dreg:$0x1] =	wrdreg $0xFFFFFFFF  }
0xae: {  	[dreg:$0x0] =	wrdreg $0x60  }
0xaf: {  	[dreg:$0x2] =	wrdreg s2  }
0xb0: {  	[dreg:$0x3] =	wrdreg s18  }
0xb1: {  	[dreg:$0x4] =	wrdreg s24  }
0xb2: {  	[dreg:$0x5] =	wrdreg $0x9  }
0xb3: {  	_ =	task.clear_ibuf [dreg:s8], $0x6FFFF;
	_ =	strace $0x90000046  }
0xb4: {  	s29 =	simm.s32 $0x9;
	_ =	strace $0x80000048  }
0xb5: {  	_ =	swait.ge [sflag:s29], $0x1  }
0xb6: {  	[sflag:s29] =	ssyncadd.s32 $0xFFFFFFFF  }
0xb7: {  	_ =	strace $0x90000048  }
0xb8: {  	_ =	sfence  }
0xb9: {  	s30 =	sld [smem:$0x0];
	_ =	sdelay $0x2  }
0xba: {  	s31 =	sshll.u32 s1, $0xD;
	s1 =	sshrl.u32 s1, $0x2  }
0xbb: {  	s3 =	sand.u32 $0x4000, s31;
	s1 =	sadd.s32 s1, s30  }
0xbc: {  	s0 =	sor.u32 s3, s0;
	s1 =	sshll.u32 s1, $0x11  }
0xbd: {  	s0 =	sor.u32 s1, s0  }
0xbe: {  	s0 =	sadd.s32 $0x8F2B, s0  }
0xbf: {  	[sflag:s0] =	ssyncadd.remote.s32 $0x1  }
0xc0: {  	_ =	sfence.sel $0xFFFF  }
0xc1: {  	[dreg:$0x0] =	wrdreg $0xFFFFFFFF;
	(pc) =	sbr.abs _section_cstart, $3  }
0xc2: {  	[dreg:$0x1] =	wrdreg $0xFFFFFFFF  }
0xc3: {  	_ =	task.clear_ibuf [dreg:s8], $0x2FFFF;
	_ =	strace $0x9FFFFFFF  }
0xc4: {  	(tm) =	ssettm $0x7FFFFFFF  }
0xc5: {  	_ =	shalt  }
tec
execute0_lowered:
.L_overlay_start_1:
0x0: {  	(tag) =	ssettag $0x1  }
0x1: {  	s1 =	rddreg [dreg:$0x0]  }
0x2: {  	s0 =	rddreg [dreg:$0x1]  }
0x3: {  	s2 =	rddreg [dreg:$0x2]  }
0x4: {  	s4 =	srdreg.scid;
	s5 =	simm.s32 $0x0;
	s3 =	stileid.u32  }
0x5: {  	s16 =	simm.s32 $0x300;
	s4 =	sand.u32 $0x1, s4;
	[smem:$0x7FF] =	sst s5  }
0x6: {  	v0 =	vimm.f32 $0.0e+00;
	v1 =	vlaneseq.u32;
	s6 =	sshll.u32 s3, $0x1;
	s2 =	sadd.s32 $0x1200, s2;
	s8 =	sadd.s32 $0x200, s1  }
0x7: {  	v2 =	vimm.s32 $0x0;
	v3 =	vimm.s32 $0x20;
	s9 =	sadd.s32 $0x300, s1;
	s10 =	sadd.s32 $0x400, s1;
	s11 =	sadd.s32 $0x500, s1;
	v4 =	vshrl.u32 v1, $0x3  }
0x8: {  	s12 =	sadd.s32 $0x600, s1;
	v20 =	vand.u32 $0x7, v1;
	v22 =	vor.u32 $0x8, v1;
	s26 =	ssub.s32 $0x2, s4;
	_ =	strace $0x80000047;
	v5 =	vor.u32 $0x2, v4  }
.Ltmp0:
0x9: {  	s6 =	sor.u32 s4, s6;
	[dreg:$0x4] =	wrdreg s2;
	v6 =	vor.u32 $0x4, v4;
	v7 =	vor.u32 $0x6, v4;
	v8 =	vor.u32 $0x8, v4;
	(pc) =	sbr.rel .LBB2_1-.Ltmp0, $4  }
0xa: {  	v9 =	vor.u32 $0xA, v4;
	v10 =	vor.u32 $0xC, v4;
	v11 =	vor.u32 $0xE, v4;
	s7 =	sshrl.u32 s26, $0x1;
	s29 =	sshll.u32 s6, $0x6;
	s30 =	sshll.u32 s6, $0x9  }
0xb: {  	v12 =	vor.u32 $0x10, v4;
	v13 =	vor.u32 $0x12, v4;
	v14 =	vor.u32 $0x14, v4;
	s28 =	ssub.s32 s26, s7;
	[dreg:$0x5] =	wrdreg s30;
	s0 =	sadd.s32 s0, s29  }
0xc: {  	v15 =	vor.u32 $0x16, v4;
	v16 =	vor.u32 $0x18, v4;
	v17 =	vor.u32 $0x1A, v4;
	s2 =	simm.s32 $0x400;
	[dreg:$0x6] =	wrdreg s0;
	s31 =	smax.u32 s28, $0x1  }
0xd: {  	v18 =	vor.u32 $0x1C, v4;
	v19 =	vor.u32 $0x1E, v4;
	v21 =	vmul.u32 $0x8, v4;
	s7 =	sadd.s32 $0x100, s1;
	s1 =	simm.s32 $0x0;
	[dreg:$0x7] =	wrdreg s31  }
.LBB2_29:
0xe: {  	s1 =	rddreg [dreg:$0x8]  }
0xf: {  	s0 =	rddreg [dreg:$0x7];
	s1 =	sadd.s32 $0x1, s1  }
0x10: {  	p0 =	sne.s32 s1, s0  }
.Ltmp1:
0x11: {  	_ = 	snop;
	(pc) =	sbr.rel @!p0 .LBB2_30-.Ltmp1, $1  }
0x12: {  	_ =	sdelay $0x3  }
.LBB2_1:
0x13: {  	[dreg:$0x8] =	wrdreg s1;
	s0 =	simm.s32 $0x0  }
.Ltmp2:
0x14: {  	s30 =	rddreg [dreg:$0x6];
	s31 =	simm.s32 $0x3;
	(pc) =	sbr.rel .LBB2_2-.Ltmp2, $4  }
0x15: {  	[tilespmem:s0], [sflag:$0x3] =	stream.linear.gather [hbm4b:s30+s0], $0x200, $0x38;
	[tilespmem:$0x1CB00] =	vst v63  }
0x16: {  	_ =	swait.ge [sflag:s31], $0x200  }
0x17: {  	[sflag:s31] =	ssyncset.done $0x0  }
0x18: {  	p1 =	por $0x1, $0x1;
	s18 =	simm.s32 $0x0;
	[sflag:s31] =	ssyncadd.s32 $0xFFFFFE00  }
.LBB2_28:
0x19: {  	s0 =	rddreg [dreg:$0x9]  }
0x1a: {  	s0 =	sshrl.u32 s0, $0x3  }
0x1b: {  	s0 =	smul.u32 $0xE0, s0  }
0x1c: {  	s1 =	rddreg [dreg:$0x4];
	s30 =	simm.s32 $0x0  }
.Ltmp3:
0x1d: {  	s31 =	simm.s32 $0x3;
	s0 =	sadd.s32 s1, s0;
	(pc) =	sbr.rel @!p0 .LBB2_29-.Ltmp3, $4  }
0x1e: {  	[hbm4b:s0+s30] =	stream.linear.scatter [tilespmem:s2], [sflag:$0x3], $0xE000, $0x38;
	[tilespmem:$0x1CB00] =	vst v63  }
0x1f: {  	_ =	swait.ge [sflag:s31], $0xE000  }
0x20: {  	[sflag:s31] =	ssyncset.done $0x0  }
0x21: {  	s18 =	simm.s32 $0x100;
	p1 =	por $0x0, $0x0;
	[sflag:s31] =	ssyncadd.s32 $0xFFFF2000  }
.LBB2_2:
0x22: {  	p0 =	por p1, p1;
	s13 =	simm.s32 $0x0;
	s19 =	simm.s32 $0x200  }
.LBB2_3:
0x23: {  	p1 =	sne.s32 s19, $0x39A00;
	[tilespmem:s13+$0x470] =	vst v0  }
0x24: {  	[tilespmem:s13+$0x400] =	vst v0  }
0x25: {  	[tilespmem:s13+$0x410] =	vst v0  }
.Ltmp4:
0x26: {  	[tilespmem:s13+$0x420] =	vst v0;
	(pc) =	sbr.rel @p1 .LBB2_3-.Ltmp4, $4  }
0x27: {  	[tilespmem:s13+$0x430] =	vst v0  }
0x28: {  	[tilespmem:s13+$0x440] =	vst v0  }
0x29: {  	[tilespmem:s13+$0x450] =	vst v0  }
0x2a: {  	[tilespmem:s13+$0x460] =	vst v0;
	s13 =	sshra.s32 s19, $0x2;
	s19 =	sadd.s32 $0x200, s19  }
0x2b: {  	[tilespmem:s13+$0x470] =	vst v0  }
0x2c: {  	[tilespmem:s13+$0x400] =	vst v0  }
0x2d: {  	[tilespmem:s13+$0x410] =	vst v0  }
0x2e: {  	[tilespmem:s13+$0x420] =	vst v0  }
0x2f: {  	[tilespmem:s13+$0x430] =	vst v0  }
0x30: {  	[tilespmem:s13+$0x440] =	vst v0  }
0x31: {  	[tilespmem:s13+$0x450] =	vst v0  }
0x32: {  	[tilespmem:s13+$0x460] =	vst v0  }
0x33: {  	[tilespmem:$0x200] =	vst v2  }
0x34: {  	[tilespmem:$0x300] =	vst v3  }
0x35: {  	[tilespmem:$0x210] =	vst v2  }
0x36: {  	[tilespmem:$0x310] =	vst v3  }
0x37: {  	[tilespmem:$0x220] =	vst v2  }
0x38: {  	[tilespmem:$0x320] =	vst v3  }
0x39: {  	[tilespmem:$0x230] =	vst v2  }
0x3a: {  	[tilespmem:$0x330] =	vst v3  }
0x3b: {  	[tilespmem:$0x240] =	vst v2  }
0x3c: {  	[tilespmem:$0x340] =	vst v3  }
0x3d: {  	[tilespmem:$0x250] =	vst v2  }
0x3e: {  	[tilespmem:$0x350] =	vst v3  }
0x3f: {  	[tilespmem:$0x260] =	vst v2  }
0x40: {  	[tilespmem:$0x360] =	vst v3  }
0x41: {  	[tilespmem:$0x270] =	vst v2  }
0x42: {  	[tilespmem:$0x370] =	vst v3  }
0x43: {  	[tilespmem:$0x280] =	vst v2  }
0x44: {  	[tilespmem:$0x380] =	vst v3  }
0x45: {  	[tilespmem:$0x290] =	vst v2  }
0x46: {  	[tilespmem:$0x390] =	vst v3  }
0x47: {  	[tilespmem:$0x2A0] =	vst v2  }
0x48: {  	[tilespmem:$0x3A0] =	vst v3  }
0x49: {  	[tilespmem:$0x2B0] =	vst v2  }
0x4a: {  	[tilespmem:$0x3B0] =	vst v3  }
0x4b: {  	[tilespmem:$0x2C0] =	vst v2  }
0x4c: {  	[tilespmem:$0x3C0] =	vst v3  }
0x4d: {  	[tilespmem:$0x2D0] =	vst v2  }
0x4e: {  	[tilespmem:$0x3D0] =	vst v3  }
0x4f: {  	[tilespmem:$0x2E0] =	vst v2  }
0x50: {  	[tilespmem:$0x3E0] =	vst v3  }
0x51: {  	[tilespmem:$0x2F0] =	vst v2  }
0x52: {  	[tilespmem:$0x3F0] =	vst v3  }
0x53: {  	v23 =	vld [tilespmem:s18+$0x0];
	_ =	sdelay $0x4  }
0x54: {  	vm0 =	vne.s32 v23, $0x0  }
0x55: {  	v23 =	vsel vm0, $0x1, v2  }
0x56: {  	(xrf0) =	vadd.scan.msk.s32 $0xffff, v23;
	_ =	sdelay $0x5  }
0x57: {  	v23, _, _ =	vpop (xrf0)  }
0x58: {  	v23 =	vadd.s32 $0xFFFFFFFF, v23;
	_ =	sdelay $0x1  }
0x59: {  	s0 =	rddreg [dreg:$0x5]  }
0x5a: {  	s1 =	sor.u32 s0, s18  }
0x5b: {  	s4 =	simm.s32 $0x200;
	v24 =	vor.u32 s1, v1  }
0x5c: {  	[tilespmem:v23+s4+$0x0] =	vst.idx.msk vm0, v24  }
0x5d: {  	[tilespmem:v23+s16+$0x0] =	vst.idx.msk vm0, v4  }
0x5e: {  	v23 =	vld [tilespmem:s18+$0x10];
	_ =	sdelay $0x4  }
0x5f: {  	vm1 =	vne.s32 v23, $0x0  }
0x60: {  	v23 =	vsel vm1, $0x1, v2  }
0x61: {  	(xrf0) =	vadd.scan.msk.s32 $0xffff, v23;
	_ =	sdelay $0x4  }
0x62: {  	v23 =	vmpcnt.ones.xlane vm0  }
0x63: {  	v55, _, _ =	vpop (xrf0)  }
0x64: {  	v24 =	vadd.s32 v55, v23  }
0x65: {  	v24 =	vadd.s32 $0xFFFFFFFF, v24;
	_ =	sdelay $0x2  }
0x66: {  	s19 =	sor.u32 $0x10, s1  }
0x67: {  	v25 =	vor.u32 s19, v1  }
0x68: {  	[tilespmem:v24+s4+$0x0] =	vst.idx.msk vm1, v25  }
0x69: {  	[tilespmem:v24+s16+$0x0] =	vst.idx.msk vm1, v5  }
0x6a: {  	v24 =	vld [tilespmem:s18+$0x20];
	_ =	sdelay $0x4  }
0x6b: {  	vm14 =	vne.s32 v24, $0x0  }
0x6c: {  	v24 =	vsel vm14, $0x1, v2  }
0x6d: {  	(xrf0) =	vadd.scan.msk.s32 $0xffff, v24;
	_ =	sdelay $0x3  }
0x6e: {  	v56 =	vmpcnt.ones.xlane vm1;
	_ =	sdelay $0x1  }
0x6f: {  	v23 =	vadd.s32 v23, v56;
	v57, _, _ =	vpop (xrf0)  }
0x70: {  	v24 =	vadd.s32 v57, v23  }
0x71: {  	v24 =	vadd.s32 $0xFFFFFFFF, v24;
	_ =	sdelay $0x2  }
0x72: {  	s5 =	sor.u32 $0x20, s1  }
0x73: {  	v58 =	vor.u32 s5, v1  }
0x74: {  	[tilespmem:v24+s4+$0x0] =	vst.idx.msk vm14, v58  }
0x75: {  	[tilespmem:v24+s16+$0x0] =	vst.idx.msk vm14, v6  }
0x76: {  	v24 =	vld [tilespmem:s18+$0x30];
	_ =	sdelay $0x4  }
0x77: {  	vm15 =	vne.s32 v24, $0x0  }
0x78: {  	v24 =	vsel vm15, $0x1, v2  }
0x79: {  	(xrf0) =	vadd.scan.msk.s32 $0xffff, v24;
	_ =	sdelay $0x3  }
0x7a: {  	v59 =	vmpcnt.ones.xlane vm14;
	_ =	sdelay $0x1  }
0x7b: {  	v23 =	vadd.s32 v23, v59;
	v60, _, _ =	vpop (xrf0)  }
0x7c: {  	v24 =	vadd.s32 v60, v23  }
0x7d: {  	v24 =	vadd.s32 $0xFFFFFFFF, v24;
	_ =	sdelay $0x2  }
0x7e: {  	s6 =	sor.u32 $0x30, s1  }
0x7f: {  	v61 =	vor.u32 s6, v1  }
0x80: {  	[tilespmem:v24+s4+$0x0] =	vst.idx.msk vm15, v61  }
0x81: {  	[tilespmem:v24+s16+$0x0] =	vst.idx.msk vm15, v7  }
0x82: {  	v24 =	vld [tilespmem:s18+$0x40];
	_ =	sdelay $0x4  }
0x83: {  	vm4 =	vne.s32 v24, $0x0  }
0x84: {  	v24 =	vsel vm4, $0x1, v2  }
0x85: {  	(xrf0) =	vadd.scan.msk.s32 $0xffff, v24;
	_ =	sdelay $0x3  }
0x86: {  	v62 =	vmpcnt.ones.xlane vm15;
	_ =	sdelay $0x1  }
0x87: {  	v23 =	vadd.s32 v23, v62;
	v63, _, _ =	vpop (xrf0)  }
0x88: {  	v24 =	vadd.s32 v63, v23  }
0x89: {  	v24 =	vadd.s32 $0xFFFFFFFF, v24;
	_ =	sdelay $0x2  }
0x8a: {  	s13 =	sor.u32 $0x40, s1  }
0x8b: {  	v28 =	vor.u32 s13, v1  }
0x8c: {  	[tilespmem:v24+s4+$0x0] =	vst.idx.msk vm4, v28  }
0x8d: {  	[tilespmem:v24+s16+$0x0] =	vst.idx.msk vm4, v8  }
0x8e: {  	v24 =	vld [tilespmem:s18+$0x50];
	_ =	sdelay $0x4  }
0x8f: {  	vm5 =	vne.s32 v24, $0x0  }
0x90: {  	v24 =	vsel vm5, $0x1, v2  }
0x91: {  	(xrf0) =	vadd.scan.msk.s32 $0xffff, v24;
	_ =	sdelay $0x3  }
0x92: {  	v29 =	vmpcnt.ones.xlane vm4;
	_ =	sdelay $0x1  }
0x93: {  	v23 =	vadd.s32 v23, v29;
	v30, _, _ =	vpop (xrf0)  }
0x94: {  	v24 =	vadd.s32 v30, v23  }
0x95: {  	v24 =	vadd.s32 $0xFFFFFFFF, v24;
	_ =	sdelay $0x2  }
0x96: {  	s14 =	sor.u32 $0x50, s1  }
0x97: {  	v31 =	vor.u32 s14, v1  }
0x98: {  	[tilespmem:v24+s4+$0x0] =	vst.idx.msk vm5, v31  }
0x99: {  	[tilespmem:v24+s16+$0x0] =	vst.idx.msk vm5, v9  }
0x9a: {  	v24 =	vld [tilespmem:s18+$0x60];
	_ =	sdelay $0x4  }
0x9b: {  	vm6 =	vne.s32 v24, $0x0  }
0x9c: {  	v24 =	vsel vm6, $0x1, v2  }
0x9d: {  	(xrf0) =	vadd.scan.msk.s32 $0xffff, v24;
	_ =	sdelay $0x3  }
0x9e: {  	v32 =	vmpcnt.ones.xlane vm5;
	_ =	sdelay $0x1  }
0x9f: {  	v23 =	vadd.s32 v23, v32;
	v33, _, _ =	vpop (xrf0)  }
0xa0: {  	v24 =	vadd.s32 v33, v23  }
0xa1: {  	v24 =	vadd.s32 $0xFFFFFFFF, v24;
	_ =	sdelay $0x2  }
0xa2: {  	s15 =	sor.u32 $0x60, s1  }
0xa3: {  	v34 =	vor.u32 s15, v1  }
0xa4: {  	[tilespmem:v24+s4+$0x0] =	vst.idx.msk vm6, v34  }
0xa5: {  	[tilespmem:v24+s16+$0x0] =	vst.idx.msk vm6, v10  }
0xa6: {  	v24 =	vld [tilespmem:s18+$0x70];
	_ =	sdelay $0x4  }
0xa7: {  	vm7 =	vne.s32 v24, $0x0  }
0xa8: {  	v24 =	vsel vm7, $0x1, v2  }
0xa9: {  	(xrf0) =	vadd.scan.msk.s32 $0xffff, v24;
	_ =	sdelay $0x3  }
0xaa: {  	v35 =	vmpcnt.ones.xlane vm6;
	_ =	sdelay $0x1  }
0xab: {  	v23 =	vadd.s32 v23, v35;
	v36, _, _ =	vpop (xrf0)  }
0xac: {  	v24 =	vadd.s32 v36, v23  }
0xad: {  	v24 =	vadd.s32 $0xFFFFFFFF, v24;
	_ =	sdelay $0x2  }
0xae: {  	s17 =	sor.u32 $0x70, s1  }
0xaf: {  	v37 =	vor.u32 s17, v1  }
0xb0: {  	[tilespmem:v24+s4+$0x0] =	vst.idx.msk vm7, v37  }
0xb1: {  	[tilespmem:v24+s16+$0x0] =	vst.idx.msk vm7, v11  }
0xb2: {  	v24 =	vld [tilespmem:s18+$0x80];
	_ =	sdelay $0x4  }
0xb3: {  	vm8 =	vne.s32 v24, $0x0  }
0xb4: {  	v24 =	vsel vm8, $0x1, v2  }
0xb5: {  	(xrf0) =	vadd.scan.msk.s32 $0xffff, v24;
	_ =	sdelay $0x3  }
0xb6: {  	v38 =	vmpcnt.ones.xlane vm7;
	_ =	sdelay $0x1  }
0xb7: {  	v23 =	vadd.s32 v23, v38;
	v39, _, _ =	vpop (xrf0)  }
0xb8: {  	v24 =	vadd.s32 v39, v23  }
0xb9: {  	v24 =	vadd.s32 $0xFFFFFFFF, v24;
	_ =	sdelay $0x2  }
0xba: {  	s20 =	sor.u32 $0x80, s1  }
0xbb: {  	v40 =	vor.u32 s20, v1  }
0xbc: {  	[tilespmem:v24+s4+$0x0] =	vst.idx.msk vm8, v40  }
0xbd: {  	[tilespmem:v24+s16+$0x0] =	vst.idx.msk vm8, v12  }
0xbe: {  	v24 =	vld [tilespmem:s18+$0x90];
	_ =	sdelay $0x4  }
0xbf: {  	vm9 =	vne.s32 v24, $0x0  }
0xc0: {  	v24 =	vsel vm9, $0x1, v2  }
0xc1: {  	(xrf0) =	vadd.scan.msk.s32 $0xffff, v24;
	_ =	sdelay $0x3  }
0xc2: {  	v41 =	vmpcnt.ones.xlane vm8;
	_ =	sdelay $0x1  }
0xc3: {  	v23 =	vadd.s32 v23, v41;
	v42, _, _ =	vpop (xrf0)  }
0xc4: {  	v24 =	vadd.s32 v42, v23  }
0xc5: {  	v24 =	vadd.s32 $0xFFFFFFFF, v24;
	_ =	sdelay $0x2  }
0xc6: {  	s21 =	sor.u32 $0x90, s1  }
0xc7: {  	v43 =	vor.u32 s21, v1  }
0xc8: {  	[tilespmem:v24+s4+$0x0] =	vst.idx.msk vm9, v43  }
0xc9: {  	[tilespmem:v24+s16+$0x0] =	vst.idx.msk vm9, v13  }
0xca: {  	v24 =	vld [tilespmem:s18+$0xA0];
	_ =	sdelay $0x4  }
0xcb: {  	vm10 =	vne.s32 v24, $0x0  }
0xcc: {  	v24 =	vsel vm10, $0x1, v2  }
0xcd: {  	(xrf0) =	vadd.scan.msk.s32 $0xffff, v24;
	_ =	sdelay $0x3  }
0xce: {  	v44 =	vmpcnt.ones.xlane vm9;
	_ =	sdelay $0x1  }
0xcf: {  	v23 =	vadd.s32 v23, v44;
	v45, _, _ =	vpop (xrf0)  }
0xd0: {  	v24 =	vadd.s32 v45, v23  }
0xd1: {  	v24 =	vadd.s32 $0xFFFFFFFF, v24;
	_ =	sdelay $0x2  }
0xd2: {  	s22 =	sor.u32 $0xA0, s1  }
0xd3: {  	v46 =	vor.u32 s22, v1  }
0xd4: {  	[tilespmem:v24+s4+$0x0] =	vst.idx.msk vm10, v46  }
0xd5: {  	[tilespmem:v24+s16+$0x0] =	vst.idx.msk vm10, v14  }
0xd6: {  	v24 =	vld [tilespmem:s18+$0xB0];
	_ =	sdelay $0x4  }
0xd7: {  	vm11 =	vne.s32 v24, $0x0  }
0xd8: {  	v24 =	vsel vm11, $0x1, v2  }
0xd9: {  	(xrf0) =	vadd.scan.msk.s32 $0xffff, v24;
	_ =	sdelay $0x3  }
0xda: {  	v47 =	vmpcnt.ones.xlane vm10;
	_ =	sdelay $0x1  }
0xdb: {  	v23 =	vadd.s32 v23, v47;
	v48, _, _ =	vpop (xrf0)  }
0xdc: {  	v24 =	vadd.s32 v48, v23  }
0xdd: {  	v24 =	vadd.s32 $0xFFFFFFFF, v24;
	_ =	sdelay $0x2  }
0xde: {  	s23 =	sor.u32 $0xB0, s1  }
0xdf: {  	v49 =	vor.u32 s23, v1  }
0xe0: {  	[tilespmem:v24+s4+$0x0] =	vst.idx.msk vm11, v49  }
0xe1: {  	[tilespmem:v24+s16+$0x0] =	vst.idx.msk vm11, v15  }
0xe2: {  	v24 =	vld [tilespmem:s18+$0xC0];
	_ =	sdelay $0x4  }
0xe3: {  	vm12 =	vne.s32 v24, $0x0  }
0xe4: {  	v24 =	vsel vm12, $0x1, v2  }
0xe5: {  	(xrf0) =	vadd.scan.msk.s32 $0xffff, v24;
	_ =	sdelay $0x3  }
0xe6: {  	v50 =	vmpcnt.ones.xlane vm11;
	_ =	sdelay $0x1  }
0xe7: {  	v23 =	vadd.s32 v23, v50;
	v51, _, _ =	vpop (xrf0)  }
0xe8: {  	v24 =	vadd.s32 v51, v23  }
0xe9: {  	v24 =	vadd.s32 $0xFFFFFFFF, v24;
	_ =	sdelay $0x2  }
0xea: {  	s24 =	sor.u32 $0xC0, s1  }
0xeb: {  	v52 =	vor.u32 s24, v1  }
0xec: {  	[tilespmem:v24+s4+$0x0] =	vst.idx.msk vm12, v52  }
0xed: {  	[tilespmem:v24+s16+$0x0] =	vst.idx.msk vm12, v16  }
0xee: {  	v24 =	vld [tilespmem:s18+$0xD0];
	_ =	sdelay $0x4  }
0xef: {  	vm13 =	vne.s32 v24, $0x0  }
0xf0: {  	v24 =	vsel vm13, $0x1, v2  }
0xf1: {  	(xrf0) =	vadd.scan.msk.s32 $0xffff, v24;
	_ =	sdelay $0x3  }
0xf2: {  	v53 =	vmpcnt.ones.xlane vm12;
	_ =	sdelay $0x1  }
0xf3: {  	v23 =	vadd.s32 v23, v53;
	v54, _, _ =	vpop (xrf0)  }
0xf4: {  	v24 =	vadd.s32 v54, v23  }
0xf5: {  	v24 =	vadd.s32 $0xFFFFFFFF, v24;
	_ =	sdelay $0x2  }
0xf6: {  	s25 =	sor.u32 $0xD0, s1  }
0xf7: {  	v55 =	vor.u32 s25, v1  }
0xf8: {  	[tilespmem:v24+s4+$0x0] =	vst.idx.msk vm13, v55  }
0xf9: {  	[tilespmem:v24+s16+$0x0] =	vst.idx.msk vm13, v17  }
0xfa: {  	v24 =	vld [tilespmem:s18+$0xE0];
	_ =	sdelay $0x4  }
0xfb: {  	vm14 =	vne.s32 v24, $0x0  }
0xfc: {  	v24 =	vsel vm14, $0x1, v2  }
0xfd: {  	(xrf0) =	vadd.scan.msk.s32 $0xffff, v24;
	_ =	sdelay $0x3  }
0xfe: {  	v56 =	vmpcnt.ones.xlane vm13;
	_ =	sdelay $0x1  }
0xff: {  	v23 =	vadd.s32 v23, v56;
	v57, _, _ =	vpop (xrf0)  }
0x100: {  	v24 =	vadd.s32 v57, v23  }
0x101: {  	v24 =	vadd.s32 $0xFFFFFFFF, v24;
	_ =	sdelay $0x2  }
0x102: {  	s26 =	sor.u32 $0xE0, s1  }
0x103: {  	v58 =	vor.u32 s26, v1  }
0x104: {  	[tilespmem:v24+s4+$0x0] =	vst.idx.msk vm14, v58  }
0x105: {  	[tilespmem:v24+s16+$0x0] =	vst.idx.msk vm14, v18  }
0x106: {  	v24 =	vld [tilespmem:s18+$0xF0];
	_ =	sdelay $0x4  }
0x107: {  	v59 =	vmpcnt.ones.xlane vm14;
	vm15 =	vne.s32 v24, $0x0  }
0x108: {  	v24 =	vmpcnt.ones.xlane vm15  }
0x109: {  	v23 =	vadd.s32 v23, v59  }
0x10a: {  	v60 =	vsel vm15, $0x1, v2;
	v24 =	vadd.s32 v23, v24  }
0x10b: {  	(xrf0) =	vadd.scan.msk.s32 $0xffff, v60;
	v24 =	vxor.u32 $0x80000000, v24  }
0x10c: {  	(xrf0) =	vmax.scan.msk.u32 $0xffff, v24;
	_ =	sdelay $0x4  }
0x10d: {  	v61, _, _ =	vpop (xrf0)  }
0x10e: {  	v62, _, _ =	vpop (xrf0)  }
0x10f: {  	(v2sf) =	vpush v62, $0xF;
	_ =	sdelay $0xe  }
0x110: {  	s28 =	spop (v2sf)  }
0x111: {  	s18 =	sadd.s32 $0x8000000F, s28  }
0x112: {  	s29 =	sand.u32 $0xF, s18  }
0x113: {  	s20 =	sshra.s32 s18, $0x1F;
	p1 =	slt.s32 s18, $0x1;
	p2 =	sne.s32 s29, $0x0  }
0x114: {  	s30 =	sshrl.u32 s20, $0x1C;
	p1 =	por !p1, !p2  }
0x115: {  	s19 =	simm.s32 $0x1;
	s18 =	sadd.s32 s30, s18;
	p1 =	por !p1, !p1  }
0x116: {  	v23 =	vadd.s32 v61, v23;
	s18 =	sshra.s32 s18, $0x4;
	s19 =	simm.s32 @!p1 $0x0  }
0x117: {  	v23 =	vadd.s32 $0xFFFFFFFF, v23;
	s18 =	ssub.s32 s18, s19  }
0x118: {  	p1 =	slt.s32 s18, $0x1  }
.Ltmp5:
0x119: {  	_ = 	snop;
	(pc) =	sbr.rel @p1 .LBB2_6-.Ltmp5, $4  }
0x11a: {  	s31 =	sor.u32 $0xF0, s1  }
0x11b: {  	v63 =	vor.u32 s31, v1  }
0x11c: {  	[tilespmem:v23+s4+$0x0] =	vst.idx.msk vm15, v63  }
0x11d: {  	[dreg:$0x9] =	wrdreg s1;
	[tilespmem:v23+s16+$0x0] =	vst.idx.msk vm15, v19  }
0x11e: {  	v23 =	vld [tilespmem:$0x200];
	_ =	sdelay $0x4  }
0x11f: {  	v24 =	vshrl.u32 v23, $0x3  }
0x120: {  	v24 =	vmul.u32 $0x70, v24  }
0x121: {  	v23 =	vand.u32 $0x7, v23  }
0x122: {  	v23 =	vor.u32 v23, v24  }
0x123: {  	v24 =	vperm.xlane v23, v20;
	_ =	sdelay $0x1  }
0x124: {  	v24 =	vadd.s32 v21, v24;
	_ =	sdelay $0x3  }
0x125: {  	vm0 =	vmmov $0xffff;
	s0 =	rddreg [dreg:$0x0];
	s1 =	simm.s32 $0x0;
	s3 =	simm.s32 $0xEB00  }
0x126: {  	[tilespmem:s3], [sflag:$0x1] =	stream.indirect_vreg.gather [hbm4b:s0+s1], $0x80, v24, vm0, $0xb8;
	[tilespmem:$0x1CB00] =	vst v63  }
0x127: {  	s17 =	simm.s32 $0xF300  }
0x128: {  	[tilespmem:s17], [sflag:$0x1] =	stream.indirect_vreg.gather [hbm4b:s7+s1], $0x80, v24, vm0, $0xb8;
	[tilespmem:$0x1CB00] =	vst v63  }
0x129: {  	s19 =	simm.s32 $0xFB00  }
0x12a: {  	[tilespmem:s19], [sflag:$0x1] =	stream.indirect_vreg.gather [hbm4b:s8+s1], $0x80, v24, vm0, $0xb8;
	[tilespmem:$0x1CB00] =	vst v63  }
0x12b: {  	s20 =	simm.s32 $0x10300  }
0x12c: {  	[tilespmem:s20], [sflag:$0x1] =	stream.indirect_vreg.gather [hbm4b:s9+s1], $0x80, v24, vm0, $0xb8;
	[tilespmem:$0x1CB00] =	vst v63  }
0x12d: {  	s21 =	simm.s32 $0x10B00;
	v23 =	vperm.xlane v23, v22  }
0x12e: {  	[tilespmem:s21], [sflag:$0x1] =	stream.indirect_vreg.gather [hbm4b:s10+s1], $0x80, v24, vm0, $0xb8;
	[tilespmem:$0x1CB00] =	vst v63  }
0x12f: {  	s22 =	simm.s32 $0x11300;
	v23 =	vadd.s32 v21, v23  }
0x130: {  	[tilespmem:s22], [sflag:$0x1] =	stream.indirect_vreg.gather [hbm4b:s11+s1], $0x80, v24, vm0, $0xb8;
	[tilespmem:$0x1CB00] =	vst v63  }
0x131: {  	s23 =	simm.s32 $0x11B00  }
0x132: {  	[tilespmem:s23], [sflag:$0x1] =	stream.indirect_vreg.gather [hbm4b:s12+s1], $0x80, v24, vm0, $0xb8;
	[tilespmem:$0x1CB00] =	vst v63  }
0x133: {  	s24 =	simm.s32 $0x12300  }
0x134: {  	[tilespmem:s24], [sflag:$0x1] =	stream.indirect_vreg.gather [hbm4b:s0+s1], $0x80, v23, vm0, $0xb8;
	[tilespmem:$0x1CB00] =	vst v63  }
0x135: {  	s25 =	simm.s32 $0x12B00  }
0x136: {  	[tilespmem:s25], [sflag:$0x1] =	stream.indirect_vreg.gather [hbm4b:s7+s1], $0x80, v23, vm0, $0xb8;
	[tilespmem:$0x1CB00] =	vst v63  }
0x137: {  	s26 =	simm.s32 $0x13300  }
0x138: {  	[tilespmem:s26], [sflag:$0x1] =	stream.indirect_vreg.gather [hbm4b:s8+s1], $0x80, v23, vm0, $0xb8;
	[tilespmem:$0x1CB00] =	vst v63  }
0x139: {  	s28 =	simm.s32 $0x13B00  }
0x13a: {  	[tilespmem:s28], [sflag:$0x1] =	stream.indirect_vreg.gather [hbm4b:s9+s1], $0x80, v23, vm0, $0xb8;
	[tilespmem:$0x1CB00] =	vst v63  }
0x13b: {  	s29 =	simm.s32 $0x14300  }
0x13c: {  	[tilespmem:s29], [sflag:$0x1] =	stream.indirect_vreg.gather [hbm4b:s10+s1], $0x80, v23, vm0, $0xb8;
	[tilespmem:$0x1CB00] =	vst v63  }
0x13d: {  	s30 =	simm.s32 $0x14B00  }
0x13e: {  	[tilespmem:s30], [sflag:$0x1] =	stream.indirect_vreg.gather [hbm4b:s11+s1], $0x80, v23, vm0, $0xb8;
	[tilespmem:$0x1CB00] =	vst v63  }
0x13f: {  	s31 =	simm.s32 $0x15300;
	p1 =	seq.s32 s18, $0x1  }
0x140: {  	[tilespmem:s31], [sflag:$0x1] =	stream.indirect_vreg.gather [hbm4b:s12+s1], $0x80, v23, vm0, $0xb8;
	[tilespmem:$0x1CB00] =	vst v63  }
0x141: {  	v23 =	vld @!p1 [tilespmem:$0x210];
	_ =	sdelay $0x4  }
0x142: {  	v24 =	vshrl.u32 @!p1 v23, $0x3  }
0x143: {  	v24 =	vmul.u32 @!p1 $0x70, v24  }
0x144: {  	v25 =	vlaneseq.u32 @!p1;
	v23 =	vand.u32 @!p1 $0x7, v23  }
0x145: {  	v26 =	vshrl.u32 @!p1 v25, $0x3;
	v23 =	vor.u32 @!p1 v23, v24;
	v24 =	vand.u32 @!p1 $0x7, v25  }
0x146: {  	v26 =	vmul.u32 @!p1 $0x8, v26;
	v24 =	vperm.xlane @!p1 v23, v24;
	_ =	sdelay $0x1  }
0x147: {  	v24 =	vadd.s32 @!p1 v26, v24;
	_ =	sdelay $0x3  }
0x148: {  	s19 =	simm.s32 @!p1 $0x0;
	s20 =	simm.s32 @!p1 $0x15B00;
	vm0 =	vmmov @!p1 $0xffff  }
0x149: {  	[tilespmem:s20], [sflag:$0x2] =	stream.indirect_vreg.gather @!p1 [hbm4b:s0+s19], $0x80, v24, vm0, $0xb8;
	[tilespmem:$0x1CB00] =	vst v63  }
0x14a: {  	s20 =	simm.s32 @!p1 $0x16300  }
0x14b: {  	[tilespmem:s20], [sflag:$0x2] =	stream.indirect_vreg.gather @!p1 [hbm4b:s7+s19], $0x80, v24, vm0, $0xb8;
	[tilespmem:$0x1CB00] =	vst v63  }
0x14c: {  	s20 =	simm.s32 @!p1 $0x16B00  }
0x14d: {  	[tilespmem:s20], [sflag:$0x2] =	stream.indirect_vreg.gather @!p1 [hbm4b:s8+s19], $0x80, v24, vm0, $0xb8;
	[tilespmem:$0x1CB00] =	vst v63  }
0x14e: {  	s20 =	simm.s32 @!p1 $0x17300  }
0x14f: {  	v25 =	vor.u32 @!p1 $0x8, v25;
	[tilespmem:s20], [sflag:$0x2] =	stream.indirect_vreg.gather @!p1 [hbm4b:s9+s19], $0x80, v24, vm0, $0xb8;
	[tilespmem:$0x1CB00] =	vst v63  }
0x150: {  	v23 =	vperm.xlane @!p1 v23, v25;
	s20 =	simm.s32 @!p1 $0x17B00  }
0x151: {  	[tilespmem:s20], [sflag:$0x2] =	stream.indirect_vreg.gather @!p1 [hbm4b:s10+s19], $0x80, v24, vm0, $0xb8;
	[tilespmem:$0x1CB00] =	vst v63  }
0x152: {  	v23 =	vadd.s32 @!p1 v26, v23;
	s20 =	simm.s32 @!p1 $0x18300  }
0x153: {  	[tilespmem:s20], [sflag:$0x2] =	stream.indirect_vreg.gather @!p1 [hbm4b:s11+s19], $0x80, v24, vm0, $0xb8;
	[tilespmem:$0x1CB00] =	vst v63  }
0x154: {  	s20 =	simm.s32 @!p1 $0x18B00  }
0x155: {  	[tilespmem:s20], [sflag:$0x2] =	stream.indirect_vreg.gather @!p1 [hbm4b:s12+s19], $0x80, v24, vm0, $0xb8;
	[tilespmem:$0x1CB00] =	vst v63  }
0x156: {  	s20 =	simm.s32 @!p1 $0x19300  }
0x157: {  	[tilespmem:s20], [sflag:$0x2] =	stream.indirect_vreg.gather @!p1 [hbm4b:s0+s19], $0x80, v23, vm0, $0xb8;
	[tilespmem:$0x1CB00] =	vst v63  }
0x158: {  	s20 =	simm.s32 @!p1 $0x19B00  }
0x159: {  	[tilespmem:s20], [sflag:$0x2] =	stream.indirect_vreg.gather @!p1 [hbm4b:s7+s19], $0x80, v23, vm0, $0xb8;
	[tilespmem:$0x1CB00] =	vst v63  }
0x15a: {  	s20 =	simm.s32 @!p1 $0x1A300  }
0x15b: {  	[tilespmem:s20], [sflag:$0x2] =	stream.indirect_vreg.gather @!p1 [hbm4b:s8+s19], $0x80, v23, vm0, $0xb8;
	[tilespmem:$0x1CB00] =	vst v63  }
0x15c: {  	s20 =	simm.s32 @!p1 $0x1AB00  }
0x15d: {  	[tilespmem:s20], [sflag:$0x2] =	stream.indirect_vreg.gather @!p1 [hbm4b:s9+s19], $0x80, v23, vm0, $0xb8;
	[tilespmem:$0x1CB00] =	vst v63  }
0x15e: {  	s20 =	simm.s32 @!p1 $0x1B300  }
0x15f: {  	[tilespmem:s20], [sflag:$0x2] =	stream.indirect_vreg.gather @!p1 [hbm4b:s10+s19], $0x80, v23, vm0, $0xb8;
	[tilespmem:$0x1CB00] =	vst v63  }
0x160: {  	s20 =	simm.s32 @!p1 $0x1BB00  }
0x161: {  	[tilespmem:s20], [sflag:$0x2] =	stream.indirect_vreg.gather @!p1 [hbm4b:s11+s19], $0x80, v23, vm0, $0xb8;
	[tilespmem:$0x1CB00] =	vst v63  }
0x162: {  	s20 =	simm.s32 @!p1 $0x1C300  }
0x163: {  	[tilespmem:s20], [sflag:$0x2] =	stream.indirect_vreg.gather @!p1 [hbm4b:s12+s19], $0x80, v23, vm0, $0xb8;
	[tilespmem:$0x1CB00] =	vst v63  }
.LBB2_6:
0x164: {  	s19 =	sadd.s32 $0x1, s18  }
0x165: {  	s20 =	sand.u32 $0x1, s19  }
0x166: {  	p1 =	slt.s32 s18, $0x0;
	p2 =	seq.s32 s20, $0x1  }
0x167: {  	s31 =	sshrl.u32 s19, $0x1F;
	p1 =	por !p1, !p2  }
0x168: {  	s19 =	sadd.s32 s31, s19;
	s20 =	simm.s32 $0x1;
	p1 =	por !p1, !p1  }
0x169: {  	s19 =	sshra.s32 s19, $0x1;
	s20 =	simm.s32 @!p1 $0x0  }
0x16a: {  	s0 =	ssub.s32 s19, s20  }
0x16b: {  	p1 =	slt.s32 s0, $0x1  }
.Ltmp6:
0x16c: {  	_ = 	snop;
	(pc) =	sbr.rel @!p1 .LBB2_7-.Ltmp6, $4  }
.Ltmp7:
0x16d: {  	_ = 	snop;
	(pc) =	sbr.rel @p1 .LBB2_28-.Ltmp7, $4  }
0x16e: {  	_ = 	snop  }
0x16f: {  	_ = 	snop  }
0x170: {  	s20 =	simm.s32 $0x0;
	[dreg:$0xa] =	wrdreg s0  }
0x171: {  	_ = 	snop  }
.LBB2_26:
0x172: {  	_ =	sdelay $0x2  }
0x173: {  	s0 =	sadd.s32 $0x3, s21  }
0x174: {  	[tilespmem:v32+s2+$0x0] =	vst.idx.add.f32.msk $0xffff, v26;
	p1 =	sge.s32 s0, s18  }
0x175: {  	[tilespmem:v31+s2+$0x0] =	vst.idx.add.f32.msk $0xffff, v27;
	s0 =	sshll.u32 @!p1 s0, $0x6  }
0x176: {  	[tilespmem:v30+s2+$0x0] =	vst.idx.add.f32.msk $0xffff, v28;
	s0 =	sshra.s32 @!p1 s0, $0x2  }
0x177: {  	v23 =	vld @!p1 [tilespmem:s0+$0x200];
	_ =	sdelay $0x4  }
0x178: {  	v24 =	vshrl.u32 @!p1 v23, $0x3  }
0x179: {  	v24 =	vmul.u32 @!p1 $0x70, v24  }
0x17a: {  	v25 =	vlaneseq.u32 @!p1;
	v23 =	vand.u32 @!p1 $0x7, v23  }
0x17b: {  	v26 =	vshrl.u32 @!p1 v25, $0x3;
	v23 =	vor.u32 @!p1 v23, v24;
	v24 =	vand.u32 @!p1 $0x7, v25  }
0x17c: {  	v26 =	vmul.u32 @!p1 $0x8, v26;
	v24 =	vperm.xlane @!p1 v23, v24;
	_ =	sdelay $0x1  }
0x17d: {  	v24 =	vadd.s32 @!p1 v26, v24;
	_ =	sdelay $0x3  }
0x17e: {  	s3 =	rddreg [dreg:$0x0];
	vm0 =	vmmov @!p1 $0xffff;
	s1 =	simm.s32 @!p1 $0x15B00;
	s0 =	simm.s32 @!p1 $0x0  }
0x17f: {  	[tilespmem:s1], [sflag:$0x2] =	stream.indirect_vreg.gather @!p1 [hbm4b:s3+s0], $0x80, v24, vm0, $0xb8;
	[tilespmem:$0x1CB00] =	vst v63  }
0x180: {  	s1 =	simm.s32 @!p1 $0x16300  }
0x181: {  	[tilespmem:s1], [sflag:$0x2] =	stream.indirect_vreg.gather @!p1 [hbm4b:s7+s0], $0x80, v24, vm0, $0xb8;
	[tilespmem:$0x1CB00] =	vst v63  }
0x182: {  	s1 =	simm.s32 @!p1 $0x16B00  }
0x183: {  	[tilespmem:s1], [sflag:$0x2] =	stream.indirect_vreg.gather @!p1 [hbm4b:s8+s0], $0x80, v24, vm0, $0xb8;
	[tilespmem:$0x1CB00] =	vst v63  }
0x184: {  	s1 =	simm.s32 @!p1 $0x17300  }
0x185: {  	v25 =	vor.u32 @!p1 $0x8, v25;
	[tilespmem:s1], [sflag:$0x2] =	stream.indirect_vreg.gather @!p1 [hbm4b:s9+s0], $0x80, v24, vm0, $0xb8;
	[tilespmem:$0x1CB00] =	vst v63  }
0x186: {  	v23 =	vperm.xlane @!p1 v23, v25;
	s1 =	simm.s32 @!p1 $0x17B00  }
0x187: {  	[tilespmem:s1], [sflag:$0x2] =	stream.indirect_vreg.gather @!p1 [hbm4b:s10+s0], $0x80, v24, vm0, $0xb8;
	[tilespmem:$0x1CB00] =	vst v63  }
0x188: {  	v23 =	vadd.s32 @!p1 v26, v23;
	s1 =	simm.s32 @!p1 $0x18300  }
0x189: {  	[tilespmem:s1], [sflag:$0x2] =	stream.indirect_vreg.gather @!p1 [hbm4b:s11+s0], $0x80, v24, vm0, $0xb8;
	[tilespmem:$0x1CB00] =	vst v63  }
0x18a: {  	s1 =	simm.s32 @!p1 $0x18B00  }
0x18b: {  	[tilespmem:s1], [sflag:$0x2] =	stream.indirect_vreg.gather @!p1 [hbm4b:s12+s0], $0x80, v24, vm0, $0xb8;
	[tilespmem:$0x1CB00] =	vst v63  }
0x18c: {  	s1 =	simm.s32 @!p1 $0x19300  }
0x18d: {  	[tilespmem:s1], [sflag:$0x2] =	stream.indirect_vreg.gather @!p1 [hbm4b:s3+s0], $0x80, v23, vm0, $0xb8;
	[tilespmem:$0x1CB00] =	vst v63  }
0x18e: {  	s1 =	simm.s32 @!p1 $0x19B00  }
0x18f: {  	[tilespmem:s1], [sflag:$0x2] =	stream.indirect_vreg.gather @!p1 [hbm4b:s7+s0], $0x80, v23, vm0, $0xb8;
	[tilespmem:$0x1CB00] =	vst v63  }
0x190: {  	s1 =	simm.s32 @!p1 $0x1A300  }
0x191: {  	[tilespmem:s1], [sflag:$0x2] =	stream.indirect_vreg.gather @!p1 [hbm4b:s8+s0], $0x80, v23, vm0, $0xb8;
	[tilespmem:$0x1CB00] =	vst v63  }
0x192: {  	s1 =	simm.s32 @!p1 $0x1AB00  }
0x193: {  	[tilespmem:s1], [sflag:$0x2] =	stream.indirect_vreg.gather @!p1 [hbm4b:s9+s0], $0x80, v23, vm0, $0xb8;
	[tilespmem:$0x1CB00] =	vst v63  }
0x194: {  	s1 =	simm.s32 @!p1 $0x1B300  }
0x195: {  	[tilespmem:s1], [sflag:$0x2] =	stream.indirect_vreg.gather @!p1 [hbm4b:s10+s0], $0x80, v23, vm0, $0xb8;
	[tilespmem:$0x1CB00] =	vst v63  }
0x196: {  	s1 =	simm.s32 @!p1 $0x1BB00  }
0x197: {  	[tilespmem:s1], [sflag:$0x2] =	stream.indirect_vreg.gather @!p1 [hbm4b:s11+s0], $0x80, v23, vm0, $0xb8;
	[tilespmem:$0x1CB00] =	vst v63  }
0x198: {  	s1 =	simm.s32 @!p1 $0x1C300  }
0x199: {  	[tilespmem:s1], [sflag:$0x2] =	stream.indirect_vreg.gather @!p1 [hbm4b:s12+s0], $0x80, v23, vm0, $0xb8;
	[tilespmem:$0x1CB00] =	vst v63  }
.LBB2_27:
0x19a: {  	s20 =	sadd.s32 $0x1, s20;
	s0 =	rddreg [dreg:$0xa]  }
0x19b: {  	p1 =	sne.s32 s20, s0  }
.Ltmp8:
0x19c: {  	_ = 	snop;
	(pc) =	sbr.rel @!p1 .LBB2_28-.Ltmp8, $1  }
0x19d: {  	_ =	sdelay $0x3  }
.LBB2_7:
0x19e: {  	s21 =	sshll.u32 s20, $0x1  }
0x19f: {  	p1 =	sge.s32 s21, s18  }
.Ltmp9:
0x1a0: {  	_ = 	snop;
	(pc) =	sbr.rel @p1 .LBB2_17-.Ltmp9, $1  }
0x1a1: {  	_ =	sdelay $0x3  }
0x1a2: {  	s22 =	sshll.u32 s20, $0x5;
	s0 =	simm.s32 $0x1  }
0x1a3: {  	s24 =	simm.s32 $0x0;
	s17 =	simm.s32 $0x30;
	s25 =	simm.s32 $0x20  }
0x1a4: {  	s29 =	simm.s32 $0x0;
	_ =	swait.ge [sflag:s0], $0x7000;
	s24 =	sand.u32 $0x3C00, s24  }
0x1a5: {  	s28 =	sand.u32 $0x60, s25;
	[sflag:s0] =	ssyncset.done $0x0;
	s24 =	sadd.s32 $0xEB00, s24  }
0x1a6: {  	s26 =	sand.u32 $0x70, s17;
	[sflag:s0] =	ssyncadd.s32 $0xFFFF9000;
	s28 =	sor.u32 s28, s24  }
0x1a7: {  	v23 =	vmov s22;
	s23 =	sor.u32 $0x1, s22;
	s30 =	sand.u32 $0x40, s29;
	s26 =	sor.u32 s26, s24;
	v31 =	vld [tilespmem:s28+$0x100]  }
0x1a8: {  	s14 =	sor.u32 $0x2, s22;
	v23 =	vbroadcast v23, $0x0;
	v24 =	vmov s23;
	s30 =	sor.u32 s30, s24;
	v33 =	vld [tilespmem:s26+$0x0]  }
0x1a9: {  	s15 =	sor.u32 $0x3, s22;
	v25 =	vmov s14;
	v24 =	vbroadcast v24, $0x0;
	v32 =	vld [tilespmem:s30+$0x180]  }
0x1aa: {  	s31 =	simm.s32 $0x10;
	v26 =	vmov s15;
	v25 =	vbroadcast v25, $0x0;
	v34 =	vld [tilespmem:s28+$0x180]  }
0x1ab: {  	s19 =	sand.u32 $0x50, s31;
	v26 =	vbroadcast v26, $0x0;
	v35 =	vld [tilespmem:s28+$0x80]  }
0x1ac: {  	s0 =	sor.u32 s19, s24;
	v36 =	vld [tilespmem:s28+$0x0]  }
0x1ad: {  	v37 =	vld [tilespmem:s0+$0x80]  }
0x1ae: {  	v27 =	vld.idx.msk [tilespmem:v23+s16+$0x0], $0xffff  }
0x1af: {  	v28 =	vld.idx.msk [tilespmem:v24+s16+$0x0], $0xffff  }
0x1b0: {  	v29 =	vld.idx.msk [tilespmem:v25+s16+$0x0], $0xffff  }
0x1b1: {  	v30 =	vld.idx.msk [tilespmem:v26+s16+$0x0], $0xffff  }
0x1b2: {  	v38 =	vld [tilespmem:s30+$0x100]  }
0x1b3: {  	v39 =	vld [tilespmem:s30+$0x80];
	v25 =	vmul.u32 $0x700, v27  }
0x1b4: {  	v40 =	vld [tilespmem:s30+$0x0];
	v26 =	vmul.u32 $0x700, v28  }
0x1b5: {  	v42 =	vld [tilespmem:s0+$0x100];
	v27 =	vmul.u32 $0x700, v29;
	v25 =	vor.u32 v1, v25  }
0x1b6: {  	v44 =	vld [tilespmem:s0+$0x0];
	v28 =	vmul.u32 $0x700, v30;
	v26 =	vor.u32 v1, v26;
	v30 =	vadd.s32 s29, v25  }
0x1b7: {  	v46 =	vld [tilespmem:s0+$0x180];
	v27 =	vor.u32 v1, v27;
	v41 =	vadd.s32 s29, v26  }
0x1b8: {  	v23 =	vld [tilespmem:s26+$0x80];
	v28 =	vor.u32 v1, v28;
	v43 =	vadd.s32 s29, v27  }
0x1b9: {  	v24 =	vld [tilespmem:s26+$0x100];
	v45 =	vadd.s32 s29, v28  }
0x1ba: {  	v29 =	vld [tilespmem:s26+$0x180];
	v47 =	vadd.s32 s31, v25  }
0x1bb: {  	v48 =	vadd.s32 s31, v26;
	[tilespmem:v30+s2+$0x0] =	vst.idx.add.f32.msk $0xffff, v40  }
0x1bc: {  	v30 =	vadd.s32 s31, v27;
	[tilespmem:v41+s2+$0x0] =	vst.idx.add.f32.msk $0xffff, v39  }
0x1bd: {  	v58 =	vadd.s32 s31, v28;
	[tilespmem:v43+s2+$0x0] =	vst.idx.add.f32.msk $0xffff, v38  }
0x1be: {  	v59 =	vadd.s32 s25, v25;
	[tilespmem:v45+s2+$0x0] =	vst.idx.add.f32.msk $0xffff, v32  }
0x1bf: {  	v60 =	vadd.s32 s25, v26;
	[tilespmem:v47+s2+$0x0] =	vst.idx.add.f32.msk $0xffff, v44  }
0x1c0: {  	v61 =	vadd.s32 s25, v27;
	[tilespmem:v48+s2+$0x0] =	vst.idx.add.f32.msk $0xffff, v37  }
0x1c1: {  	v62 =	vadd.s32 s25, v28;
	[tilespmem:v30+s2+$0x0] =	vst.idx.add.f32.msk $0xffff, v42  }
0x1c2: {  	v63 =	vadd.s32 s17, v25;
	[tilespmem:v58+s2+$0x0] =	vst.idx.add.f32.msk $0xffff, v46  }
0x1c3: {  	[tilespmem:v59+s2+$0x0] =	vst.idx.add.f32.msk $0xffff, v36  }
0x1c4: {  	v32 =	vadd.s32 s17, v26;
	[tilespmem:v60+s2+$0x0] =	vst.idx.add.f32.msk $0xffff, v35  }
0x1c5: {  	[tilespmem:v61+s2+$0x0] =	vst.idx.add.f32.msk $0xffff, v31;
	v31 =	vadd.s32 s17, v27  }
0x1c6: {  	v30 =	vadd.s32 s17, v28;
	[tilespmem:v62+s2+$0x0] =	vst.idx.add.f32.msk $0xffff, v34  }
0x1c7: {  	s23 =	simm.s32 $0x200;
	s28 =	simm.s32 $0x70;
	[tilespmem:v63+s2+$0x0] =	vst.idx.add.f32.msk $0xffff, v33  }
.LBB2_9:
0x1c8: {  	s0 =	sadd.s32 $0xFFFFFFD0, s28  }
0x1c9: {  	s25 =	sand.u32 $0x3C00, s23;
	s26 =	sadd.s32 $0xFFFFFFF0, s28;
	[tilespmem:v32+s2+$0x0] =	vst.idx.add.f32.msk $0xffff, v23;
	s24 =	smov.u32 s28  }
0x1ca: {  	s29 =	sand.u32 $0x40, s0;
	s30 =	sadd.s32 $0xEB00, s25;
	s25 =	sand.u32 $0x70, s28;
	[tilespmem:v31+s2+$0x0] =	vst.idx.add.f32.msk $0xffff, v24  }
0x1cb: {  	s31 =	sand.u32 $0x60, s26;
	s29 =	sor.u32 s29, s30;
	s4 =	sor.u32 s25, s30;
	[tilespmem:v30+s2+$0x0] =	vst.idx.add.f32.msk $0xffff, v29  }
0x1cc: {  	s5 =	sadd.s32 $0xFFFFFFE0, s24;
	s31 =	sor.u32 s31, s30;
	v30 =	vadd.s32 s0, v25;
	s25 =	sadd.s32 $0x40, s28;
	v23 =	vld [tilespmem:s4+$0x80]  }
0x1cd: {  	p1 =	sne.s32 s28, $0x6F0;
	s14 =	sand.u32 $0x50, s5;
	v33 =	vld [tilespmem:s31+$0x100]  }
0x1ce: {  	s14 =	sor.u32 s14, s30;
	v24 =	vld [tilespmem:s4+$0x100]  }
0x1cf: {  	v34 =	vld [tilespmem:s4+$0x0]  }
0x1d0: {  	v31 =	vld [tilespmem:s29+$0x180]  }
0x1d1: {  	v35 =	vld [tilespmem:s31+$0x180]  }
0x1d2: {  	v36 =	vld [tilespmem:s31+$0x80]  }
0x1d3: {  	v37 =	vld [tilespmem:s31+$0x0]  }
0x1d4: {  	v32 =	vld [tilespmem:s14+$0x80]  }
0x1d5: {  	v38 =	vld [tilespmem:s29+$0x100]  }
0x1d6: {  	v39 =	vld [tilespmem:s29+$0x80]  }
0x1d7: {  	v41 =	vadd.s32 s0, v26;
	v40 =	vld [tilespmem:s29+$0x0]  }
0x1d8: {  	v43 =	vadd.s32 s0, v27;
	v42 =	vld [tilespmem:s14+$0x100]  }
0x1d9: {  	v45 =	vadd.s32 s0, v28;
	v44 =	vld [tilespmem:s14+$0x0]  }
0x1da: {  	v47 =	vadd.s32 s5, v25;
	v46 =	vld [tilespmem:s14+$0x180]  }
0x1db: {  	v48 =	vadd.s32 s5, v26;
	v29 =	vld [tilespmem:s4+$0x180]  }
0x1dc: {  	[tilespmem:v30+s2+$0x0] =	vst.idx.add.f32.msk $0xffff, v40;
	v30 =	vadd.s32 s5, v27  }
0x1dd: {  	[tilespmem:v41+s2+$0x0] =	vst.idx.add.f32.msk $0xffff, v39;
	v39 =	vadd.s32 s5, v28  }
0x1de: {  	[tilespmem:v43+s2+$0x0] =	vst.idx.add.f32.msk $0xffff, v38;
	v38 =	vadd.s32 s26, v25  }
0x1df: {  	v40 =	vadd.s32 s26, v26;
	[tilespmem:v45+s2+$0x0] =	vst.idx.add.f32.msk $0xffff, v31  }
0x1e0: {  	v41 =	vadd.s32 s26, v27;
	[tilespmem:v47+s2+$0x0] =	vst.idx.add.f32.msk $0xffff, v44  }
0x1e1: {  	v43 =	vadd.s32 s26, v28;
	[tilespmem:v48+s2+$0x0] =	vst.idx.add.f32.msk $0xffff, v32  }
0x1e2: {  	[tilespmem:v30+s2+$0x0] =	vst.idx.add.f32.msk $0xffff, v42;
	v42 =	vadd.s32 s24, v25  }
0x1e3: {  	v32 =	vadd.s32 s24, v26;
	[tilespmem:v39+s2+$0x0] =	vst.idx.add.f32.msk $0xffff, v46  }
.Ltmp10:
0x1e4: {  	v31 =	vadd.s32 s24, v27;
	[tilespmem:v38+s2+$0x0] =	vst.idx.add.f32.msk $0xffff, v37;
	(pc) =	sbr.rel @p1 .LBB2_9-.Ltmp10, $4  }
0x1e5: {  	v30 =	vadd.s32 s24, v28;
	[tilespmem:v40+s2+$0x0] =	vst.idx.add.f32.msk $0xffff, v36  }
0x1e6: {  	[tilespmem:v41+s2+$0x0] =	vst.idx.add.f32.msk $0xffff, v33  }
0x1e7: {  	[tilespmem:v43+s2+$0x0] =	vst.idx.add.f32.msk $0xffff, v35  }
0x1e8: {  	s23 =	sadd.s32 $0x200, s23;
	s28 =	smov.u32 s25;
	[tilespmem:v42+s2+$0x0] =	vst.idx.add.f32.msk $0xffff, v34  }
0x1e9: {  	_ =	sdelay $0x1  }
0x1ea: {  	s26 =	simm.s32 $0x0  }
0x1eb: {  	s4 =	sand.u32 $0x3, s26  }
0x1ec: {  	[tilespmem:v32+s2+$0x0] =	vst.idx.add.f32.msk $0xffff, v23;
	p1 =	por $0x0, $0x0;
	s5 =	simm.s32 $0x1;
	s4 =	sshll.u32 s4, $0x5  }
0x1ed: {  	s0 =	sor.u32 $0x4, s22;
	[tilespmem:v31+s2+$0x0] =	vst.idx.add.f32.msk $0xffff, v24;
	s5 =	simm.s32 @!p1 $0x0;
	s4 =	sadd.s32 $0x20, s4  }
0x1ee: {  	s23 =	sor.u32 $0x5, s22;
	v25 =	vmov s0;
	[tilespmem:v30+s2+$0x0] =	vst.idx.add.f32.msk $0xffff, v29;
	s5 =	sshll.u32 s5, $0x6;
	s14 =	sor.u32 $0x380, s4  }
0x1ef: {  	s24 =	sor.u32 $0x6, s22;
	v26 =	vmov s23;
	v25 =	vand.u32 $0xFFFFFFE4, v25;
	s5 =	sadd.s32 $0x0, s5;
	s23 =	sor.u32 $0x300, s4;
	v35 =	vld [tilespmem:s14+$0xEB00]  }
0x1f0: {  	s25 =	sor.u32 $0x7, s22;
	v27 =	vmov s24;
	v26 =	vand.u32 $0xFFFFFFE5, v26;
	v25 =	vbroadcast v25, $0x0;
	s30 =	sor.u32 $0x280, s5;
	v31 =	vld [tilespmem:s23+$0xEB00]  }
0x1f1: {  	v28 =	vmov s25;
	v27 =	vand.u32 $0xFFFFFFE6, v27;
	v26 =	vbroadcast v26, $0x0;
	s31 =	sor.u32 $0x380, s5;
	v33 =	vld [tilespmem:s30+$0xEB00]  }
0x1f2: {  	v28 =	vand.u32 $0xFFFFFFE7, v28;
	v27 =	vbroadcast v27, $0x0;
	s3 =	sor.u32 $0x280, s4;
	v34 =	vld [tilespmem:s31+$0xEB00]  }
0x1f3: {  	v23 =	vbroadcast v28, $0x0;
	s17 =	sor.u32 $0x300, s5;
	v36 =	vld [tilespmem:s3+$0xEB00]  }
0x1f4: {  	s5 =	sor.u32 $0x200, s5;
	v39 =	vld [tilespmem:s17+$0xEB00]  }
0x1f5: {  	v41 =	vld [tilespmem:s5+$0xEB00]  }
0x1f6: {  	s0 =	sand.u32 $0x7, s26;
	v24 =	vld.idx.msk [tilespmem:v25+s16+$0x0], $0xffff  }
0x1f7: {  	s0 =	sshll.u32 s0, $0x4;
	v25 =	vld.idx.msk [tilespmem:v26+s16+$0x0], $0xffff  }
0x1f8: {  	s0 =	sadd.s32 $0x0, s0;
	v26 =	vld.idx.msk [tilespmem:v27+s16+$0x0], $0xffff  }
0x1f9: {  	s24 =	sadd.s32 $0x10, s0;
	s4 =	sor.u32 $0x200, s4;
	v27 =	vld.idx.msk [tilespmem:v23+s16+$0x0], $0xffff  }
0x1fa: {  	s29 =	sor.u32 $0x380, s24;
	v47 =	vld [tilespmem:s4+$0xEB00]  }
0x1fb: {  	s6 =	sor.u32 $0x200, s24;
	v32 =	vld [tilespmem:s29+$0xEB00];
	v24 =	vmul.u32 $0x700, v24  }
0x1fc: {  	s0 =	sadd.s32 $0x30, s0;
	s13 =	sor.u32 $0x280, s24;
	v37 =	vld [tilespmem:s6+$0xEB00];
	v25 =	vmul.u32 $0x700, v25  }
0x1fd: {  	s19 =	simm.s32 $0x0;
	s15 =	sor.u32 $0x200, s0;
	v38 =	vld [tilespmem:s13+$0xEB00];
	v26 =	vmul.u32 $0x700, v26;
	v24 =	vor.u32 v1, v24  }
0x1fe: {  	s25 =	sor.u32 $0x300, s24;
	v28 =	vld [tilespmem:s15+$0xEB00];
	v27 =	vmul.u32 $0x700, v27;
	v25 =	vor.u32 v1, v25;
	v40 =	vadd.s32 s19, v24  }
0x1ff: {  	s26 =	sor.u32 $0x300, s0;
	v43 =	vld [tilespmem:s25+$0xEB00];
	v26 =	vor.u32 v1, v26;
	v42 =	vadd.s32 s19, v25  }
0x200: {  	s1 =	sor.u32 $0x380, s0;
	s0 =	sor.u32 $0x280, s0;
	v29 =	vld [tilespmem:s26+$0xEB00];
	v27 =	vor.u32 v1, v27;
	v44 =	vadd.s32 s19, v26  }
0x201: {  	s29 =	simm.s32 $0x10;
	v30 =	vld [tilespmem:s0+$0xEB00];
	v45 =	vadd.s32 s19, v27  }
0x202: {  	v23 =	vld [tilespmem:s1+$0xEB00];
	v46 =	vadd.s32 s29, v24  }
0x203: {  	v48 =	vadd.s32 s29, v25;
	[tilespmem:v40+s2+$0x0] =	vst.idx.add.f32.msk $0xffff, v41  }
0x204: {  	v58 =	vadd.s32 s29, v26;
	[tilespmem:v42+s2+$0x0] =	vst.idx.add.f32.msk $0xffff, v33  }
0x205: {  	s30 =	simm.s32 $0x20;
	v59 =	vadd.s32 s29, v27;
	[tilespmem:v44+s2+$0x0] =	vst.idx.add.f32.msk $0xffff, v39  }
0x206: {  	v60 =	vadd.s32 s30, v24;
	[tilespmem:v45+s2+$0x0] =	vst.idx.add.f32.msk $0xffff, v34  }
0x207: {  	v61 =	vadd.s32 s30, v25;
	[tilespmem:v46+s2+$0x0] =	vst.idx.add.f32.msk $0xffff, v37  }
0x208: {  	v62 =	vadd.s32 s30, v26;
	[tilespmem:v48+s2+$0x0] =	vst.idx.add.f32.msk $0xffff, v38  }
0x209: {  	v63 =	vadd.s32 s30, v27;
	[tilespmem:v58+s2+$0x0] =	vst.idx.add.f32.msk $0xffff, v43  }
0x20a: {  	s31 =	simm.s32 $0x30;
	[tilespmem:v59+s2+$0x0] =	vst.idx.add.f32.msk $0xffff, v32  }
0x20b: {  	v34 =	vadd.s32 s31, v24;
	[tilespmem:v60+s2+$0x0] =	vst.idx.add.f32.msk $0xffff, v47  }
0x20c: {  	v33 =	vadd.s32 s31, v25;
	[tilespmem:v61+s2+$0x0] =	vst.idx.add.f32.msk $0xffff, v36  }
0x20d: {  	s28 =	simm.s32 $0x2;
	p1 =	por !p1, !p1;
	s23 =	simm.s32 $0x70;
	v32 =	vadd.s32 s31, v26;
	[tilespmem:v62+s2+$0x0] =	vst.idx.add.f32.msk $0xffff, v31  }
0x20e: {  	s24 =	simm.s32 $0x200;
	s25 =	simm.s32 $0x220;
	s26 =	simm.s32 $0x4;
	v31 =	vadd.s32 s31, v27;
	[tilespmem:v63+s2+$0x0] =	vst.idx.add.f32.msk $0xffff, v35  }
.LBB2_11:
0x20f: {  	s5 =	simm.s32 $0x1  }
0x210: {  	s0 =	sand.u32 $0x7, s26;
	s4 =	sand.u32 $0x3, s28;
	[tilespmem:v34+s2+$0x0] =	vst.idx.add.f32.msk $0xffff, v28;
	s5 =	simm.s32 @!p1 $0x0  }
0x211: {  	s0 =	sshll.u32 s0, $0x4;
	s4 =	sshll.u32 s4, $0x5;
	s5 =	sshll.u32 s5, $0x6;
	[tilespmem:v33+s2+$0x0] =	vst.idx.add.f32.msk $0xffff, v30  }
0x212: {  	s0 =	sadd.s32 s0, s24;
	s4 =	sadd.s32 s4, s25;
	s5 =	sadd.s32 s5, s24;
	[tilespmem:v32+s2+$0x0] =	vst.idx.add.f32.msk $0xffff, v29  }
0x213: {  	s29 =	sor.u32 $0x300, s4;
	s30 =	sor.u32 $0x380, s4;
	s14 =	sor.u32 $0x380, s5;
	[tilespmem:v31+s2+$0x0] =	vst.idx.add.f32.msk $0xffff, v23  }
0x214: {  	s3 =	sadd.s32 $0x10, s0;
	s0 =	sadd.s32 $0x30, s0;
	s31 =	sor.u32 $0x280, s5;
	v35 =	vld [tilespmem:s30+$0xEB00]  }
0x215: {  	s15 =	sor.u32 $0x280, s4;
	s30 =	sor.u32 $0x380, s3;
	v36 =	vld [tilespmem:s29+$0xEB00];
	s29 =	sor.u32 $0x200, s0  }
0x216: {  	s4 =	sor.u32 $0x200, s4;
	s17 =	sor.u32 $0x300, s5;
	s6 =	sor.u32 $0x280, s3;
	v31 =	vld [tilespmem:s30+$0xEB00]  }
0x217: {  	s13 =	sor.u32 $0x300, s0;
	s30 =	sor.u32 $0x300, s3;
	v32 =	vld [tilespmem:s31+$0xEB00];
	s31 =	sor.u32 $0x280, s0  }
0x218: {  	p2 =	sne.s32 s23, $0x6F0;
	s3 =	sor.u32 $0x200, s3;
	s0 =	sor.u32 $0x380, s0;
	v33 =	vld [tilespmem:s14+$0xEB00]  }
0x219: {  	s14 =	sadd.s32 $0xFFFFFFD0, s23;
	v23 =	vld [tilespmem:s0+$0xEB00];
	s0 =	smov.u32 s23;
	s23 =	sadd.s32 $0x40, s23  }
0x21a: {  	v34 =	vadd.s32 s14, v24;
	v37 =	vld [tilespmem:s15+$0xEB00]  }
0x21b: {  	v38 =	vld [tilespmem:s3+$0xEB00]  }
0x21c: {  	v39 =	vld [tilespmem:s6+$0xEB00]  }
0x21d: {  	s3 =	sor.u32 $0x200, s5;
	v28 =	vld [tilespmem:s29+$0xEB00]  }
0x21e: {  	v40 =	vld [tilespmem:s17+$0xEB00]  }
0x21f: {  	v42 =	vadd.s32 s14, v25;
	v41 =	vld [tilespmem:s3+$0xEB00]  }
0x220: {  	v44 =	vadd.s32 s14, v26;
	v43 =	vld [tilespmem:s30+$0xEB00]  }
0x221: {  	v45 =	vadd.s32 s14, v27;
	s3 =	sadd.s32 $0xFFFFFFE0, s0;
	v29 =	vld [tilespmem:s13+$0xEB00]  }
0x222: {  	v46 =	vadd.s32 s3, v24;
	v30 =	vld [tilespmem:s31+$0xEB00]  }
0x223: {  	v48 =	vadd.s32 s3, v25;
	v47 =	vld [tilespmem:s4+$0xEB00]  }
0x224: {  	[tilespmem:v34+s2+$0x0] =	vst.idx.add.f32.msk $0xffff, v41;
	v34 =	vadd.s32 s3, v26  }
0x225: {  	s4 =	sadd.s32 $0xFFFFFFF0, s0;
	[tilespmem:v42+s2+$0x0] =	vst.idx.add.f32.msk $0xffff, v32;
	v32 =	vadd.s32 s3, v27  }
0x226: {  	[tilespmem:v44+s2+$0x0] =	vst.idx.add.f32.msk $0xffff, v40;
	v40 =	vadd.s32 s4, v24  }
0x227: {  	v41 =	vadd.s32 s4, v25;
	[tilespmem:v45+s2+$0x0] =	vst.idx.add.f32.msk $0xffff, v33  }
0x228: {  	[tilespmem:v46+s2+$0x0] =	vst.idx.add.f32.msk $0xffff, v38;
	v38 =	vadd.s32 s4, v26  }
0x229: {  	[tilespmem:v48+s2+$0x0] =	vst.idx.add.f32.msk $0xffff, v39;
	v39 =	vadd.s32 s4, v27  }
0x22a: {  	[tilespmem:v34+s2+$0x0] =	vst.idx.add.f32.msk $0xffff, v43;
	v34 =	vadd.s32 s0, v24  }
.Ltmp11:
0x22b: {  	v33 =	vadd.s32 s0, v25;
	[tilespmem:v32+s2+$0x0] =	vst.idx.add.f32.msk $0xffff, v31;
	(pc) =	sbr.rel @p2 .LBB2_11-.Ltmp11, $4  }
0x22c: {  	v32 =	vadd.s32 s0, v26;
	[tilespmem:v40+s2+$0x0] =	vst.idx.add.f32.msk $0xffff, v47  }
0x22d: {  	v31 =	vadd.s32 s0, v27;
	[tilespmem:v41+s2+$0x0] =	vst.idx.add.f32.msk $0xffff, v37  }
0x22e: {  	s25 =	sadd.s32 $0x200, s25;
	s24 =	sadd.s32 $0x200, s24;
	[tilespmem:v38+s2+$0x0] =	vst.idx.add.f32.msk $0xffff, v36  }
0x22f: {  	s26 =	sadd.s32 $0x4, s26;
	s28 =	sadd.s32 $0x2, s28;
	p1 =	por !p1, !p1;
	[tilespmem:v39+s2+$0x0] =	vst.idx.add.f32.msk $0xffff, v35  }
0x230: {  	_ =	sdelay $0x3  }
0x231: {  	s0 =	sor.u32 $0x8, s22;
	[tilespmem:v34+s2+$0x0] =	vst.idx.add.f32.msk $0xffff, v28;
	s26 =	simm.s32 $0x0  }
0x232: {  	s24 =	sor.u32 $0xA, s22;
	s3 =	simm.s32 $0x0;
	v24 =	vmov s0;
	[tilespmem:v33+s2+$0x0] =	vst.idx.add.f32.msk $0xffff, v30;
	s0 =	sand.u32 $0x3C00, s26  }
0x233: {  	v26 =	vmov s24;
	s24 =	simm.s32 $0x30;
	s4 =	sand.u32 $0x40, s3;
	[tilespmem:v32+s2+$0x0] =	vst.idx.add.f32.msk $0xffff, v29;
	s5 =	sadd.s32 $0x12300, s0  }
0x234: {  	s23 =	sor.u32 $0x9, s22;
	s6 =	sand.u32 $0x70, s24;
	[tilespmem:v31+s2+$0x0] =	vst.idx.add.f32.msk $0xffff, v23;
	s13 =	sor.u32 s4, s5  }
0x235: {  	v25 =	vmov s23;
	v24 =	vand.u32 $0xFFFFFFE8, v24;
	s14 =	sadd.s32 $0x12380, s0;
	s15 =	sor.u32 s6, s5;
	v32 =	vld [tilespmem:s13+$0x0]  }
0x236: {  	s25 =	sor.u32 $0xB, s22;
	v25 =	vand.u32 $0xFFFFFFE9, v25;
	v24 =	vbroadcast v24, $0x0;
	s28 =	sor.u32 s4, s14;
	v33 =	vld [tilespmem:s15+$0x0]  }
0x237: {  	v27 =	vmov s25;
	v26 =	vand.u32 $0xFFFFFFEA, v26;
	s29 =	sadd.s32 $0x12400, s0;
	s0 =	sadd.s32 $0x12480, s0;
	v25 =	vbroadcast v25, $0x0;
	s17 =	sor.u32 s6, s14;
	v34 =	vld [tilespmem:s28+$0x0]  }
0x238: {  	v27 =	vand.u32 $0xFFFFFFEB, v27;
	v26 =	vbroadcast v26, $0x0;
	s31 =	sor.u32 s4, s0;
	v23 =	vld [tilespmem:s17+$0x0];
	s13 =	simm.s32 $0x20  }
0x239: {  	v27 =	vbroadcast v27, $0x0;
	s4 =	sor.u32 s4, s29;
	v35 =	vld [tilespmem:s31+$0x0];
	s1 =	sand.u32 $0x60, s13  }
0x23a: {  	v36 =	vld [tilespmem:s4+$0x0];
	s23 =	sor.u32 s1, s0  }
0x23b: {  	v37 =	vld [tilespmem:s23+$0x0]  }
0x23c: {  	v28 =	vld.idx.msk [tilespmem:v24+s16+$0x0], $0xffff  }
0x23d: {  	v29 =	vld.idx.msk [tilespmem:v25+s16+$0x0], $0xffff  }
0x23e: {  	v30 =	vld.idx.msk [tilespmem:v26+s16+$0x0], $0xffff  }
0x23f: {  	s19 =	simm.s32 $0x10;
	s25 =	sor.u32 s1, s5;
	v31 =	vld.idx.msk [tilespmem:v27+s16+$0x0], $0xffff  }
0x240: {  	s26 =	sand.u32 $0x50, s19;
	s15 =	sor.u32 s1, s29;
	v38 =	vld [tilespmem:s25+$0x0]  }
0x241: {  	s30 =	sor.u32 s6, s29;
	s6 =	sor.u32 s6, s0;
	s0 =	sor.u32 s26, s0;
	v39 =	vld [tilespmem:s15+$0x0];
	v26 =	vmul.u32 $0x700, v28  }
0x242: {  	s28 =	sor.u32 s26, s29;
	s29 =	sor.u32 s26, s14;
	v41 =	vld [tilespmem:s0+$0x0];
	v27 =	vmul.u32 $0x700, v29  }
0x243: {  	s31 =	sor.u32 s1, s14;
	v43 =	vld [tilespmem:s29+$0x0];
	v28 =	vmul.u32 $0x700, v30;
	v26 =	vor.u32 v1, v26  }
0x244: {  	v47 =	vld [tilespmem:s31+$0x0];
	v29 =	vmul.u32 $0x700, v31;
	v27 =	vor.u32 v1, v27;
	v31 =	vadd.s32 s3, v26  }
0x245: {  	v24 =	vld [tilespmem:s30+$0x0];
	v28 =	vor.u32 v1, v28;
	v40 =	vadd.s32 s3, v27  }
0x246: {  	v25 =	vld [tilespmem:s6+$0x0];
	s30 =	sor.u32 s26, s5;
	v29 =	vor.u32 v1, v29;
	v42 =	vadd.s32 s3, v28  }
0x247: {  	v45 =	vld [tilespmem:s30+$0x0];
	v44 =	vadd.s32 s3, v29  }
0x248: {  	v30 =	vld [tilespmem:s28+$0x0];
	v46 =	vadd.s32 s19, v26  }
0x249: {  	v48 =	vadd.s32 s19, v27;
	[tilespmem:v31+s2+$0x0] =	vst.idx.add.f32.msk $0xffff, v32  }
0x24a: {  	v31 =	vadd.s32 s19, v28;
	[tilespmem:v40+s2+$0x0] =	vst.idx.add.f32.msk $0xffff, v34  }
0x24b: {  	v58 =	vadd.s32 s19, v29;
	[tilespmem:v42+s2+$0x0] =	vst.idx.add.f32.msk $0xffff, v36  }
0x24c: {  	v59 =	vadd.s32 s13, v26;
	[tilespmem:v44+s2+$0x0] =	vst.idx.add.f32.msk $0xffff, v35  }
0x24d: {  	v60 =	vadd.s32 s13, v27;
	[tilespmem:v46+s2+$0x0] =	vst.idx.add.f32.msk $0xffff, v45  }
0x24e: {  	v61 =	vadd.s32 s13, v28;
	[tilespmem:v48+s2+$0x0] =	vst.idx.add.f32.msk $0xffff, v43  }
0x24f: {  	v62 =	vadd.s32 s13, v29;
	[tilespmem:v31+s2+$0x0] =	vst.idx.add.f32.msk $0xffff, v30  }
0x250: {  	v63 =	vadd.s32 s24, v26;
	[tilespmem:v58+s2+$0x0] =	vst.idx.add.f32.msk $0xffff, v41  }
0x251: {  	[tilespmem:v59+s2+$0x0] =	vst.idx.add.f32.msk $0xffff, v38  }
0x252: {  	v32 =	vadd.s32 s24, v27;
	[tilespmem:v60+s2+$0x0] =	vst.idx.add.f32.msk $0xffff, v47  }
0x253: {  	v31 =	vadd.s32 s24, v28;
	[tilespmem:v61+s2+$0x0] =	vst.idx.add.f32.msk $0xffff, v39  }
0x254: {  	v30 =	vadd.s32 s24, v29;
	[tilespmem:v62+s2+$0x0] =	vst.idx.add.f32.msk $0xffff, v37  }
0x255: {  	s23 =	simm.s32 $0x70;
	s24 =	simm.s32 $0x200;
	[tilespmem:v63+s2+$0x0] =	vst.idx.add.f32.msk $0xffff, v33  }
.LBB2_13:
0x256: {  	s29 =	sadd.s32 $0xFFFFFFD0, s23  }
0x257: {  	s0 =	sand.u32 $0x3C00, s24;
	s26 =	sadd.s32 $0xFFFFFFE0, s23;
	[tilespmem:v32+s2+$0x0] =	vst.idx.add.f32.msk $0xffff, v23;
	s25 =	smov.u32 s23  }
0x258: {  	s5 =	sand.u32 $0x70, s23;
	s3 =	sand.u32 $0x40, s29;
	s4 =	sadd.s32 $0x12300, s0;
	[tilespmem:v31+s2+$0x0] =	vst.idx.add.f32.msk $0xffff, v24  }
0x259: {  	s13 =	sadd.s32 $0x12380, s0;
	s6 =	sor.u32 s3, s4;
	s14 =	sor.u32 s5, s4;
	[tilespmem:v30+s2+$0x0] =	vst.idx.add.f32.msk $0xffff, v25  }
0x25a: {  	s15 =	sadd.s32 $0x12400, s0;
	s17 =	sor.u32 s5, s13;
	v30 =	vld [tilespmem:s6+$0x0];
	s6 =	sor.u32 s3, s13  }
0x25b: {  	s28 =	sadd.s32 $0xFFFFFFF0, s23;
	s0 =	sadd.s32 $0x12480, s0;
	s30 =	sand.u32 $0x50, s26;
	v33 =	vld [tilespmem:s14+$0x0]  }
0x25c: {  	v32 =	vadd.s32 s29, v28;
	s31 =	sor.u32 s5, s15;
	s14 =	sand.u32 $0x60, s28;
	v31 =	vld [tilespmem:s6+$0x0];
	s6 =	sor.u32 s3, s0  }
0x25d: {  	s1 =	sor.u32 s30, s0;
	s19 =	sor.u32 s14, s0;
	s0 =	sor.u32 s5, s0;
	v23 =	vld [tilespmem:s17+$0x0]  }
0x25e: {  	s3 =	sor.u32 s3, s15;
	s5 =	sor.u32 s30, s4;
	s17 =	sor.u32 s30, s13;
	v24 =	vld [tilespmem:s31+$0x0]  }
0x25f: {  	s4 =	sor.u32 s14, s4;
	s30 =	sor.u32 s30, s15;
	s15 =	sor.u32 s14, s15;
	v25 =	vld [tilespmem:s0+$0x0]  }
0x260: {  	p1 =	sne.s32 s23, $0x6F0;
	s23 =	sadd.s32 $0x40, s23;
	s0 =	sor.u32 s14, s13;
	v34 =	vld [tilespmem:s6+$0x0]  }
0x261: {  	v35 =	vld [tilespmem:s3+$0x0]  }
0x262: {  	v36 =	vld [tilespmem:s19+$0x0]  }
0x263: {  	v37 =	vld [tilespmem:s4+$0x0]  }
0x264: {  	v39 =	vadd.s32 s29, v26;
	v38 =	vld [tilespmem:s30+$0x0]  }
0x265: {  	v41 =	vadd.s32 s29, v27;
	v40 =	vld [tilespmem:s15+$0x0]  }
0x266: {  	v42 =	vld [tilespmem:s1+$0x0]  }
0x267: {  	v44 =	vadd.s32 s29, v29;
	v43 =	vld [tilespmem:s17+$0x0]  }
0x268: {  	v46 =	vadd.s32 s26, v26;
	v45 =	vld [tilespmem:s5+$0x0]  }
0x269: {  	v48 =	vadd.s32 s26, v27;
	v47 =	vld [tilespmem:s0+$0x0]  }
0x26a: {  	[tilespmem:v39+s2+$0x0] =	vst.idx.add.f32.msk $0xffff, v30;
	v30 =	vadd.s32 s26, v28  }
0x26b: {  	[tilespmem:v41+s2+$0x0] =	vst.idx.add.f32.msk $0xffff, v31;
	v31 =	vadd.s32 s26, v29  }
0x26c: {  	[tilespmem:v32+s2+$0x0] =	vst.idx.add.f32.msk $0xffff, v35;
	v35 =	vadd.s32 s28, v26  }
0x26d: {  	[tilespmem:v44+s2+$0x0] =	vst.idx.add.f32.msk $0xffff, v34;
	v34 =	vadd.s32 s28, v27  }
0x26e: {  	v39 =	vadd.s32 s28, v28;
	[tilespmem:v46+s2+$0x0] =	vst.idx.add.f32.msk $0xffff, v45  }
0x26f: {  	v41 =	vadd.s32 s28, v29;
	[tilespmem:v48+s2+$0x0] =	vst.idx.add.f32.msk $0xffff, v43  }
0x270: {  	[tilespmem:v30+s2+$0x0] =	vst.idx.add.f32.msk $0xffff, v38;
	v38 =	vadd.s32 s25, v26  }
0x271: {  	v32 =	vadd.s32 s25, v27;
	[tilespmem:v31+s2+$0x0] =	vst.idx.add.f32.msk $0xffff, v42  }
.Ltmp12:
0x272: {  	v31 =	vadd.s32 s25, v28;
	[tilespmem:v35+s2+$0x0] =	vst.idx.add.f32.msk $0xffff, v37;
	(pc) =	sbr.rel @p1 .LBB2_13-.Ltmp12, $4  }
0x273: {  	v30 =	vadd.s32 s25, v29;
	[tilespmem:v34+s2+$0x0] =	vst.idx.add.f32.msk $0xffff, v47  }
0x274: {  	[tilespmem:v39+s2+$0x0] =	vst.idx.add.f32.msk $0xffff, v40  }
0x275: {  	[tilespmem:v41+s2+$0x0] =	vst.idx.add.f32.msk $0xffff, v36  }
0x276: {  	s24 =	sadd.s32 $0x200, s24;
	[tilespmem:v38+s2+$0x0] =	vst.idx.add.f32.msk $0xffff, v33  }
0x277: {  	_ =	sdelay $0x2  }
0x278: {  	s0 =	sor.u32 $0xC, s22;
	s29 =	simm.s32 $0x0  }
0x279: {  	s25 =	sor.u32 $0xD, s22;
	[tilespmem:v32+s2+$0x0] =	vst.idx.add.f32.msk $0xffff, v23;
	s1 =	simm.s32 $0x0;
	v26 =	vmov s0;
	s0 =	sand.u32 $0x3C00, s29  }
0x27a: {  	s23 =	simm.s32 $0x30;
	[tilespmem:v31+s2+$0x0] =	vst.idx.add.f32.msk $0xffff, v24;
	s3 =	sand.u32 $0x40, s1;
	s4 =	sadd.s32 $0x12500, s0  }
0x27b: {  	s26 =	sor.u32 $0xE, s22;
	s5 =	sand.u32 $0x70, s23;
	[tilespmem:v30+s2+$0x0] =	vst.idx.add.f32.msk $0xffff, v25;
	s6 =	sor.u32 s3, s4  }
0x27c: {  	s28 =	sor.u32 $0xF, s22;
	v27 =	vmov s25;
	v26 =	vand.u32 $0xFFFFFFEC, v26;
	s13 =	sadd.s32 $0x12580, s0;
	s14 =	sor.u32 s5, s4;
	v31 =	vld [tilespmem:s6+$0x0]  }
0x27d: {  	v28 =	vmov s26;
	v27 =	vand.u32 $0xFFFFFFED, v27;
	s31 =	sadd.s32 $0x12600, s0;
	s0 =	sadd.s32 $0x12680, s0;
	v26 =	vbroadcast v26, $0x0;
	s30 =	sor.u32 s3, s13;
	v33 =	vld [tilespmem:s14+$0x0]  }
0x27e: {  	v29 =	vmov s28;
	s25 =	simm.s32 $0x10;
	v28 =	vand.u32 $0xFFFFFFEE, v28;
	v27 =	vbroadcast v27, $0x0;
	s22 =	sor.u32 s3, s0;
	v32 =	vld [tilespmem:s30+$0x0]  }
0x27f: {  	v29 =	vand.u32 $0xFFFFFFEF, v29;
	s26 =	sand.u32 $0x50, s25;
	v28 =	vbroadcast v28, $0x0;
	s3 =	sor.u32 s3, s31;
	v34 =	vld [tilespmem:s22+$0x0]  }
0x280: {  	v23 =	vbroadcast v29, $0x0;
	s28 =	sor.u32 s26, s31;
	v35 =	vld [tilespmem:s3+$0x0]  }
0x281: {  	s29 =	sor.u32 s26, s13;
	v38 =	vld [tilespmem:s28+$0x0]  }
0x282: {  	v43 =	vld [tilespmem:s29+$0x0]  }
0x283: {  	v24 =	vld.idx.msk [tilespmem:v26+s16+$0x0], $0xffff  }
0x284: {  	v25 =	vld.idx.msk [tilespmem:v27+s16+$0x0], $0xffff  }
0x285: {  	s6 =	simm.s32 $0x20;
	v29 =	vld.idx.msk [tilespmem:v28+s16+$0x0], $0xffff  }
0x286: {  	s30 =	sor.u32 s26, s4;
	s24 =	sand.u32 $0x60, s6;
	v30 =	vld.idx.msk [tilespmem:v23+s16+$0x0], $0xffff  }
0x287: {  	v45 =	vld [tilespmem:s30+$0x0];
	s17 =	sor.u32 s24, s0  }
0x288: {  	s15 =	sor.u32 s5, s13;
	s14 =	sor.u32 s24, s31;
	v36 =	vld [tilespmem:s17+$0x0];
	v23 =	vmul.u32 $0x700, v24  }
0x289: {  	s19 =	sor.u32 s5, s31;
	s5 =	sor.u32 s5, s0;
	s0 =	sor.u32 s26, s0;
	v39 =	vld [tilespmem:s14+$0x0];
	v24 =	vmul.u32 $0x700, v25  }
0x28a: {  	s31 =	sor.u32 s24, s13;
	v41 =	vld [tilespmem:s0+$0x0];
	v25 =	vmul.u32 $0x700, v29;
	v23 =	vor.u32 v1, v23  }
0x28b: {  	v47 =	vld [tilespmem:s31+$0x0];
	v29 =	vmul.u32 $0x700, v30;
	v24 =	vor.u32 v1, v24;
	v30 =	vadd.s32 s1, v23  }
0x28c: {  	v26 =	vld [tilespmem:s15+$0x0];
	v25 =	vor.u32 v1, v25;
	v40 =	vadd.s32 s1, v24  }
0x28d: {  	v27 =	vld [tilespmem:s19+$0x0];
	v29 =	vor.u32 v1, v29;
	v42 =	vadd.s32 s1, v25  }
0x28e: {  	v28 =	vld [tilespmem:s5+$0x0];
	s19 =	sor.u32 s24, s4;
	v44 =	vadd.s32 s1, v29  }
0x28f: {  	v37 =	vld [tilespmem:s19+$0x0];
	v46 =	vadd.s32 s25, v23  }
0x290: {  	v48 =	vadd.s32 s25, v24;
	[tilespmem:v30+s2+$0x0] =	vst.idx.add.f32.msk $0xffff, v31  }
0x291: {  	v30 =	vadd.s32 s25, v25;
	[tilespmem:v40+s2+$0x0] =	vst.idx.add.f32.msk $0xffff, v32  }
0x292: {  	v31 =	vadd.s32 s25, v29;
	[tilespmem:v42+s2+$0x0] =	vst.idx.add.f32.msk $0xffff, v35  }
0x293: {  	v59 =	vadd.s32 s6, v23;
	[tilespmem:v44+s2+$0x0] =	vst.idx.add.f32.msk $0xffff, v34  }
0x294: {  	v60 =	vadd.s32 s6, v24;
	[tilespmem:v46+s2+$0x0] =	vst.idx.add.f32.msk $0xffff, v45  }
0x295: {  	v61 =	vadd.s32 s6, v25;
	[tilespmem:v48+s2+$0x0] =	vst.idx.add.f32.msk $0xffff, v43  }
0x296: {  	v62 =	vadd.s32 s6, v29;
	[tilespmem:v30+s2+$0x0] =	vst.idx.add.f32.msk $0xffff, v38  }
0x297: {  	v63 =	vadd.s32 s23, v23;
	[tilespmem:v31+s2+$0x0] =	vst.idx.add.f32.msk $0xffff, v41  }
0x298: {  	[tilespmem:v59+s2+$0x0] =	vst.idx.add.f32.msk $0xffff, v37  }
0x299: {  	v32 =	vadd.s32 s23, v24;
	[tilespmem:v60+s2+$0x0] =	vst.idx.add.f32.msk $0xffff, v47  }
0x29a: {  	v31 =	vadd.s32 s23, v25;
	[tilespmem:v61+s2+$0x0] =	vst.idx.add.f32.msk $0xffff, v39  }
0x29b: {  	v30 =	vadd.s32 s23, v29;
	[tilespmem:v62+s2+$0x0] =	vst.idx.add.f32.msk $0xffff, v36  }
0x29c: {  	s22 =	simm.s32 $0x70;
	s23 =	simm.s32 $0x200;
	[tilespmem:v63+s2+$0x0] =	vst.idx.add.f32.msk $0xffff, v33  }
.LBB2_15:
0x29d: {  	s28 =	sadd.s32 $0xFFFFFFD0, s22  }
0x29e: {  	s0 =	sand.u32 $0x3C00, s23;
	s25 =	sadd.s32 $0xFFFFFFE0, s22;
	[tilespmem:v32+s2+$0x0] =	vst.idx.add.f32.msk $0xffff, v26;
	s24 =	smov.u32 s22  }
0x29f: {  	s4 =	sand.u32 $0x70, s22;
	s1 =	sand.u32 $0x40, s28;
	s3 =	sadd.s32 $0x12500, s0;
	[tilespmem:v31+s2+$0x0] =	vst.idx.add.f32.msk $0xffff, v27  }
0x2a0: {  	s6 =	sadd.s32 $0x12580, s0;
	s5 =	sor.u32 s1, s3;
	s13 =	sor.u32 s4, s3;
	[tilespmem:v30+s2+$0x0] =	vst.idx.add.f32.msk $0xffff, v28  }
0x2a1: {  	s14 =	sadd.s32 $0x12600, s0;
	s15 =	sor.u32 s4, s6;
	v30 =	vld [tilespmem:s5+$0x0];
	s5 =	sor.u32 s1, s6  }
0x2a2: {  	s26 =	sadd.s32 $0xFFFFFFF0, s22;
	s0 =	sadd.s32 $0x12680, s0;
	s17 =	sand.u32 $0x50, s25;
	v33 =	vld [tilespmem:s13+$0x0]  }
0x2a3: {  	v32 =	vadd.s32 s28, v25;
	s19 =	sor.u32 s4, s14;
	s13 =	sand.u32 $0x60, s26;
	v31 =	vld [tilespmem:s5+$0x0];
	s5 =	sor.u32 s1, s0  }
0x2a4: {  	s29 =	sor.u32 s17, s0;
	s30 =	sor.u32 s13, s0;
	s0 =	sor.u32 s4, s0;
	v26 =	vld [tilespmem:s15+$0x0]  }
0x2a5: {  	s1 =	sor.u32 s1, s14;
	s4 =	sor.u32 s17, s3;
	s15 =	sor.u32 s17, s6;
	v27 =	vld [tilespmem:s19+$0x0]  }
0x2a6: {  	s3 =	sor.u32 s13, s3;
	s17 =	sor.u32 s17, s14;
	s14 =	sor.u32 s13, s14;
	v28 =	vld [tilespmem:s0+$0x0]  }
0x2a7: {  	p1 =	sne.s32 s22, $0x6F0;
	s22 =	sadd.s32 $0x40, s22;
	s0 =	sor.u32 s13, s6;
	v34 =	vld [tilespmem:s5+$0x0]  }
0x2a8: {  	v35 =	vld [tilespmem:s1+$0x0]  }
0x2a9: {  	v36 =	vld [tilespmem:s30+$0x0]  }
0x2aa: {  	v37 =	vld [tilespmem:s3+$0x0]  }
0x2ab: {  	v39 =	vadd.s32 s28, v23;
	v38 =	vld [tilespmem:s17+$0x0]  }
0x2ac: {  	v41 =	vadd.s32 s28, v24;
	v40 =	vld [tilespmem:s14+$0x0]  }
0x2ad: {  	v42 =	vld [tilespmem:s29+$0x0]  }
0x2ae: {  	v44 =	vadd.s32 s28, v29;
	v43 =	vld [tilespmem:s15+$0x0]  }
0x2af: {  	v46 =	vadd.s32 s25, v23;
	v45 =	vld [tilespmem:s4+$0x0]  }
0x2b0: {  	v48 =	vadd.s32 s25, v24;
	v47 =	vld [tilespmem:s0+$0x0]  }
0x2b1: {  	[tilespmem:v39+s2+$0x0] =	vst.idx.add.f32.msk $0xffff, v30;
	v30 =	vadd.s32 s25, v25  }
0x2b2: {  	[tilespmem:v41+s2+$0x0] =	vst.idx.add.f32.msk $0xffff, v31;
	v31 =	vadd.s32 s25, v29  }
0x2b3: {  	[tilespmem:v32+s2+$0x0] =	vst.idx.add.f32.msk $0xffff, v35;
	v35 =	vadd.s32 s26, v23  }
0x2b4: {  	[tilespmem:v44+s2+$0x0] =	vst.idx.add.f32.msk $0xffff, v34;
	v34 =	vadd.s32 s26, v24  }
0x2b5: {  	v39 =	vadd.s32 s26, v25;
	[tilespmem:v46+s2+$0x0] =	vst.idx.add.f32.msk $0xffff, v45  }
0x2b6: {  	v41 =	vadd.s32 s26, v29;
	[tilespmem:v48+s2+$0x0] =	vst.idx.add.f32.msk $0xffff, v43  }
0x2b7: {  	[tilespmem:v30+s2+$0x0] =	vst.idx.add.f32.msk $0xffff, v38;
	v38 =	vadd.s32 s24, v23  }
0x2b8: {  	v32 =	vadd.s32 s24, v24;
	[tilespmem:v31+s2+$0x0] =	vst.idx.add.f32.msk $0xffff, v42  }
.Ltmp13:
0x2b9: {  	v31 =	vadd.s32 s24, v25;
	[tilespmem:v35+s2+$0x0] =	vst.idx.add.f32.msk $0xffff, v37;
	(pc) =	sbr.rel @p1 .LBB2_15-.Ltmp13, $4  }
0x2ba: {  	v30 =	vadd.s32 s24, v29;
	[tilespmem:v34+s2+$0x0] =	vst.idx.add.f32.msk $0xffff, v47  }
0x2bb: {  	[tilespmem:v39+s2+$0x0] =	vst.idx.add.f32.msk $0xffff, v40  }
0x2bc: {  	[tilespmem:v41+s2+$0x0] =	vst.idx.add.f32.msk $0xffff, v36  }
0x2bd: {  	s23 =	sadd.s32 $0x200, s23;
	[tilespmem:v38+s2+$0x0] =	vst.idx.add.f32.msk $0xffff, v33  }
0x2be: {  	_ =	sdelay $0x2  }
0x2bf: {  	s0 =	sadd.s32 $0x2, s21  }
0x2c0: {  	[tilespmem:v32+s2+$0x0] =	vst.idx.add.f32.msk $0xffff, v26;
	p1 =	sge.s32 s0, s18  }
0x2c1: {  	[tilespmem:v31+s2+$0x0] =	vst.idx.add.f32.msk $0xffff, v27;
	s0 =	sshll.u32 @!p1 s0, $0x6  }
0x2c2: {  	[tilespmem:v30+s2+$0x0] =	vst.idx.add.f32.msk $0xffff, v28;
	s0 =	sshra.s32 @!p1 s0, $0x2  }
0x2c3: {  	v23 =	vld @!p1 [tilespmem:s0+$0x200];
	_ =	sdelay $0x4  }
0x2c4: {  	v24 =	vshrl.u32 @!p1 v23, $0x3  }
0x2c5: {  	v24 =	vmul.u32 @!p1 $0x70, v24  }
0x2c6: {  	v25 =	vlaneseq.u32 @!p1;
	v23 =	vand.u32 @!p1 $0x7, v23  }
0x2c7: {  	v26 =	vshrl.u32 @!p1 v25, $0x3;
	v23 =	vor.u32 @!p1 v23, v24;
	v24 =	vand.u32 @!p1 $0x7, v25  }
0x2c8: {  	v26 =	vmul.u32 @!p1 $0x8, v26;
	v24 =	vperm.xlane @!p1 v23, v24;
	_ =	sdelay $0x1  }
0x2c9: {  	v24 =	vadd.s32 @!p1 v26, v24;
	_ =	sdelay $0x3  }
0x2ca: {  	s3 =	rddreg [dreg:$0x0];
	vm0 =	vmmov @!p1 $0xffff;
	s1 =	simm.s32 @!p1 $0xEB00;
	s0 =	simm.s32 @!p1 $0x0  }
0x2cb: {  	[tilespmem:s1], [sflag:$0x1] =	stream.indirect_vreg.gather @!p1 [hbm4b:s3+s0], $0x80, v24, vm0, $0xb8;
	[tilespmem:$0x1CB00] =	vst v63  }
0x2cc: {  	s1 =	simm.s32 @!p1 $0xF300  }
0x2cd: {  	[tilespmem:s1], [sflag:$0x1] =	stream.indirect_vreg.gather @!p1 [hbm4b:s7+s0], $0x80, v24, vm0, $0xb8;
	[tilespmem:$0x1CB00] =	vst v63  }
0x2ce: {  	s1 =	simm.s32 @!p1 $0xFB00  }
0x2cf: {  	[tilespmem:s1], [sflag:$0x1] =	stream.indirect_vreg.gather @!p1 [hbm4b:s8+s0], $0x80, v24, vm0, $0xb8;
	[tilespmem:$0x1CB00] =	vst v63  }
0x2d0: {  	s1 =	simm.s32 @!p1 $0x10300  }
0x2d1: {  	v25 =	vor.u32 @!p1 $0x8, v25;
	[tilespmem:s1], [sflag:$0x1] =	stream.indirect_vreg.gather @!p1 [hbm4b:s9+s0], $0x80, v24, vm0, $0xb8;
	[tilespmem:$0x1CB00] =	vst v63  }
0x2d2: {  	v23 =	vperm.xlane @!p1 v23, v25;
	s1 =	simm.s32 @!p1 $0x10B00  }
0x2d3: {  	[tilespmem:s1], [sflag:$0x1] =	stream.indirect_vreg.gather @!p1 [hbm4b:s10+s0], $0x80, v24, vm0, $0xb8;
	[tilespmem:$0x1CB00] =	vst v63  }
0x2d4: {  	v23 =	vadd.s32 @!p1 v26, v23;
	s1 =	simm.s32 @!p1 $0x11300  }
0x2d5: {  	[tilespmem:s1], [sflag:$0x1] =	stream.indirect_vreg.gather @!p1 [hbm4b:s11+s0], $0x80, v24, vm0, $0xb8;
	[tilespmem:$0x1CB00] =	vst v63  }
0x2d6: {  	s1 =	simm.s32 @!p1 $0x11B00  }
0x2d7: {  	[tilespmem:s1], [sflag:$0x1] =	stream.indirect_vreg.gather @!p1 [hbm4b:s12+s0], $0x80, v24, vm0, $0xb8;
	[tilespmem:$0x1CB00] =	vst v63  }
0x2d8: {  	s1 =	simm.s32 @!p1 $0x12300  }
0x2d9: {  	[tilespmem:s1], [sflag:$0x1] =	stream.indirect_vreg.gather @!p1 [hbm4b:s3+s0], $0x80, v23, vm0, $0xb8;
	[tilespmem:$0x1CB00] =	vst v63  }
0x2da: {  	s1 =	simm.s32 @!p1 $0x12B00  }
0x2db: {  	[tilespmem:s1], [sflag:$0x1] =	stream.indirect_vreg.gather @!p1 [hbm4b:s7+s0], $0x80, v23, vm0, $0xb8;
	[tilespmem:$0x1CB00] =	vst v63  }
0x2dc: {  	s1 =	simm.s32 @!p1 $0x13300  }
0x2dd: {  	[tilespmem:s1], [sflag:$0x1] =	stream.indirect_vreg.gather @!p1 [hbm4b:s8+s0], $0x80, v23, vm0, $0xb8;
	[tilespmem:$0x1CB00] =	vst v63  }
0x2de: {  	s1 =	simm.s32 @!p1 $0x13B00  }
0x2df: {  	[tilespmem:s1], [sflag:$0x1] =	stream.indirect_vreg.gather @!p1 [hbm4b:s9+s0], $0x80, v23, vm0, $0xb8;
	[tilespmem:$0x1CB00] =	vst v63  }
0x2e0: {  	s1 =	simm.s32 @!p1 $0x14300  }
0x2e1: {  	[tilespmem:s1], [sflag:$0x1] =	stream.indirect_vreg.gather @!p1 [hbm4b:s10+s0], $0x80, v23, vm0, $0xb8;
	[tilespmem:$0x1CB00] =	vst v63  }
0x2e2: {  	s1 =	simm.s32 @!p1 $0x14B00  }
0x2e3: {  	[tilespmem:s1], [sflag:$0x1] =	stream.indirect_vreg.gather @!p1 [hbm4b:s11+s0], $0x80, v23, vm0, $0xb8;
	[tilespmem:$0x1CB00] =	vst v63  }
0x2e4: {  	s1 =	simm.s32 @!p1 $0x15300  }
0x2e5: {  	[tilespmem:s1], [sflag:$0x1] =	stream.indirect_vreg.gather @!p1 [hbm4b:s12+s0], $0x80, v23, vm0, $0xb8;
	[tilespmem:$0x1CB00] =	vst v63  }
.LBB2_17:
0x2e6: {  	s22 =	sor.u32 $0x1, s21  }
0x2e7: {  	p1 =	sge.s32 s22, s18  }
.Ltmp14:
0x2e8: {  	_ = 	snop;
	(pc) =	sbr.rel @p1 .LBB2_27-.Ltmp14, $1  }
0x2e9: {  	_ =	sdelay $0x3  }
0x2ea: {  	s22 =	sshll.u32 s22, $0x4;
	s30 =	simm.s32 $0x2;
	s31 =	simm.s32 $0x0  }
0x2eb: {  	s23 =	simm.s32 $0x30;
	s1 =	simm.s32 $0x20;
	s0 =	sor.u32 $0x1, s22  }
0x2ec: {  	s5 =	simm.s32 $0x0;
	_ =	swait.ge [sflag:s30], $0x7000;
	v24 =	vmov s0;
	s0 =	sand.u32 $0x3C00, s31  }
0x2ed: {  	s4 =	sand.u32 $0x60, s1;
	[sflag:s30] =	ssyncset.done $0x0;
	s0 =	sadd.s32 $0x15B00, s0  }
0x2ee: {  	s3 =	sand.u32 $0x70, s23;
	[sflag:s30] =	ssyncadd.s32 $0xFFFF9000;
	s4 =	sor.u32 s4, s0  }
0x2ef: {  	v23 =	vmov s22;
	s6 =	sand.u32 $0x40, s5;
	s3 =	sor.u32 s3, s0;
	v31 =	vld [tilespmem:s4+$0x100]  }
0x2f0: {  	s26 =	sor.u32 $0x2, s22;
	v23 =	vbroadcast v23, $0x0;
	s6 =	sor.u32 s6, s0;
	v33 =	vld [tilespmem:s3+$0x0]  }
0x2f1: {  	s29 =	sor.u32 $0x3, s22;
	v25 =	vmov s26;
	v24 =	vbroadcast v24, $0x0;
	v32 =	vld [tilespmem:s6+$0x180]  }
0x2f2: {  	s13 =	simm.s32 $0x10;
	v26 =	vmov s29;
	v25 =	vbroadcast v25, $0x0;
	v34 =	vld [tilespmem:s4+$0x180]  }
0x2f3: {  	s14 =	sand.u32 $0x50, s13;
	v26 =	vbroadcast v26, $0x0;
	v35 =	vld [tilespmem:s4+$0x80]  }
0x2f4: {  	s0 =	sor.u32 s14, s0;
	v36 =	vld [tilespmem:s4+$0x0]  }
0x2f5: {  	v37 =	vld [tilespmem:s0+$0x80]  }
0x2f6: {  	v27 =	vld.idx.msk [tilespmem:v23+s16+$0x0], $0xffff  }
0x2f7: {  	v28 =	vld.idx.msk [tilespmem:v24+s16+$0x0], $0xffff  }
0x2f8: {  	v29 =	vld.idx.msk [tilespmem:v25+s16+$0x0], $0xffff  }
0x2f9: {  	v30 =	vld.idx.msk [tilespmem:v26+s16+$0x0], $0xffff  }
0x2fa: {  	v38 =	vld [tilespmem:s6+$0x100]  }
0x2fb: {  	v39 =	vld [tilespmem:s6+$0x80];
	v25 =	vmul.u32 $0x700, v27  }
0x2fc: {  	v40 =	vld [tilespmem:s6+$0x0];
	v26 =	vmul.u32 $0x700, v28  }
0x2fd: {  	v42 =	vld [tilespmem:s0+$0x100];
	v27 =	vmul.u32 $0x700, v29;
	v25 =	vor.u32 v1, v25  }
0x2fe: {  	v44 =	vld [tilespmem:s0+$0x0];
	v28 =	vmul.u32 $0x700, v30;
	v26 =	vor.u32 v1, v26;
	v30 =	vadd.s32 s5, v25  }
0x2ff: {  	v46 =	vld [tilespmem:s0+$0x180];
	v27 =	vor.u32 v1, v27;
	v41 =	vadd.s32 s5, v26  }
0x300: {  	v23 =	vld [tilespmem:s3+$0x80];
	v28 =	vor.u32 v1, v28;
	v43 =	vadd.s32 s5, v27  }
0x301: {  	v24 =	vld [tilespmem:s3+$0x100];
	v45 =	vadd.s32 s5, v28  }
0x302: {  	v29 =	vld [tilespmem:s3+$0x180];
	v47 =	vadd.s32 s13, v25  }
0x303: {  	v48 =	vadd.s32 s13, v26;
	[tilespmem:v30+s2+$0x0] =	vst.idx.add.f32.msk $0xffff, v40  }
0x304: {  	v30 =	vadd.s32 s13, v27;
	[tilespmem:v41+s2+$0x0] =	vst.idx.add.f32.msk $0xffff, v39  }
0x305: {  	v58 =	vadd.s32 s13, v28;
	[tilespmem:v43+s2+$0x0] =	vst.idx.add.f32.msk $0xffff, v38  }
0x306: {  	v59 =	vadd.s32 s1, v25;
	[tilespmem:v45+s2+$0x0] =	vst.idx.add.f32.msk $0xffff, v32  }
0x307: {  	v60 =	vadd.s32 s1, v26;
	[tilespmem:v47+s2+$0x0] =	vst.idx.add.f32.msk $0xffff, v44  }
0x308: {  	v61 =	vadd.s32 s1, v27;
	[tilespmem:v48+s2+$0x0] =	vst.idx.add.f32.msk $0xffff, v37  }
0x309: {  	v62 =	vadd.s32 s1, v28;
	[tilespmem:v30+s2+$0x0] =	vst.idx.add.f32.msk $0xffff, v42  }
0x30a: {  	v63 =	vadd.s32 s23, v25;
	[tilespmem:v58+s2+$0x0] =	vst.idx.add.f32.msk $0xffff, v46  }
0x30b: {  	[tilespmem:v59+s2+$0x0] =	vst.idx.add.f32.msk $0xffff, v36  }
0x30c: {  	v32 =	vadd.s32 s23, v26;
	[tilespmem:v60+s2+$0x0] =	vst.idx.add.f32.msk $0xffff, v35  }
0x30d: {  	[tilespmem:v61+s2+$0x0] =	vst.idx.add.f32.msk $0xffff, v31;
	v31 =	vadd.s32 s23, v27  }
0x30e: {  	v30 =	vadd.s32 s23, v28;
	[tilespmem:v62+s2+$0x0] =	vst.idx.add.f32.msk $0xffff, v34  }
0x30f: {  	s28 =	simm.s32 $0x70;
	s23 =	simm.s32 $0x200;
	[tilespmem:v63+s2+$0x0] =	vst.idx.add.f32.msk $0xffff, v33  }
.LBB2_19:
0x310: {  	s0 =	sadd.s32 $0xFFFFFFD0, s28  }
0x311: {  	s1 =	sand.u32 $0x3C00, s23;
	s26 =	sadd.s32 $0xFFFFFFF0, s28;
	[tilespmem:v32+s2+$0x0] =	vst.idx.add.f32.msk $0xffff, v23;
	s24 =	smov.u32 s28  }
0x312: {  	s4 =	sand.u32 $0x70, s28;
	s3 =	sand.u32 $0x40, s0;
	s1 =	sadd.s32 $0x15B00, s1;
	[tilespmem:v31+s2+$0x0] =	vst.idx.add.f32.msk $0xffff, v24  }
0x313: {  	s5 =	sand.u32 $0x60, s26;
	s3 =	sor.u32 s3, s1;
	s4 =	sor.u32 s4, s1;
	[tilespmem:v30+s2+$0x0] =	vst.idx.add.f32.msk $0xffff, v29  }
0x314: {  	s25 =	sadd.s32 $0x40, s28;
	s6 =	sadd.s32 $0xFFFFFFE0, s24;
	s5 =	sor.u32 s5, s1;
	v30 =	vadd.s32 s0, v25;
	v23 =	vld [tilespmem:s4+$0x80]  }
0x315: {  	p1 =	sne.s32 s28, $0x6F0;
	s13 =	sand.u32 $0x50, s6;
	v33 =	vld [tilespmem:s5+$0x100]  }
0x316: {  	s1 =	sor.u32 s13, s1;
	v24 =	vld [tilespmem:s4+$0x100]  }
0x317: {  	v34 =	vld [tilespmem:s4+$0x0]  }
0x318: {  	v31 =	vld [tilespmem:s3+$0x180]  }
0x319: {  	v35 =	vld [tilespmem:s5+$0x180]  }
0x31a: {  	v36 =	vld [tilespmem:s5+$0x80]  }
0x31b: {  	v37 =	vld [tilespmem:s5+$0x0]  }
0x31c: {  	v32 =	vld [tilespmem:s1+$0x80]  }
0x31d: {  	v38 =	vld [tilespmem:s3+$0x100]  }
0x31e: {  	v39 =	vld [tilespmem:s3+$0x80]  }
0x31f: {  	v41 =	vadd.s32 s0, v26;
	v40 =	vld [tilespmem:s3+$0x0]  }
0x320: {  	v43 =	vadd.s32 s0, v27;
	v42 =	vld [tilespmem:s1+$0x100]  }
0x321: {  	v45 =	vadd.s32 s0, v28;
	v44 =	vld [tilespmem:s1+$0x0]  }
0x322: {  	v47 =	vadd.s32 s6, v25;
	v46 =	vld [tilespmem:s1+$0x180]  }
0x323: {  	v48 =	vadd.s32 s6, v26;
	v29 =	vld [tilespmem:s4+$0x180]  }
0x324: {  	[tilespmem:v30+s2+$0x0] =	vst.idx.add.f32.msk $0xffff, v40;
	v30 =	vadd.s32 s6, v27  }
0x325: {  	[tilespmem:v41+s2+$0x0] =	vst.idx.add.f32.msk $0xffff, v39;
	v39 =	vadd.s32 s6, v28  }
0x326: {  	[tilespmem:v43+s2+$0x0] =	vst.idx.add.f32.msk $0xffff, v38;
	v38 =	vadd.s32 s26, v25  }
0x327: {  	v40 =	vadd.s32 s26, v26;
	[tilespmem:v45+s2+$0x0] =	vst.idx.add.f32.msk $0xffff, v31  }
0x328: {  	v41 =	vadd.s32 s26, v27;
	[tilespmem:v47+s2+$0x0] =	vst.idx.add.f32.msk $0xffff, v44  }
0x329: {  	v43 =	vadd.s32 s26, v28;
	[tilespmem:v48+s2+$0x0] =	vst.idx.add.f32.msk $0xffff, v32  }
0x32a: {  	[tilespmem:v30+s2+$0x0] =	vst.idx.add.f32.msk $0xffff, v42;
	v42 =	vadd.s32 s24, v25  }
0x32b: {  	v32 =	vadd.s32 s24, v26;
	[tilespmem:v39+s2+$0x0] =	vst.idx.add.f32.msk $0xffff, v46  }
.Ltmp15:
0x32c: {  	v31 =	vadd.s32 s24, v27;
	[tilespmem:v38+s2+$0x0] =	vst.idx.add.f32.msk $0xffff, v37;
	(pc) =	sbr.rel @p1 .LBB2_19-.Ltmp15, $4  }
0x32d: {  	v30 =	vadd.s32 s24, v28;
	[tilespmem:v40+s2+$0x0] =	vst.idx.add.f32.msk $0xffff, v36  }
0x32e: {  	[tilespmem:v41+s2+$0x0] =	vst.idx.add.f32.msk $0xffff, v33  }
0x32f: {  	[tilespmem:v43+s2+$0x0] =	vst.idx.add.f32.msk $0xffff, v35  }
0x330: {  	s23 =	sadd.s32 $0x200, s23;
	s28 =	smov.u32 s25;
	[tilespmem:v42+s2+$0x0] =	vst.idx.add.f32.msk $0xffff, v34  }
0x331: {  	_ =	sdelay $0x1  }
0x332: {  	s26 =	simm.s32 $0x0  }
0x333: {  	s1 =	sand.u32 $0x3, s26  }
0x334: {  	[tilespmem:v32+s2+$0x0] =	vst.idx.add.f32.msk $0xffff, v23;
	p1 =	por $0x0, $0x0;
	s3 =	simm.s32 $0x1;
	s1 =	sshll.u32 s1, $0x5  }
0x335: {  	s0 =	sor.u32 $0x4, s22;
	[tilespmem:v31+s2+$0x0] =	vst.idx.add.f32.msk $0xffff, v24;
	s3 =	simm.s32 @!p1 $0x0;
	s1 =	sadd.s32 $0x20, s1  }
0x336: {  	s23 =	sor.u32 $0x5, s22;
	v25 =	vmov s0;
	[tilespmem:v30+s2+$0x0] =	vst.idx.add.f32.msk $0xffff, v29;
	s3 =	sshll.u32 s3, $0x6;
	s4 =	sor.u32 $0x380, s1  }
0x337: {  	s24 =	sor.u32 $0x6, s22;
	v26 =	vmov s23;
	v25 =	vand.u32 $0xFFFFFFF4, v25;
	s3 =	sadd.s32 $0x0, s3;
	s5 =	sor.u32 $0x300, s1;
	v35 =	vld [tilespmem:s4+$0x15B00]  }
0x338: {  	s25 =	sor.u32 $0x7, s22;
	v27 =	vmov s24;
	v26 =	vand.u32 $0xFFFFFFF5, v26;
	v25 =	vbroadcast v25, $0x0;
	s30 =	sor.u32 $0x280, s3;
	v31 =	vld [tilespmem:s5+$0x15B00]  }
0x339: {  	v28 =	vmov s25;
	v27 =	vand.u32 $0xFFFFFFF6, v27;
	v26 =	vbroadcast v26, $0x0;
	s31 =	sor.u32 $0x380, s3;
	v33 =	vld [tilespmem:s30+$0x15B00]  }
0x33a: {  	v28 =	vand.u32 $0xFFFFFFF7, v28;
	v27 =	vbroadcast v27, $0x0;
	s14 =	sor.u32 $0x280, s1;
	v34 =	vld [tilespmem:s31+$0x15B00]  }
0x33b: {  	v23 =	vbroadcast v28, $0x0;
	s23 =	sor.u32 $0x300, s3;
	v36 =	vld [tilespmem:s14+$0x15B00]  }
0x33c: {  	s3 =	sor.u32 $0x200, s3;
	v39 =	vld [tilespmem:s23+$0x15B00]  }
0x33d: {  	v41 =	vld [tilespmem:s3+$0x15B00]  }
0x33e: {  	s0 =	sand.u32 $0x7, s26;
	v24 =	vld.idx.msk [tilespmem:v25+s16+$0x0], $0xffff  }
0x33f: {  	s0 =	sshll.u32 s0, $0x4;
	v25 =	vld.idx.msk [tilespmem:v26+s16+$0x0], $0xffff  }
0x340: {  	s0 =	sadd.s32 $0x0, s0;
	v26 =	vld.idx.msk [tilespmem:v27+s16+$0x0], $0xffff  }
0x341: {  	s6 =	sadd.s32 $0x10, s0;
	s1 =	sor.u32 $0x200, s1;
	v27 =	vld.idx.msk [tilespmem:v23+s16+$0x0], $0xffff  }
0x342: {  	s29 =	sor.u32 $0x380, s6;
	v47 =	vld [tilespmem:s1+$0x15B00]  }
0x343: {  	s15 =	sor.u32 $0x200, s6;
	v32 =	vld [tilespmem:s29+$0x15B00];
	v24 =	vmul.u32 $0x700, v24  }
0x344: {  	s0 =	sadd.s32 $0x30, s0;
	s17 =	sor.u32 $0x280, s6;
	v37 =	vld [tilespmem:s15+$0x15B00];
	v25 =	vmul.u32 $0x700, v25  }
0x345: {  	s24 =	simm.s32 $0x0;
	s19 =	sor.u32 $0x200, s0;
	v38 =	vld [tilespmem:s17+$0x15B00];
	v26 =	vmul.u32 $0x700, v26;
	v24 =	vor.u32 v1, v24  }
0x346: {  	s25 =	sor.u32 $0x300, s6;
	v28 =	vld [tilespmem:s19+$0x15B00];
	v27 =	vmul.u32 $0x700, v27;
	v25 =	vor.u32 v1, v25;
	v40 =	vadd.s32 s24, v24  }
0x347: {  	s26 =	sor.u32 $0x300, s0;
	v43 =	vld [tilespmem:s25+$0x15B00];
	v26 =	vor.u32 v1, v26;
	v42 =	vadd.s32 s24, v25  }
0x348: {  	s13 =	sor.u32 $0x380, s0;
	s0 =	sor.u32 $0x280, s0;
	v29 =	vld [tilespmem:s26+$0x15B00];
	v27 =	vor.u32 v1, v27;
	v44 =	vadd.s32 s24, v26  }
0x349: {  	s29 =	simm.s32 $0x10;
	v30 =	vld [tilespmem:s0+$0x15B00];
	v45 =	vadd.s32 s24, v27  }
0x34a: {  	v23 =	vld [tilespmem:s13+$0x15B00];
	v46 =	vadd.s32 s29, v24  }
0x34b: {  	v48 =	vadd.s32 s29, v25;
	[tilespmem:v40+s2+$0x0] =	vst.idx.add.f32.msk $0xffff, v41  }
0x34c: {  	v58 =	vadd.s32 s29, v26;
	[tilespmem:v42+s2+$0x0] =	vst.idx.add.f32.msk $0xffff, v33  }
0x34d: {  	s30 =	simm.s32 $0x20;
	v59 =	vadd.s32 s29, v27;
	[tilespmem:v44+s2+$0x0] =	vst.idx.add.f32.msk $0xffff, v39  }
0x34e: {  	v60 =	vadd.s32 s30, v24;
	[tilespmem:v45+s2+$0x0] =	vst.idx.add.f32.msk $0xffff, v34  }
0x34f: {  	v61 =	vadd.s32 s30, v25;
	[tilespmem:v46+s2+$0x0] =	vst.idx.add.f32.msk $0xffff, v37  }
0x350: {  	v62 =	vadd.s32 s30, v26;
	[tilespmem:v48+s2+$0x0] =	vst.idx.add.f32.msk $0xffff, v38  }
0x351: {  	v63 =	vadd.s32 s30, v27;
	[tilespmem:v58+s2+$0x0] =	vst.idx.add.f32.msk $0xffff, v43  }
0x352: {  	s31 =	simm.s32 $0x30;
	[tilespmem:v59+s2+$0x0] =	vst.idx.add.f32.msk $0xffff, v32  }
0x353: {  	v34 =	vadd.s32 s31, v24;
	[tilespmem:v60+s2+$0x0] =	vst.idx.add.f32.msk $0xffff, v47  }
0x354: {  	v33 =	vadd.s32 s31, v25;
	[tilespmem:v61+s2+$0x0] =	vst.idx.add.f32.msk $0xffff, v36  }
0x355: {  	s28 =	simm.s32 $0x2;
	p1 =	por !p1, !p1;
	s23 =	simm.s32 $0x70;
	v32 =	vadd.s32 s31, v26;
	[tilespmem:v62+s2+$0x0] =	vst.idx.add.f32.msk $0xffff, v31  }
0x356: {  	s25 =	simm.s32 $0x220;
	s26 =	simm.s32 $0x4;
	s24 =	simm.s32 $0x200;
	v31 =	vadd.s32 s31, v27;
	[tilespmem:v63+s2+$0x0] =	vst.idx.add.f32.msk $0xffff, v35  }
.LBB2_21:
0x357: {  	s3 =	simm.s32 $0x1  }
0x358: {  	s0 =	sand.u32 $0x7, s26;
	s1 =	sand.u32 $0x3, s28;
	[tilespmem:v34+s2+$0x0] =	vst.idx.add.f32.msk $0xffff, v28;
	s3 =	simm.s32 @!p1 $0x0  }
0x359: {  	s0 =	sshll.u32 s0, $0x4;
	s1 =	sshll.u32 s1, $0x5;
	s3 =	sshll.u32 s3, $0x6;
	[tilespmem:v33+s2+$0x0] =	vst.idx.add.f32.msk $0xffff, v30  }
0x35a: {  	s0 =	sadd.s32 s0, s24;
	s1 =	sadd.s32 s1, s25;
	s3 =	sadd.s32 s3, s24;
	[tilespmem:v32+s2+$0x0] =	vst.idx.add.f32.msk $0xffff, v29  }
0x35b: {  	s5 =	sor.u32 $0x300, s1;
	s6 =	sor.u32 $0x380, s1;
	s4 =	sor.u32 $0x380, s3;
	[tilespmem:v31+s2+$0x0] =	vst.idx.add.f32.msk $0xffff, v23  }
0x35c: {  	s14 =	sadd.s32 $0x10, s0;
	s0 =	sadd.s32 $0x30, s0;
	s13 =	sor.u32 $0x280, s3;
	v35 =	vld [tilespmem:s6+$0x15B00]  }
0x35d: {  	s15 =	sor.u32 $0x280, s1;
	s6 =	sor.u32 $0x380, s14;
	v36 =	vld [tilespmem:s5+$0x15B00];
	s5 =	sor.u32 $0x200, s0  }
0x35e: {  	s1 =	sor.u32 $0x200, s1;
	s17 =	sor.u32 $0x300, s3;
	s19 =	sor.u32 $0x280, s14;
	v31 =	vld [tilespmem:s6+$0x15B00]  }
0x35f: {  	s29 =	sor.u32 $0x300, s0;
	s6 =	sor.u32 $0x300, s14;
	v32 =	vld [tilespmem:s13+$0x15B00];
	s13 =	sor.u32 $0x280, s0  }
0x360: {  	p2 =	sne.s32 s23, $0x6F0;
	s0 =	sor.u32 $0x380, s0;
	v33 =	vld [tilespmem:s4+$0x15B00];
	s4 =	sor.u32 $0x200, s14  }
0x361: {  	s14 =	sadd.s32 $0xFFFFFFD0, s23;
	v23 =	vld [tilespmem:s0+$0x15B00];
	s0 =	smov.u32 s23;
	s23 =	sadd.s32 $0x40, s23  }
0x362: {  	v34 =	vadd.s32 s14, v24;
	v37 =	vld [tilespmem:s15+$0x15B00]  }
0x363: {  	v38 =	vld [tilespmem:s4+$0x15B00]  }
0x364: {  	v39 =	vld [tilespmem:s19+$0x15B00]  }
0x365: {  	s3 =	sor.u32 $0x200, s3;
	v28 =	vld [tilespmem:s5+$0x15B00]  }
0x366: {  	v40 =	vld [tilespmem:s17+$0x15B00]  }
0x367: {  	v42 =	vadd.s32 s14, v25;
	v41 =	vld [tilespmem:s3+$0x15B00]  }
0x368: {  	v44 =	vadd.s32 s14, v26;
	v43 =	vld [tilespmem:s6+$0x15B00]  }
0x369: {  	v45 =	vadd.s32 s14, v27;
	s3 =	sadd.s32 $0xFFFFFFE0, s0;
	v29 =	vld [tilespmem:s29+$0x15B00]  }
0x36a: {  	v46 =	vadd.s32 s3, v24;
	v30 =	vld [tilespmem:s13+$0x15B00]  }
0x36b: {  	v48 =	vadd.s32 s3, v25;
	v47 =	vld [tilespmem:s1+$0x15B00]  }
0x36c: {  	[tilespmem:v34+s2+$0x0] =	vst.idx.add.f32.msk $0xffff, v41;
	v34 =	vadd.s32 s3, v26  }
0x36d: {  	s1 =	sadd.s32 $0xFFFFFFF0, s0;
	[tilespmem:v42+s2+$0x0] =	vst.idx.add.f32.msk $0xffff, v32;
	v32 =	vadd.s32 s3, v27  }
0x36e: {  	[tilespmem:v44+s2+$0x0] =	vst.idx.add.f32.msk $0xffff, v40;
	v40 =	vadd.s32 s1, v24  }
0x36f: {  	v41 =	vadd.s32 s1, v25;
	[tilespmem:v45+s2+$0x0] =	vst.idx.add.f32.msk $0xffff, v33  }
0x370: {  	[tilespmem:v46+s2+$0x0] =	vst.idx.add.f32.msk $0xffff, v38;
	v38 =	vadd.s32 s1, v26  }
0x371: {  	[tilespmem:v48+s2+$0x0] =	vst.idx.add.f32.msk $0xffff, v39;
	v39 =	vadd.s32 s1, v27  }
0x372: {  	[tilespmem:v34+s2+$0x0] =	vst.idx.add.f32.msk $0xffff, v43;
	v34 =	vadd.s32 s0, v24  }
.Ltmp16:
0x373: {  	v33 =	vadd.s32 s0, v25;
	[tilespmem:v32+s2+$0x0] =	vst.idx.add.f32.msk $0xffff, v31;
	(pc) =	sbr.rel @p2 .LBB2_21-.Ltmp16, $4  }
0x374: {  	v32 =	vadd.s32 s0, v26;
	[tilespmem:v40+s2+$0x0] =	vst.idx.add.f32.msk $0xffff, v47  }
0x375: {  	v31 =	vadd.s32 s0, v27;
	[tilespmem:v41+s2+$0x0] =	vst.idx.add.f32.msk $0xffff, v37  }
0x376: {  	s25 =	sadd.s32 $0x200, s25;
	s24 =	sadd.s32 $0x200, s24;
	[tilespmem:v38+s2+$0x0] =	vst.idx.add.f32.msk $0xffff, v36  }
0x377: {  	s26 =	sadd.s32 $0x4, s26;
	s28 =	sadd.s32 $0x2, s28;
	p1 =	por !p1, !p1;
	[tilespmem:v39+s2+$0x0] =	vst.idx.add.f32.msk $0xffff, v35  }
0x378: {  	_ =	sdelay $0x3  }
0x379: {  	s0 =	sor.u32 $0x8, s22;
	[tilespmem:v34+s2+$0x0] =	vst.idx.add.f32.msk $0xffff, v28;
	s29 =	simm.s32 $0x0  }
0x37a: {  	s1 =	simm.s32 $0x0;
	v24 =	vmov s0;
	[tilespmem:v33+s2+$0x0] =	vst.idx.add.f32.msk $0xffff, v30;
	s0 =	sand.u32 $0x3C00, s29  }
0x37b: {  	s24 =	simm.s32 $0x30;
	s3 =	sand.u32 $0x40, s1;
	[tilespmem:v32+s2+$0x0] =	vst.idx.add.f32.msk $0xffff, v29;
	s4 =	sadd.s32 $0x19300, s0  }
0x37c: {  	s25 =	sor.u32 $0x9, s22;
	s5 =	sand.u32 $0x70, s24;
	[tilespmem:v31+s2+$0x0] =	vst.idx.add.f32.msk $0xffff, v23;
	s6 =	sor.u32 s3, s4  }
0x37d: {  	s26 =	sor.u32 $0xA, s22;
	v25 =	vmov s25;
	v24 =	vand.u32 $0xFFFFFFF8, v24;
	s13 =	sadd.s32 $0x19380, s0;
	s14 =	sor.u32 s5, s4;
	v32 =	vld [tilespmem:s6+$0x0]  }
0x37e: {  	s28 =	sor.u32 $0xB, s22;
	v26 =	vmov s26;
	v25 =	vand.u32 $0xFFFFFFF9, v25;
	v24 =	vbroadcast v24, $0x0;
	s30 =	sor.u32 s3, s13;
	v33 =	vld [tilespmem:s14+$0x0]  }
0x37f: {  	v27 =	vmov s28;
	v26 =	vand.u32 $0xFFFFFFFA, v26;
	s31 =	sadd.s32 $0x19400, s0;
	s0 =	sadd.s32 $0x19480, s0;
	v25 =	vbroadcast v25, $0x0;
	s15 =	sor.u32 s5, s13;
	v34 =	vld [tilespmem:s30+$0x0]  }
0x380: {  	s25 =	simm.s32 $0x10;
	v27 =	vand.u32 $0xFFFFFFFB, v27;
	v26 =	vbroadcast v26, $0x0;
	s19 =	sor.u32 s3, s0;
	v23 =	vld [tilespmem:s15+$0x0]  }
0x381: {  	s26 =	sand.u32 $0x50, s25;
	v27 =	vbroadcast v27, $0x0;
	s3 =	sor.u32 s3, s31;
	v35 =	vld [tilespmem:s19+$0x0]  }
0x382: {  	s29 =	sor.u32 s26, s13;
	v36 =	vld [tilespmem:s3+$0x0]  }
0x383: {  	v43 =	vld [tilespmem:s29+$0x0]  }
0x384: {  	v28 =	vld.idx.msk [tilespmem:v24+s16+$0x0], $0xffff  }
0x385: {  	v29 =	vld.idx.msk [tilespmem:v25+s16+$0x0], $0xffff  }
0x386: {  	s6 =	simm.s32 $0x20;
	v30 =	vld.idx.msk [tilespmem:v26+s16+$0x0], $0xffff  }
0x387: {  	s30 =	sor.u32 s26, s4;
	s23 =	sand.u32 $0x60, s6;
	v31 =	vld.idx.msk [tilespmem:v27+s16+$0x0], $0xffff  }
0x388: {  	v45 =	vld [tilespmem:s30+$0x0];
	s19 =	sor.u32 s23, s4  }
0x389: {  	s14 =	sor.u32 s23, s31;
	v38 =	vld [tilespmem:s19+$0x0];
	v26 =	vmul.u32 $0x700, v28  }
0x38a: {  	s17 =	sor.u32 s5, s31;
	s28 =	sor.u32 s26, s31;
	s31 =	sor.u32 s23, s13;
	v39 =	vld [tilespmem:s14+$0x0];
	v27 =	vmul.u32 $0x700, v29  }
0x38b: {  	v47 =	vld [tilespmem:s31+$0x0];
	v28 =	vmul.u32 $0x700, v30;
	v26 =	vor.u32 v1, v26  }
0x38c: {  	s5 =	sor.u32 s5, s0;
	v24 =	vld [tilespmem:s17+$0x0];
	v29 =	vmul.u32 $0x700, v31;
	v27 =	vor.u32 v1, v27;
	v31 =	vadd.s32 s1, v26  }
0x38d: {  	v25 =	vld [tilespmem:s5+$0x0];
	s17 =	sor.u32 s23, s0;
	v28 =	vor.u32 v1, v28;
	v40 =	vadd.s32 s1, v27  }
0x38e: {  	s0 =	sor.u32 s26, s0;
	v37 =	vld [tilespmem:s17+$0x0];
	v29 =	vor.u32 v1, v29;
	v42 =	vadd.s32 s1, v28  }
0x38f: {  	v41 =	vld [tilespmem:s0+$0x0];
	v44 =	vadd.s32 s1, v29  }
0x390: {  	v30 =	vld [tilespmem:s28+$0x0];
	v46 =	vadd.s32 s25, v26  }
0x391: {  	v48 =	vadd.s32 s25, v27;
	[tilespmem:v31+s2+$0x0] =	vst.idx.add.f32.msk $0xffff, v32  }
0x392: {  	v31 =	vadd.s32 s25, v28;
	[tilespmem:v40+s2+$0x0] =	vst.idx.add.f32.msk $0xffff, v34  }
0x393: {  	v58 =	vadd.s32 s25, v29;
	[tilespmem:v42+s2+$0x0] =	vst.idx.add.f32.msk $0xffff, v36  }
0x394: {  	v59 =	vadd.s32 s6, v26;
	[tilespmem:v44+s2+$0x0] =	vst.idx.add.f32.msk $0xffff, v35  }
0x395: {  	v60 =	vadd.s32 s6, v27;
	[tilespmem:v46+s2+$0x0] =	vst.idx.add.f32.msk $0xffff, v45  }
0x396: {  	v61 =	vadd.s32 s6, v28;
	[tilespmem:v48+s2+$0x0] =	vst.idx.add.f32.msk $0xffff, v43  }
0x397: {  	v62 =	vadd.s32 s6, v29;
	[tilespmem:v31+s2+$0x0] =	vst.idx.add.f32.msk $0xffff, v30  }
0x398: {  	v63 =	vadd.s32 s24, v26;
	[tilespmem:v58+s2+$0x0] =	vst.idx.add.f32.msk $0xffff, v41  }
0x399: {  	[tilespmem:v59+s2+$0x0] =	vst.idx.add.f32.msk $0xffff, v38  }
0x39a: {  	v32 =	vadd.s32 s24, v27;
	[tilespmem:v60+s2+$0x0] =	vst.idx.add.f32.msk $0xffff, v47  }
0x39b: {  	v31 =	vadd.s32 s24, v28;
	[tilespmem:v61+s2+$0x0] =	vst.idx.add.f32.msk $0xffff, v39  }
0x39c: {  	v30 =	vadd.s32 s24, v29;
	[tilespmem:v62+s2+$0x0] =	vst.idx.add.f32.msk $0xffff, v37  }
0x39d: {  	s23 =	simm.s32 $0x70;
	s24 =	simm.s32 $0x200;
	[tilespmem:v63+s2+$0x0] =	vst.idx.add.f32.msk $0xffff, v33  }
.LBB2_23:
0x39e: {  	s29 =	sadd.s32 $0xFFFFFFD0, s23  }
0x39f: {  	s0 =	sand.u32 $0x3C00, s24;
	s26 =	sadd.s32 $0xFFFFFFE0, s23;
	[tilespmem:v32+s2+$0x0] =	vst.idx.add.f32.msk $0xffff, v23;
	s25 =	smov.u32 s23  }
0x3a0: {  	s4 =	sand.u32 $0x70, s23;
	s1 =	sand.u32 $0x40, s29;
	s3 =	sadd.s32 $0x19300, s0;
	[tilespmem:v31+s2+$0x0] =	vst.idx.add.f32.msk $0xffff, v24  }
0x3a1: {  	s6 =	sadd.s32 $0x19380, s0;
	s5 =	sor.u32 s1, s3;
	s13 =	sor.u32 s4, s3;
	[tilespmem:v30+s2+$0x0] =	vst.idx.add.f32.msk $0xffff, v25  }
0x3a2: {  	s14 =	sadd.s32 $0x19400, s0;
	s15 =	sor.u32 s4, s6;
	v30 =	vld [tilespmem:s5+$0x0];
	s5 =	sor.u32 s1, s6  }
0x3a3: {  	s28 =	sadd.s32 $0xFFFFFFF0, s23;
	s0 =	sadd.s32 $0x19480, s0;
	s17 =	sand.u32 $0x50, s26;
	v33 =	vld [tilespmem:s13+$0x0]  }
0x3a4: {  	v32 =	vadd.s32 s29, v28;
	s19 =	sor.u32 s4, s14;
	s13 =	sand.u32 $0x60, s28;
	v31 =	vld [tilespmem:s5+$0x0];
	s5 =	sor.u32 s1, s0  }
0x3a5: {  	s30 =	sor.u32 s17, s0;
	s31 =	sor.u32 s13, s0;
	s0 =	sor.u32 s4, s0;
	v23 =	vld [tilespmem:s15+$0x0]  }
0x3a6: {  	s1 =	sor.u32 s1, s14;
	s4 =	sor.u32 s17, s3;
	s15 =	sor.u32 s17, s6;
	v24 =	vld [tilespmem:s19+$0x0]  }
0x3a7: {  	s3 =	sor.u32 s13, s3;
	s17 =	sor.u32 s17, s14;
	s14 =	sor.u32 s13, s14;
	v25 =	vld [tilespmem:s0+$0x0]  }
0x3a8: {  	p1 =	sne.s32 s23, $0x6F0;
	s23 =	sadd.s32 $0x40, s23;
	s0 =	sor.u32 s13, s6;
	v34 =	vld [tilespmem:s5+$0x0]  }
0x3a9: {  	v35 =	vld [tilespmem:s1+$0x0]  }
0x3aa: {  	v36 =	vld [tilespmem:s31+$0x0]  }
0x3ab: {  	v37 =	vld [tilespmem:s3+$0x0]  }
0x3ac: {  	v39 =	vadd.s32 s29, v26;
	v38 =	vld [tilespmem:s17+$0x0]  }
0x3ad: {  	v41 =	vadd.s32 s29, v27;
	v40 =	vld [tilespmem:s14+$0x0]  }
0x3ae: {  	v42 =	vld [tilespmem:s30+$0x0]  }
0x3af: {  	v44 =	vadd.s32 s29, v29;
	v43 =	vld [tilespmem:s15+$0x0]  }
0x3b0: {  	v46 =	vadd.s32 s26, v26;
	v45 =	vld [tilespmem:s4+$0x0]  }
0x3b1: {  	v48 =	vadd.s32 s26, v27;
	v47 =	vld [tilespmem:s0+$0x0]  }
0x3b2: {  	[tilespmem:v39+s2+$0x0] =	vst.idx.add.f32.msk $0xffff, v30;
	v30 =	vadd.s32 s26, v28  }
0x3b3: {  	[tilespmem:v41+s2+$0x0] =	vst.idx.add.f32.msk $0xffff, v31;
	v31 =	vadd.s32 s26, v29  }
0x3b4: {  	[tilespmem:v32+s2+$0x0] =	vst.idx.add.f32.msk $0xffff, v35;
	v35 =	vadd.s32 s28, v26  }
0x3b5: {  	[tilespmem:v44+s2+$0x0] =	vst.idx.add.f32.msk $0xffff, v34;
	v34 =	vadd.s32 s28, v27  }
0x3b6: {  	v39 =	vadd.s32 s28, v28;
	[tilespmem:v46+s2+$0x0] =	vst.idx.add.f32.msk $0xffff, v45  }
0x3b7: {  	v41 =	vadd.s32 s28, v29;
	[tilespmem:v48+s2+$0x0] =	vst.idx.add.f32.msk $0xffff, v43  }
0x3b8: {  	[tilespmem:v30+s2+$0x0] =	vst.idx.add.f32.msk $0xffff, v38;
	v38 =	vadd.s32 s25, v26  }
0x3b9: {  	v32 =	vadd.s32 s25, v27;
	[tilespmem:v31+s2+$0x0] =	vst.idx.add.f32.msk $0xffff, v42  }
.Ltmp17:
0x3ba: {  	v31 =	vadd.s32 s25, v28;
	[tilespmem:v35+s2+$0x0] =	vst.idx.add.f32.msk $0xffff, v37;
	(pc) =	sbr.rel @p1 .LBB2_23-.Ltmp17, $4  }
0x3bb: {  	v30 =	vadd.s32 s25, v29;
	[tilespmem:v34+s2+$0x0] =	vst.idx.add.f32.msk $0xffff, v47  }
0x3bc: {  	[tilespmem:v39+s2+$0x0] =	vst.idx.add.f32.msk $0xffff, v40  }
0x3bd: {  	[tilespmem:v41+s2+$0x0] =	vst.idx.add.f32.msk $0xffff, v36  }
0x3be: {  	s24 =	sadd.s32 $0x200, s24;
	[tilespmem:v38+s2+$0x0] =	vst.idx.add.f32.msk $0xffff, v33  }
0x3bf: {  	_ =	sdelay $0x2  }
0x3c0: {  	s0 =	sor.u32 $0xC, s22;
	s29 =	simm.s32 $0x0  }
0x3c1: {  	[tilespmem:v32+s2+$0x0] =	vst.idx.add.f32.msk $0xffff, v23;
	s1 =	simm.s32 $0x0;
	v26 =	vmov s0;
	s0 =	sand.u32 $0x3C00, s29  }
0x3c2: {  	s23 =	simm.s32 $0x30;
	[tilespmem:v31+s2+$0x0] =	vst.idx.add.f32.msk $0xffff, v24;
	s3 =	sand.u32 $0x40, s1;
	s4 =	sadd.s32 $0x19500, s0  }
0x3c3: {  	s25 =	sor.u32 $0xD, s22;
	s5 =	sand.u32 $0x70, s23;
	[tilespmem:v30+s2+$0x0] =	vst.idx.add.f32.msk $0xffff, v25;
	s6 =	sor.u32 s3, s4  }
0x3c4: {  	s26 =	sor.u32 $0xE, s22;
	v27 =	vmov s25;
	v26 =	vand.u32 $0xFFFFFFFC, v26;
	s13 =	sadd.s32 $0x19580, s0;
	s14 =	sor.u32 s5, s4;
	v31 =	vld [tilespmem:s6+$0x0]  }
0x3c5: {  	v28 =	vmov s26;
	v27 =	vand.u32 $0xFFFFFFFD, v27;
	s31 =	sadd.s32 $0x19600, s0;
	s0 =	sadd.s32 $0x19680, s0;
	v26 =	vbroadcast v26, $0x0;
	s30 =	sor.u32 s3, s13;
	v33 =	vld [tilespmem:s14+$0x0]  }
0x3c6: {  	s28 =	sor.u32 $0xF, s22;
	s25 =	simm.s32 $0x10;
	v28 =	vand.u32 $0xFFFFFFFE, v28;
	v27 =	vbroadcast v27, $0x0;
	s22 =	sor.u32 s3, s0;
	v32 =	vld [tilespmem:s30+$0x0]  }
0x3c7: {  	s26 =	sand.u32 $0x50, s25;
	v28 =	vbroadcast v28, $0x0;
	s3 =	sor.u32 s3, s31;
	v34 =	vld [tilespmem:s22+$0x0]  }
0x3c8: {  	v23 =	vmov s28;
	s28 =	sor.u32 s26, s31;
	v35 =	vld [tilespmem:s3+$0x0]  }
0x3c9: {  	s29 =	sor.u32 s26, s13;
	v38 =	vld [tilespmem:s28+$0x0]  }
0x3ca: {  	v43 =	vld [tilespmem:s29+$0x0]  }
0x3cb: {  	v24 =	vld.idx.msk [tilespmem:v26+s16+$0x0], $0xffff  }
0x3cc: {  	v25 =	vld.idx.msk [tilespmem:v27+s16+$0x0], $0xffff  }
0x3cd: {  	s6 =	simm.s32 $0x20;
	v29 =	vld.idx.msk [tilespmem:v28+s16+$0x0], $0xffff  }
0x3ce: {  	s30 =	sor.u32 s26, s4;
	s24 =	sand.u32 $0x60, s6;
	v30 =	vld.idx.msk [tilespmem:v23+s16+$0x0], $0xffff  }
0x3cf: {  	v45 =	vld [tilespmem:s30+$0x0];
	s17 =	sor.u32 s24, s0  }
0x3d0: {  	s15 =	sor.u32 s5, s13;
	s14 =	sor.u32 s24, s31;
	v36 =	vld [tilespmem:s17+$0x0];
	v23 =	vmul.u32 $0x700, v24  }
0x3d1: {  	s19 =	sor.u32 s5, s31;
	s5 =	sor.u32 s5, s0;
	s0 =	sor.u32 s26, s0;
	v39 =	vld [tilespmem:s14+$0x0];
	v24 =	vmul.u32 $0x700, v25  }
0x3d2: {  	s31 =	sor.u32 s24, s13;
	v41 =	vld [tilespmem:s0+$0x0];
	v25 =	vmul.u32 $0x700, v29;
	v23 =	vor.u32 v1, v23  }
0x3d3: {  	v47 =	vld [tilespmem:s31+$0x0];
	v29 =	vmul.u32 $0x700, v30;
	v24 =	vor.u32 v1, v24;
	v30 =	vadd.s32 s1, v23  }
0x3d4: {  	v26 =	vld [tilespmem:s15+$0x0];
	v25 =	vor.u32 v1, v25;
	v40 =	vadd.s32 s1, v24  }
0x3d5: {  	v27 =	vld [tilespmem:s19+$0x0];
	v29 =	vor.u32 v1, v29;
	v42 =	vadd.s32 s1, v25  }
0x3d6: {  	v28 =	vld [tilespmem:s5+$0x0];
	s19 =	sor.u32 s24, s4;
	v44 =	vadd.s32 s1, v29  }
0x3d7: {  	v37 =	vld [tilespmem:s19+$0x0];
	v46 =	vadd.s32 s25, v23  }
0x3d8: {  	v48 =	vadd.s32 s25, v24;
	[tilespmem:v30+s2+$0x0] =	vst.idx.add.f32.msk $0xffff, v31  }
0x3d9: {  	v30 =	vadd.s32 s25, v25;
	[tilespmem:v40+s2+$0x0] =	vst.idx.add.f32.msk $0xffff, v32  }
0x3da: {  	v31 =	vadd.s32 s25, v29;
	[tilespmem:v42+s2+$0x0] =	vst.idx.add.f32.msk $0xffff, v35  }
0x3db: {  	v59 =	vadd.s32 s6, v23;
	[tilespmem:v44+s2+$0x0] =	vst.idx.add.f32.msk $0xffff, v34  }
0x3dc: {  	v60 =	vadd.s32 s6, v24;
	[tilespmem:v46+s2+$0x0] =	vst.idx.add.f32.msk $0xffff, v45  }
0x3dd: {  	v61 =	vadd.s32 s6, v25;
	[tilespmem:v48+s2+$0x0] =	vst.idx.add.f32.msk $0xffff, v43  }
0x3de: {  	v62 =	vadd.s32 s6, v29;
	[tilespmem:v30+s2+$0x0] =	vst.idx.add.f32.msk $0xffff, v38  }
0x3df: {  	v63 =	vadd.s32 s23, v23;
	[tilespmem:v31+s2+$0x0] =	vst.idx.add.f32.msk $0xffff, v41  }
0x3e0: {  	[tilespmem:v59+s2+$0x0] =	vst.idx.add.f32.msk $0xffff, v37  }
0x3e1: {  	v32 =	vadd.s32 s23, v24;
	[tilespmem:v60+s2+$0x0] =	vst.idx.add.f32.msk $0xffff, v47  }
0x3e2: {  	v31 =	vadd.s32 s23, v25;
	[tilespmem:v61+s2+$0x0] =	vst.idx.add.f32.msk $0xffff, v39  }
0x3e3: {  	v30 =	vadd.s32 s23, v29;
	[tilespmem:v62+s2+$0x0] =	vst.idx.add.f32.msk $0xffff, v36  }
0x3e4: {  	s22 =	simm.s32 $0x70;
	s23 =	simm.s32 $0x200;
	[tilespmem:v63+s2+$0x0] =	vst.idx.add.f32.msk $0xffff, v33  }
.LBB2_25:
0x3e5: {  	s28 =	sadd.s32 $0xFFFFFFD0, s22  }
0x3e6: {  	s0 =	sand.u32 $0x3C00, s23;
	s25 =	sadd.s32 $0xFFFFFFE0, s22;
	[tilespmem:v32+s2+$0x0] =	vst.idx.add.f32.msk $0xffff, v26;
	s24 =	smov.u32 s22  }
0x3e7: {  	s4 =	sand.u32 $0x70, s22;
	s1 =	sand.u32 $0x40, s28;
	s3 =	sadd.s32 $0x19500, s0;
	[tilespmem:v31+s2+$0x0] =	vst.idx.add.f32.msk $0xffff, v27  }
0x3e8: {  	s6 =	sadd.s32 $0x19580, s0;
	s5 =	sor.u32 s1, s3;
	s13 =	sor.u32 s4, s3;
	[tilespmem:v30+s2+$0x0] =	vst.idx.add.f32.msk $0xffff, v28  }
0x3e9: {  	s14 =	sadd.s32 $0x19600, s0;
	s15 =	sor.u32 s4, s6;
	v30 =	vld [tilespmem:s5+$0x0];
	s5 =	sor.u32 s1, s6  }
0x3ea: {  	s26 =	sadd.s32 $0xFFFFFFF0, s22;
	s0 =	sadd.s32 $0x19680, s0;
	s17 =	sand.u32 $0x50, s25;
	v33 =	vld [tilespmem:s13+$0x0]  }
0x3eb: {  	v32 =	vadd.s32 s28, v25;
	s19 =	sor.u32 s4, s14;
	s13 =	sand.u32 $0x60, s26;
	v31 =	vld [tilespmem:s5+$0x0];
	s5 =	sor.u32 s1, s0  }
0x3ec: {  	s29 =	sor.u32 s17, s0;
	s30 =	sor.u32 s13, s0;
	s0 =	sor.u32 s4, s0;
	v26 =	vld [tilespmem:s15+$0x0]  }
0x3ed: {  	s1 =	sor.u32 s1, s14;
	s4 =	sor.u32 s17, s3;
	s15 =	sor.u32 s17, s6;
	v27 =	vld [tilespmem:s19+$0x0]  }
0x3ee: {  	s3 =	sor.u32 s13, s3;
	s17 =	sor.u32 s17, s14;
	s14 =	sor.u32 s13, s14;
	v28 =	vld [tilespmem:s0+$0x0]  }
0x3ef: {  	p1 =	sne.s32 s22, $0x6F0;
	s22 =	sadd.s32 $0x40, s22;
	s0 =	sor.u32 s13, s6;
	v34 =	vld [tilespmem:s5+$0x0]  }
0x3f0: {  	v35 =	vld [tilespmem:s1+$0x0]  }
0x3f1: {  	v36 =	vld [tilespmem:s30+$0x0]  }
0x3f2: {  	v37 =	vld [tilespmem:s3+$0x0]  }
0x3f3: {  	v39 =	vadd.s32 s28, v23;
	v38 =	vld [tilespmem:s17+$0x0]  }
0x3f4: {  	v41 =	vadd.s32 s28, v24;
	v40 =	vld [tilespmem:s14+$0x0]  }
0x3f5: {  	v42 =	vld [tilespmem:s29+$0x0]  }
0x3f6: {  	v44 =	vadd.s32 s28, v29;
	v43 =	vld [tilespmem:s15+$0x0]  }
0x3f7: {  	v46 =	vadd.s32 s25, v23;
	v45 =	vld [tilespmem:s4+$0x0]  }
0x3f8: {  	v48 =	vadd.s32 s25, v24;
	v47 =	vld [tilespmem:s0+$0x0]  }
0x3f9: {  	[tilespmem:v39+s2+$0x0] =	vst.idx.add.f32.msk $0xffff, v30;
	v30 =	vadd.s32 s25, v25  }
0x3fa: {  	[tilespmem:v41+s2+$0x0] =	vst.idx.add.f32.msk $0xffff, v31;
	v31 =	vadd.s32 s25, v29  }
0x3fb: {  	[tilespmem:v32+s2+$0x0] =	vst.idx.add.f32.msk $0xffff, v35;
	v35 =	vadd.s32 s26, v23  }
0x3fc: {  	[tilespmem:v44+s2+$0x0] =	vst.idx.add.f32.msk $0xffff, v34;
	v34 =	vadd.s32 s26, v24  }
0x3fd: {  	v39 =	vadd.s32 s26, v25;
	[tilespmem:v46+s2+$0x0] =	vst.idx.add.f32.msk $0xffff, v45  }
0x3fe: {  	v41 =	vadd.s32 s26, v29;
	[tilespmem:v48+s2+$0x0] =	vst.idx.add.f32.msk $0xffff, v43  }
0x3ff: {  	[tilespmem:v30+s2+$0x0] =	vst.idx.add.f32.msk $0xffff, v38;
	v38 =	vadd.s32 s24, v23  }
0x400: {  	v32 =	vadd.s32 s24, v24;
	[tilespmem:v31+s2+$0x0] =	vst.idx.add.f32.msk $0xffff, v42  }
.Ltmp18:
0x401: {  	v31 =	vadd.s32 s24, v25;
	[tilespmem:v35+s2+$0x0] =	vst.idx.add.f32.msk $0xffff, v37;
	(pc) =	sbr.rel @p1 .LBB2_25-.Ltmp18, $4  }
0x402: {  	v30 =	vadd.s32 s24, v29;
	[tilespmem:v34+s2+$0x0] =	vst.idx.add.f32.msk $0xffff, v47  }
0x403: {  	[tilespmem:v39+s2+$0x0] =	vst.idx.add.f32.msk $0xffff, v40  }
0x404: {  	[tilespmem:v41+s2+$0x0] =	vst.idx.add.f32.msk $0xffff, v36  }
0x405: {  	s23 =	sadd.s32 $0x200, s23;
	[tilespmem:v38+s2+$0x0] =	vst.idx.add.f32.msk $0xffff, v33  }
.Ltmp19:
0x406: {  	_ = 	snop;
	(pc) =	sbr.rel .LBB2_26-.Ltmp19, $1  }
0x407: {  	_ =	sdelay $0x3  }
.LBB2_30:
0x408: {  	_ =	sfence.sel $0x180000  }
0x409: {  	[bflag:$0x0] =	sbarrier.arrive $0xFFFF  }
0x40a: {  	_ =	strace $0x90000047  }
0x40b: {  	s0 =	stileid.u32;
	[bflag:$0x2] =	sbarrier.arrive $0xFFFF  }
0x40c: {  	p0 =	sne.s32 s0, $0x0;
	s0 =	rddreg [dreg:$0x3]  }
0x40d: {  	s0 =	sadd.s32 @!p0 $0x100000, s0  }
0x40e: {  	[sflag:s0] =	ssyncadd.tile.s32 @!p0 $0x1;
	_ =	shalt  }
.Lfunc_end2:
_tile_overlayer_lowered:
.L_overlay_start_2:
0x40f: {  	(tag) =	ssettag $0x2  }
0x410: {  	s0 =	rddreg [dreg:$0x0];
	s2 =	stileid.u32  }
0x411: {  	s1 =	rddreg [dreg:$0x1];
	p0 =	sne.s32 s2, $0x0  }
0x412: {  	s3 =	rddreg [dreg:$0x2];
	[bflag:$0x3] =	sbarrier.arrive $0xFFFF;
	s2 =	simm.s32 @!p0 $0x1C03  }
0x413: {  	[timem:s3], [sflag:s2] =	dma.local @!p0 [hbm:s0], s1  }
0x414: {  	s0 =	simm.s32 @!p0 $0x3  }
0x415: {  	_ =	swait.ge @!p0 [sflag:s0], s1  }
0x416: {  	s1 =	ssub.s32 @!p0 $0x0, s1;
	[sflag:s0] =	ssyncset.done @!p0 $0x0  }
0x417: {  	[sflag:s0] =	ssyncadd.s32 @!p0 s1  }
0x418: {  	[bflag:$0x3] =	sbarrier.arrive $0xFFFF  }
0x419: {  	_ =	shalt  }

</sc_bundles>
